<compile_context>
chip_gen: v7x
topology: tpu7x:2x2x1
jax: 0.10.2.dev20260603
libtpu: 0.0.44.dev20260713+nightly
codegen_flags: <defaults>
</compile_context>

<pallas_src>
import functools

import jax
import jax.numpy as jnp
from jax import lax
from jax.experimental import pallas as pl
from jax.experimental.pallas import tpu as pltpu
from jax.experimental.pallas import tpu_sc as plsc



def _stats_body(x_ref, sum_ref, sq_ref):
    i = pl.program_id(0)

    @pl.when(i == 0)
    def _():
        sum_ref[...] = jnp.zeros_like(sum_ref)
        sq_ref[...] = jnp.zeros_like(sq_ref)

    x = x_ref[...]
    s = jnp.sum(x, axis=0, keepdims=True)
    q = jnp.sum(x * x, axis=0, keepdims=True)
    sum_ref[...] += jnp.broadcast_to(s, sum_ref.shape)
    sq_ref[...] += jnp.broadcast_to(q, sq_ref.shape)


def _col_stats(x, chunk):
    m, d = x.shape
    out = pl.pallas_call(
        _stats_body,
        grid=(m // chunk,),
        in_specs=[pl.BlockSpec((chunk, d), lambda i: (i, 0))],
        out_specs=[pl.BlockSpec((8, d), lambda i: (0, 0)),
                   pl.BlockSpec((8, d), lambda i: (0, 0))],
        out_shape=[jax.ShapeDtypeStruct((8, d), jnp.float32),
                   jax.ShapeDtypeStruct((8, d), jnp.float32)],
    )(x)
    return out[0][0], out[1][0]


def _stats2_body(x_ref, sl_ref, ql_ref, sr_ref, qr_ref, *, nb):
    i = pl.program_id(0)

    @pl.when(i == 0)
    def _():
        sl_ref[...] = jnp.zeros_like(sl_ref)
        ql_ref[...] = jnp.zeros_like(ql_ref)
        sr_ref[...] = jnp.zeros_like(sr_ref)
        qr_ref[...] = jnp.zeros_like(qr_ref)

    x = x_ref[...]
    s = jnp.broadcast_to(jnp.sum(x, axis=0, keepdims=True), sl_ref.shape)
    q = jnp.broadcast_to(jnp.sum(x * x, axis=0, keepdims=True), ql_ref.shape)

    @pl.when(i < nb)
    def _():
        sl_ref[...] += s
        ql_ref[...] += q

    @pl.when(i >= nb)
    def _():
        sr_ref[...] += s
        qr_ref[...] += q


def _col_stats_split(x2, chunk):
    m2, dh = x2.shape
    nb = (m2 // 2) // chunk
    out = pl.pallas_call(
        functools.partial(_stats2_body, nb=nb),
        grid=(2 * nb,),
        in_specs=[pl.BlockSpec((chunk, dh), lambda i: (i, 0))],
        out_specs=[pl.BlockSpec((8, dh), lambda i: (0, 0))] * 4,
        out_shape=[jax.ShapeDtypeStruct((8, dh), jnp.float32)] * 4,
    )(x2)
    s1 = jnp.concatenate([out[0][0], out[2][0]])
    q1 = jnp.concatenate([out[1][0], out[3][0]])
    return s1, q1


def _node_body(h_ref, msc_ref, gnw_ref, gnb_ref, w4_ref, b4_ref,
               ah_ref, tbc_ref, td_ref):
    h = h_ref[...]
    n = h.shape[0]
    npad = td_ref.shape[0] // 2
    pad = jnp.zeros((npad - n, 128), jnp.float32)
    mean = jnp.mean(h, axis=0, keepdims=True)
    sub = h - mean * msc_ref[...]
    std = jnp.sqrt(jnp.mean(sub * sub, axis=0, keepdims=True) + 1e-6)
    hn = gnw_ref[...] * sub / std + gnb_ref[...]
    ah_ref[...] = (jnp.dot(hn, w4_ref[0], preferred_element_type=jnp.float32)
                   + b4_ref[0, 0:1, :])
    vb = (jnp.dot(hn, w4_ref[1], preferred_element_type=jnp.float32)
          + b4_ref[1, 0:1, :])
    vc = (jnp.dot(hn, w4_ref[2], preferred_element_type=jnp.float32)
          + b4_ref[2, 0:1, :])
    vd = (jnp.dot(hn, w4_ref[3], preferred_element_type=jnp.float32)
          + b4_ref[3, 0:1, :])
    tbc_ref[...] = jnp.concatenate(
        [jnp.concatenate([vc[:, :64], vb[:, :64]], axis=1), pad,
         jnp.concatenate([vc[:, 64:], vb[:, 64:]], axis=1), pad], axis=0)
    td_ref[...] = jnp.concatenate(
        [jnp.concatenate([vd[:, :64], vd[:, :64]], axis=1), pad,
         jnp.concatenate([vd[:, 64:], vd[:, 64:]], axis=1), pad], axis=0)


def _node_stage(h, msc, gnw, gnb, w4, b4, npad):
    n, d = h.shape
    outs = pl.pallas_call(
        _node_body,
        grid=(1,),
        in_specs=[pl.BlockSpec(h.shape, lambda i: (0, 0)),
                  pl.BlockSpec((1, d), lambda i: (0, 0)),
                  pl.BlockSpec((1, d), lambda i: (0, 0)),
                  pl.BlockSpec((1, d), lambda i: (0, 0)),
                  pl.BlockSpec(w4.shape, lambda i: (0, 0, 0)),
                  pl.BlockSpec(b4.shape, lambda i: (0, 0, 0))],
        out_specs=[pl.BlockSpec((n, d), lambda i: (0, 0)),
                   pl.BlockSpec((2 * npad, d), lambda i: (0, 0)),
                   pl.BlockSpec((2 * npad, d), lambda i: (0, 0))],
        out_shape=[jax.ShapeDtypeStruct((n, d), jnp.float32),
                   jax.ShapeDtypeStruct((2 * npad, d), jnp.float32),
                   jax.ShapeDtypeStruct((2 * npad, d), jnp.float32)],
    )(h, msc, gnw, gnb, w4, b4)
    return outs


def _pack_body(x_ref, a_ref, c_ref, o_ref):
    x = x_ref[...]
    mm = (jnp.dot(x, a_ref[...],
                  preferred_element_type=jnp.float32) + c_ref[0:1, :])
    o_ref[...] = jnp.concatenate(
        [mm[:, :64], x[:, :64], mm[:, 64:], x[:, 64:]], axis=1)


def _edge_pack(e, a_fold, c8, chunk):
    m, d = e.shape
    nb = m // chunk
    return pl.pallas_call(
        _pack_body,
        grid=(nb,),
        in_specs=[pl.BlockSpec((chunk, d), lambda i: (i, 0)),
                  pl.BlockSpec((d, d), lambda i: (0, 0)),
                  pl.BlockSpec((8, d), lambda i: (0, 0))],
        out_specs=pl.BlockSpec((chunk, 2 * d), lambda i: (i, 0)),
        out_shape=jax.ShapeDtypeStruct((m, 2 * d), jnp.float32),
    )(e, a_fold, c8)


def _node2_body(ah_ref, v0_ref, v1_ref, h_ref, p_ref, g_ref, ho_ref):
    g = g_ref[0, 0]
    n = h_ref.shape[0]
    sh = jnp.concatenate([v0_ref[:n, 0:64], v1_ref[:n, 0:64]], axis=1)
    ss = jnp.concatenate([v0_ref[:n, 64:128], v1_ref[:n, 64:128]], axis=1)
    h_new = ah_ref[...] + sh / (ss + 1e-10)
    h1 = h_ref[...] + h_new * g
    msc = p_ref[0, 0:1, :]
    gnw = p_ref[0, 1:2, :]
    gnb = p_ref[0, 2:3, :]
    b1 = p_ref[0, 3:4, :]
    b2 = p_ref[0, 4:5, :]
    w1 = p_ref[1]
    w2 = p_ref[2]
    mean = jnp.mean(h1, axis=0, keepdims=True)
    sub = h1 - mean * msc
    std = jnp.sqrt(jnp.mean(sub * sub, axis=0, keepdims=True) + 1e-6)
    hn2 = gnw * sub / std + gnb
    hf = jnp.maximum(jnp.dot(hn2, w1, preferred_element_type=jnp.float32)
                     + b1, 0.0)
    hf = jnp.dot(hf, w2, preferred_element_type=jnp.float32) + b2
    ho_ref[...] = h1 + hf * g


def _node2_stage(ah, ns, h, pk, g, npad):
    n, d = h.shape
    return pl.pallas_call(
        _node2_body,
        grid=(1,),
        in_specs=[pl.BlockSpec((n, d), lambda i: (0, 0)),
                  pl.BlockSpec((npad, d), lambda i: (0, 0)),
                  pl.BlockSpec((npad, d), lambda i: (1, 0)),
                  pl.BlockSpec((n, d), lambda i: (0, 0)),
                  pl.BlockSpec(pk.shape, lambda i: (0, 0, 0)),
                  pl.BlockSpec((1, 1), lambda i: (0, 0),
                               memory_space=pltpu.SMEM)],
        out_specs=pl.BlockSpec((n, d), lambda i: (0, 0)),
        out_shape=jax.ShapeDtypeStruct((n, d), jnp.float32),
    )(ah, ns, ns, h, pk, g)


def _edge2_body(l_ref, r_ref, aff_ref, w1_ref, w2_ref, b_ref, g_ref, eo_ref):
    g = g_ref[0, 0]
    e1 = jnp.concatenate([l_ref[...], r_ref[...]], axis=1)
    en2 = e1 * aff_ref[0:1, :] + aff_ref[4:5, :]
    ef = jnp.maximum(jnp.dot(en2, w1_ref[...],
                             preferred_element_type=jnp.float32) + b_ref[0:1, :],
                     0.0)
    ef = jnp.dot(ef, w2_ref[...], preferred_element_type=jnp.float32) + b_ref[4:5, :]
    eo_ref[...] = e1 + ef * g


def _edge2_stage(e1s, aff, w1, w2, b, g, m, chunk):
    d = 128
    nb = m // chunk
    return pl.pallas_call(
        _edge2_body,
        grid=(nb,),
        in_specs=[pl.BlockSpec((chunk, d // 2), lambda i: (i, 0)),
                  pl.BlockSpec((chunk, d // 2), lambda i: (nb + i, 0)),
                  pl.BlockSpec((8, d), lambda i: (0, 0)),
                  pl.BlockSpec((d, d), lambda i: (0, 0)),
                  pl.BlockSpec((d, d), lambda i: (0, 0)),
                  pl.BlockSpec((8, d), lambda i: (0, 0)),
                  pl.BlockSpec((1, 1), lambda i: (0, 0),
                               memory_space=pltpu.SMEM)],
        out_specs=pl.BlockSpec((chunk, d), lambda i: (i, 0)),
        out_shape=jax.ShapeDtypeStruct((m, d), jnp.float32),
    )(e1s, e1s, aff, w1, w2, b, g)



_C = 80


def _sc_middle(tbc, td, pack, src_i, dst_i, zrs, gvec, npad, m):
    epw = m // 16
    chunks = epw // _C
    mesh = plsc.VectorSubcoreMesh(core_axis_name="c", subcore_axis_name="s")
    stripe = npad // 16

    @functools.partial(
        pl.kernel, mesh=mesh,
        out_type=[jax.ShapeDtypeStruct((2 * m, 64), jnp.float32),
                  jax.ShapeDtypeStruct((2 * npad, 128), jnp.float32)],
        scratch_types=[pltpu.VMEM((_C,), jnp.int32),
                       pltpu.VMEM((_C,), jnp.int32),
                       pltpu.VMEM((_C, 128), jnp.float32),
                       pltpu.VMEM((_C, 128), jnp.float32),
                       pltpu.VMEM((_C, 128), jnp.float32),
                       pltpu.VMEM((_C, 128), jnp.float32),
                       pltpu.VMEM((_C // 2, 64), jnp.float32),
                       pltpu.VMEM((16,), jnp.float32),
                       pltpu.VMEM_SHARED((npad, 128), jnp.float32),
                       pltpu.SemaphoreType.DMA,
                       pltpu.SemaphoreType.DMA],
    )
    def body(tbc_h, td_h, pk_h, src_h, dst_h, z_h, g_h,
             e1_h, ns_h,
             six, dix, bG, bD, bP, bS, bO, gv, acc, sem, sem2):
        c = lax.axis_index("c")
        s = lax.axis_index("s")
        cn = c * npad
        pltpu.sync_copy(z_h.at[pl.ds(s * stripe, stripe)],
                        acc.at[pl.ds(s * stripe, stripe)])
        pltpu.sync_copy(g_h, gv)
        plsc.subcore_barrier()
        g16 = gv[...]
        base0 = s * epw

        def chunk_fn(k, _):
            be = base0 + k * _C
            pltpu.sync_copy(src_h.at[pl.ds(be, _C)], six)
            pltpu.sync_copy(dst_h.at[pl.ds(be, _C)], dix)

            def adj(j, _):
                sl = pl.ds(j * 16, 16)
                six[sl] = six[sl] + cn
                dix[sl] = dix[sl] + cn
                return 0
            lax.fori_loop(0, _C // 16, adj, 0, unroll=True)

            hc = _C // 2
            g1a = pltpu.async_copy(tbc_h.at[six.at[pl.ds(0, hc)]],
                                   bG.at[pl.ds(0, hc)], sem)
            g1b = pltpu.async_copy(td_h.at[dix.at[pl.ds(0, hc)]],
                                   bD.at[pl.ds(0, hc)], sem)
            g1c = pltpu.async_copy(
                pk_h.at[pl.ds(be, hc), pl.ds(c * 128, 128)],
                bP.at[pl.ds(0, hc)], sem)
            g2a = pltpu.async_copy(tbc_h.at[six.at[pl.ds(hc, hc)]],
                                   bG.at[pl.ds(hc, hc)], sem2)
            g2b = pltpu.async_copy(td_h.at[dix.at[pl.ds(hc, hc)]],
                                   bD.at[pl.ds(hc, hc)], sem2)
            g2c = pltpu.async_copy(
                pk_h.at[pl.ds(be + hc, hc), pl.ds(c * 128, 128)],
                bP.at[pl.ds(hc, hc)], sem2)

            def row_half(lo):
                @plsc.parallel_loop(lo, lo + hc, unroll=4)
                def _(r):
                    for qi in range(4):
                        o = qi * 16
                        enw = (bG[r, pl.ds(o, 16)] + bD[r, pl.ds(o, 16)]
                               + bP[r, pl.ds(o, 16)])
                        e1v = bP[r, pl.ds(64 + o, 16)] + enw * g16
                        bO[r - lo, pl.ds(o, 16)] = e1v
                        sg = 1.0 / (1.0 + jnp.exp(-enw))
                        bS[r, pl.ds(64 + o, 16)] = sg
                        bS[r, pl.ds(o, 16)] = bG[r, pl.ds(64 + o, 16)] * sg

            def undo(j, _):
                sl = pl.ds(j * 16, 16)
                dix[sl] = dix[sl] - cn
                return 0

            g1a.wait()
            g1b.wait()
            g1c.wait()
            row_half(0)
            pltpu.sync_copy(bO, e1_h.at[pl.ds(c * m + be, hc)])
            g2a.wait()
            g2b.wait()
            g2c.wait()
            row_half(hc)
            pltpu.sync_copy(bO, e1_h.at[pl.ds(c * m + be + hc, hc)])
            lax.fori_loop(0, _C // 16, undo, 0, unroll=True)
            pltpu.sync_copy(bS, acc.at[dix], add=True)
            return 0

        lax.fori_loop(0, chunks, chunk_fn, 0)
        plsc.subcore_barrier()
        pltpu.sync_copy(acc.at[pl.ds(s * stripe, stripe)],
                        ns_h.at[pl.ds(cn + s * stripe, stripe)])

    return body(tbc, td, pack, src_i, dst_i, zrs, gvec)



def kernel(h, e, edge_index, params):
    n, d = h.shape
    m = e.shape[0]
    src = edge_index[0]
    dst = edge_index[1]
    g = params['rz_g'][0]
    gs = jnp.reshape(g, (1, 1))

    es, eq = _col_stats(e, 8000)
    emean = es / m
    evar = eq / m - 2.0 * params['n1e_m'] * emean * emean + (
        params['n1e_m'] * emean) ** 2
    estd = jnp.sqrt(evar + 1e-6)
    scale = params['n1e_w'] / estd
    shift = params['n1e_b'] - scale * emean * params['n1e_m']
    elw = params['El_w'].T
    a_fold = scale[:, None] * elw
    c_fold = params['El_b'] + shift @ elw
    c8 = jnp.broadcast_to(c_fold[None, :], (8, d))

    w4 = jnp.stack([params['A_w'].T, params['B_w'].T,
                    params['C_w'].T, params['Dl_w'].T])
    b4 = jnp.stack([jnp.broadcast_to(params[k + '_b'][None, :], (8, d))
                    for k in ('A', 'B', 'C', 'Dl')])
    npad = 10240
    ah, tbc, td = _node_stage(
        h, params['n1h_m'][None, :], params['n1h_w'][None, :],
        params['n1h_b'][None, :], w4, b4, npad)

    pack = _edge_pack(e, a_fold, c8, 8000)

    zrs = jnp.zeros((npad, 128), jnp.float32)
    gvec = jnp.broadcast_to(params['rz_g'], (16,))
    e1s, ns = _sc_middle(tbc, td, pack, src, dst, zrs, gvec, npad, m)

    pk = jnp.stack([
        jnp.concatenate([params['n2h_m'][None, :], params['n2h_w'][None, :],
                         params['n2h_b'][None, :], params['fh1_b'][None, :],
                         params['fh2_b'][None, :],
                         jnp.zeros((d - 5, d), jnp.float32)], axis=0),
        params['fh1_w'].T, params['fh2_w'].T])
    h_out = _node2_stage(ah, ns, h, pk, gs, npad)

    s1, q1 = _col_stats_split(e1s, 8000)
    m2 = s1 / m
    v2 = q1 / m - 2.0 * params['n2e_m'] * m2 * m2 + (params['n2e_m'] * m2) ** 2
    std2 = jnp.sqrt(v2 + 1e-6)
    sc2 = params['n2e_w'] / std2
    sh2 = params['n2e_b'] - sc2 * m2 * params['n2e_m']
    aff = jnp.concatenate([jnp.broadcast_to(sc2[None, :], (4, d)),
                           jnp.broadcast_to(sh2[None, :], (4, d))], axis=0)
    b2pack = jnp.concatenate(
        [jnp.broadcast_to(params['fe1_b'][None, :], (4, d)),
         jnp.broadcast_to(params['fe2_b'][None, :], (4, d))], axis=0)
    e_out = _edge2_stage(e1s, aff, params['fe1_w'].T, params['fe2_w'].T,
                         b2pack, gs, m, 8000)
    return (h_out, e_out)

# --- scband reference (transcript-rebuilt; emitter-appended) ---
"""Pipeline reference for scband-gated-gcnlayer-v2-7069516169368 (READ-ONLY COPY).

The authoritative reference and input builder live on the scoring server;
editing this copy changes nothing except your own understanding.
"""

import jax, jax.numpy as jnp
import numpy as np

N = 10000
E = 320000
D = 128
H = 128


def _graph_norm(x, gnw, gnb, msc):
    # GraphNorm 'gn' with a single graph in the batch (batch_num = [n]):
    # mean over all rows, subtract mean*msc, divide by std, scale+shift.
    mean = jnp.mean(x, axis=0, keepdims=True)
    sub = x - mean * msc
    std = jnp.sqrt(jnp.mean(sub * sub, axis=0, keepdims=True) + 1e-06)
    return gnw * sub / std + gnb


def _make_params(key):
    params = {}
    k = key

    def nxt():
        nonlocal k
        k, sub = jax.random.split(k)
        return sub

    for n in ['A', 'B', 'C', 'Dl', 'El']:
        params[n + '_w'] = jax.random.normal(nxt(), (D, D), dtype=jnp.float32) * 0.05
        params[n + '_b'] = jax.random.normal(nxt(), (D,), dtype=jnp.float32) * 0.05
    for n in ['fh1', 'fe1']:
        params[n + '_w'] = jax.random.normal(nxt(), (H, D), dtype=jnp.float32) * 0.05
        params[n + '_b'] = jax.random.normal(nxt(), (H,), dtype=jnp.float32) * 0.05
    for n in ['fh2', 'fe2']:
        params[n + '_w'] = jax.random.normal(nxt(), (D, H), dtype=jnp.float32) * 0.05
        params[n + '_b'] = jax.random.normal(nxt(), (D,), dtype=jnp.float32) * 0.05
    for n in ['n1h', 'n1e', 'n2h', 'n2e']:
        params[n + '_w'] = jnp.ones((D,), dtype=jnp.float32)
        params[n + '_b'] = jnp.zeros((D,), dtype=jnp.float32)
        params[n + '_m'] = jnp.ones((D,), dtype=jnp.float32)
    # ReZero gate: initialized to 0 in torch; use small nonzero so forward is non-trivial.
    params['rz_g'] = jnp.full((1,), 0.1, dtype=jnp.float32)
    return params


def setup_inputs(seed: int = 0):
    key = jax.random.key(seed)
    k1, k2, k3, k4 = jax.random.split(key, 4)
    h = jax.random.normal(k1, (N, D), dtype=jnp.float32)
    e = jax.random.normal(k2, (E, D), dtype=jnp.float32)
    edge_index = jax.random.randint(k3, (2, E), 0, N, dtype=jnp.int32)
    params = _make_params(k4)
    return {'h': h, 'e': e, 'edge_index': edge_index, 'params': params}


def _forward(h, e, params, src, dst):
    g = params['rz_g']
    h_in, e_in = h, e
    # norm1 (batch_norm=True, norm_type='gn')
    hn = _graph_norm(h, params['n1h_w'], params['n1h_b'], params['n1h_m'])
    en = _graph_norm(e, params['n1e_w'], params['n1e_b'], params['n1e_m'])
    Ah = hn @ params['A_w'].T + params['A_b']
    Bh = hn @ params['B_w'].T + params['B_b']
    Ch = hn @ params['C_w'].T + params['C_b']
    Dh = hn @ params['Dl_w'].T + params['Dl_b']
    Ee = en @ params['El_w'].T + params['El_b']
    # apply_edges(u_add_v('Ch','Dh')) then add Ee
    e_new = Ch[src] + Dh[dst] + Ee
    sigma = jax.nn.sigmoid(e_new)
    # update_all(u_mul_e('Bh','sigma'), sum) and update_all(copy_e('sigma'), sum)
    sum_sigma_h = jnp.zeros((h.shape[0], D), dtype=jnp.float32).at[dst].add(Bh[src] * sigma)
    sum_sigma = jnp.zeros((h.shape[0], D), dtype=jnp.float32).at[dst].add(sigma)
    h_new = Ah + sum_sigma_h / (sum_sigma + 1e-10)
    # residual + rezero
    h = h_in + h_new * g
    e = e_in + e_new * g
    h_in2, e_in2 = h, e
    hn2 = _graph_norm(h, params['n2h_w'], params['n2h_b'], params['n2h_m'])
    en2 = _graph_norm(e, params['n2e_w'], params['n2e_b'], params['n2e_m'])
    # feed-forward blocks (dropout p=0.0 -> identity)
    hf = jax.nn.relu(hn2 @ params['fh1_w'].T + params['fh1_b']) @ params['fh2_w'].T + params['fh2_b']
    ef = jax.nn.relu(en2 @ params['fe1_w'].T + params['fe1_b']) @ params['fe2_w'].T + params['fe2_b']
    h = h_in2 + hf * g
    e = e_in2 + ef * g
    return (h, e)


def reference(h, e, edge_index, params):
    src = edge_index[0]
    dst = edge_index[1]
    return _forward(h, e, params, src, dst)

if __name__ == "__main__":
    import jax
    _d = setup_inputs()
    print(jax.jit(kernel)(*tuple(_d.values())))

</pallas_src>

<mosaic_0001>
#map = affine_map<(d0, d1) -> (0, 0)>
#map1 = affine_map<(d0, d1) -> (0)>
module attributes {stable_mosaic.version = 14 : i64} {
  func.func @body(%arg0: i32, %arg1: i32, %arg2: memref<20480x128xf32, #tpu.memory_space<hbm>>, %arg3: memref<20480x128xf32, #tpu.memory_space<hbm>>, %arg4: memref<320000x256xf32, #tpu.memory_space<hbm>>, %arg5: memref<320000xi32, #tpu.memory_space<hbm>>, %arg6: memref<320000xi32, #tpu.memory_space<hbm>>, %arg7: memref<10240x128xf32, #tpu.memory_space<hbm>>, %arg8: memref<16xf32, #tpu.memory_space<hbm>>, %arg9: memref<640000x64xf32, #tpu.memory_space<hbm>>, %arg10: memref<20480x128xf32, #tpu.memory_space<hbm>>, %arg11: memref<80xi32, #tpu.memory_space<vmem>>, %arg12: memref<80xi32, #tpu.memory_space<vmem>>, %arg13: memref<80x128xf32, #tpu.memory_space<vmem>>, %arg14: memref<80x128xf32, #tpu.memory_space<vmem>>, %arg15: memref<80x128xf32, #tpu.memory_space<vmem>>, %arg16: memref<80x128xf32, #tpu.memory_space<vmem>>, %arg17: memref<40x64xf32, #tpu.memory_space<vmem>>, %arg18: memref<16xf32, #tpu.memory_space<vmem>>, %arg19: memref<10240x128xf32, #tpu.memory_space<vmem_shared>>, %arg20: memref<!tpu.dma_semaphore, #tpu.memory_space<semaphore_mem>>, %arg21: memref<!tpu.dma_semaphore, #tpu.memory_space<semaphore_mem>>) attributes {dimension_semantics = [#tpu.dimension_semantics<core_parallel>, #tpu.dimension_semantics<subcore_parallel>], iteration_bounds = array<i64: 2, 16>, scalar_prefetch = 0 : i64, scratch_operands = 11 : i64, tpu.core_type = #tpu.core_type<sc_vector_subcore>, window_params = [{transform_indices = #map}, {transform_indices = #map}, {transform_indices = #map}, {transform_indices = #map1}, {transform_indices = #map1}, {transform_indices = #map}, {transform_indices = #map1}, {transform_indices = #map}, {transform_indices = #map}]} {
    %mul3A = arith.constant 10240 : i32
    %mul3A_0 = arith.muli %arg0, %mul3A : i32
    %mul3A_1 = arith.constant 640 : i32
    %mul3A_2 = arith.muli %arg1, %mul3A_1 : i32
    %mul3A_3 = arith.constant 640 : i32
    %mul3A_4 = arith.muli %arg1, %mul3A_3 : i32
    "tpu.region"() ({
      %run_scoped3A = tpu.sem_alloc : memref<!tpu.dma_semaphore, #tpu.memory_space<semaphore_mem>>
      %dma_start3A = arith.constant 0 : i32
      %dma_start3A_20 = tpu.memref_slice %arg19[%mul3A_4, %dma_start3A] : memref<10240x128xf32, #tpu.memory_space<vmem_shared>> -> memref<640x128xf32, #tpu.memory_space<vmem_shared>>
      %dma_start3A_21 = arith.constant 0 : i32
      %dma_start3A_22 = tpu.memref_slice %arg7[%mul3A_2, %dma_start3A_21] : memref<10240x128xf32, #tpu.memory_space<hbm>> -> memref<640x128xf32, #tpu.memory_space<hbm>>
      tpu.enqueue_dma source(%dma_start3A_22 : memref<640x128xf32, #tpu.memory_space<hbm>>) target(%dma_start3A_20 : memref<640x128xf32, #tpu.memory_space<vmem_shared>>) target_semaphore(%run_scoped3A : memref<!tpu.dma_semaphore, #tpu.memory_space<semaphore_mem>>)
      %dma_wait3A = arith.constant 0 : i32
      %dma_wait3A_23 = tpu.memref_slice %arg19[%mul3A_4, %dma_wait3A] : memref<10240x128xf32, #tpu.memory_space<vmem_shared>> -> memref<640x128xf32, #tpu.memory_space<vmem_shared>>
      %dma_wait3A_24 = arith.constant 0 : i32
      %dma_wait3A_25 = tpu.memref_slice %arg7[%mul3A_2, %dma_wait3A_24] : memref<10240x128xf32, #tpu.memory_space<hbm>> -> memref<640x128xf32, #tpu.memory_space<hbm>>
      tpu.wait_dma2 semaphore(%run_scoped3A : memref<!tpu.dma_semaphore, #tpu.memory_space<semaphore_mem>>) src(%dma_wait3A_25 : memref<640x128xf32, #tpu.memory_space<hbm>>) dst(%dma_wait3A_23 : memref<640x128xf32, #tpu.memory_space<vmem_shared>>)
      tpu.yield
    }) : () -> ()
    "tpu.region"() ({
      %run_scoped3A = tpu.sem_alloc : memref<!tpu.dma_semaphore, #tpu.memory_space<semaphore_mem>>
      tpu.enqueue_dma source(%arg8 : memref<16xf32, #tpu.memory_space<hbm>>) target(%arg18 : memref<16xf32, #tpu.memory_space<vmem>>) target_semaphore(%run_scoped3A : memref<!tpu.dma_semaphore, #tpu.memory_space<semaphore_mem>>)
      tpu.wait_dma2 semaphore(%run_scoped3A : memref<!tpu.dma_semaphore, #tpu.memory_space<semaphore_mem>>) src(%arg8 : memref<16xf32, #tpu.memory_space<hbm>>) dst(%arg18 : memref<16xf32, #tpu.memory_space<vmem>>)
      tpu.yield
    }) : () -> ()
    %barrier3A = arith.constant 0 : index
    tpu.barrier barrier_id(%barrier3A)
    %get3A = arith.constant 0 : index
    %get3A_5 = tpu.vector_load %arg18[%get3A] {strides = array<i32>} : memref<16xf32, #tpu.memory_space<vmem>>, vector<16xf32>,
    %get3A_6 = vector.shape_cast %get3A_5 : vector<16xf32> to vector<16xf32>
    %mul3A_7 = arith.constant 20000 : i32
    %mul3A_8 = arith.muli %arg1, %mul3A_7 : i32
    %scan3A = arith.constant 0 : i32
    %scan3A_9 = arith.constant 0 : i32
    %scan3A_10 = arith.constant 250 : i32
    %scan3A_11 = arith.addi %scan3A_9, %scan3A_10 : i32
    %scan3A_12 = arith.constant 1 : i32
    %scan3A_13 = scf.for %scan3A_20 = %scan3A_9 to %scan3A_11 step %scan3A_12 iter_args(%scan3A_21 = %scan3A) -> (i32)  : i32 {
      %mul3A_22 = arith.constant 80 : i32
      %mul3A_23 = arith.muli %scan3A_20, %mul3A_22 : i32
      %add3A_24 = arith.addi %mul3A_8, %mul3A_23 : i32
      "tpu.region"() ({
        %run_scoped3A = tpu.sem_alloc : memref<!tpu.dma_semaphore, #tpu.memory_space<semaphore_mem>>
        %dma_start3A_316 = tpu.memref_slice %arg5[%add3A_24] : memref<320000xi32, #tpu.memory_space<hbm>> -> memref<80xi32, #tpu.memory_space<hbm>>
        %dma_start3A_317 = tpu.memref_slice %arg5[%add3A_24] : memref<320000xi32, #tpu.memory_space<hbm>> -> memref<80xi32, #tpu.memory_space<hbm>>
        tpu.enqueue_dma source(%dma_start3A_317 : memref<80xi32, #tpu.memory_space<hbm>>) target(%arg11 : memref<80xi32, #tpu.memory_space<vmem>>) target_semaphore(%run_scoped3A : memref<!tpu.dma_semaphore, #tpu.memory_space<semaphore_mem>>)
        %dma_wait3A_318 = tpu.memref_slice %arg5[%add3A_24] : memref<320000xi32, #tpu.memory_space<hbm>> -> memref<80xi32, #tpu.memory_space<hbm>>
        %dma_wait3A_319 = tpu.memref_slice %arg5[%add3A_24] : memref<320000xi32, #tpu.memory_space<hbm>> -> memref<80xi32, #tpu.memory_space<hbm>>
        tpu.wait_dma2 semaphore(%run_scoped3A : memref<!tpu.dma_semaphore, #tpu.memory_space<semaphore_mem>>) src(%dma_wait3A_319 : memref<80xi32, #tpu.memory_space<hbm>>) dst(%arg11 : memref<80xi32, #tpu.memory_space<vmem>>)
        tpu.yield
      }) : () -> ()
      "tpu.region"() ({
        %run_scoped3A = tpu.sem_alloc : memref<!tpu.dma_semaphore, #tpu.memory_space<semaphore_mem>>
        %dma_start3A_316 = tpu.memref_slice %arg6[%add3A_24] : memref<320000xi32, #tpu.memory_space<hbm>> -> memref<80xi32, #tpu.memory_space<hbm>>
        %dma_start3A_317 = tpu.memref_slice %arg6[%add3A_24] : memref<320000xi32, #tpu.memory_space<hbm>> -> memref<80xi32, #tpu.memory_space<hbm>>
        tpu.enqueue_dma source(%dma_start3A_317 : memref<80xi32, #tpu.memory_space<hbm>>) target(%arg12 : memref<80xi32, #tpu.memory_space<vmem>>) target_semaphore(%run_scoped3A : memref<!tpu.dma_semaphore, #tpu.memory_space<semaphore_mem>>)
        %dma_wait3A_318 = tpu.memref_slice %arg6[%add3A_24] : memref<320000xi32, #tpu.memory_space<hbm>> -> memref<80xi32, #tpu.memory_space<hbm>>
        %dma_wait3A_319 = tpu.memref_slice %arg6[%add3A_24] : memref<320000xi32, #tpu.memory_space<hbm>> -> memref<80xi32, #tpu.memory_space<hbm>>
        tpu.wait_dma2 semaphore(%run_scoped3A : memref<!tpu.dma_semaphore, #tpu.memory_space<semaphore_mem>>) src(%dma_wait3A_319 : memref<80xi32, #tpu.memory_space<hbm>>) dst(%arg12 : memref<80xi32, #tpu.memory_space<vmem>>)
        tpu.yield
      }) : () -> ()
      %scan3A_25 = arith.constant 0 : i32
      %scan3A_26 = arith.constant 0 : i32
      %mul3A_27 = arith.constant 16 : i32
      %mul3A_28 = arith.muli %scan3A_26, %mul3A_27 : i32
      %get3A_29 = arith.index_cast %mul3A_28 : i32 to index
      %get3A_30 = tpu.vector_load %arg11[%get3A_29] {strides = array<i32>} : memref<80xi32, #tpu.memory_space<vmem>>, vector<16xi32>,
      %get3A_31 = vector.shape_cast %get3A_30 : vector<16xi32> to vector<16xi32>
      %add3A_32 = vector.broadcast %mul3A_0 : i32 to vector<16xi32>
      %add3A_33 = arith.addi %get3A_31, %add3A_32 : vector<16xi32>
      %swap3A = arith.index_cast %mul3A_28 : i32 to index
      %swap3A_34 = tpu.vector_load %arg11[%swap3A] {strides = array<i32>} : memref<80xi32, #tpu.memory_space<vmem>>, vector<16xi32>,
      %swap3A_35 = vector.shape_cast %swap3A_34 : vector<16xi32> to vector<16xi32>
      %swap3A_36 = vector.shape_cast %add3A_33 : vector<16xi32> to vector<16xi32>
      tpu.vector_store %arg11[%swap3A], %swap3A_36 {strides = array<i32>} : memref<80xi32, #tpu.memory_space<vmem>>, vector<16xi32>,
      %get3A_37 = arith.index_cast %mul3A_28 : i32 to index
      %get3A_38 = tpu.vector_load %arg12[%get3A_37] {strides = array<i32>} : memref<80xi32, #tpu.memory_space<vmem>>, vector<16xi32>,
      %get3A_39 = vector.shape_cast %get3A_38 : vector<16xi32> to vector<16xi32>
      %add3A_40 = vector.broadcast %mul3A_0 : i32 to vector<16xi32>
      %add3A_41 = arith.addi %get3A_39, %add3A_40 : vector<16xi32>
      %swap3A_42 = arith.index_cast %mul3A_28 : i32 to index
      %swap3A_43 = tpu.vector_load %arg12[%swap3A_42] {strides = array<i32>} : memref<80xi32, #tpu.memory_space<vmem>>, vector<16xi32>,
      %swap3A_44 = vector.shape_cast %swap3A_43 : vector<16xi32> to vector<16xi32>
      %swap3A_45 = vector.shape_cast %add3A_41 : vector<16xi32> to vector<16xi32>
      tpu.vector_store %arg12[%swap3A_42], %swap3A_45 {strides = array<i32>} : memref<80xi32, #tpu.memory_space<vmem>>, vector<16xi32>,
      %scan3A_46 = arith.constant 0 : i32
      %scan3A_47 = arith.constant 1 : i32
      %mul3A_48 = arith.constant 16 : i32
      %mul3A_49 = arith.muli %scan3A_47, %mul3A_48 : i32
      %get3A_50 = arith.index_cast %mul3A_49 : i32 to index
      %get3A_51 = tpu.vector_load %arg11[%get3A_50] {strides = array<i32>} : memref<80xi32, #tpu.memory_space<vmem>>, vector<16xi32>,
      %get3A_52 = vector.shape_cast %get3A_51 : vector<16xi32> to vector<16xi32>
      %add3A_53 = vector.broadcast %mul3A_0 : i32 to vector<16xi32>
      %add3A_54 = arith.addi %get3A_52, %add3A_53 : vector<16xi32>
      %swap3A_55 = arith.index_cast %mul3A_49 : i32 to index
      %swap3A_56 = tpu.vector_load %arg11[%swap3A_55] {strides = array<i32>} : memref<80xi32, #tpu.memory_space<vmem>>, vector<16xi32>,
      %swap3A_57 = vector.shape_cast %swap3A_56 : vector<16xi32> to vector<16xi32>
      %swap3A_58 = vector.shape_cast %add3A_54 : vector<16xi32> to vector<16xi32>
      tpu.vector_store %arg11[%swap3A_55], %swap3A_58 {strides = array<i32>} : memref<80xi32, #tpu.memory_space<vmem>>, vector<16xi32>,
      %get3A_59 = arith.index_cast %mul3A_49 : i32 to index
      %get3A_60 = tpu.vector_load %arg12[%get3A_59] {strides = array<i32>} : memref<80xi32, #tpu.memory_space<vmem>>, vector<16xi32>,
      %get3A_61 = vector.shape_cast %get3A_60 : vector<16xi32> to vector<16xi32>
      %add3A_62 = vector.broadcast %mul3A_0 : i32 to vector<16xi32>
      %add3A_63 = arith.addi %get3A_61, %add3A_62 : vector<16xi32>
      %swap3A_64 = arith.index_cast %mul3A_49 : i32 to index
      %swap3A_65 = tpu.vector_load %arg12[%swap3A_64] {strides = array<i32>} : memref<80xi32, #tpu.memory_space<vmem>>, vector<16xi32>,
      %swap3A_66 = vector.shape_cast %swap3A_65 : vector<16xi32> to vector<16xi32>
      %swap3A_67 = vector.shape_cast %add3A_63 : vector<16xi32> to vector<16xi32>
      tpu.vector_store %arg12[%swap3A_64], %swap3A_67 {strides = array<i32>} : memref<80xi32, #tpu.memory_space<vmem>>, vector<16xi32>,
      %scan3A_68 = arith.constant 0 : i32
      %scan3A_69 = arith.constant 2 : i32
      %mul3A_70 = arith.constant 16 : i32
      %mul3A_71 = arith.muli %scan3A_69, %mul3A_70 : i32
      %get3A_72 = arith.index_cast %mul3A_71 : i32 to index
      %get3A_73 = tpu.vector_load %arg11[%get3A_72] {strides = array<i32>} : memref<80xi32, #tpu.memory_space<vmem>>, vector<16xi32>,
      %get3A_74 = vector.shape_cast %get3A_73 : vector<16xi32> to vector<16xi32>
      %add3A_75 = vector.broadcast %mul3A_0 : i32 to vector<16xi32>
      %add3A_76 = arith.addi %get3A_74, %add3A_75 : vector<16xi32>
      %swap3A_77 = arith.index_cast %mul3A_71 : i32 to index
      %swap3A_78 = tpu.vector_load %arg11[%swap3A_77] {strides = array<i32>} : memref<80xi32, #tpu.memory_space<vmem>>, vector<16xi32>,
      %swap3A_79 = vector.shape_cast %swap3A_78 : vector<16xi32> to vector<16xi32>
      %swap3A_80 = vector.shape_cast %add3A_76 : vector<16xi32> to vector<16xi32>
      tpu.vector_store %arg11[%swap3A_77], %swap3A_80 {strides = array<i32>} : memref<80xi32, #tpu.memory_space<vmem>>, vector<16xi32>,
      %get3A_81 = arith.index_cast %mul3A_71 : i32 to index
      %get3A_82 = tpu.vector_load %arg12[%get3A_81] {strides = array<i32>} : memref<80xi32, #tpu.memory_space<vmem>>, vector<16xi32>,
      %get3A_83 = vector.shape_cast %get3A_82 : vector<16xi32> to vector<16xi32>
      %add3A_84 = vector.broadcast %mul3A_0 : i32 to vector<16xi32>
      %add3A_85 = arith.addi %get3A_83, %add3A_84 : vector<16xi32>
      %swap3A_86 = arith.index_cast %mul3A_71 : i32 to index
      %swap3A_87 = tpu.vector_load %arg12[%swap3A_86] {strides = array<i32>} : memref<80xi32, #tpu.memory_space<vmem>>, vector<16xi32>,
      %swap3A_88 = vector.shape_cast %swap3A_87 : vector<16xi32> to vector<16xi32>
      %swap3A_89 = vector.shape_cast %add3A_85 : vector<16xi32> to vector<16xi32>
      tpu.vector_store %arg12[%swap3A_86], %swap3A_89 {strides = array<i32>} : memref<80xi32, #tpu.memory_space<vmem>>, vector<16xi32>,
      %scan3A_90 = arith.constant 0 : i32
      %scan3A_91 = arith.constant 3 : i32
      %mul3A_92 = arith.constant 16 : i32
      %mul3A_93 = arith.muli %scan3A_91, %mul3A_92 : i32
      %get3A_94 = arith.index_cast %mul3A_93 : i32 to index
      %get3A_95 = tpu.vector_load %arg11[%get3A_94] {strides = array<i32>} : memref<80xi32, #tpu.memory_space<vmem>>, vector<16xi32>,
      %get3A_96 = vector.shape_cast %get3A_95 : vector<16xi32> to vector<16xi32>
      %add3A_97 = vector.broadcast %mul3A_0 : i32 to vector<16xi32>
      %add3A_98 = arith.addi %get3A_96, %add3A_97 : vector<16xi32>
      %swap3A_99 = arith.index_cast %mul3A_93 : i32 to index
      %swap3A_100 = tpu.vector_load %arg11[%swap3A_99] {strides = array<i32>} : memref<80xi32, #tpu.memory_space<vmem>>, vector<16xi32>,
      %swap3A_101 = vector.shape_cast %swap3A_100 : vector<16xi32> to vector<16xi32>
      %swap3A_102 = vector.shape_cast %add3A_98 : vector<16xi32> to vector<16xi32>
      tpu.vector_store %arg11[%swap3A_99], %swap3A_102 {strides = array<i32>} : memref<80xi32, #tpu.memory_space<vmem>>, vector<16xi32>,
      %get3A_103 = arith.index_cast %mul3A_93 : i32 to index
      %get3A_104 = tpu.vector_load %arg12[%get3A_103] {strides = array<i32>} : memref<80xi32, #tpu.memory_space<vmem>>, vector<16xi32>,
      %get3A_105 = vector.shape_cast %get3A_104 : vector<16xi32> to vector<16xi32>
      %add3A_106 = vector.broadcast %mul3A_0 : i32 to vector<16xi32>
      %add3A_107 = arith.addi %get3A_105, %add3A_106 : vector<16xi32>
      %swap3A_108 = arith.index_cast %mul3A_93 : i32 to index
      %swap3A_109 = tpu.vector_load %arg12[%swap3A_108] {strides = array<i32>} : memref<80xi32, #tpu.memory_space<vmem>>, vector<16xi32>,
      %swap3A_110 = vector.shape_cast %swap3A_109 : vector<16xi32> to vector<16xi32>
      %swap3A_111 = vector.shape_cast %add3A_107 : vector<16xi32> to vector<16xi32>
      tpu.vector_store %arg12[%swap3A_108], %swap3A_111 {strides = array<i32>} : memref<80xi32, #tpu.memory_space<vmem>>, vector<16xi32>,
      %scan3A_112 = arith.constant 0 : i32
      %scan3A_113 = arith.constant 4 : i32
      %mul3A_114 = arith.constant 16 : i32
      %mul3A_115 = arith.muli %scan3A_113, %mul3A_114 : i32
      %get3A_116 = arith.index_cast %mul3A_115 : i32 to index
      %get3A_117 = tpu.vector_load %arg11[%get3A_116] {strides = array<i32>} : memref<80xi32, #tpu.memory_space<vmem>>, vector<16xi32>,
      %get3A_118 = vector.shape_cast %get3A_117 : vector<16xi32> to vector<16xi32>
      %add3A_119 = vector.broadcast %mul3A_0 : i32 to vector<16xi32>
      %add3A_120 = arith.addi %get3A_118, %add3A_119 : vector<16xi32>
      %swap3A_121 = arith.index_cast %mul3A_115 : i32 to index
      %swap3A_122 = tpu.vector_load %arg11[%swap3A_121] {strides = array<i32>} : memref<80xi32, #tpu.memory_space<vmem>>, vector<16xi32>,
      %swap3A_123 = vector.shape_cast %swap3A_122 : vector<16xi32> to vector<16xi32>
      %swap3A_124 = vector.shape_cast %add3A_120 : vector<16xi32> to vector<16xi32>
      tpu.vector_store %arg11[%swap3A_121], %swap3A_124 {strides = array<i32>} : memref<80xi32, #tpu.memory_space<vmem>>, vector<16xi32>,
      %get3A_125 = arith.index_cast %mul3A_115 : i32 to index
      %get3A_126 = tpu.vector_load %arg12[%get3A_125] {strides = array<i32>} : memref<80xi32, #tpu.memory_space<vmem>>, vector<16xi32>,
      %get3A_127 = vector.shape_cast %get3A_126 : vector<16xi32> to vector<16xi32>
      %add3A_128 = vector.broadcast %mul3A_0 : i32 to vector<16xi32>
      %add3A_129 = arith.addi %get3A_127, %add3A_128 : vector<16xi32>
      %swap3A_130 = arith.index_cast %mul3A_115 : i32 to index
      %swap3A_131 = tpu.vector_load %arg12[%swap3A_130] {strides = array<i32>} : memref<80xi32, #tpu.memory_space<vmem>>, vector<16xi32>,
      %swap3A_132 = vector.shape_cast %swap3A_131 : vector<16xi32> to vector<16xi32>
      %swap3A_133 = vector.shape_cast %add3A_129 : vector<16xi32> to vector<16xi32>
      tpu.vector_store %arg12[%swap3A_130], %swap3A_133 {strides = array<i32>} : memref<80xi32, #tpu.memory_space<vmem>>, vector<16xi32>,
      %scan3A_134 = arith.constant 0 : i32
      %scan3A_135 = arith.constant 5 : i32
      %dma_start3A = arith.constant 0 : i32
      %dma_start3A_136 = arith.constant 0 : i32
      %dma_start3A_137 = tpu.memref_slice %arg13[%dma_start3A, %dma_start3A_136] : memref<80x128xf32, #tpu.memory_space<vmem>> -> memref<40x128xf32, #tpu.memory_space<vmem>>
      %dma_start3A_138 = arith.constant 0 : i32
      %dma_start3A_139 = tpu.memref_slice %arg11[%dma_start3A_138] : memref<80xi32, #tpu.memory_space<vmem>> -> memref<40xi32, #tpu.memory_space<vmem>>
      %dma_start3A_140 = arith.constant 0 : i32
      %dma_start3A_141 = arith.constant 0 : i32
      %dma_start3A_142 = tpu.memref_slice %arg2[%dma_start3A_140, %dma_start3A_141] : memref<20480x128xf32, #tpu.memory_space<hbm>> -> memref<20480x128xf32, #tpu.memory_space<hbm>>
      tpu.enqueue_indirect_dma source(%dma_start3A_142 : memref<20480x128xf32, #tpu.memory_space<hbm>>) target(%dma_start3A_137 : memref<40x128xf32, #tpu.memory_space<vmem>>) offsets(%dma_start3A_139 : memref<40xi32, #tpu.memory_space<vmem>>) semaphore(%arg20 : memref<!tpu.dma_semaphore, #tpu.memory_space<semaphore_mem>>)
      %dma_start3A_143 = arith.constant 0 : i32
      %dma_start3A_144 = arith.constant 0 : i32
      %dma_start3A_145 = tpu.memref_slice %arg14[%dma_start3A_143, %dma_start3A_144] : memref<80x128xf32, #tpu.memory_space<vmem>> -> memref<40x128xf32, #tpu.memory_space<vmem>>
      %dma_start3A_146 = arith.constant 0 : i32
      %dma_start3A_147 = tpu.memref_slice %arg12[%dma_start3A_146] : memref<80xi32, #tpu.memory_space<vmem>> -> memref<40xi32, #tpu.memory_space<vmem>>
      %dma_start3A_148 = arith.constant 0 : i32
      %dma_start3A_149 = arith.constant 0 : i32
      %dma_start3A_150 = tpu.memref_slice %arg3[%dma_start3A_148, %dma_start3A_149] : memref<20480x128xf32, #tpu.memory_space<hbm>> -> memref<20480x128xf32, #tpu.memory_space<hbm>>
      tpu.enqueue_indirect_dma source(%dma_start3A_150 : memref<20480x128xf32, #tpu.memory_space<hbm>>) target(%dma_start3A_145 : memref<40x128xf32, #tpu.memory_space<vmem>>) offsets(%dma_start3A_147 : memref<40xi32, #tpu.memory_space<vmem>>) semaphore(%arg20 : memref<!tpu.dma_semaphore, #tpu.memory_space<semaphore_mem>>)
      %mul3A_151 = arith.constant 128 : i32
      %mul3A_152 = arith.muli %arg0, %mul3A_151 : i32
      %dma_start3A_153 = arith.constant 0 : i32
      %dma_start3A_154 = arith.constant 0 : i32
      %dma_start3A_155 = tpu.memref_slice %arg15[%dma_start3A_153, %dma_start3A_154] : memref<80x128xf32, #tpu.memory_space<vmem>> -> memref<40x128xf32, #tpu.memory_space<vmem>>
      %dma_start3A_156 = tpu.memref_slice %arg4[%add3A_24, %mul3A_152] : memref<320000x256xf32, #tpu.memory_space<hbm>> -> memref<40x128xf32, #tpu.memory_space<hbm>>
      %dma_start3A_157 = arith.constant 0 : i32
      %dma_start3A_158 = arith.constant 0 : i32
      %dma_start3A_159 = tpu.memref_slice %arg15[%dma_start3A_157, %dma_start3A_158] : memref<80x128xf32, #tpu.memory_space<vmem>> -> memref<40x128xf32, #tpu.memory_space<vmem>>
      %dma_start3A_160 = tpu.memref_slice %arg4[%add3A_24, %mul3A_152] : memref<320000x256xf32, #tpu.memory_space<hbm>> -> memref<40x128xf32, #tpu.memory_space<hbm>>
      tpu.enqueue_dma source(%dma_start3A_160 : memref<40x128xf32, #tpu.memory_space<hbm>>) target(%dma_start3A_159 : memref<40x128xf32, #tpu.memory_space<vmem>>) target_semaphore(%arg20 : memref<!tpu.dma_semaphore, #tpu.memory_space<semaphore_mem>>)
      %dma_start3A_161 = arith.constant 40 : i32
      %dma_start3A_162 = arith.constant 0 : i32
      %dma_start3A_163 = tpu.memref_slice %arg13[%dma_start3A_161, %dma_start3A_162] : memref<80x128xf32, #tpu.memory_space<vmem>> -> memref<40x128xf32, #tpu.memory_space<vmem>>
      %dma_start3A_164 = arith.constant 40 : i32
      %dma_start3A_165 = tpu.memref_slice %arg11[%dma_start3A_164] : memref<80xi32, #tpu.memory_space<vmem>> -> memref<40xi32, #tpu.memory_space<vmem>>
      %dma_start3A_166 = arith.constant 0 : i32
      %dma_start3A_167 = arith.constant 0 : i32
      %dma_start3A_168 = tpu.memref_slice %arg2[%dma_start3A_166, %dma_start3A_167] : memref<20480x128xf32, #tpu.memory_space<hbm>> -> memref<20480x128xf32, #tpu.memory_space<hbm>>
      tpu.enqueue_indirect_dma source(%dma_start3A_168 : memref<20480x128xf32, #tpu.memory_space<hbm>>) target(%dma_start3A_163 : memref<40x128xf32, #tpu.memory_space<vmem>>) offsets(%dma_start3A_165 : memref<40xi32, #tpu.memory_space<vmem>>) semaphore(%arg21 : memref<!tpu.dma_semaphore, #tpu.memory_space<semaphore_mem>>)
      %dma_start3A_169 = arith.constant 40 : i32
      %dma_start3A_170 = arith.constant 0 : i32
      %dma_start3A_171 = tpu.memref_slice %arg14[%dma_start3A_169, %dma_start3A_170] : memref<80x128xf32, #tpu.memory_space<vmem>> -> memref<40x128xf32, #tpu.memory_space<vmem>>
      %dma_start3A_172 = arith.constant 40 : i32
      %dma_start3A_173 = tpu.memref_slice %arg12[%dma_start3A_172] : memref<80xi32, #tpu.memory_space<vmem>> -> memref<40xi32, #tpu.memory_space<vmem>>
      %dma_start3A_174 = arith.constant 0 : i32
      %dma_start3A_175 = arith.constant 0 : i32
      %dma_start3A_176 = tpu.memref_slice %arg3[%dma_start3A_174, %dma_start3A_175] : memref<20480x128xf32, #tpu.memory_space<hbm>> -> memref<20480x128xf32, #tpu.memory_space<hbm>>
      tpu.enqueue_indirect_dma source(%dma_start3A_176 : memref<20480x128xf32, #tpu.memory_space<hbm>>) target(%dma_start3A_171 : memref<40x128xf32, #tpu.memory_space<vmem>>) offsets(%dma_start3A_173 : memref<40xi32, #tpu.memory_space<vmem>>) semaphore(%arg21 : memref<!tpu.dma_semaphore, #tpu.memory_space<semaphore_mem>>)
      %add3A_177 = arith.constant 40 : i32
      %add3A_178 = arith.addi %add3A_24, %add3A_177 : i32
      %mul3A_179 = arith.constant 128 : i32
      %mul3A_180 = arith.muli %arg0, %mul3A_179 : i32
      %dma_start3A_181 = arith.constant 40 : i32
      %dma_start3A_182 = arith.constant 0 : i32
      %dma_start3A_183 = tpu.memref_slice %arg15[%dma_start3A_181, %dma_start3A_182] : memref<80x128xf32, #tpu.memory_space<vmem>> -> memref<40x128xf32, #tpu.memory_space<vmem>>
      %dma_start3A_184 = tpu.memref_slice %arg4[%add3A_178, %mul3A_180] : memref<320000x256xf32, #tpu.memory_space<hbm>> -> memref<40x128xf32, #tpu.memory_space<hbm>>
      %dma_start3A_185 = arith.constant 40 : i32
      %dma_start3A_186 = arith.constant 0 : i32
      %dma_start3A_187 = tpu.memref_slice %arg15[%dma_start3A_185, %dma_start3A_186] : memref<80x128xf32, #tpu.memory_space<vmem>> -> memref<40x128xf32, #tpu.memory_space<vmem>>
      %dma_start3A_188 = tpu.memref_slice %arg4[%add3A_178, %mul3A_180] : memref<320000x256xf32, #tpu.memory_space<hbm>> -> memref<40x128xf32, #tpu.memory_space<hbm>>
      tpu.enqueue_dma source(%dma_start3A_188 : memref<40x128xf32, #tpu.memory_space<hbm>>) target(%dma_start3A_187 : memref<40x128xf32, #tpu.memory_space<vmem>>) target_semaphore(%arg21 : memref<!tpu.dma_semaphore, #tpu.memory_space<semaphore_mem>>)
      %dma_wait3A = arith.constant 0 : i32
      %dma_wait3A_189 = arith.constant 0 : i32
      %dma_wait3A_190 = tpu.memref_slice %arg13[%dma_wait3A, %dma_wait3A_189] : memref<80x128xf32, #tpu.memory_space<vmem>> -> memref<40x128xf32, #tpu.memory_space<vmem>>
      %dma_wait3A_191 = arith.constant 0 : i32
      %dma_wait3A_192 = tpu.memref_slice %arg11[%dma_wait3A_191] : memref<80xi32, #tpu.memory_space<vmem>> -> memref<40xi32, #tpu.memory_space<vmem>>
      %dma_wait3A_193 = arith.constant 0 : i32
      %dma_wait3A_194 = arith.constant 0 : i32
      %dma_wait3A_195 = tpu.memref_slice %arg2[%dma_wait3A_193, %dma_wait3A_194] : memref<20480x128xf32, #tpu.memory_space<hbm>> -> memref<20480x128xf32, #tpu.memory_space<hbm>>
      tpu.wait_indirect_dma semaphore(%arg20 : memref<!tpu.dma_semaphore, #tpu.memory_space<semaphore_mem>>) src(%dma_wait3A_195 : memref<20480x128xf32, #tpu.memory_space<hbm>>) dst(%dma_wait3A_190 : memref<40x128xf32, #tpu.memory_space<vmem>>)
      %dma_wait3A_196 = arith.constant 0 : i32
      %dma_wait3A_197 = arith.constant 0 : i32
      %dma_wait3A_198 = tpu.memref_slice %arg14[%dma_wait3A_196, %dma_wait3A_197] : memref<80x128xf32, #tpu.memory_space<vmem>> -> memref<40x128xf32, #tpu.memory_space<vmem>>
      %dma_wait3A_199 = arith.constant 0 : i32
      %dma_wait3A_200 = tpu.memref_slice %arg12[%dma_wait3A_199] : memref<80xi32, #tpu.memory_space<vmem>> -> memref<40xi32, #tpu.memory_space<vmem>>
      %dma_wait3A_201 = arith.constant 0 : i32
      %dma_wait3A_202 = arith.constant 0 : i32
      %dma_wait3A_203 = tpu.memref_slice %arg3[%dma_wait3A_201, %dma_wait3A_202] : memref<20480x128xf32, #tpu.memory_space<hbm>> -> memref<20480x128xf32, #tpu.memory_space<hbm>>
      tpu.wait_indirect_dma semaphore(%arg20 : memref<!tpu.dma_semaphore, #tpu.memory_space<semaphore_mem>>) src(%dma_wait3A_203 : memref<20480x128xf32, #tpu.memory_space<hbm>>) dst(%dma_wait3A_198 : memref<40x128xf32, #tpu.memory_space<vmem>>)
      %dma_wait3A_204 = arith.constant 0 : i32
      %dma_wait3A_205 = arith.constant 0 : i32
      %dma_wait3A_206 = tpu.memref_slice %arg15[%dma_wait3A_204, %dma_wait3A_205] : memref<80x128xf32, #tpu.memory_space<vmem>> -> memref<40x128xf32, #tpu.memory_space<vmem>>
      %dma_wait3A_207 = tpu.memref_slice %arg4[%add3A_24, %mul3A_152] : memref<320000x256xf32, #tpu.memory_space<hbm>> -> memref<40x128xf32, #tpu.memory_space<hbm>>
      %dma_wait3A_208 = arith.constant 0 : i32
      %dma_wait3A_209 = arith.constant 0 : i32
      %dma_wait3A_210 = tpu.memref_slice %arg15[%dma_wait3A_208, %dma_wait3A_209] : memref<80x128xf32, #tpu.memory_space<vmem>> -> memref<40x128xf32, #tpu.memory_space<vmem>>
      %dma_wait3A_211 = tpu.memref_slice %arg4[%add3A_24, %mul3A_152] : memref<320000x256xf32, #tpu.memory_space<hbm>> -> memref<40x128xf32, #tpu.memory_space<hbm>>
      tpu.wait_dma2 semaphore(%arg20 : memref<!tpu.dma_semaphore, #tpu.memory_space<semaphore_mem>>) src(%dma_wait3A_211 : memref<40x128xf32, #tpu.memory_space<hbm>>) dst(%dma_wait3A_210 : memref<40x128xf32, #tpu.memory_space<vmem>>)
      %parallel_loop3A = arith.constant 0 : i32
      %parallel_loop3A_212 = arith.constant 40 : i32
      %parallel_loop3A_213 = arith.constant 1 : i32
      scf.for %parallel_loop3A_316 = %parallel_loop3A to %parallel_loop3A_212 step %parallel_loop3A_213  : i32 {
        %parallel_loop3A_317 = arith.index_cast %parallel_loop3A_316 : i32 to index
        %parallel_loop3A_318 = arith.constant 0 : index
        %parallel_loop3A_319 = tpu.vector_load %arg13[%parallel_loop3A_317, %parallel_loop3A_318] {strides = array<i32>} : memref<80x128xf32, #tpu.memory_space<vmem>>, vector<1x16xf32>,
        %parallel_loop3A_320 = vector.shape_cast %parallel_loop3A_319 : vector<1x16xf32> to vector<16xf32>
        %parallel_loop3A_321 = arith.index_cast %parallel_loop3A_316 : i32 to index
        %parallel_loop3A_322 = arith.constant 0 : index
        %parallel_loop3A_323 = tpu.vector_load %arg14[%parallel_loop3A_321, %parallel_loop3A_322] {strides = array<i32>} : memref<80x128xf32, #tpu.memory_space<vmem>>, vector<1x16xf32>,
        %parallel_loop3A_324 = vector.shape_cast %parallel_loop3A_323 : vector<1x16xf32> to vector<16xf32>
        %parallel_loop3A_325 = arith.addf %parallel_loop3A_320, %parallel_loop3A_324 : vector<16xf32>
        %parallel_loop3A_326 = arith.index_cast %parallel_loop3A_316 : i32 to index
        %parallel_loop3A_327 = arith.constant 0 : index
        %parallel_loop3A_328 = tpu.vector_load %arg15[%parallel_loop3A_326, %parallel_loop3A_327] {strides = array<i32>} : memref<80x128xf32, #tpu.memory_space<vmem>>, vector<1x16xf32>,
        %parallel_loop3A_329 = vector.shape_cast %parallel_loop3A_328 : vector<1x16xf32> to vector<16xf32>
        %parallel_loop3A_330 = arith.addf %parallel_loop3A_325, %parallel_loop3A_329 : vector<16xf32>
        %parallel_loop3A_331 = arith.index_cast %parallel_loop3A_316 : i32 to index
        %parallel_loop3A_332 = arith.constant 64 : index
        %parallel_loop3A_333 = tpu.vector_load %arg15[%parallel_loop3A_331, %parallel_loop3A_332] {strides = array<i32>} : memref<80x128xf32, #tpu.memory_space<vmem>>, vector<1x16xf32>,
        %parallel_loop3A_334 = vector.shape_cast %parallel_loop3A_333 : vector<1x16xf32> to vector<16xf32>
        %parallel_loop3A_335 = arith.mulf %parallel_loop3A_330, %get3A_6 : vector<16xf32>
        %parallel_loop3A_336 = arith.addf %parallel_loop3A_334, %parallel_loop3A_335 : vector<16xf32>
        %parallel_loop3A_337 = arith.constant 0 : i32
        %parallel_loop3A_338 = arith.subi %parallel_loop3A_316, %parallel_loop3A_337 : i32
        %parallel_loop3A_339 = arith.index_cast %parallel_loop3A_338 : i32 to index
        %parallel_loop3A_340 = arith.constant 0 : index
        %parallel_loop3A_341 = tpu.vector_load %arg17[%parallel_loop3A_339, %parallel_loop3A_340] {strides = array<i32>} : memref<40x64xf32, #tpu.memory_space<vmem>>, vector<1x16xf32>,
        %parallel_loop3A_342 = vector.shape_cast %parallel_loop3A_341 : vector<1x16xf32> to vector<16xf32>
        %parallel_loop3A_343 = vector.shape_cast %parallel_loop3A_336 : vector<16xf32> to vector<1x16xf32>
        tpu.vector_store %arg17[%parallel_loop3A_339, %parallel_loop3A_340], %parallel_loop3A_343 {strides = array<i32>} : memref<40x64xf32, #tpu.memory_space<vmem>>, vector<1x16xf32>,
        %parallel_loop3A_344 = arith.constant 0.000000e+00 : f32
        %parallel_loop3A_345 = vector.broadcast %parallel_loop3A_344 : f32 to vector<16xf32>
        %parallel_loop3A_346 = arith.subf %parallel_loop3A_345, %parallel_loop3A_330 : vector<16xf32>
        %parallel_loop3A_347 = math.exp %parallel_loop3A_346 : vector<16xf32>
        %parallel_loop3A_348 = arith.constant 1.000000e+00 : f32
        %parallel_loop3A_349 = vector.broadcast %parallel_loop3A_348 : f32 to vector<16xf32>
        %parallel_loop3A_350 = arith.addf %parallel_loop3A_349, %parallel_loop3A_347 : vector<16xf32>
        %parallel_loop3A_351 = arith.constant 1.000000e+00 : f32
        %parallel_loop3A_352 = vector.broadcast %parallel_loop3A_351 : f32 to vector<16xf32>
        %parallel_loop3A_353 = arith.divf %parallel_loop3A_352, %parallel_loop3A_350 : vector<16xf32>
        %parallel_loop3A_354 = arith.index_cast %parallel_loop3A_316 : i32 to index
        %parallel_loop3A_355 = arith.constant 64 : index
        %parallel_loop3A_356 = tpu.vector_load %arg16[%parallel_loop3A_354, %parallel_loop3A_355] {strides = array<i32>} : memref<80x128xf32, #tpu.memory_space<vmem>>, vector<1x16xf32>,
        %parallel_loop3A_357 = vector.shape_cast %parallel_loop3A_356 : vector<1x16xf32> to vector<16xf32>
        %parallel_loop3A_358 = vector.shape_cast %parallel_loop3A_353 : vector<16xf32> to vector<1x16xf32>
        tpu.vector_store %arg16[%parallel_loop3A_354, %parallel_loop3A_355], %parallel_loop3A_358 {strides = array<i32>} : memref<80x128xf32, #tpu.memory_space<vmem>>, vector<1x16xf32>,
        %parallel_loop3A_359 = arith.index_cast %parallel_loop3A_316 : i32 to index
        %parallel_loop3A_360 = arith.constant 64 : index
        %parallel_loop3A_361 = tpu.vector_load %arg13[%parallel_loop3A_359, %parallel_loop3A_360] {strides = array<i32>} : memref<80x128xf32, #tpu.memory_space<vmem>>, vector<1x16xf32>,
        %parallel_loop3A_362 = vector.shape_cast %parallel_loop3A_361 : vector<1x16xf32> to vector<16xf32>
        %parallel_loop3A_363 = arith.mulf %parallel_loop3A_362, %parallel_loop3A_353 : vector<16xf32>
        %parallel_loop3A_364 = arith.index_cast %parallel_loop3A_316 : i32 to index
        %parallel_loop3A_365 = arith.constant 0 : index
        %parallel_loop3A_366 = tpu.vector_load %arg16[%parallel_loop3A_364, %parallel_loop3A_365] {strides = array<i32>} : memref<80x128xf32, #tpu.memory_space<vmem>>, vector<1x16xf32>,
        %parallel_loop3A_367 = vector.shape_cast %parallel_loop3A_366 : vector<1x16xf32> to vector<16xf32>
        %parallel_loop3A_368 = vector.shape_cast %parallel_loop3A_363 : vector<16xf32> to vector<1x16xf32>
        tpu.vector_store %arg16[%parallel_loop3A_364, %parallel_loop3A_365], %parallel_loop3A_368 {strides = array<i32>} : memref<80x128xf32, #tpu.memory_space<vmem>>, vector<1x16xf32>,
        %parallel_loop3A_369 = arith.index_cast %parallel_loop3A_316 : i32 to index
        %parallel_loop3A_370 = arith.constant 16 : index
        %parallel_loop3A_371 = tpu.vector_load %arg13[%parallel_loop3A_369, %parallel_loop3A_370] {strides = array<i32>} : memref<80x128xf32, #tpu.memory_space<vmem>>, vector<1x16xf32>,
        %parallel_loop3A_372 = vector.shape_cast %parallel_loop3A_371 : vector<1x16xf32> to vector<16xf32>
        %parallel_loop3A_373 = arith.index_cast %parallel_loop3A_316 : i32 to index
        %parallel_loop3A_374 = arith.constant 16 : index
        %parallel_loop3A_375 = tpu.vector_load %arg14[%parallel_loop3A_373, %parallel_loop3A_374] {strides = array<i32>} : memref<80x128xf32, #tpu.memory_space<vmem>>, vector<1x16xf32>,
        %parallel_loop3A_376 = vector.shape_cast %parallel_loop3A_375 : vector<1x16xf32> to vector<16xf32>
        %parallel_loop3A_377 = arith.addf %parallel_loop3A_372, %parallel_loop3A_376 : vector<16xf32>
        %parallel_loop3A_378 = arith.index_cast %parallel_loop3A_316 : i32 to index
        %parallel_loop3A_379 = arith.constant 16 : index
        %parallel_loop3A_380 = tpu.vector_load %arg15[%parallel_loop3A_378, %parallel_loop3A_379] {strides = array<i32>} : memref<80x128xf32, #tpu.memory_space<vmem>>, vector<1x16xf32>,
        %parallel_loop3A_381 = vector.shape_cast %parallel_loop3A_380 : vector<1x16xf32> to vector<16xf32>
        %parallel_loop3A_382 = arith.addf %parallel_loop3A_377, %parallel_loop3A_381 : vector<16xf32>
        %parallel_loop3A_383 = arith.index_cast %parallel_loop3A_316 : i32 to index
        %parallel_loop3A_384 = arith.constant 80 : index
        %parallel_loop3A_385 = tpu.vector_load %arg15[%parallel_loop3A_383, %parallel_loop3A_384] {strides = array<i32>} : memref<80x128xf32, #tpu.memory_space<vmem>>, vector<1x16xf32>,
        %parallel_loop3A_386 = vector.shape_cast %parallel_loop3A_385 : vector<1x16xf32> to vector<16xf32>
        %parallel_loop3A_387 = arith.mulf %parallel_loop3A_382, %get3A_6 : vector<16xf32>
        %parallel_loop3A_388 = arith.addf %parallel_loop3A_386, %parallel_loop3A_387 : vector<16xf32>
        %parallel_loop3A_389 = arith.constant 0 : i32
        %parallel_loop3A_390 = arith.subi %parallel_loop3A_316, %parallel_loop3A_389 : i32
        %parallel_loop3A_391 = arith.index_cast %parallel_loop3A_390 : i32 to index
        %parallel_loop3A_392 = arith.constant 16 : index
        %parallel_loop3A_393 = tpu.vector_load %arg17[%parallel_loop3A_391, %parallel_loop3A_392] {strides = array<i32>} : memref<40x64xf32, #tpu.memory_space<vmem>>, vector<1x16xf32>,
        %parallel_loop3A_394 = vector.shape_cast %parallel_loop3A_393 : vector<1x16xf32> to vector<16xf32>
        %parallel_loop3A_395 = vector.shape_cast %parallel_loop3A_388 : vector<16xf32> to vector<1x16xf32>
        tpu.vector_store %arg17[%parallel_loop3A_391, %parallel_loop3A_392], %parallel_loop3A_395 {strides = array<i32>} : memref<40x64xf32, #tpu.memory_space<vmem>>, vector<1x16xf32>,
        %parallel_loop3A_396 = arith.constant 0.000000e+00 : f32
        %parallel_loop3A_397 = vector.broadcast %parallel_loop3A_396 : f32 to vector<16xf32>
        %parallel_loop3A_398 = arith.subf %parallel_loop3A_397, %parallel_loop3A_382 : vector<16xf32>
        %parallel_loop3A_399 = math.exp %parallel_loop3A_398 : vector<16xf32>
        %parallel_loop3A_400 = arith.constant 1.000000e+00 : f32
        %parallel_loop3A_401 = vector.broadcast %parallel_loop3A_400 : f32 to vector<16xf32>
        %parallel_loop3A_402 = arith.addf %parallel_loop3A_401, %parallel_loop3A_399 : vector<16xf32>
        %parallel_loop3A_403 = arith.constant 1.000000e+00 : f32
        %parallel_loop3A_404 = vector.broadcast %parallel_loop3A_403 : f32 to vector<16xf32>
        %parallel_loop3A_405 = arith.divf %parallel_loop3A_404, %parallel_loop3A_402 : vector<16xf32>
        %parallel_loop3A_406 = arith.index_cast %parallel_loop3A_316 : i32 to index
        %parallel_loop3A_407 = arith.constant 80 : index
        %parallel_loop3A_408 = tpu.vector_load %arg16[%parallel_loop3A_406, %parallel_loop3A_407] {strides = array<i32>} : memref<80x128xf32, #tpu.memory_space<vmem>>, vector<1x16xf32>,
        %parallel_loop3A_409 = vector.shape_cast %parallel_loop3A_408 : vector<1x16xf32> to vector<16xf32>
        %parallel_loop3A_410 = vector.shape_cast %parallel_loop3A_405 : vector<16xf32> to vector<1x16xf32>
        tpu.vector_store %arg16[%parallel_loop3A_406, %parallel_loop3A_407], %parallel_loop3A_410 {strides = array<i32>} : memref<80x128xf32, #tpu.memory_space<vmem>>, vector<1x16xf32>,
        %parallel_loop3A_411 = arith.index_cast %parallel_loop3A_316 : i32 to index
        %parallel_loop3A_412 = arith.constant 80 : index
        %parallel_loop3A_413 = tpu.vector_load %arg13[%parallel_loop3A_411, %parallel_loop3A_412] {strides = array<i32>} : memref<80x128xf32, #tpu.memory_space<vmem>>, vector<1x16xf32>,
        %parallel_loop3A_414 = vector.shape_cast %parallel_loop3A_413 : vector<1x16xf32> to vector<16xf32>
        %parallel_loop3A_415 = arith.mulf %parallel_loop3A_414, %parallel_loop3A_405 : vector<16xf32>
        %parallel_loop3A_416 = arith.index_cast %parallel_loop3A_316 : i32 to index
        %parallel_loop3A_417 = arith.constant 16 : index
        %parallel_loop3A_418 = tpu.vector_load %arg16[%parallel_loop3A_416, %parallel_loop3A_417] {strides = array<i32>} : memref<80x128xf32, #tpu.memory_space<vmem>>, vector<1x16xf32>,
        %parallel_loop3A_419 = vector.shape_cast %parallel_loop3A_418 : vector<1x16xf32> to vector<16xf32>
        %parallel_loop3A_420 = vector.shape_cast %parallel_loop3A_415 : vector<16xf32> to vector<1x16xf32>
        tpu.vector_store %arg16[%parallel_loop3A_416, %parallel_loop3A_417], %parallel_loop3A_420 {strides = array<i32>} : memref<80x128xf32, #tpu.memory_space<vmem>>, vector<1x16xf32>,
        %parallel_loop3A_421 = arith.index_cast %parallel_loop3A_316 : i32 to index
        %parallel_loop3A_422 = arith.constant 32 : index
        %parallel_loop3A_423 = tpu.vector_load %arg13[%parallel_loop3A_421, %parallel_loop3A_422] {strides = array<i32>} : memref<80x128xf32, #tpu.memory_space<vmem>>, vector<1x16xf32>,
        %parallel_loop3A_424 = vector.shape_cast %parallel_loop3A_423 : vector<1x16xf32> to vector<16xf32>
        %parallel_loop3A_425 = arith.index_cast %parallel_loop3A_316 : i32 to index
        %parallel_loop3A_426 = arith.constant 32 : index
        %parallel_loop3A_427 = tpu.vector_load %arg14[%parallel_loop3A_425, %parallel_loop3A_426] {strides = array<i32>} : memref<80x128xf32, #tpu.memory_space<vmem>>, vector<1x16xf32>,
        %parallel_loop3A_428 = vector.shape_cast %parallel_loop3A_427 : vector<1x16xf32> to vector<16xf32>
        %parallel_loop3A_429 = arith.addf %parallel_loop3A_424, %parallel_loop3A_428 : vector<16xf32>
        %parallel_loop3A_430 = arith.index_cast %parallel_loop3A_316 : i32 to index
        %parallel_loop3A_431 = arith.constant 32 : index
        %parallel_loop3A_432 = tpu.vector_load %arg15[%parallel_loop3A_430, %parallel_loop3A_431] {strides = array<i32>} : memref<80x128xf32, #tpu.memory_space<vmem>>, vector<1x16xf32>,
        %parallel_loop3A_433 = vector.shape_cast %parallel_loop3A_432 : vector<1x16xf32> to vector<16xf32>
        %parallel_loop3A_434 = arith.addf %parallel_loop3A_429, %parallel_loop3A_433 : vector<16xf32>
        %parallel_loop3A_435 = arith.index_cast %parallel_loop3A_316 : i32 to index
        %parallel_loop3A_436 = arith.constant 96 : index
        %parallel_loop3A_437 = tpu.vector_load %arg15[%parallel_loop3A_435, %parallel_loop3A_436] {strides = array<i32>} : memref<80x128xf32, #tpu.memory_space<vmem>>, vector<1x16xf32>,
        %parallel_loop3A_438 = vector.shape_cast %parallel_loop3A_437 : vector<1x16xf32> to vector<16xf32>
        %parallel_loop3A_439 = arith.mulf %parallel_loop3A_434, %get3A_6 : vector<16xf32>
        %parallel_loop3A_440 = arith.addf %parallel_loop3A_438, %parallel_loop3A_439 : vector<16xf32>
        %parallel_loop3A_441 = arith.constant 0 : i32
        %parallel_loop3A_442 = arith.subi %parallel_loop3A_316, %parallel_loop3A_441 : i32
        %parallel_loop3A_443 = arith.index_cast %parallel_loop3A_442 : i32 to index
        %parallel_loop3A_444 = arith.constant 32 : index
        %parallel_loop3A_445 = tpu.vector_load %arg17[%parallel_loop3A_443, %parallel_loop3A_444] {strides = array<i32>} : memref<40x64xf32, #tpu.memory_space<vmem>>, vector<1x16xf32>,
        %parallel_loop3A_446 = vector.shape_cast %parallel_loop3A_445 : vector<1x16xf32> to vector<16xf32>
        %parallel_loop3A_447 = vector.shape_cast %parallel_loop3A_440 : vector<16xf32> to vector<1x16xf32>
        tpu.vector_store %arg17[%parallel_loop3A_443, %parallel_loop3A_444], %parallel_loop3A_447 {strides = array<i32>} : memref<40x64xf32, #tpu.memory_space<vmem>>, vector<1x16xf32>,
        %parallel_loop3A_448 = arith.constant 0.000000e+00 : f32
        %parallel_loop3A_449 = vector.broadcast %parallel_loop3A_448 : f32 to vector<16xf32>
        %parallel_loop3A_450 = arith.subf %parallel_loop3A_449, %parallel_loop3A_434 : vector<16xf32>
        %parallel_loop3A_451 = math.exp %parallel_loop3A_450 : vector<16xf32>
        %parallel_loop3A_452 = arith.constant 1.000000e+00 : f32
        %parallel_loop3A_453 = vector.broadcast %parallel_loop3A_452 : f32 to vector<16xf32>
        %parallel_loop3A_454 = arith.addf %parallel_loop3A_453, %parallel_loop3A_451 : vector<16xf32>
        %parallel_loop3A_455 = arith.constant 1.000000e+00 : f32
        %parallel_loop3A_456 = vector.broadcast %parallel_loop3A_455 : f32 to vector<16xf32>
        %parallel_loop3A_457 = arith.divf %parallel_loop3A_456, %parallel_loop3A_454 : vector<16xf32>
        %parallel_loop3A_458 = arith.index_cast %parallel_loop3A_316 : i32 to index
        %parallel_loop3A_459 = arith.constant 96 : index
        %parallel_loop3A_460 = tpu.vector_load %arg16[%parallel_loop3A_458, %parallel_loop3A_459] {strides = array<i32>} : memref<80x128xf32, #tpu.memory_space<vmem>>, vector<1x16xf32>,
        %parallel_loop3A_461 = vector.shape_cast %parallel_loop3A_460 : vector<1x16xf32> to vector<16xf32>
        %parallel_loop3A_462 = vector.shape_cast %parallel_loop3A_457 : vector<16xf32> to vector<1x16xf32>
        tpu.vector_store %arg16[%parallel_loop3A_458, %parallel_loop3A_459], %parallel_loop3A_462 {strides = array<i32>} : memref<80x128xf32, #tpu.memory_space<vmem>>, vector<1x16xf32>,
        %parallel_loop3A_463 = arith.index_cast %parallel_loop3A_316 : i32 to index
        %parallel_loop3A_464 = arith.constant 96 : index
        %parallel_loop3A_465 = tpu.vector_load %arg13[%parallel_loop3A_463, %parallel_loop3A_464] {strides = array<i32>} : memref<80x128xf32, #tpu.memory_space<vmem>>, vector<1x16xf32>,
        %parallel_loop3A_466 = vector.shape_cast %parallel_loop3A_465 : vector<1x16xf32> to vector<16xf32>
        %parallel_loop3A_467 = arith.mulf %parallel_loop3A_466, %parallel_loop3A_457 : vector<16xf32>
        %parallel_loop3A_468 = arith.index_cast %parallel_loop3A_316 : i32 to index
        %parallel_loop3A_469 = arith.constant 32 : index
        %parallel_loop3A_470 = tpu.vector_load %arg16[%parallel_loop3A_468, %parallel_loop3A_469] {strides = array<i32>} : memref<80x128xf32, #tpu.memory_space<vmem>>, vector<1x16xf32>,
        %parallel_loop3A_471 = vector.shape_cast %parallel_loop3A_470 : vector<1x16xf32> to vector<16xf32>
        %parallel_loop3A_472 = vector.shape_cast %parallel_loop3A_467 : vector<16xf32> to vector<1x16xf32>
        tpu.vector_store %arg16[%parallel_loop3A_468, %parallel_loop3A_469], %parallel_loop3A_472 {strides = array<i32>} : memref<80x128xf32, #tpu.memory_space<vmem>>, vector<1x16xf32>,
        %parallel_loop3A_473 = arith.index_cast %parallel_loop3A_316 : i32 to index
        %parallel_loop3A_474 = arith.constant 48 : index
        %parallel_loop3A_475 = tpu.vector_load %arg13[%parallel_loop3A_473, %parallel_loop3A_474] {strides = array<i32>} : memref<80x128xf32, #tpu.memory_space<vmem>>, vector<1x16xf32>,
        %parallel_loop3A_476 = vector.shape_cast %parallel_loop3A_475 : vector<1x16xf32> to vector<16xf32>
        %parallel_loop3A_477 = arith.index_cast %parallel_loop3A_316 : i32 to index
        %parallel_loop3A_478 = arith.constant 48 : index
        %parallel_loop3A_479 = tpu.vector_load %arg14[%parallel_loop3A_477, %parallel_loop3A_478] {strides = array<i32>} : memref<80x128xf32, #tpu.memory_space<vmem>>, vector<1x16xf32>,
        %parallel_loop3A_480 = vector.shape_cast %parallel_loop3A_479 : vector<1x16xf32> to vector<16xf32>
        %parallel_loop3A_481 = arith.addf %parallel_loop3A_476, %parallel_loop3A_480 : vector<16xf32>
        %parallel_loop3A_482 = arith.index_cast %parallel_loop3A_316 : i32 to index
        %parallel_loop3A_483 = arith.constant 48 : index
        %parallel_loop3A_484 = tpu.vector_load %arg15[%parallel_loop3A_482, %parallel_loop3A_483] {strides = array<i32>} : memref<80x128xf32, #tpu.memory_space<vmem>>, vector<1x16xf32>,
        %parallel_loop3A_485 = vector.shape_cast %parallel_loop3A_484 : vector<1x16xf32> to vector<16xf32>
        %parallel_loop3A_486 = arith.addf %parallel_loop3A_481, %parallel_loop3A_485 : vector<16xf32>
        %parallel_loop3A_487 = arith.index_cast %parallel_loop3A_316 : i32 to index
        %parallel_loop3A_488 = arith.constant 112 : index
        %parallel_loop3A_489 = tpu.vector_load %arg15[%parallel_loop3A_487, %parallel_loop3A_488] {strides = array<i32>} : memref<80x128xf32, #tpu.memory_space<vmem>>, vector<1x16xf32>,
        %parallel_loop3A_490 = vector.shape_cast %parallel_loop3A_489 : vector<1x16xf32> to vector<16xf32>
        %parallel_loop3A_491 = arith.mulf %parallel_loop3A_486, %get3A_6 : vector<16xf32>
        %parallel_loop3A_492 = arith.addf %parallel_loop3A_490, %parallel_loop3A_491 : vector<16xf32>
        %parallel_loop3A_493 = arith.constant 0 : i32
        %parallel_loop3A_494 = arith.subi %parallel_loop3A_316, %parallel_loop3A_493 : i32
        %parallel_loop3A_495 = arith.index_cast %parallel_loop3A_494 : i32 to index
        %parallel_loop3A_496 = arith.constant 48 : index
        %parallel_loop3A_497 = tpu.vector_load %arg17[%parallel_loop3A_495, %parallel_loop3A_496] {strides = array<i32>} : memref<40x64xf32, #tpu.memory_space<vmem>>, vector<1x16xf32>,
        %parallel_loop3A_498 = vector.shape_cast %parallel_loop3A_497 : vector<1x16xf32> to vector<16xf32>
        %parallel_loop3A_499 = vector.shape_cast %parallel_loop3A_492 : vector<16xf32> to vector<1x16xf32>
        tpu.vector_store %arg17[%parallel_loop3A_495, %parallel_loop3A_496], %parallel_loop3A_499 {strides = array<i32>} : memref<40x64xf32, #tpu.memory_space<vmem>>, vector<1x16xf32>,
        %parallel_loop3A_500 = arith.constant 0.000000e+00 : f32
        %parallel_loop3A_501 = vector.broadcast %parallel_loop3A_500 : f32 to vector<16xf32>
        %parallel_loop3A_502 = arith.subf %parallel_loop3A_501, %parallel_loop3A_486 : vector<16xf32>
        %parallel_loop3A_503 = math.exp %parallel_loop3A_502 : vector<16xf32>
        %parallel_loop3A_504 = arith.constant 1.000000e+00 : f32
        %parallel_loop3A_505 = vector.broadcast %parallel_loop3A_504 : f32 to vector<16xf32>
        %parallel_loop3A_506 = arith.addf %parallel_loop3A_505, %parallel_loop3A_503 : vector<16xf32>
        %parallel_loop3A_507 = arith.constant 1.000000e+00 : f32
        %parallel_loop3A_508 = vector.broadcast %parallel_loop3A_507 : f32 to vector<16xf32>
        %parallel_loop3A_509 = arith.divf %parallel_loop3A_508, %parallel_loop3A_506 : vector<16xf32>
        %parallel_loop3A_510 = arith.index_cast %parallel_loop3A_316 : i32 to index
        %parallel_loop3A_511 = arith.constant 112 : index
        %parallel_loop3A_512 = tpu.vector_load %arg16[%parallel_loop3A_510, %parallel_loop3A_511] {strides = array<i32>} : memref<80x128xf32, #tpu.memory_space<vmem>>, vector<1x16xf32>,
        %parallel_loop3A_513 = vector.shape_cast %parallel_loop3A_512 : vector<1x16xf32> to vector<16xf32>
        %parallel_loop3A_514 = vector.shape_cast %parallel_loop3A_509 : vector<16xf32> to vector<1x16xf32>
        tpu.vector_store %arg16[%parallel_loop3A_510, %parallel_loop3A_511], %parallel_loop3A_514 {strides = array<i32>} : memref<80x128xf32, #tpu.memory_space<vmem>>, vector<1x16xf32>,
        %parallel_loop3A_515 = arith.index_cast %parallel_loop3A_316 : i32 to index
        %parallel_loop3A_516 = arith.constant 112 : index
        %parallel_loop3A_517 = tpu.vector_load %arg13[%parallel_loop3A_515, %parallel_loop3A_516] {strides = array<i32>} : memref<80x128xf32, #tpu.memory_space<vmem>>, vector<1x16xf32>,
        %parallel_loop3A_518 = vector.shape_cast %parallel_loop3A_517 : vector<1x16xf32> to vector<16xf32>
        %parallel_loop3A_519 = arith.mulf %parallel_loop3A_518, %parallel_loop3A_509 : vector<16xf32>
        %parallel_loop3A_520 = arith.index_cast %parallel_loop3A_316 : i32 to index
        %parallel_loop3A_521 = arith.constant 48 : index
        %parallel_loop3A_522 = tpu.vector_load %arg16[%parallel_loop3A_520, %parallel_loop3A_521] {strides = array<i32>} : memref<80x128xf32, #tpu.memory_space<vmem>>, vector<1x16xf32>,
        %parallel_loop3A_523 = vector.shape_cast %parallel_loop3A_522 : vector<1x16xf32> to vector<16xf32>
        %parallel_loop3A_524 = vector.shape_cast %parallel_loop3A_519 : vector<16xf32> to vector<1x16xf32>
        tpu.vector_store %arg16[%parallel_loop3A_520, %parallel_loop3A_521], %parallel_loop3A_524 {strides = array<i32>} : memref<80x128xf32, #tpu.memory_space<vmem>>, vector<1x16xf32>,
      } {sc.loop_unroll_factor = 4 : i64, sc.parallel_access}
      %mul3A_214 = arith.constant 320000 : i32
      %mul3A_215 = arith.muli %arg0, %mul3A_214 : i32
      %add3A_216 = arith.addi %mul3A_215, %add3A_24 : i32
      "tpu.region"() ({
        %run_scoped3A = tpu.sem_alloc : memref<!tpu.dma_semaphore, #tpu.memory_space<semaphore_mem>>
        %dma_start3A_316 = arith.constant 0 : i32
        %dma_start3A_317 = tpu.memref_slice %arg9[%add3A_216, %dma_start3A_316] : memref<640000x64xf32, #tpu.memory_space<hbm>> -> memref<40x64xf32, #tpu.memory_space<hbm>>
        %dma_start3A_318 = arith.constant 0 : i32
        %dma_start3A_319 = tpu.memref_slice %arg9[%add3A_216, %dma_start3A_318] : memref<640000x64xf32, #tpu.memory_space<hbm>> -> memref<40x64xf32, #tpu.memory_space<hbm>>
        tpu.enqueue_dma source(%arg17 : memref<40x64xf32, #tpu.memory_space<vmem>>) target(%dma_start3A_319 : memref<40x64xf32, #tpu.memory_space<hbm>>) target_semaphore(%run_scoped3A : memref<!tpu.dma_semaphore, #tpu.memory_space<semaphore_mem>>)
        %dma_wait3A_320 = arith.constant 0 : i32
        %dma_wait3A_321 = tpu.memref_slice %arg9[%add3A_216, %dma_wait3A_320] : memref<640000x64xf32, #tpu.memory_space<hbm>> -> memref<40x64xf32, #tpu.memory_space<hbm>>
        %dma_wait3A_322 = arith.constant 0 : i32
        %dma_wait3A_323 = tpu.memref_slice %arg9[%add3A_216, %dma_wait3A_322] : memref<640000x64xf32, #tpu.memory_space<hbm>> -> memref<40x64xf32, #tpu.memory_space<hbm>>
        tpu.wait_dma2 semaphore(%run_scoped3A : memref<!tpu.dma_semaphore, #tpu.memory_space<semaphore_mem>>) src(%arg17 : memref<40x64xf32, #tpu.memory_space<vmem>>) dst(%dma_wait3A_323 : memref<40x64xf32, #tpu.memory_space<hbm>>)
        tpu.yield
      }) : () -> ()
      %dma_wait3A_217 = arith.constant 40 : i32
      %dma_wait3A_218 = arith.constant 0 : i32
      %dma_wait3A_219 = tpu.memref_slice %arg13[%dma_wait3A_217, %dma_wait3A_218] : memref<80x128xf32, #tpu.memory_space<vmem>> -> memref<40x128xf32, #tpu.memory_space<vmem>>
      %dma_wait3A_220 = arith.constant 40 : i32
      %dma_wait3A_221 = tpu.memref_slice %arg11[%dma_wait3A_220] : memref<80xi32, #tpu.memory_space<vmem>> -> memref<40xi32, #tpu.memory_space<vmem>>
      %dma_wait3A_222 = arith.constant 0 : i32
      %dma_wait3A_223 = arith.constant 0 : i32
      %dma_wait3A_224 = tpu.memref_slice %arg2[%dma_wait3A_222, %dma_wait3A_223] : memref<20480x128xf32, #tpu.memory_space<hbm>> -> memref<20480x128xf32, #tpu.memory_space<hbm>>
      tpu.wait_indirect_dma semaphore(%arg21 : memref<!tpu.dma_semaphore, #tpu.memory_space<semaphore_mem>>) src(%dma_wait3A_224 : memref<20480x128xf32, #tpu.memory_space<hbm>>) dst(%dma_wait3A_219 : memref<40x128xf32, #tpu.memory_space<vmem>>)
      %dma_wait3A_225 = arith.constant 40 : i32
      %dma_wait3A_226 = arith.constant 0 : i32
      %dma_wait3A_227 = tpu.memref_slice %arg14[%dma_wait3A_225, %dma_wait3A_226] : memref<80x128xf32, #tpu.memory_space<vmem>> -> memref<40x128xf32, #tpu.memory_space<vmem>>
      %dma_wait3A_228 = arith.constant 40 : i32
      %dma_wait3A_229 = tpu.memref_slice %arg12[%dma_wait3A_228] : memref<80xi32, #tpu.memory_space<vmem>> -> memref<40xi32, #tpu.memory_space<vmem>>
      %dma_wait3A_230 = arith.constant 0 : i32
      %dma_wait3A_231 = arith.constant 0 : i32
      %dma_wait3A_232 = tpu.memref_slice %arg3[%dma_wait3A_230, %dma_wait3A_231] : memref<20480x128xf32, #tpu.memory_space<hbm>> -> memref<20480x128xf32, #tpu.memory_space<hbm>>
      tpu.wait_indirect_dma semaphore(%arg21 : memref<!tpu.dma_semaphore, #tpu.memory_space<semaphore_mem>>) src(%dma_wait3A_232 : memref<20480x128xf32, #tpu.memory_space<hbm>>) dst(%dma_wait3A_227 : memref<40x128xf32, #tpu.memory_space<vmem>>)
      %dma_wait3A_233 = arith.constant 40 : i32
      %dma_wait3A_234 = arith.constant 0 : i32
      %dma_wait3A_235 = tpu.memref_slice %arg15[%dma_wait3A_233, %dma_wait3A_234] : memref<80x128xf32, #tpu.memory_space<vmem>> -> memref<40x128xf32, #tpu.memory_space<vmem>>
      %dma_wait3A_236 = tpu.memref_slice %arg4[%add3A_178, %mul3A_180] : memref<320000x256xf32, #tpu.memory_space<hbm>> -> memref<40x128xf32, #tpu.memory_space<hbm>>
      %dma_wait3A_237 = arith.constant 40 : i32
      %dma_wait3A_238 = arith.constant 0 : i32
      %dma_wait3A_239 = tpu.memref_slice %arg15[%dma_wait3A_237, %dma_wait3A_238] : memref<80x128xf32, #tpu.memory_space<vmem>> -> memref<40x128xf32, #tpu.memory_space<vmem>>
      %dma_wait3A_240 = tpu.memref_slice %arg4[%add3A_178, %mul3A_180] : memref<320000x256xf32, #tpu.memory_space<hbm>> -> memref<40x128xf32, #tpu.memory_space<hbm>>
      tpu.wait_dma2 semaphore(%arg21 : memref<!tpu.dma_semaphore, #tpu.memory_space<semaphore_mem>>) src(%dma_wait3A_240 : memref<40x128xf32, #tpu.memory_space<hbm>>) dst(%dma_wait3A_239 : memref<40x128xf32, #tpu.memory_space<vmem>>)
      %parallel_loop3A_241 = arith.constant 40 : i32
      %parallel_loop3A_242 = arith.constant 80 : i32
      %parallel_loop3A_243 = arith.constant 1 : i32
      scf.for %parallel_loop3A_316 = %parallel_loop3A_241 to %parallel_loop3A_242 step %parallel_loop3A_243  : i32 {
        %parallel_loop3A_317 = arith.index_cast %parallel_loop3A_316 : i32 to index
        %parallel_loop3A_318 = arith.constant 0 : index
        %parallel_loop3A_319 = tpu.vector_load %arg13[%parallel_loop3A_317, %parallel_loop3A_318] {strides = array<i32>} : memref<80x128xf32, #tpu.memory_space<vmem>>, vector<1x16xf32>,
        %parallel_loop3A_320 = vector.shape_cast %parallel_loop3A_319 : vector<1x16xf32> to vector<16xf32>
        %parallel_loop3A_321 = arith.index_cast %parallel_loop3A_316 : i32 to index
        %parallel_loop3A_322 = arith.constant 0 : index
        %parallel_loop3A_323 = tpu.vector_load %arg14[%parallel_loop3A_321, %parallel_loop3A_322] {strides = array<i32>} : memref<80x128xf32, #tpu.memory_space<vmem>>, vector<1x16xf32>,
        %parallel_loop3A_324 = vector.shape_cast %parallel_loop3A_323 : vector<1x16xf32> to vector<16xf32>
        %parallel_loop3A_325 = arith.addf %parallel_loop3A_320, %parallel_loop3A_324 : vector<16xf32>
        %parallel_loop3A_326 = arith.index_cast %parallel_loop3A_316 : i32 to index
        %parallel_loop3A_327 = arith.constant 0 : index
        %parallel_loop3A_328 = tpu.vector_load %arg15[%parallel_loop3A_326, %parallel_loop3A_327] {strides = array<i32>} : memref<80x128xf32, #tpu.memory_space<vmem>>, vector<1x16xf32>,
        %parallel_loop3A_329 = vector.shape_cast %parallel_loop3A_328 : vector<1x16xf32> to vector<16xf32>
        %parallel_loop3A_330 = arith.addf %parallel_loop3A_325, %parallel_loop3A_329 : vector<16xf32>
        %parallel_loop3A_331 = arith.index_cast %parallel_loop3A_316 : i32 to index
        %parallel_loop3A_332 = arith.constant 64 : index
        %parallel_loop3A_333 = tpu.vector_load %arg15[%parallel_loop3A_331, %parallel_loop3A_332] {strides = array<i32>} : memref<80x128xf32, #tpu.memory_space<vmem>>, vector<1x16xf32>,
        %parallel_loop3A_334 = vector.shape_cast %parallel_loop3A_333 : vector<1x16xf32> to vector<16xf32>
        %parallel_loop3A_335 = arith.mulf %parallel_loop3A_330, %get3A_6 : vector<16xf32>
        %parallel_loop3A_336 = arith.addf %parallel_loop3A_334, %parallel_loop3A_335 : vector<16xf32>
        %parallel_loop3A_337 = arith.constant 40 : i32
        %parallel_loop3A_338 = arith.subi %parallel_loop3A_316, %parallel_loop3A_337 : i32
        %parallel_loop3A_339 = arith.index_cast %parallel_loop3A_338 : i32 to index
        %parallel_loop3A_340 = arith.constant 0 : index
        %parallel_loop3A_341 = tpu.vector_load %arg17[%parallel_loop3A_339, %parallel_loop3A_340] {strides = array<i32>} : memref<40x64xf32, #tpu.memory_space<vmem>>, vector<1x16xf32>,
        %parallel_loop3A_342 = vector.shape_cast %parallel_loop3A_341 : vector<1x16xf32> to vector<16xf32>
        %parallel_loop3A_343 = vector.shape_cast %parallel_loop3A_336 : vector<16xf32> to vector<1x16xf32>
        tpu.vector_store %arg17[%parallel_loop3A_339, %parallel_loop3A_340], %parallel_loop3A_343 {strides = array<i32>} : memref<40x64xf32, #tpu.memory_space<vmem>>, vector<1x16xf32>,
        %parallel_loop3A_344 = arith.constant 0.000000e+00 : f32
        %parallel_loop3A_345 = vector.broadcast %parallel_loop3A_344 : f32 to vector<16xf32>
        %parallel_loop3A_346 = arith.subf %parallel_loop3A_345, %parallel_loop3A_330 : vector<16xf32>
        %parallel_loop3A_347 = math.exp %parallel_loop3A_346 : vector<16xf32>
        %parallel_loop3A_348 = arith.constant 1.000000e+00 : f32
        %parallel_loop3A_349 = vector.broadcast %parallel_loop3A_348 : f32 to vector<16xf32>
        %parallel_loop3A_350 = arith.addf %parallel_loop3A_349, %parallel_loop3A_347 : vector<16xf32>
        %parallel_loop3A_351 = arith.constant 1.000000e+00 : f32
        %parallel_loop3A_352 = vector.broadcast %parallel_loop3A_351 : f32 to vector<16xf32>
        %parallel_loop3A_353 = arith.divf %parallel_loop3A_352, %parallel_loop3A_350 : vector<16xf32>
        %parallel_loop3A_354 = arith.index_cast %parallel_loop3A_316 : i32 to index
        %parallel_loop3A_355 = arith.constant 64 : index
        %parallel_loop3A_356 = tpu.vector_load %arg16[%parallel_loop3A_354, %parallel_loop3A_355] {strides = array<i32>} : memref<80x128xf32, #tpu.memory_space<vmem>>, vector<1x16xf32>,
        %parallel_loop3A_357 = vector.shape_cast %parallel_loop3A_356 : vector<1x16xf32> to vector<16xf32>
        %parallel_loop3A_358 = vector.shape_cast %parallel_loop3A_353 : vector<16xf32> to vector<1x16xf32>
        tpu.vector_store %arg16[%parallel_loop3A_354, %parallel_loop3A_355], %parallel_loop3A_358 {strides = array<i32>} : memref<80x128xf32, #tpu.memory_space<vmem>>, vector<1x16xf32>,
        %parallel_loop3A_359 = arith.index_cast %parallel_loop3A_316 : i32 to index
        %parallel_loop3A_360 = arith.constant 64 : index
        %parallel_loop3A_361 = tpu.vector_load %arg13[%parallel_loop3A_359, %parallel_loop3A_360] {strides = array<i32>} : memref<80x128xf32, #tpu.memory_space<vmem>>, vector<1x16xf32>,
        %parallel_loop3A_362 = vector.shape_cast %parallel_loop3A_361 : vector<1x16xf32> to vector<16xf32>
        %parallel_loop3A_363 = arith.mulf %parallel_loop3A_362, %parallel_loop3A_353 : vector<16xf32>
        %parallel_loop3A_364 = arith.index_cast %parallel_loop3A_316 : i32 to index
        %parallel_loop3A_365 = arith.constant 0 : index
        %parallel_loop3A_366 = tpu.vector_load %arg16[%parallel_loop3A_364, %parallel_loop3A_365] {strides = array<i32>} : memref<80x128xf32, #tpu.memory_space<vmem>>, vector<1x16xf32>,
        %parallel_loop3A_367 = vector.shape_cast %parallel_loop3A_366 : vector<1x16xf32> to vector<16xf32>
        %parallel_loop3A_368 = vector.shape_cast %parallel_loop3A_363 : vector<16xf32> to vector<1x16xf32>
        tpu.vector_store %arg16[%parallel_loop3A_364, %parallel_loop3A_365], %parallel_loop3A_368 {strides = array<i32>} : memref<80x128xf32, #tpu.memory_space<vmem>>, vector<1x16xf32>,
        %parallel_loop3A_369 = arith.index_cast %parallel_loop3A_316 : i32 to index
        %parallel_loop3A_370 = arith.constant 16 : index
        %parallel_loop3A_371 = tpu.vector_load %arg13[%parallel_loop3A_369, %parallel_loop3A_370] {strides = array<i32>} : memref<80x128xf32, #tpu.memory_space<vmem>>, vector<1x16xf32>,
        %parallel_loop3A_372 = vector.shape_cast %parallel_loop3A_371 : vector<1x16xf32> to vector<16xf32>
        %parallel_loop3A_373 = arith.index_cast %parallel_loop3A_316 : i32 to index
        %parallel_loop3A_374 = arith.constant 16 : index
        %parallel_loop3A_375 = tpu.vector_load %arg14[%parallel_loop3A_373, %parallel_loop3A_374] {strides = array<i32>} : memref<80x128xf32, #tpu.memory_space<vmem>>, vector<1x16xf32>,
        %parallel_loop3A_376 = vector.shape_cast %parallel_loop3A_375 : vector<1x16xf32> to vector<16xf32>
        %parallel_loop3A_377 = arith.addf %parallel_loop3A_372, %parallel_loop3A_376 : vector<16xf32>
        %parallel_loop3A_378 = arith.index_cast %parallel_loop3A_316 : i32 to index
        %parallel_loop3A_379 = arith.constant 16 : index
        %parallel_loop3A_380 = tpu.vector_load %arg15[%parallel_loop3A_378, %parallel_loop3A_379] {strides = array<i32>} : memref<80x128xf32, #tpu.memory_space<vmem>>, vector<1x16xf32>,
        %parallel_loop3A_381 = vector.shape_cast %parallel_loop3A_380 : vector<1x16xf32> to vector<16xf32>
        %parallel_loop3A_382 = arith.addf %parallel_loop3A_377, %parallel_loop3A_381 : vector<16xf32>
        %parallel_loop3A_383 = arith.index_cast %parallel_loop3A_316 : i32 to index
        %parallel_loop3A_384 = arith.constant 80 : index
        %parallel_loop3A_385 = tpu.vector_load %arg15[%parallel_loop3A_383, %parallel_loop3A_384] {strides = array<i32>} : memref<80x128xf32, #tpu.memory_space<vmem>>, vector<1x16xf32>,
        %parallel_loop3A_386 = vector.shape_cast %parallel_loop3A_385 : vector<1x16xf32> to vector<16xf32>
        %parallel_loop3A_387 = arith.mulf %parallel_loop3A_382, %get3A_6 : vector<16xf32>
        %parallel_loop3A_388 = arith.addf %parallel_loop3A_386, %parallel_loop3A_387 : vector<16xf32>
        %parallel_loop3A_389 = arith.constant 40 : i32
        %parallel_loop3A_390 = arith.subi %parallel_loop3A_316, %parallel_loop3A_389 : i32
        %parallel_loop3A_391 = arith.index_cast %parallel_loop3A_390 : i32 to index
        %parallel_loop3A_392 = arith.constant 16 : index
        %parallel_loop3A_393 = tpu.vector_load %arg17[%parallel_loop3A_391, %parallel_loop3A_392] {strides = array<i32>} : memref<40x64xf32, #tpu.memory_space<vmem>>, vector<1x16xf32>,
        %parallel_loop3A_394 = vector.shape_cast %parallel_loop3A_393 : vector<1x16xf32> to vector<16xf32>
        %parallel_loop3A_395 = vector.shape_cast %parallel_loop3A_388 : vector<16xf32> to vector<1x16xf32>
        tpu.vector_store %arg17[%parallel_loop3A_391, %parallel_loop3A_392], %parallel_loop3A_395 {strides = array<i32>} : memref<40x64xf32, #tpu.memory_space<vmem>>, vector<1x16xf32>,
        %parallel_loop3A_396 = arith.constant 0.000000e+00 : f32
        %parallel_loop3A_397 = vector.broadcast %parallel_loop3A_396 : f32 to vector<16xf32>
        %parallel_loop3A_398 = arith.subf %parallel_loop3A_397, %parallel_loop3A_382 : vector<16xf32>
        %parallel_loop3A_399 = math.exp %parallel_loop3A_398 : vector<16xf32>
        %parallel_loop3A_400 = arith.constant 1.000000e+00 : f32
        %parallel_loop3A_401 = vector.broadcast %parallel_loop3A_400 : f32 to vector<16xf32>
        %parallel_loop3A_402 = arith.addf %parallel_loop3A_401, %parallel_loop3A_399 : vector<16xf32>
        %parallel_loop3A_403 = arith.constant 1.000000e+00 : f32
        %parallel_loop3A_404 = vector.broadcast %parallel_loop3A_403 : f32 to vector<16xf32>
        %parallel_loop3A_405 = arith.divf %parallel_loop3A_404, %parallel_loop3A_402 : vector<16xf32>
        %parallel_loop3A_406 = arith.index_cast %parallel_loop3A_316 : i32 to index
        %parallel_loop3A_407 = arith.constant 80 : index
        %parallel_loop3A_408 = tpu.vector_load %arg16[%parallel_loop3A_406, %parallel_loop3A_407] {strides = array<i32>} : memref<80x128xf32, #tpu.memory_space<vmem>>, vector<1x16xf32>,
        %parallel_loop3A_409 = vector.shape_cast %parallel_loop3A_408 : vector<1x16xf32> to vector<16xf32>
        %parallel_loop3A_410 = vector.shape_cast %parallel_loop3A_405 : vector<16xf32> to vector<1x16xf32>
        tpu.vector_store %arg16[%parallel_loop3A_406, %parallel_loop3A_407], %parallel_loop3A_410 {strides = array<i32>} : memref<80x128xf32, #tpu.memory_space<vmem>>, vector<1x16xf32>,
        %parallel_loop3A_411 = arith.index_cast %parallel_loop3A_316 : i32 to index
        %parallel_loop3A_412 = arith.constant 80 : index
        %parallel_loop3A_413 = tpu.vector_load %arg13[%parallel_loop3A_411, %parallel_loop3A_412] {strides = array<i32>} : memref<80x128xf32, #tpu.memory_space<vmem>>, vector<1x16xf32>,
        %parallel_loop3A_414 = vector.shape_cast %parallel_loop3A_413 : vector<1x16xf32> to vector<16xf32>
        %parallel_loop3A_415 = arith.mulf %parallel_loop3A_414, %parallel_loop3A_405 : vector<16xf32>
        %parallel_loop3A_416 = arith.index_cast %parallel_loop3A_316 : i32 to index
        %parallel_loop3A_417 = arith.constant 16 : index
        %parallel_loop3A_418 = tpu.vector_load %arg16[%parallel_loop3A_416, %parallel_loop3A_417] {strides = array<i32>} : memref<80x128xf32, #tpu.memory_space<vmem>>, vector<1x16xf32>,
        %parallel_loop3A_419 = vector.shape_cast %parallel_loop3A_418 : vector<1x16xf32> to vector<16xf32>
        %parallel_loop3A_420 = vector.shape_cast %parallel_loop3A_415 : vector<16xf32> to vector<1x16xf32>
        tpu.vector_store %arg16[%parallel_loop3A_416, %parallel_loop3A_417], %parallel_loop3A_420 {strides = array<i32>} : memref<80x128xf32, #tpu.memory_space<vmem>>, vector<1x16xf32>,
        %parallel_loop3A_421 = arith.index_cast %parallel_loop3A_316 : i32 to index
        %parallel_loop3A_422 = arith.constant 32 : index
        %parallel_loop3A_423 = tpu.vector_load %arg13[%parallel_loop3A_421, %parallel_loop3A_422] {strides = array<i32>} : memref<80x128xf32, #tpu.memory_space<vmem>>, vector<1x16xf32>,
        %parallel_loop3A_424 = vector.shape_cast %parallel_loop3A_423 : vector<1x16xf32> to vector<16xf32>
        %parallel_loop3A_425 = arith.index_cast %parallel_loop3A_316 : i32 to index
        %parallel_loop3A_426 = arith.constant 32 : index
        %parallel_loop3A_427 = tpu.vector_load %arg14[%parallel_loop3A_425, %parallel_loop3A_426] {strides = array<i32>} : memref<80x128xf32, #tpu.memory_space<vmem>>, vector<1x16xf32>,
        %parallel_loop3A_428 = vector.shape_cast %parallel_loop3A_427 : vector<1x16xf32> to vector<16xf32>
        %parallel_loop3A_429 = arith.addf %parallel_loop3A_424, %parallel_loop3A_428 : vector<16xf32>
        %parallel_loop3A_430 = arith.index_cast %parallel_loop3A_316 : i32 to index
        %parallel_loop3A_431 = arith.constant 32 : index
        %parallel_loop3A_432 = tpu.vector_load %arg15[%parallel_loop3A_430, %parallel_loop3A_431] {strides = array<i32>} : memref<80x128xf32, #tpu.memory_space<vmem>>, vector<1x16xf32>,
        %parallel_loop3A_433 = vector.shape_cast %parallel_loop3A_432 : vector<1x16xf32> to vector<16xf32>
        %parallel_loop3A_434 = arith.addf %parallel_loop3A_429, %parallel_loop3A_433 : vector<16xf32>
        %parallel_loop3A_435 = arith.index_cast %parallel_loop3A_316 : i32 to index
        %parallel_loop3A_436 = arith.constant 96 : index
        %parallel_loop3A_437 = tpu.vector_load %arg15[%parallel_loop3A_435, %parallel_loop3A_436] {strides = array<i32>} : memref<80x128xf32, #tpu.memory_space<vmem>>, vector<1x16xf32>,
        %parallel_loop3A_438 = vector.shape_cast %parallel_loop3A_437 : vector<1x16xf32> to vector<16xf32>
        %parallel_loop3A_439 = arith.mulf %parallel_loop3A_434, %get3A_6 : vector<16xf32>
        %parallel_loop3A_440 = arith.addf %parallel_loop3A_438, %parallel_loop3A_439 : vector<16xf32>
        %parallel_loop3A_441 = arith.constant 40 : i32
        %parallel_loop3A_442 = arith.subi %parallel_loop3A_316, %parallel_loop3A_441 : i32
        %parallel_loop3A_443 = arith.index_cast %parallel_loop3A_442 : i32 to index
        %parallel_loop3A_444 = arith.constant 32 : index
        %parallel_loop3A_445 = tpu.vector_load %arg17[%parallel_loop3A_443, %parallel_loop3A_444] {strides = array<i32>} : memref<40x64xf32, #tpu.memory_space<vmem>>, vector<1x16xf32>,
        %parallel_loop3A_446 = vector.shape_cast %parallel_loop3A_445 : vector<1x16xf32> to vector<16xf32>
        %parallel_loop3A_447 = vector.shape_cast %parallel_loop3A_440 : vector<16xf32> to vector<1x16xf32>
        tpu.vector_store %arg17[%parallel_loop3A_443, %parallel_loop3A_444], %parallel_loop3A_447 {strides = array<i32>} : memref<40x64xf32, #tpu.memory_space<vmem>>, vector<1x16xf32>,
        %parallel_loop3A_448 = arith.constant 0.000000e+00 : f32
        %parallel_loop3A_449 = vector.broadcast %parallel_loop3A_448 : f32 to vector<16xf32>
        %parallel_loop3A_450 = arith.subf %parallel_loop3A_449, %parallel_loop3A_434 : vector<16xf32>
        %parallel_loop3A_451 = math.exp %parallel_loop3A_450 : vector<16xf32>
        %parallel_loop3A_452 = arith.constant 1.000000e+00 : f32
        %parallel_loop3A_453 = vector.broadcast %parallel_loop3A_452 : f32 to vector<16xf32>
        %parallel_loop3A_454 = arith.addf %parallel_loop3A_453, %parallel_loop3A_451 : vector<16xf32>
        %parallel_loop3A_455 = arith.constant 1.000000e+00 : f32
        %parallel_loop3A_456 = vector.broadcast %parallel_loop3A_455 : f32 to vector<16xf32>
        %parallel_loop3A_457 = arith.divf %parallel_loop3A_456, %parallel_loop3A_454 : vector<16xf32>
        %parallel_loop3A_458 = arith.index_cast %parallel_loop3A_316 : i32 to index
        %parallel_loop3A_459 = arith.constant 96 : index
        %parallel_loop3A_460 = tpu.vector_load %arg16[%parallel_loop3A_458, %parallel_loop3A_459] {strides = array<i32>} : memref<80x128xf32, #tpu.memory_space<vmem>>, vector<1x16xf32>,
        %parallel_loop3A_461 = vector.shape_cast %parallel_loop3A_460 : vector<1x16xf32> to vector<16xf32>
        %parallel_loop3A_462 = vector.shape_cast %parallel_loop3A_457 : vector<16xf32> to vector<1x16xf32>
        tpu.vector_store %arg16[%parallel_loop3A_458, %parallel_loop3A_459], %parallel_loop3A_462 {strides = array<i32>} : memref<80x128xf32, #tpu.memory_space<vmem>>, vector<1x16xf32>,
        %parallel_loop3A_463 = arith.index_cast %parallel_loop3A_316 : i32 to index
        %parallel_loop3A_464 = arith.constant 96 : index
        %parallel_loop3A_465 = tpu.vector_load %arg13[%parallel_loop3A_463, %parallel_loop3A_464] {strides = array<i32>} : memref<80x128xf32, #tpu.memory_space<vmem>>, vector<1x16xf32>,
        %parallel_loop3A_466 = vector.shape_cast %parallel_loop3A_465 : vector<1x16xf32> to vector<16xf32>
        %parallel_loop3A_467 = arith.mulf %parallel_loop3A_466, %parallel_loop3A_457 : vector<16xf32>
        %parallel_loop3A_468 = arith.index_cast %parallel_loop3A_316 : i32 to index
        %parallel_loop3A_469 = arith.constant 32 : index
        %parallel_loop3A_470 = tpu.vector_load %arg16[%parallel_loop3A_468, %parallel_loop3A_469] {strides = array<i32>} : memref<80x128xf32, #tpu.memory_space<vmem>>, vector<1x16xf32>,
        %parallel_loop3A_471 = vector.shape_cast %parallel_loop3A_470 : vector<1x16xf32> to vector<16xf32>
        %parallel_loop3A_472 = vector.shape_cast %parallel_loop3A_467 : vector<16xf32> to vector<1x16xf32>
        tpu.vector_store %arg16[%parallel_loop3A_468, %parallel_loop3A_469], %parallel_loop3A_472 {strides = array<i32>} : memref<80x128xf32, #tpu.memory_space<vmem>>, vector<1x16xf32>,
        %parallel_loop3A_473 = arith.index_cast %parallel_loop3A_316 : i32 to index
        %parallel_loop3A_474 = arith.constant 48 : index
        %parallel_loop3A_475 = tpu.vector_load %arg13[%parallel_loop3A_473, %parallel_loop3A_474] {strides = array<i32>} : memref<80x128xf32, #tpu.memory_space<vmem>>, vector<1x16xf32>,
        %parallel_loop3A_476 = vector.shape_cast %parallel_loop3A_475 : vector<1x16xf32> to vector<16xf32>
        %parallel_loop3A_477 = arith.index_cast %parallel_loop3A_316 : i32 to index
        %parallel_loop3A_478 = arith.constant 48 : index
        %parallel_loop3A_479 = tpu.vector_load %arg14[%parallel_loop3A_477, %parallel_loop3A_478] {strides = array<i32>} : memref<80x128xf32, #tpu.memory_space<vmem>>, vector<1x16xf32>,
        %parallel_loop3A_480 = vector.shape_cast %parallel_loop3A_479 : vector<1x16xf32> to vector<16xf32>
        %parallel_loop3A_481 = arith.addf %parallel_loop3A_476, %parallel_loop3A_480 : vector<16xf32>
        %parallel_loop3A_482 = arith.index_cast %parallel_loop3A_316 : i32 to index
        %parallel_loop3A_483 = arith.constant 48 : index
        %parallel_loop3A_484 = tpu.vector_load %arg15[%parallel_loop3A_482, %parallel_loop3A_483] {strides = array<i32>} : memref<80x128xf32, #tpu.memory_space<vmem>>, vector<1x16xf32>,
        %parallel_loop3A_485 = vector.shape_cast %parallel_loop3A_484 : vector<1x16xf32> to vector<16xf32>
        %parallel_loop3A_486 = arith.addf %parallel_loop3A_481, %parallel_loop3A_485 : vector<16xf32>
        %parallel_loop3A_487 = arith.index_cast %parallel_loop3A_316 : i32 to index
        %parallel_loop3A_488 = arith.constant 112 : index
        %parallel_loop3A_489 = tpu.vector_load %arg15[%parallel_loop3A_487, %parallel_loop3A_488] {strides = array<i32>} : memref<80x128xf32, #tpu.memory_space<vmem>>, vector<1x16xf32>,
        %parallel_loop3A_490 = vector.shape_cast %parallel_loop3A_489 : vector<1x16xf32> to vector<16xf32>
        %parallel_loop3A_491 = arith.mulf %parallel_loop3A_486, %get3A_6 : vector<16xf32>
        %parallel_loop3A_492 = arith.addf %parallel_loop3A_490, %parallel_loop3A_491 : vector<16xf32>
        %parallel_loop3A_493 = arith.constant 40 : i32
        %parallel_loop3A_494 = arith.subi %parallel_loop3A_316, %parallel_loop3A_493 : i32
        %parallel_loop3A_495 = arith.index_cast %parallel_loop3A_494 : i32 to index
        %parallel_loop3A_496 = arith.constant 48 : index
        %parallel_loop3A_497 = tpu.vector_load %arg17[%parallel_loop3A_495, %parallel_loop3A_496] {strides = array<i32>} : memref<40x64xf32, #tpu.memory_space<vmem>>, vector<1x16xf32>,
        %parallel_loop3A_498 = vector.shape_cast %parallel_loop3A_497 : vector<1x16xf32> to vector<16xf32>
        %parallel_loop3A_499 = vector.shape_cast %parallel_loop3A_492 : vector<16xf32> to vector<1x16xf32>
        tpu.vector_store %arg17[%parallel_loop3A_495, %parallel_loop3A_496], %parallel_loop3A_499 {strides = array<i32>} : memref<40x64xf32, #tpu.memory_space<vmem>>, vector<1x16xf32>,
        %parallel_loop3A_500 = arith.constant 0.000000e+00 : f32
        %parallel_loop3A_501 = vector.broadcast %parallel_loop3A_500 : f32 to vector<16xf32>
        %parallel_loop3A_502 = arith.subf %parallel_loop3A_501, %parallel_loop3A_486 : vector<16xf32>
        %parallel_loop3A_503 = math.exp %parallel_loop3A_502 : vector<16xf32>
        %parallel_loop3A_504 = arith.constant 1.000000e+00 : f32
        %parallel_loop3A_505 = vector.broadcast %parallel_loop3A_504 : f32 to vector<16xf32>
        %parallel_loop3A_506 = arith.addf %parallel_loop3A_505, %parallel_loop3A_503 : vector<16xf32>
        %parallel_loop3A_507 = arith.constant 1.000000e+00 : f32
        %parallel_loop3A_508 = vector.broadcast %parallel_loop3A_507 : f32 to vector<16xf32>
        %parallel_loop3A_509 = arith.divf %parallel_loop3A_508, %parallel_loop3A_506 : vector<16xf32>
        %parallel_loop3A_510 = arith.index_cast %parallel_loop3A_316 : i32 to index
        %parallel_loop3A_511 = arith.constant 112 : index
        %parallel_loop3A_512 = tpu.vector_load %arg16[%parallel_loop3A_510, %parallel_loop3A_511] {strides = array<i32>} : memref<80x128xf32, #tpu.memory_space<vmem>>, vector<1x16xf32>,
        %parallel_loop3A_513 = vector.shape_cast %parallel_loop3A_512 : vector<1x16xf32> to vector<16xf32>
        %parallel_loop3A_514 = vector.shape_cast %parallel_loop3A_509 : vector<16xf32> to vector<1x16xf32>
        tpu.vector_store %arg16[%parallel_loop3A_510, %parallel_loop3A_511], %parallel_loop3A_514 {strides = array<i32>} : memref<80x128xf32, #tpu.memory_space<vmem>>, vector<1x16xf32>,
        %parallel_loop3A_515 = arith.index_cast %parallel_loop3A_316 : i32 to index
        %parallel_loop3A_516 = arith.constant 112 : index
        %parallel_loop3A_517 = tpu.vector_load %arg13[%parallel_loop3A_515, %parallel_loop3A_516] {strides = array<i32>} : memref<80x128xf32, #tpu.memory_space<vmem>>, vector<1x16xf32>,
        %parallel_loop3A_518 = vector.shape_cast %parallel_loop3A_517 : vector<1x16xf32> to vector<16xf32>
        %parallel_loop3A_519 = arith.mulf %parallel_loop3A_518, %parallel_loop3A_509 : vector<16xf32>
        %parallel_loop3A_520 = arith.index_cast %parallel_loop3A_316 : i32 to index
        %parallel_loop3A_521 = arith.constant 48 : index
        %parallel_loop3A_522 = tpu.vector_load %arg16[%parallel_loop3A_520, %parallel_loop3A_521] {strides = array<i32>} : memref<80x128xf32, #tpu.memory_space<vmem>>, vector<1x16xf32>,
        %parallel_loop3A_523 = vector.shape_cast %parallel_loop3A_522 : vector<1x16xf32> to vector<16xf32>
        %parallel_loop3A_524 = vector.shape_cast %parallel_loop3A_519 : vector<16xf32> to vector<1x16xf32>
        tpu.vector_store %arg16[%parallel_loop3A_520, %parallel_loop3A_521], %parallel_loop3A_524 {strides = array<i32>} : memref<80x128xf32, #tpu.memory_space<vmem>>, vector<1x16xf32>,
      } {sc.loop_unroll_factor = 4 : i64, sc.parallel_access}
      %mul3A_244 = arith.constant 320000 : i32
      %mul3A_245 = arith.muli %arg0, %mul3A_244 : i32
      %add3A_246 = arith.addi %mul3A_245, %add3A_24 : i32
      %add3A_247 = arith.constant 40 : i32
      %add3A_248 = arith.addi %add3A_246, %add3A_247 : i32
      "tpu.region"() ({
        %run_scoped3A = tpu.sem_alloc : memref<!tpu.dma_semaphore, #tpu.memory_space<semaphore_mem>>
        %dma_start3A_316 = arith.constant 0 : i32
        %dma_start3A_317 = tpu.memref_slice %arg9[%add3A_248, %dma_start3A_316] : memref<640000x64xf32, #tpu.memory_space<hbm>> -> memref<40x64xf32, #tpu.memory_space<hbm>>
        %dma_start3A_318 = arith.constant 0 : i32
        %dma_start3A_319 = tpu.memref_slice %arg9[%add3A_248, %dma_start3A_318] : memref<640000x64xf32, #tpu.memory_space<hbm>> -> memref<40x64xf32, #tpu.memory_space<hbm>>
        tpu.enqueue_dma source(%arg17 : memref<40x64xf32, #tpu.memory_space<vmem>>) target(%dma_start3A_319 : memref<40x64xf32, #tpu.memory_space<hbm>>) target_semaphore(%run_scoped3A : memref<!tpu.dma_semaphore, #tpu.memory_space<semaphore_mem>>)
        %dma_wait3A_320 = arith.constant 0 : i32
        %dma_wait3A_321 = tpu.memref_slice %arg9[%add3A_248, %dma_wait3A_320] : memref<640000x64xf32, #tpu.memory_space<hbm>> -> memref<40x64xf32, #tpu.memory_space<hbm>>
        %dma_wait3A_322 = arith.constant 0 : i32
        %dma_wait3A_323 = tpu.memref_slice %arg9[%add3A_248, %dma_wait3A_322] : memref<640000x64xf32, #tpu.memory_space<hbm>> -> memref<40x64xf32, #tpu.memory_space<hbm>>
        tpu.wait_dma2 semaphore(%run_scoped3A : memref<!tpu.dma_semaphore, #tpu.memory_space<semaphore_mem>>) src(%arg17 : memref<40x64xf32, #tpu.memory_space<vmem>>) dst(%dma_wait3A_323 : memref<40x64xf32, #tpu.memory_space<hbm>>)
        tpu.yield
      }) : () -> ()
      %scan3A_249 = arith.constant 0 : i32
      %scan3A_250 = arith.constant 0 : i32
      %mul3A_251 = arith.constant 16 : i32
      %mul3A_252 = arith.muli %scan3A_250, %mul3A_251 : i32
      %get3A_253 = arith.index_cast %mul3A_252 : i32 to index
      %get3A_254 = tpu.vector_load %arg12[%get3A_253] {strides = array<i32>} : memref<80xi32, #tpu.memory_space<vmem>>, vector<16xi32>,
      %get3A_255 = vector.shape_cast %get3A_254 : vector<16xi32> to vector<16xi32>
      %sub3A = vector.broadcast %mul3A_0 : i32 to vector<16xi32>
      %sub3A_256 = arith.subi %get3A_255, %sub3A : vector<16xi32>
      %swap3A_257 = arith.index_cast %mul3A_252 : i32 to index
      %swap3A_258 = tpu.vector_load %arg12[%swap3A_257] {strides = array<i32>} : memref<80xi32, #tpu.memory_space<vmem>>, vector<16xi32>,
      %swap3A_259 = vector.shape_cast %swap3A_258 : vector<16xi32> to vector<16xi32>
      %swap3A_260 = vector.shape_cast %sub3A_256 : vector<16xi32> to vector<16xi32>
      tpu.vector_store %arg12[%swap3A_257], %swap3A_260 {strides = array<i32>} : memref<80xi32, #tpu.memory_space<vmem>>, vector<16xi32>,
      %scan3A_261 = arith.constant 0 : i32
      %scan3A_262 = arith.constant 1 : i32
      %mul3A_263 = arith.constant 16 : i32
      %mul3A_264 = arith.muli %scan3A_262, %mul3A_263 : i32
      %get3A_265 = arith.index_cast %mul3A_264 : i32 to index
      %get3A_266 = tpu.vector_load %arg12[%get3A_265] {strides = array<i32>} : memref<80xi32, #tpu.memory_space<vmem>>, vector<16xi32>,
      %get3A_267 = vector.shape_cast %get3A_266 : vector<16xi32> to vector<16xi32>
      %sub3A_268 = vector.broadcast %mul3A_0 : i32 to vector<16xi32>
      %sub3A_269 = arith.subi %get3A_267, %sub3A_268 : vector<16xi32>
      %swap3A_270 = arith.index_cast %mul3A_264 : i32 to index
      %swap3A_271 = tpu.vector_load %arg12[%swap3A_270] {strides = array<i32>} : memref<80xi32, #tpu.memory_space<vmem>>, vector<16xi32>,
      %swap3A_272 = vector.shape_cast %swap3A_271 : vector<16xi32> to vector<16xi32>
      %swap3A_273 = vector.shape_cast %sub3A_269 : vector<16xi32> to vector<16xi32>
      tpu.vector_store %arg12[%swap3A_270], %swap3A_273 {strides = array<i32>} : memref<80xi32, #tpu.memory_space<vmem>>, vector<16xi32>,
      %scan3A_274 = arith.constant 0 : i32
      %scan3A_275 = arith.constant 2 : i32
      %mul3A_276 = arith.constant 16 : i32
      %mul3A_277 = arith.muli %scan3A_275, %mul3A_276 : i32
      %get3A_278 = arith.index_cast %mul3A_277 : i32 to index
      %get3A_279 = tpu.vector_load %arg12[%get3A_278] {strides = array<i32>} : memref<80xi32, #tpu.memory_space<vmem>>, vector<16xi32>,
      %get3A_280 = vector.shape_cast %get3A_279 : vector<16xi32> to vector<16xi32>
      %sub3A_281 = vector.broadcast %mul3A_0 : i32 to vector<16xi32>
      %sub3A_282 = arith.subi %get3A_280, %sub3A_281 : vector<16xi32>
      %swap3A_283 = arith.index_cast %mul3A_277 : i32 to index
      %swap3A_284 = tpu.vector_load %arg12[%swap3A_283] {strides = array<i32>} : memref<80xi32, #tpu.memory_space<vmem>>, vector<16xi32>,
      %swap3A_285 = vector.shape_cast %swap3A_284 : vector<16xi32> to vector<16xi32>
      %swap3A_286 = vector.shape_cast %sub3A_282 : vector<16xi32> to vector<16xi32>
      tpu.vector_store %arg12[%swap3A_283], %swap3A_286 {strides = array<i32>} : memref<80xi32, #tpu.memory_space<vmem>>, vector<16xi32>,
      %scan3A_287 = arith.constant 0 : i32
      %scan3A_288 = arith.constant 3 : i32
      %mul3A_289 = arith.constant 16 : i32
      %mul3A_290 = arith.muli %scan3A_288, %mul3A_289 : i32
      %get3A_291 = arith.index_cast %mul3A_290 : i32 to index
      %get3A_292 = tpu.vector_load %arg12[%get3A_291] {strides = array<i32>} : memref<80xi32, #tpu.memory_space<vmem>>, vector<16xi32>,
      %get3A_293 = vector.shape_cast %get3A_292 : vector<16xi32> to vector<16xi32>
      %sub3A_294 = vector.broadcast %mul3A_0 : i32 to vector<16xi32>
      %sub3A_295 = arith.subi %get3A_293, %sub3A_294 : vector<16xi32>
      %swap3A_296 = arith.index_cast %mul3A_290 : i32 to index
      %swap3A_297 = tpu.vector_load %arg12[%swap3A_296] {strides = array<i32>} : memref<80xi32, #tpu.memory_space<vmem>>, vector<16xi32>,
      %swap3A_298 = vector.shape_cast %swap3A_297 : vector<16xi32> to vector<16xi32>
      %swap3A_299 = vector.shape_cast %sub3A_295 : vector<16xi32> to vector<16xi32>
      tpu.vector_store %arg12[%swap3A_296], %swap3A_299 {strides = array<i32>} : memref<80xi32, #tpu.memory_space<vmem>>, vector<16xi32>,
      %scan3A_300 = arith.constant 0 : i32
      %scan3A_301 = arith.constant 4 : i32
      %mul3A_302 = arith.constant 16 : i32
      %mul3A_303 = arith.muli %scan3A_301, %mul3A_302 : i32
      %get3A_304 = arith.index_cast %mul3A_303 : i32 to index
      %get3A_305 = tpu.vector_load %arg12[%get3A_304] {strides = array<i32>} : memref<80xi32, #tpu.memory_space<vmem>>, vector<16xi32>,
      %get3A_306 = vector.shape_cast %get3A_305 : vector<16xi32> to vector<16xi32>
      %sub3A_307 = vector.broadcast %mul3A_0 : i32 to vector<16xi32>
      %sub3A_308 = arith.subi %get3A_306, %sub3A_307 : vector<16xi32>
      %swap3A_309 = arith.index_cast %mul3A_303 : i32 to index
      %swap3A_310 = tpu.vector_load %arg12[%swap3A_309] {strides = array<i32>} : memref<80xi32, #tpu.memory_space<vmem>>, vector<16xi32>,
      %swap3A_311 = vector.shape_cast %swap3A_310 : vector<16xi32> to vector<16xi32>
      %swap3A_312 = vector.shape_cast %sub3A_308 : vector<16xi32> to vector<16xi32>
      tpu.vector_store %arg12[%swap3A_309], %swap3A_312 {strides = array<i32>} : memref<80xi32, #tpu.memory_space<vmem>>, vector<16xi32>,
      %scan3A_313 = arith.constant 0 : i32
      %scan3A_314 = arith.constant 5 : i32
      "tpu.region"() ({
        %run_scoped3A = tpu.sem_alloc : memref<!tpu.dma_semaphore, #tpu.memory_space<semaphore_mem>>
        %dma_start3A_316 = arith.constant 0 : i32
        %dma_start3A_317 = arith.constant 0 : i32
        %dma_start3A_318 = tpu.memref_slice %arg19[%dma_start3A_316, %dma_start3A_317] : memref<10240x128xf32, #tpu.memory_space<vmem_shared>> -> memref<10240x128xf32, #tpu.memory_space<vmem_shared>>
        tpu.enqueue_indirect_dma source(%arg16 : memref<80x128xf32, #tpu.memory_space<vmem>>) target(%dma_start3A_318 : memref<10240x128xf32, #tpu.memory_space<vmem_shared>>) offsets(%arg12 : memref<80xi32, #tpu.memory_space<vmem>>) semaphore(%run_scoped3A : memref<!tpu.dma_semaphore, #tpu.memory_space<semaphore_mem>>) {add = true}
        %dma_wait3A_319 = arith.constant 0 : i32
        %dma_wait3A_320 = arith.constant 0 : i32
        %dma_wait3A_321 = tpu.memref_slice %arg19[%dma_wait3A_319, %dma_wait3A_320] : memref<10240x128xf32, #tpu.memory_space<vmem_shared>> -> memref<10240x128xf32, #tpu.memory_space<vmem_shared>>
        tpu.wait_indirect_dma semaphore(%run_scoped3A : memref<!tpu.dma_semaphore, #tpu.memory_space<semaphore_mem>>) src(%arg16 : memref<80x128xf32, #tpu.memory_space<vmem>>) dst(%dma_wait3A_321 : memref<10240x128xf32, #tpu.memory_space<vmem_shared>>)
        tpu.yield
      }) : () -> ()
      %scan3A_315 = arith.constant 0 : i32
      scf.yield %scan3A_315 : i32
    }
    %scan3A_14 = arith.constant 250 : i32
    %barrier3A_15 = arith.constant 0 : index
    tpu.barrier barrier_id(%barrier3A_15)
    %mul3A_16 = arith.constant 640 : i32
    %mul3A_17 = arith.muli %arg1, %mul3A_16 : i32
    %mul3A_18 = arith.constant 640 : i32
    %mul3A_19 = arith.muli %arg1, %mul3A_18 : i32
    %add3A = arith.addi %mul3A_0, %mul3A_19 : i32
    "tpu.region"() ({
      %run_scoped3A = tpu.sem_alloc : memref<!tpu.dma_semaphore, #tpu.memory_space<semaphore_mem>>
      %dma_start3A = arith.constant 0 : i32
      %dma_start3A_20 = tpu.memref_slice %arg10[%add3A, %dma_start3A] : memref<20480x128xf32, #tpu.memory_space<hbm>> -> memref<640x128xf32, #tpu.memory_space<hbm>>
      %dma_start3A_21 = arith.constant 0 : i32
      %dma_start3A_22 = tpu.memref_slice %arg19[%mul3A_17, %dma_start3A_21] : memref<10240x128xf32, #tpu.memory_space<vmem_shared>> -> memref<640x128xf32, #tpu.memory_space<vmem_shared>>
      tpu.enqueue_dma source(%dma_start3A_22 : memref<640x128xf32, #tpu.memory_space<vmem_shared>>) target(%dma_start3A_20 : memref<640x128xf32, #tpu.memory_space<hbm>>) target_semaphore(%run_scoped3A : memref<!tpu.dma_semaphore, #tpu.memory_space<semaphore_mem>>)
      %dma_wait3A = arith.constant 0 : i32
      %dma_wait3A_23 = tpu.memref_slice %arg10[%add3A, %dma_wait3A] : memref<20480x128xf32, #tpu.memory_space<hbm>> -> memref<640x128xf32, #tpu.memory_space<hbm>>
      %dma_wait3A_24 = arith.constant 0 : i32
      %dma_wait3A_25 = tpu.memref_slice %arg19[%mul3A_17, %dma_wait3A_24] : memref<10240x128xf32, #tpu.memory_space<vmem_shared>> -> memref<640x128xf32, #tpu.memory_space<vmem_shared>>
      tpu.wait_dma2 semaphore(%run_scoped3A : memref<!tpu.dma_semaphore, #tpu.memory_space<semaphore_mem>>) src(%dma_wait3A_25 : memref<640x128xf32, #tpu.memory_space<vmem_shared>>) dst(%dma_wait3A_23 : memref<640x128xf32, #tpu.memory_space<hbm>>)
      tpu.yield
    }) : () -> ()
    return
  }
}

module attributes {stable_mosaic.version = 14 : i64} {
  func.func @_stats_body(%arg0: i32, %arg1: memref<8000x128xf32, #tpu.memory_space<vmem>>, %arg2: memref<8x128xf32, #tpu.memory_space<vmem>>, %arg3: memref<8x128xf32, #tpu.memory_space<vmem>>) attributes {dimension_semantics = [#tpu.dimension_semantics<arbitrary>], iteration_bounds = array<i64: 40>, scalar_prefetch = 0 : i64, scratch_operands = 0 : i64, tpu.core_type = #tpu.core_type<tc>, window_params = [{transform_indices = @transform_0, window_bounds = array<i64: 8000, 128>}, {pipeline_mode = #tpu.pipeline_mode<synchronous>, transform_indices = @transform_1, window_bounds = array<i64: 8, 128>}, {pipeline_mode = #tpu.pipeline_mode<synchronous>, transform_indices = @transform_2, window_bounds = array<i64: 8, 128>}]} {
    %eq3A = arith.constant 0 : i32
    %eq3A_0 = arith.cmpi eq, %arg0, %eq3A : i32
    %convert_element_type3A = arith.extui %eq3A_0 : i1 to i32
    %cond3A = arith.constant 0 : i32
    %cond3A_1 = arith.cmpi ne, %convert_element_type3A, %cond3A : i32
    scf.if %cond3A_1 {
      %broadcast_in_dim3A_24 = arith.constant 0.000000e+00 : f32
      %broadcast_in_dim3A_25 = vector.broadcast %broadcast_in_dim3A_24 : f32 to vector<8x128xf32>
      %swap3A_26 = arith.constant 0 : index
      %swap3A_27 = arith.constant 0 : index
      %swap3A_28 = vector.load %arg2[%swap3A_26, %swap3A_27] : memref<8x128xf32, #tpu.memory_space<vmem>>, vector<8x128xf32>
      tpu.vector_store %arg2[%swap3A_26, %swap3A_27], %broadcast_in_dim3A_25 {strides = array<i32>} : memref<8x128xf32, #tpu.memory_space<vmem>>, vector<8x128xf32>,
      %broadcast_in_dim3A_29 = arith.constant 0.000000e+00 : f32
      %broadcast_in_dim3A_30 = vector.broadcast %broadcast_in_dim3A_29 : f32 to vector<8x128xf32>
      %swap3A_31 = arith.constant 0 : index
      %swap3A_32 = arith.constant 0 : index
      %swap3A_33 = vector.load %arg3[%swap3A_31, %swap3A_32] : memref<8x128xf32, #tpu.memory_space<vmem>>, vector<8x128xf32>
      tpu.vector_store %arg3[%swap3A_31, %swap3A_32], %broadcast_in_dim3A_30 {strides = array<i32>} : memref<8x128xf32, #tpu.memory_space<vmem>>, vector<8x128xf32>,
    } else {
    }
    %get3A = arith.constant 0 : index
    %get3A_2 = arith.constant 0 : index
    %get3A_3 = vector.load %arg1[%get3A, %get3A_2] : memref<8000x128xf32, #tpu.memory_space<vmem>>, vector<8000x128xf32>
    %reduce_sum3A = arith.constant dense<0.000000e+00> : vector<128xf32>
    %reduce_sum3A_4 = vector.multi_reduction <add>, %get3A_3, %reduce_sum3A [0] : vector<8000x128xf32> to vector<128xf32>
    %broadcast_in_dim3A = vector.shape_cast %reduce_sum3A_4 : vector<128xf32> to vector<1x128xf32>
    %mul3A = arith.mulf %get3A_3, %get3A_3 : vector<8000x128xf32>
    %reduce_sum3A_5 = arith.constant dense<0.000000e+00> : vector<128xf32>
    %reduce_sum3A_6 = vector.multi_reduction <add>, %mul3A, %reduce_sum3A_5 [0] : vector<8000x128xf32> to vector<128xf32>
    %broadcast_in_dim3A_7 = vector.shape_cast %reduce_sum3A_6 : vector<128xf32> to vector<1x128xf32>
    %get3A_8 = arith.constant 0 : index
    %get3A_9 = arith.constant 0 : index
    %get3A_10 = vector.load %arg2[%get3A_8, %get3A_9] : memref<8x128xf32, #tpu.memory_space<vmem>>, vector<8x128xf32>
    %broadcast_in_dim3A_11 = vector.shape_cast %broadcast_in_dim3A : vector<1x128xf32> to vector<1x128xf32>
    %broadcast_in_dim3A_12 = vector.broadcast %broadcast_in_dim3A_11 : vector<1x128xf32> to vector<8x128xf32>
    %add3A = arith.addf %get3A_10, %broadcast_in_dim3A_12 : vector<8x128xf32>
    %swap3A = arith.constant 0 : index
    %swap3A_13 = arith.constant 0 : index
    %swap3A_14 = vector.load %arg2[%swap3A, %swap3A_13] : memref<8x128xf32, #tpu.memory_space<vmem>>, vector<8x128xf32>
    tpu.vector_store %arg2[%swap3A, %swap3A_13], %add3A {strides = array<i32>} : memref<8x128xf32, #tpu.memory_space<vmem>>, vector<8x128xf32>,
    %get3A_15 = arith.constant 0 : index
    %get3A_16 = arith.constant 0 : index
    %get3A_17 = vector.load %arg3[%get3A_15, %get3A_16] : memref<8x128xf32, #tpu.memory_space<vmem>>, vector<8x128xf32>
    %broadcast_in_dim3A_18 = vector.shape_cast %broadcast_in_dim3A_7 : vector<1x128xf32> to vector<1x128xf32>
    %broadcast_in_dim3A_19 = vector.broadcast %broadcast_in_dim3A_18 : vector<1x128xf32> to vector<8x128xf32>
    %add3A_20 = arith.addf %get3A_17, %broadcast_in_dim3A_19 : vector<8x128xf32>
    %swap3A_21 = arith.constant 0 : index
    %swap3A_22 = arith.constant 0 : index
    %swap3A_23 = vector.load %arg3[%swap3A_21, %swap3A_22] : memref<8x128xf32, #tpu.memory_space<vmem>>, vector<8x128xf32>
    tpu.vector_store %arg3[%swap3A_21, %swap3A_22], %add3A_20 {strides = array<i32>} : memref<8x128xf32, #tpu.memory_space<vmem>>, vector<8x128xf32>,
    return
  }
  func.func @transform_0(%arg0: i32) -> (i32, i32) {
    %c0_i32 = arith.constant 0 : i32
    %c0_i32_0 = arith.constant 0 : i32
    return %arg0, %c0_i32 : i32, i32
  }
  func.func @transform_1(%arg0: i32) -> (i32, i32) {
    %c0_i32 = arith.constant 0 : i32
    %c0_i32_0 = arith.constant 0 : i32
    %c0_i32_1 = arith.constant 0 : i32
    return %c0_i32, %c0_i32_0 : i32, i32
  }
  func.func @transform_2(%arg0: i32) -> (i32, i32) {
    %c0_i32 = arith.constant 0 : i32
    %c0_i32_0 = arith.constant 0 : i32
    %c0_i32_1 = arith.constant 0 : i32
    return %c0_i32, %c0_i32_0 : i32, i32
  }
}

module attributes {stable_mosaic.version = 14 : i64} {
  func.func @_node_body(%arg0: i32, %arg1: memref<10000x128xf32, #tpu.memory_space<vmem>>, %arg2: memref<1x128xf32, #tpu.memory_space<vmem>>, %arg3: memref<1x128xf32, #tpu.memory_space<vmem>>, %arg4: memref<1x128xf32, #tpu.memory_space<vmem>>, %arg5: memref<4x128x128xf32, #tpu.memory_space<vmem>>, %arg6: memref<4x8x128xf32, #tpu.memory_space<vmem>>, %arg7: memref<10000x128xf32, #tpu.memory_space<vmem>>, %arg8: memref<20480x128xf32, #tpu.memory_space<vmem>>, %arg9: memref<20480x128xf32, #tpu.memory_space<vmem>>) attributes {dimension_semantics = [#tpu.dimension_semantics<arbitrary>], iteration_bounds = array<i64: 1>, scalar_prefetch = 0 : i64, scratch_operands = 0 : i64, tpu.core_type = #tpu.core_type<tc>, window_params = [{pipeline_mode = #tpu.pipeline_mode<synchronous>, transform_indices = @transform_0, window_bounds = array<i64: 10000, 128>}, {pipeline_mode = #tpu.pipeline_mode<synchronous>, transform_indices = @transform_1, window_bounds = array<i64: 1, 128>}, {pipeline_mode = #tpu.pipeline_mode<synchronous>, transform_indices = @transform_2, window_bounds = array<i64: 1, 128>}, {pipeline_mode = #tpu.pipeline_mode<synchronous>, transform_indices = @transform_3, window_bounds = array<i64: 1, 128>}, {pipeline_mode = #tpu.pipeline_mode<synchronous>, transform_indices = @transform_4, window_bounds = array<i64: 4, 128, 128>}, {pipeline_mode = #tpu.pipeline_mode<synchronous>, transform_indices = @transform_5, window_bounds = array<i64: 4, 8, 128>}, {pipeline_mode = #tpu.pipeline_mode<synchronous>, transform_indices = @transform_6, window_bounds = array<i64: 10000, 128>}, {pipeline_mode = #tpu.pipeline_mode<synchronous>, transform_indices = @transform_7, window_bounds = array<i64: 20480, 128>}, {pipeline_mode = #tpu.pipeline_mode<synchronous>, transform_indices = @transform_8, window_bounds = array<i64: 20480, 128>}]} {
    %get3A = arith.constant 0 : index
    %get3A_0 = arith.constant 0 : index
    %get3A_1 = vector.load %arg1[%get3A, %get3A_0] : memref<10000x128xf32, #tpu.memory_space<vmem>>, vector<10000x128xf32>
    %broadcast_in_dim3A = arith.constant 0.000000e+00 : f32
    %broadcast_in_dim3A_2 = vector.broadcast %broadcast_in_dim3A : f32 to vector<240x128xf32>
    %reduce_sum3A = arith.constant dense<0.000000e+00> : vector<128xf32>
    %reduce_sum3A_3 = vector.multi_reduction <add>, %get3A_1, %reduce_sum3A [0] : vector<10000x128xf32> to vector<128xf32>
    %broadcast_in_dim3A_4 = vector.shape_cast %reduce_sum3A_3 : vector<128xf32> to vector<1x128xf32>
    %div3A = arith.constant 1.000000e+04 : f32
    %div3A_5 = vector.broadcast %div3A : f32 to vector<1x128xf32>
    %div3A_6 = arith.divf %broadcast_in_dim3A_4, %div3A_5 : vector<1x128xf32>
    %get3A_7 = arith.constant 0 : index
    %get3A_8 = arith.constant 0 : index
    %get3A_9 = vector.load %arg2[%get3A_7, %get3A_8] : memref<1x128xf32, #tpu.memory_space<vmem>>, vector<1x128xf32>
    %mul3A = arith.mulf %div3A_6, %get3A_9 : vector<1x128xf32>
    %sub3A = vector.broadcast %mul3A : vector<1x128xf32> to vector<10000x128xf32>
    %sub3A_10 = arith.subf %get3A_1, %sub3A : vector<10000x128xf32>
    %mul3A_11 = arith.mulf %sub3A_10, %sub3A_10 : vector<10000x128xf32>
    %reduce_sum3A_12 = arith.constant dense<0.000000e+00> : vector<128xf32>
    %reduce_sum3A_13 = vector.multi_reduction <add>, %mul3A_11, %reduce_sum3A_12 [0] : vector<10000x128xf32> to vector<128xf32>
    %broadcast_in_dim3A_14 = vector.shape_cast %reduce_sum3A_13 : vector<128xf32> to vector<1x128xf32>
    %div3A_15 = arith.constant 1.000000e+04 : f32
    %div3A_16 = vector.broadcast %div3A_15 : f32 to vector<1x128xf32>
    %div3A_17 = arith.divf %broadcast_in_dim3A_14, %div3A_16 : vector<1x128xf32>
    %add3A = arith.constant 9.99999997E-7 : f32
    %add3A_18 = vector.broadcast %add3A : f32 to vector<1x128xf32>
    %add3A_19 = arith.addf %div3A_17, %add3A_18 : vector<1x128xf32>
    %sqrt3A = math.sqrt %add3A_19 : vector<1x128xf32>
    %get3A_20 = arith.constant 0 : index
    %get3A_21 = arith.constant 0 : index
    %get3A_22 = vector.load %arg3[%get3A_20, %get3A_21] : memref<1x128xf32, #tpu.memory_space<vmem>>, vector<1x128xf32>
    %mul3A_23 = vector.broadcast %get3A_22 : vector<1x128xf32> to vector<10000x128xf32>
    %mul3A_24 = arith.mulf %mul3A_23, %sub3A_10 : vector<10000x128xf32>
    %div3A_25 = vector.broadcast %sqrt3A : vector<1x128xf32> to vector<10000x128xf32>
    %div3A_26 = arith.divf %mul3A_24, %div3A_25 : vector<10000x128xf32>
    %get3A_27 = arith.constant 0 : index
    %get3A_28 = arith.constant 0 : index
    %get3A_29 = vector.load %arg4[%get3A_27, %get3A_28] : memref<1x128xf32, #tpu.memory_space<vmem>>, vector<1x128xf32>
    %add3A_30 = vector.broadcast %get3A_29 : vector<1x128xf32> to vector<10000x128xf32>
    %add3A_31 = arith.addf %div3A_26, %add3A_30 : vector<10000x128xf32>
    %get3A_32 = arith.constant 0 : index
    %get3A_33 = arith.constant 0 : index
    %get3A_34 = arith.constant 0 : index
    %get3A_35 = vector.load %arg5[%get3A_32, %get3A_33, %get3A_34] : memref<4x128x128xf32, #tpu.memory_space<vmem>>, vector<1x128x128xf32>
    %get3A_36 = vector.shape_cast %get3A_35 : vector<1x128x128xf32> to vector<128x128xf32>
    %dot_general3A = arith.constant dense<0.000000e+00> : vector<10000x128xf32>
    %dot_general3A_37 = tpu.matmul %add3A_31, %get3A_36, %dot_general3A {dimension_numbers = #tpu.dot_dimension_numbers<[1], [0], [0], [1], [0, 0, 1, 1], [], []>, transpose_lhs_hint = false} : vector<10000x128xf32>, vector<128x128xf32>, vector<10000x128xf32> -> vector<10000x128xf32>
    %get3A_38 = arith.constant 0 : index
    %get3A_39 = arith.constant 0 : index
    %get3A_40 = arith.constant 0 : index
    %get3A_41 = vector.load %arg6[%get3A_38, %get3A_39, %get3A_40] : memref<4x8x128xf32, #tpu.memory_space<vmem>>, vector<1x1x128xf32>
    %get3A_42 = vector.shape_cast %get3A_41 : vector<1x1x128xf32> to vector<1x128xf32>
    %add3A_43 = vector.broadcast %get3A_42 : vector<1x128xf32> to vector<10000x128xf32>
    %add3A_44 = arith.addf %dot_general3A_37, %add3A_43 : vector<10000x128xf32>
    %swap3A = arith.constant 0 : index
    %swap3A_45 = arith.constant 0 : index
    %swap3A_46 = vector.load %arg7[%swap3A, %swap3A_45] : memref<10000x128xf32, #tpu.memory_space<vmem>>, vector<10000x128xf32>
    tpu.vector_store %arg7[%swap3A, %swap3A_45], %add3A_44 {strides = array<i32>} : memref<10000x128xf32, #tpu.memory_space<vmem>>, vector<10000x128xf32>,
    %get3A_47 = arith.constant 1 : index
    %get3A_48 = arith.constant 0 : index
    %get3A_49 = arith.constant 0 : index
    %get3A_50 = vector.load %arg5[%get3A_47, %get3A_48, %get3A_49] : memref<4x128x128xf32, #tpu.memory_space<vmem>>, vector<1x128x128xf32>
    %get3A_51 = vector.shape_cast %get3A_50 : vector<1x128x128xf32> to vector<128x128xf32>
    %dot_general3A_52 = arith.constant dense<0.000000e+00> : vector<10000x128xf32>
    %dot_general3A_53 = tpu.matmul %add3A_31, %get3A_51, %dot_general3A_52 {dimension_numbers = #tpu.dot_dimension_numbers<[1], [0], [0], [1], [0, 0, 1, 1], [], []>, transpose_lhs_hint = false} : vector<10000x128xf32>, vector<128x128xf32>, vector<10000x128xf32> -> vector<10000x128xf32>
    %get3A_54 = arith.constant 1 : index
    %get3A_55 = arith.constant 0 : index
    %get3A_56 = arith.constant 0 : index
    %get3A_57 = vector.load %arg6[%get3A_54, %get3A_55, %get3A_56] : memref<4x8x128xf32, #tpu.memory_space<vmem>>, vector<1x1x128xf32>
    %get3A_58 = vector.shape_cast %get3A_57 : vector<1x1x128xf32> to vector<1x128xf32>
    %add3A_59 = vector.broadcast %get3A_58 : vector<1x128xf32> to vector<10000x128xf32>
    %add3A_60 = arith.addf %dot_general3A_53, %add3A_59 : vector<10000x128xf32>
    %get3A_61 = arith.constant 2 : index
    %get3A_62 = arith.constant 0 : index
    %get3A_63 = arith.constant 0 : index
    %get3A_64 = vector.load %arg5[%get3A_61, %get3A_62, %get3A_63] : memref<4x128x128xf32, #tpu.memory_space<vmem>>, vector<1x128x128xf32>
    %get3A_65 = vector.shape_cast %get3A_64 : vector<1x128x128xf32> to vector<128x128xf32>
    %dot_general3A_66 = arith.constant dense<0.000000e+00> : vector<10000x128xf32>
    %dot_general3A_67 = tpu.matmul %add3A_31, %get3A_65, %dot_general3A_66 {dimension_numbers = #tpu.dot_dimension_numbers<[1], [0], [0], [1], [0, 0, 1, 1], [], []>, transpose_lhs_hint = false} : vector<10000x128xf32>, vector<128x128xf32>, vector<10000x128xf32> -> vector<10000x128xf32>
    %get3A_68 = arith.constant 2 : index
    %get3A_69 = arith.constant 0 : index
    %get3A_70 = arith.constant 0 : index
    %get3A_71 = vector.load %arg6[%get3A_68, %get3A_69, %get3A_70] : memref<4x8x128xf32, #tpu.memory_space<vmem>>, vector<1x1x128xf32>
    %get3A_72 = vector.shape_cast %get3A_71 : vector<1x1x128xf32> to vector<1x128xf32>
    %add3A_73 = vector.broadcast %get3A_72 : vector<1x128xf32> to vector<10000x128xf32>
    %add3A_74 = arith.addf %dot_general3A_67, %add3A_73 : vector<10000x128xf32>
    %get3A_75 = arith.constant 3 : index
    %get3A_76 = arith.constant 0 : index
    %get3A_77 = arith.constant 0 : index
    %get3A_78 = vector.load %arg5[%get3A_75, %get3A_76, %get3A_77] : memref<4x128x128xf32, #tpu.memory_space<vmem>>, vector<1x128x128xf32>
    %get3A_79 = vector.shape_cast %get3A_78 : vector<1x128x128xf32> to vector<128x128xf32>
    %dot_general3A_80 = arith.constant dense<0.000000e+00> : vector<10000x128xf32>
    %dot_general3A_81 = tpu.matmul %add3A_31, %get3A_79, %dot_general3A_80 {dimension_numbers = #tpu.dot_dimension_numbers<[1], [0], [0], [1], [0, 0, 1, 1], [], []>, transpose_lhs_hint = false} : vector<10000x128xf32>, vector<128x128xf32>, vector<10000x128xf32> -> vector<10000x128xf32>
    %get3A_82 = arith.constant 3 : index
    %get3A_83 = arith.constant 0 : index
    %get3A_84 = arith.constant 0 : index
    %get3A_85 = vector.load %arg6[%get3A_82, %get3A_83, %get3A_84] : memref<4x8x128xf32, #tpu.memory_space<vmem>>, vector<1x1x128xf32>
    %get3A_86 = vector.shape_cast %get3A_85 : vector<1x1x128xf32> to vector<1x128xf32>
    %add3A_87 = vector.broadcast %get3A_86 : vector<1x128xf32> to vector<10000x128xf32>
    %add3A_88 = arith.addf %dot_general3A_81, %add3A_87 : vector<10000x128xf32>
    %slice3A = vector.extract_strided_slice %add3A_74 {offsets = [0, 0], sizes = [10000, 64], strides = [1, 1]} : vector<10000x128xf32> to vector<10000x64xf32>
    %slice3A_89 = vector.extract_strided_slice %add3A_60 {offsets = [0, 0], sizes = [10000, 64], strides = [1, 1]} : vector<10000x128xf32> to vector<10000x64xf32>
    %concatenate3A = tpu.concatenate %slice3A, %slice3A_89 in 1 : vector<10000x64xf32>, vector<10000x64xf32> -> vector<10000x128xf32>
    %slice3A_90 = vector.extract_strided_slice %add3A_74 {offsets = [0, 64], sizes = [10000, 64], strides = [1, 1]} : vector<10000x128xf32> to vector<10000x64xf32>
    %slice3A_91 = vector.extract_strided_slice %add3A_60 {offsets = [0, 64], sizes = [10000, 64], strides = [1, 1]} : vector<10000x128xf32> to vector<10000x64xf32>
    %concatenate3A_92 = tpu.concatenate %slice3A_90, %slice3A_91 in 1 : vector<10000x64xf32>, vector<10000x64xf32> -> vector<10000x128xf32>
    %concatenate3A_93 = tpu.concatenate %concatenate3A, %broadcast_in_dim3A_2, %concatenate3A_92, %broadcast_in_dim3A_2 in 0 : vector<10000x128xf32>, vector<240x128xf32>, vector<10000x128xf32>, vector<240x128xf32> -> vector<20480x128xf32>
    %swap3A_94 = arith.constant 0 : index
    %swap3A_95 = arith.constant 0 : index
    %swap3A_96 = vector.load %arg8[%swap3A_94, %swap3A_95] : memref<20480x128xf32, #tpu.memory_space<vmem>>, vector<20480x128xf32>
    tpu.vector_store %arg8[%swap3A_94, %swap3A_95], %concatenate3A_93 {strides = array<i32>} : memref<20480x128xf32, #tpu.memory_space<vmem>>, vector<20480x128xf32>,
    %slice3A_97 = vector.extract_strided_slice %add3A_88 {offsets = [0, 0], sizes = [10000, 64], strides = [1, 1]} : vector<10000x128xf32> to vector<10000x64xf32>
    %slice3A_98 = vector.extract_strided_slice %add3A_88 {offsets = [0, 0], sizes = [10000, 64], strides = [1, 1]} : vector<10000x128xf32> to vector<10000x64xf32>
    %concatenate3A_99 = tpu.concatenate %slice3A_97, %slice3A_98 in 1 : vector<10000x64xf32>, vector<10000x64xf32> -> vector<10000x128xf32>
    %slice3A_100 = vector.extract_strided_slice %add3A_88 {offsets = [0, 64], sizes = [10000, 64], strides = [1, 1]} : vector<10000x128xf32> to vector<10000x64xf32>
    %slice3A_101 = vector.extract_strided_slice %add3A_88 {offsets = [0, 64], sizes = [10000, 64], strides = [1, 1]} : vector<10000x128xf32> to vector<10000x64xf32>
    %concatenate3A_102 = tpu.concatenate %slice3A_100, %slice3A_101 in 1 : vector<10000x64xf32>, vector<10000x64xf32> -> vector<10000x128xf32>
    %concatenate3A_103 = tpu.concatenate %concatenate3A_99, %broadcast_in_dim3A_2, %concatenate3A_102, %broadcast_in_dim3A_2 in 0 : vector<10000x128xf32>, vector<240x128xf32>, vector<10000x128xf32>, vector<240x128xf32> -> vector<20480x128xf32>
    %swap3A_104 = arith.constant 0 : index
    %swap3A_105 = arith.constant 0 : index
    %swap3A_106 = vector.load %arg9[%swap3A_104, %swap3A_105] : memref<20480x128xf32, #tpu.memory_space<vmem>>, vector<20480x128xf32>
    tpu.vector_store %arg9[%swap3A_104, %swap3A_105], %concatenate3A_103 {strides = array<i32>} : memref<20480x128xf32, #tpu.memory_space<vmem>>, vector<20480x128xf32>,
    return
  }
  func.func @transform_0(%arg0: i32) -> (i32, i32) {
    %c0_i32 = arith.constant 0 : i32
    %c0_i32_0 = arith.constant 0 : i32
    %c0_i32_1 = arith.constant 0 : i32
    return %c0_i32, %c0_i32_0 : i32, i32
  }
  func.func @transform_1(%arg0: i32) -> (i32, i32) {
    %c0_i32 = arith.constant 0 : i32
    %c0_i32_0 = arith.constant 0 : i32
    %c0_i32_1 = arith.constant 0 : i32
    return %c0_i32, %c0_i32_0 : i32, i32
  }
  func.func @transform_2(%arg0: i32) -> (i32, i32) {
    %c0_i32 = arith.constant 0 : i32
    %c0_i32_0 = arith.constant 0 : i32
    %c0_i32_1 = arith.constant 0 : i32
    return %c0_i32, %c0_i32_0 : i32, i32
  }
  func.func @transform_3(%arg0: i32) -> (i32, i32) {
    %c0_i32 = arith.constant 0 : i32
    %c0_i32_0 = arith.constant 0 : i32
    %c0_i32_1 = arith.constant 0 : i32
    return %c0_i32, %c0_i32_0 : i32, i32
  }
  func.func @transform_4(%arg0: i32) -> (i32, i32, i32) {
    %c0_i32 = arith.constant 0 : i32
    %c0_i32_0 = arith.constant 0 : i32
    %c0_i32_1 = arith.constant 0 : i32
    %c0_i32_2 = arith.constant 0 : i32
    return %c0_i32, %c0_i32_0, %c0_i32_1 : i32, i32, i32
  }
  func.func @transform_5(%arg0: i32) -> (i32, i32, i32) {
    %c0_i32 = arith.constant 0 : i32
    %c0_i32_0 = arith.constant 0 : i32
    %c0_i32_1 = arith.constant 0 : i32
    %c0_i32_2 = arith.constant 0 : i32
    return %c0_i32, %c0_i32_0, %c0_i32_1 : i32, i32, i32
  }
  func.func @transform_6(%arg0: i32) -> (i32, i32) {
    %c0_i32 = arith.constant 0 : i32
    %c0_i32_0 = arith.constant 0 : i32
    %c0_i32_1 = arith.constant 0 : i32
    return %c0_i32, %c0_i32_0 : i32, i32
  }
  func.func @transform_7(%arg0: i32) -> (i32, i32) {
    %c0_i32 = arith.constant 0 : i32
    %c0_i32_0 = arith.constant 0 : i32
    %c0_i32_1 = arith.constant 0 : i32
    return %c0_i32, %c0_i32_0 : i32, i32
  }
  func.func @transform_8(%arg0: i32) -> (i32, i32) {
    %c0_i32 = arith.constant 0 : i32
    %c0_i32_0 = arith.constant 0 : i32
    %c0_i32_1 = arith.constant 0 : i32
    return %c0_i32, %c0_i32_0 : i32, i32
  }
}

module attributes {stable_mosaic.version = 14 : i64} {
  func.func @_pack_body(%arg0: i32, %arg1: memref<8000x128xf32, #tpu.memory_space<vmem>>, %arg2: memref<128x128xf32, #tpu.memory_space<vmem>>, %arg3: memref<8x128xf32, #tpu.memory_space<vmem>>, %arg4: memref<8000x256xf32, #tpu.memory_space<vmem>>) attributes {dimension_semantics = [#tpu.dimension_semantics<arbitrary>], iteration_bounds = array<i64: 40>, scalar_prefetch = 0 : i64, scratch_operands = 0 : i64, tpu.core_type = #tpu.core_type<tc>, window_params = [{transform_indices = @transform_0, window_bounds = array<i64: 8000, 128>}, {pipeline_mode = #tpu.pipeline_mode<synchronous>, transform_indices = @transform_1, window_bounds = array<i64: 128, 128>}, {pipeline_mode = #tpu.pipeline_mode<synchronous>, transform_indices = @transform_2, window_bounds = array<i64: 8, 128>}, {transform_indices = @transform_3, window_bounds = array<i64: 8000, 256>}]} {
    %get3A = arith.constant 0 : index
    %get3A_0 = arith.constant 0 : index
    %get3A_1 = vector.load %arg1[%get3A, %get3A_0] : memref<8000x128xf32, #tpu.memory_space<vmem>>, vector<8000x128xf32>
    %get3A_2 = arith.constant 0 : index
    %get3A_3 = arith.constant 0 : index
    %get3A_4 = vector.load %arg2[%get3A_2, %get3A_3] : memref<128x128xf32, #tpu.memory_space<vmem>>, vector<128x128xf32>
    %dot_general3A = arith.constant dense<0.000000e+00> : vector<8000x128xf32>
    %dot_general3A_5 = tpu.matmul %get3A_1, %get3A_4, %dot_general3A {dimension_numbers = #tpu.dot_dimension_numbers<[1], [0], [0], [1], [0, 0, 1, 1], [], []>, transpose_lhs_hint = false} : vector<8000x128xf32>, vector<128x128xf32>, vector<8000x128xf32> -> vector<8000x128xf32>
    %get3A_6 = arith.constant 0 : index
    %get3A_7 = arith.constant 0 : index
    %get3A_8 = vector.load %arg3[%get3A_6, %get3A_7] : memref<8x128xf32, #tpu.memory_space<vmem>>, vector<1x128xf32>
    %add3A = vector.broadcast %get3A_8 : vector<1x128xf32> to vector<8000x128xf32>
    %add3A_9 = arith.addf %dot_general3A_5, %add3A : vector<8000x128xf32>
    %slice3A = vector.extract_strided_slice %add3A_9 {offsets = [0, 0], sizes = [8000, 64], strides = [1, 1]} : vector<8000x128xf32> to vector<8000x64xf32>
    %slice3A_10 = vector.extract_strided_slice %get3A_1 {offsets = [0, 0], sizes = [8000, 64], strides = [1, 1]} : vector<8000x128xf32> to vector<8000x64xf32>
    %slice3A_11 = vector.extract_strided_slice %add3A_9 {offsets = [0, 64], sizes = [8000, 64], strides = [1, 1]} : vector<8000x128xf32> to vector<8000x64xf32>
    %slice3A_12 = vector.extract_strided_slice %get3A_1 {offsets = [0, 64], sizes = [8000, 64], strides = [1, 1]} : vector<8000x128xf32> to vector<8000x64xf32>
    %concatenate3A = tpu.concatenate %slice3A, %slice3A_10, %slice3A_11, %slice3A_12 in 1 : vector<8000x64xf32>, vector<8000x64xf32>, vector<8000x64xf32>, vector<8000x64xf32> -> vector<8000x256xf32>
    %swap3A = arith.constant 0 : index
    %swap3A_13 = arith.constant 0 : index
    %swap3A_14 = vector.load %arg4[%swap3A, %swap3A_13] : memref<8000x256xf32, #tpu.memory_space<vmem>>, vector<8000x256xf32>
    tpu.vector_store %arg4[%swap3A, %swap3A_13], %concatenate3A {strides = array<i32>} : memref<8000x256xf32, #tpu.memory_space<vmem>>, vector<8000x256xf32>,
    return
  }
  func.func @transform_0(%arg0: i32) -> (i32, i32) {
    %c0_i32 = arith.constant 0 : i32
    %c0_i32_0 = arith.constant 0 : i32
    return %arg0, %c0_i32 : i32, i32
  }
  func.func @transform_1(%arg0: i32) -> (i32, i32) {
    %c0_i32 = arith.constant 0 : i32
    %c0_i32_0 = arith.constant 0 : i32
    %c0_i32_1 = arith.constant 0 : i32
    return %c0_i32, %c0_i32_0 : i32, i32
  }
  func.func @transform_2(%arg0: i32) -> (i32, i32) {
    %c0_i32 = arith.constant 0 : i32
    %c0_i32_0 = arith.constant 0 : i32
    %c0_i32_1 = arith.constant 0 : i32
    return %c0_i32, %c0_i32_0 : i32, i32
  }
  func.func @transform_3(%arg0: i32) -> (i32, i32) {
    %c0_i32 = arith.constant 0 : i32
    %c0_i32_0 = arith.constant 0 : i32
    return %arg0, %c0_i32 : i32, i32
  }
}

module attributes {stable_mosaic.version = 14 : i64} {
  func.func @_stats2_body(%arg0: i32, %arg1: memref<8000x64xf32, #tpu.memory_space<vmem>>, %arg2: memref<8x64xf32, #tpu.memory_space<vmem>>, %arg3: memref<8x64xf32, #tpu.memory_space<vmem>>, %arg4: memref<8x64xf32, #tpu.memory_space<vmem>>, %arg5: memref<8x64xf32, #tpu.memory_space<vmem>>) attributes {dimension_semantics = [#tpu.dimension_semantics<arbitrary>], iteration_bounds = array<i64: 80>, scalar_prefetch = 0 : i64, scratch_operands = 0 : i64, tpu.core_type = #tpu.core_type<tc>, window_params = [{transform_indices = @transform_0, window_bounds = array<i64: 8000, 64>}, {pipeline_mode = #tpu.pipeline_mode<synchronous>, transform_indices = @transform_1, window_bounds = array<i64: 8, 64>}, {pipeline_mode = #tpu.pipeline_mode<synchronous>, transform_indices = @transform_2, window_bounds = array<i64: 8, 64>}, {pipeline_mode = #tpu.pipeline_mode<synchronous>, transform_indices = @transform_3, window_bounds = array<i64: 8, 64>}, {pipeline_mode = #tpu.pipeline_mode<synchronous>, transform_indices = @transform_4, window_bounds = array<i64: 8, 64>}]} {
    %eq3A = arith.constant 0 : i32
    %eq3A_0 = arith.cmpi eq, %arg0, %eq3A : i32
    %convert_element_type3A = arith.extui %eq3A_0 : i1 to i32
    %cond3A = arith.constant 0 : i32
    %cond3A_1 = arith.cmpi ne, %convert_element_type3A, %cond3A : i32
    scf.if %cond3A_1 {
      %broadcast_in_dim3A_20 = arith.constant 0.000000e+00 : f32
      %broadcast_in_dim3A_21 = vector.broadcast %broadcast_in_dim3A_20 : f32 to vector<8x64xf32>
      %swap3A = arith.constant 0 : index
      %swap3A_22 = arith.constant 0 : index
      %swap3A_23 = vector.load %arg2[%swap3A, %swap3A_22] : memref<8x64xf32, #tpu.memory_space<vmem>>, vector<8x64xf32>
      tpu.vector_store %arg2[%swap3A, %swap3A_22], %broadcast_in_dim3A_21 {strides = array<i32>} : memref<8x64xf32, #tpu.memory_space<vmem>>, vector<8x64xf32>,
      %broadcast_in_dim3A_24 = arith.constant 0.000000e+00 : f32
      %broadcast_in_dim3A_25 = vector.broadcast %broadcast_in_dim3A_24 : f32 to vector<8x64xf32>
      %swap3A_26 = arith.constant 0 : index
      %swap3A_27 = arith.constant 0 : index
      %swap3A_28 = vector.load %arg3[%swap3A_26, %swap3A_27] : memref<8x64xf32, #tpu.memory_space<vmem>>, vector<8x64xf32>
      tpu.vector_store %arg3[%swap3A_26, %swap3A_27], %broadcast_in_dim3A_25 {strides = array<i32>} : memref<8x64xf32, #tpu.memory_space<vmem>>, vector<8x64xf32>,
      %broadcast_in_dim3A_29 = arith.constant 0.000000e+00 : f32
      %broadcast_in_dim3A_30 = vector.broadcast %broadcast_in_dim3A_29 : f32 to vector<8x64xf32>
      %swap3A_31 = arith.constant 0 : index
      %swap3A_32 = arith.constant 0 : index
      %swap3A_33 = vector.load %arg4[%swap3A_31, %swap3A_32] : memref<8x64xf32, #tpu.memory_space<vmem>>, vector<8x64xf32>
      tpu.vector_store %arg4[%swap3A_31, %swap3A_32], %broadcast_in_dim3A_30 {strides = array<i32>} : memref<8x64xf32, #tpu.memory_space<vmem>>, vector<8x64xf32>,
      %broadcast_in_dim3A_34 = arith.constant 0.000000e+00 : f32
      %broadcast_in_dim3A_35 = vector.broadcast %broadcast_in_dim3A_34 : f32 to vector<8x64xf32>
      %swap3A_36 = arith.constant 0 : index
      %swap3A_37 = arith.constant 0 : index
      %swap3A_38 = vector.load %arg5[%swap3A_36, %swap3A_37] : memref<8x64xf32, #tpu.memory_space<vmem>>, vector<8x64xf32>
      tpu.vector_store %arg5[%swap3A_36, %swap3A_37], %broadcast_in_dim3A_35 {strides = array<i32>} : memref<8x64xf32, #tpu.memory_space<vmem>>, vector<8x64xf32>,
    } else {
    }
    %get3A = arith.constant 0 : index
    %get3A_2 = arith.constant 0 : index
    %get3A_3 = vector.load %arg1[%get3A, %get3A_2] : memref<8000x64xf32, #tpu.memory_space<vmem>>, vector<8000x64xf32>
    %reduce_sum3A = arith.constant dense<0.000000e+00> : vector<64xf32>
    %reduce_sum3A_4 = vector.multi_reduction <add>, %get3A_3, %reduce_sum3A [0] : vector<8000x64xf32> to vector<64xf32>
    %broadcast_in_dim3A = vector.shape_cast %reduce_sum3A_4 : vector<64xf32> to vector<1x64xf32>
    %broadcast_in_dim3A_5 = vector.shape_cast %broadcast_in_dim3A : vector<1x64xf32> to vector<1x64xf32>
    %broadcast_in_dim3A_6 = vector.broadcast %broadcast_in_dim3A_5 : vector<1x64xf32> to vector<8x64xf32>
    %mul3A = arith.mulf %get3A_3, %get3A_3 : vector<8000x64xf32>
    %reduce_sum3A_7 = arith.constant dense<0.000000e+00> : vector<64xf32>
    %reduce_sum3A_8 = vector.multi_reduction <add>, %mul3A, %reduce_sum3A_7 [0] : vector<8000x64xf32> to vector<64xf32>
    %broadcast_in_dim3A_9 = vector.shape_cast %reduce_sum3A_8 : vector<64xf32> to vector<1x64xf32>
    %broadcast_in_dim3A_10 = vector.shape_cast %broadcast_in_dim3A_9 : vector<1x64xf32> to vector<1x64xf32>
    %broadcast_in_dim3A_11 = vector.broadcast %broadcast_in_dim3A_10 : vector<1x64xf32> to vector<8x64xf32>
    %lt3A = arith.constant 40 : i32
    %lt3A_12 = arith.cmpi slt, %arg0, %lt3A : i32
    %convert_element_type3A_13 = arith.extui %lt3A_12 : i1 to i32
    %cond3A_14 = arith.constant 0 : i32
    %cond3A_15 = arith.cmpi ne, %convert_element_type3A_13, %cond3A_14 : i32
    scf.if %cond3A_15 {
      %get3A_20 = arith.constant 0 : index
      %get3A_21 = arith.constant 0 : index
      %get3A_22 = vector.load %arg2[%get3A_20, %get3A_21] : memref<8x64xf32, #tpu.memory_space<vmem>>, vector<8x64xf32>
      %add3A = arith.addf %get3A_22, %broadcast_in_dim3A_6 : vector<8x64xf32>
      %swap3A = arith.constant 0 : index
      %swap3A_23 = arith.constant 0 : index
      %swap3A_24 = vector.load %arg2[%swap3A, %swap3A_23] : memref<8x64xf32, #tpu.memory_space<vmem>>, vector<8x64xf32>
      tpu.vector_store %arg2[%swap3A, %swap3A_23], %add3A {strides = array<i32>} : memref<8x64xf32, #tpu.memory_space<vmem>>, vector<8x64xf32>,
      %get3A_25 = arith.constant 0 : index
      %get3A_26 = arith.constant 0 : index
      %get3A_27 = vector.load %arg3[%get3A_25, %get3A_26] : memref<8x64xf32, #tpu.memory_space<vmem>>, vector<8x64xf32>
      %add3A_28 = arith.addf %get3A_27, %broadcast_in_dim3A_11 : vector<8x64xf32>
      %swap3A_29 = arith.constant 0 : index
      %swap3A_30 = arith.constant 0 : index
      %swap3A_31 = vector.load %arg3[%swap3A_29, %swap3A_30] : memref<8x64xf32, #tpu.memory_space<vmem>>, vector<8x64xf32>
      tpu.vector_store %arg3[%swap3A_29, %swap3A_30], %add3A_28 {strides = array<i32>} : memref<8x64xf32, #tpu.memory_space<vmem>>, vector<8x64xf32>,
    } else {
    }
    %ge3A = arith.constant 40 : i32
    %ge3A_16 = arith.cmpi sge, %arg0, %ge3A : i32
    %convert_element_type3A_17 = arith.extui %ge3A_16 : i1 to i32
    %cond3A_18 = arith.constant 0 : i32
    %cond3A_19 = arith.cmpi ne, %convert_element_type3A_17, %cond3A_18 : i32
    scf.if %cond3A_19 {
      %get3A_20 = arith.constant 0 : index
      %get3A_21 = arith.constant 0 : index
      %get3A_22 = vector.load %arg4[%get3A_20, %get3A_21] : memref<8x64xf32, #tpu.memory_space<vmem>>, vector<8x64xf32>
      %add3A = arith.addf %get3A_22, %broadcast_in_dim3A_6 : vector<8x64xf32>
      %swap3A = arith.constant 0 : index
      %swap3A_23 = arith.constant 0 : index
      %swap3A_24 = vector.load %arg4[%swap3A, %swap3A_23] : memref<8x64xf32, #tpu.memory_space<vmem>>, vector<8x64xf32>
      tpu.vector_store %arg4[%swap3A, %swap3A_23], %add3A {strides = array<i32>} : memref<8x64xf32, #tpu.memory_space<vmem>>, vector<8x64xf32>,
      %get3A_25 = arith.constant 0 : index
      %get3A_26 = arith.constant 0 : index
      %get3A_27 = vector.load %arg5[%get3A_25, %get3A_26] : memref<8x64xf32, #tpu.memory_space<vmem>>, vector<8x64xf32>
      %add3A_28 = arith.addf %get3A_27, %broadcast_in_dim3A_11 : vector<8x64xf32>
      %swap3A_29 = arith.constant 0 : index
      %swap3A_30 = arith.constant 0 : index
      %swap3A_31 = vector.load %arg5[%swap3A_29, %swap3A_30] : memref<8x64xf32, #tpu.memory_space<vmem>>, vector<8x64xf32>
      tpu.vector_store %arg5[%swap3A_29, %swap3A_30], %add3A_28 {strides = array<i32>} : memref<8x64xf32, #tpu.memory_space<vmem>>, vector<8x64xf32>,
    } else {
    }
    return
  }
  func.func @transform_0(%arg0: i32) -> (i32, i32) {
    %c0_i32 = arith.constant 0 : i32
    %c0_i32_0 = arith.constant 0 : i32
    return %arg0, %c0_i32 : i32, i32
  }
  func.func @transform_1(%arg0: i32) -> (i32, i32) {
    %c0_i32 = arith.constant 0 : i32
    %c0_i32_0 = arith.constant 0 : i32
    %c0_i32_1 = arith.constant 0 : i32
    return %c0_i32, %c0_i32_0 : i32, i32
  }
  func.func @transform_2(%arg0: i32) -> (i32, i32) {
    %c0_i32 = arith.constant 0 : i32
    %c0_i32_0 = arith.constant 0 : i32
    %c0_i32_1 = arith.constant 0 : i32
    return %c0_i32, %c0_i32_0 : i32, i32
  }
  func.func @transform_3(%arg0: i32) -> (i32, i32) {
    %c0_i32 = arith.constant 0 : i32
    %c0_i32_0 = arith.constant 0 : i32
    %c0_i32_1 = arith.constant 0 : i32
    return %c0_i32, %c0_i32_0 : i32, i32
  }
  func.func @transform_4(%arg0: i32) -> (i32, i32) {
    %c0_i32 = arith.constant 0 : i32
    %c0_i32_0 = arith.constant 0 : i32
    %c0_i32_1 = arith.constant 0 : i32
    return %c0_i32, %c0_i32_0 : i32, i32
  }
}

module attributes {stable_mosaic.version = 14 : i64} {
  func.func @_node2_body(%arg0: i32, %arg1: memref<10000x128xf32, #tpu.memory_space<vmem>>, %arg2: memref<10240x128xf32, #tpu.memory_space<vmem>>, %arg3: memref<10240x128xf32, #tpu.memory_space<vmem>>, %arg4: memref<10000x128xf32, #tpu.memory_space<vmem>>, %arg5: memref<3x128x128xf32, #tpu.memory_space<vmem>>, %arg6: memref<1x1xf32, #tpu.memory_space<smem>>, %arg7: memref<10000x128xf32, #tpu.memory_space<vmem>>) attributes {dimension_semantics = [#tpu.dimension_semantics<arbitrary>], iteration_bounds = array<i64: 1>, scalar_prefetch = 0 : i64, scratch_operands = 0 : i64, tpu.core_type = #tpu.core_type<tc>, window_params = [{pipeline_mode = #tpu.pipeline_mode<synchronous>, transform_indices = @transform_0, window_bounds = array<i64: 10000, 128>}, {transform_indices = @transform_1, window_bounds = array<i64: 10240, 128>}, {transform_indices = @transform_2, window_bounds = array<i64: 10240, 128>}, {pipeline_mode = #tpu.pipeline_mode<synchronous>, transform_indices = @transform_3, window_bounds = array<i64: 10000, 128>}, {pipeline_mode = #tpu.pipeline_mode<synchronous>, transform_indices = @transform_4, window_bounds = array<i64: 3, 128, 128>}, {transform_indices = @transform_5, window_bounds = array<i64: 1, 1>}, {pipeline_mode = #tpu.pipeline_mode<synchronous>, transform_indices = @transform_6, window_bounds = array<i64: 10000, 128>}]} {
    %get3A = arith.constant 0 : index
    %get3A_0 = arith.constant 0 : index
    %get3A_1 = memref.load %arg6[%get3A, %get3A_0] : memref<1x1xf32, #tpu.memory_space<smem>>
    %get3A_2 = arith.constant 0 : index
    %get3A_3 = arith.constant 0 : index
    %get3A_4 = vector.load %arg2[%get3A_2, %get3A_3] : memref<10240x128xf32, #tpu.memory_space<vmem>>, vector<10000x64xf32>
    %get3A_5 = arith.constant 0 : index
    %get3A_6 = arith.constant 0 : index
    %get3A_7 = vector.load %arg3[%get3A_5, %get3A_6] : memref<10240x128xf32, #tpu.memory_space<vmem>>, vector<10000x64xf32>
    %concatenate3A = tpu.concatenate %get3A_4, %get3A_7 in 1 : vector<10000x64xf32>, vector<10000x64xf32> -> vector<10000x128xf32>
    %get3A_8 = arith.constant 0 : index
    %get3A_9 = arith.constant 64 : index
    %get3A_10 = vector.load %arg2[%get3A_8, %get3A_9] : memref<10240x128xf32, #tpu.memory_space<vmem>>, vector<10000x64xf32>
    %get3A_11 = arith.constant 0 : index
    %get3A_12 = arith.constant 64 : index
    %get3A_13 = vector.load %arg3[%get3A_11, %get3A_12] : memref<10240x128xf32, #tpu.memory_space<vmem>>, vector<10000x64xf32>
    %concatenate3A_14 = tpu.concatenate %get3A_10, %get3A_13 in 1 : vector<10000x64xf32>, vector<10000x64xf32> -> vector<10000x128xf32>
    %get3A_15 = arith.constant 0 : index
    %get3A_16 = arith.constant 0 : index
    %get3A_17 = vector.load %arg1[%get3A_15, %get3A_16] : memref<10000x128xf32, #tpu.memory_space<vmem>>, vector<10000x128xf32>
    %add3A = arith.constant 1.000000e-10 : f32
    %add3A_18 = vector.broadcast %add3A : f32 to vector<10000x128xf32>
    %add3A_19 = arith.addf %concatenate3A_14, %add3A_18 : vector<10000x128xf32>
    %div3A = arith.divf %concatenate3A, %add3A_19 : vector<10000x128xf32>
    %add3A_20 = arith.addf %get3A_17, %div3A : vector<10000x128xf32>
    %get3A_21 = arith.constant 0 : index
    %get3A_22 = arith.constant 0 : index
    %get3A_23 = vector.load %arg4[%get3A_21, %get3A_22] : memref<10000x128xf32, #tpu.memory_space<vmem>>, vector<10000x128xf32>
    %mul3A = vector.broadcast %get3A_1 : f32 to vector<10000x128xf32>
    %mul3A_24 = arith.mulf %add3A_20, %mul3A : vector<10000x128xf32>
    %add3A_25 = arith.addf %get3A_23, %mul3A_24 : vector<10000x128xf32>
    %get3A_26 = arith.constant 0 : index
    %get3A_27 = arith.constant 0 : index
    %get3A_28 = arith.constant 0 : index
    %get3A_29 = vector.load %arg5[%get3A_26, %get3A_27, %get3A_28] : memref<3x128x128xf32, #tpu.memory_space<vmem>>, vector<1x1x128xf32>
    %get3A_30 = vector.shape_cast %get3A_29 : vector<1x1x128xf32> to vector<1x128xf32>
    %get3A_31 = arith.constant 0 : index
    %get3A_32 = arith.constant 1 : index
    %get3A_33 = arith.constant 0 : index
    %get3A_34 = vector.load %arg5[%get3A_31, %get3A_32, %get3A_33] : memref<3x128x128xf32, #tpu.memory_space<vmem>>, vector<1x1x128xf32>
    %get3A_35 = vector.shape_cast %get3A_34 : vector<1x1x128xf32> to vector<1x128xf32>
    %get3A_36 = arith.constant 0 : index
    %get3A_37 = arith.constant 2 : index
    %get3A_38 = arith.constant 0 : index
    %get3A_39 = vector.load %arg5[%get3A_36, %get3A_37, %get3A_38] : memref<3x128x128xf32, #tpu.memory_space<vmem>>, vector<1x1x128xf32>
    %get3A_40 = vector.shape_cast %get3A_39 : vector<1x1x128xf32> to vector<1x128xf32>
    %get3A_41 = arith.constant 0 : index
    %get3A_42 = arith.constant 3 : index
    %get3A_43 = arith.constant 0 : index
    %get3A_44 = vector.load %arg5[%get3A_41, %get3A_42, %get3A_43] : memref<3x128x128xf32, #tpu.memory_space<vmem>>, vector<1x1x128xf32>
    %get3A_45 = vector.shape_cast %get3A_44 : vector<1x1x128xf32> to vector<1x128xf32>
    %get3A_46 = arith.constant 0 : index
    %get3A_47 = arith.constant 4 : index
    %get3A_48 = arith.constant 0 : index
    %get3A_49 = vector.load %arg5[%get3A_46, %get3A_47, %get3A_48] : memref<3x128x128xf32, #tpu.memory_space<vmem>>, vector<1x1x128xf32>
    %get3A_50 = vector.shape_cast %get3A_49 : vector<1x1x128xf32> to vector<1x128xf32>
    %get3A_51 = arith.constant 1 : index
    %get3A_52 = arith.constant 0 : index
    %get3A_53 = arith.constant 0 : index
    %get3A_54 = vector.load %arg5[%get3A_51, %get3A_52, %get3A_53] : memref<3x128x128xf32, #tpu.memory_space<vmem>>, vector<1x128x128xf32>
    %get3A_55 = vector.shape_cast %get3A_54 : vector<1x128x128xf32> to vector<128x128xf32>
    %get3A_56 = arith.constant 2 : index
    %get3A_57 = arith.constant 0 : index
    %get3A_58 = arith.constant 0 : index
    %get3A_59 = vector.load %arg5[%get3A_56, %get3A_57, %get3A_58] : memref<3x128x128xf32, #tpu.memory_space<vmem>>, vector<1x128x128xf32>
    %get3A_60 = vector.shape_cast %get3A_59 : vector<1x128x128xf32> to vector<128x128xf32>
    %reduce_sum3A = arith.constant dense<0.000000e+00> : vector<128xf32>
    %reduce_sum3A_61 = vector.multi_reduction <add>, %add3A_25, %reduce_sum3A [0] : vector<10000x128xf32> to vector<128xf32>
    %broadcast_in_dim3A = vector.shape_cast %reduce_sum3A_61 : vector<128xf32> to vector<1x128xf32>
    %div3A_62 = arith.constant 1.000000e+04 : f32
    %div3A_63 = vector.broadcast %div3A_62 : f32 to vector<1x128xf32>
    %div3A_64 = arith.divf %broadcast_in_dim3A, %div3A_63 : vector<1x128xf32>
    %mul3A_65 = arith.mulf %div3A_64, %get3A_30 : vector<1x128xf32>
    %sub3A = vector.broadcast %mul3A_65 : vector<1x128xf32> to vector<10000x128xf32>
    %sub3A_66 = arith.subf %add3A_25, %sub3A : vector<10000x128xf32>
    %mul3A_67 = arith.mulf %sub3A_66, %sub3A_66 : vector<10000x128xf32>
    %reduce_sum3A_68 = arith.constant dense<0.000000e+00> : vector<128xf32>
    %reduce_sum3A_69 = vector.multi_reduction <add>, %mul3A_67, %reduce_sum3A_68 [0] : vector<10000x128xf32> to vector<128xf32>
    %broadcast_in_dim3A_70 = vector.shape_cast %reduce_sum3A_69 : vector<128xf32> to vector<1x128xf32>
    %div3A_71 = arith.constant 1.000000e+04 : f32
    %div3A_72 = vector.broadcast %div3A_71 : f32 to vector<1x128xf32>
    %div3A_73 = arith.divf %broadcast_in_dim3A_70, %div3A_72 : vector<1x128xf32>
    %add3A_74 = arith.constant 9.99999997E-7 : f32
    %add3A_75 = vector.broadcast %add3A_74 : f32 to vector<1x128xf32>
    %add3A_76 = arith.addf %div3A_73, %add3A_75 : vector<1x128xf32>
    %sqrt3A = math.sqrt %add3A_76 : vector<1x128xf32>
    %mul3A_77 = vector.broadcast %get3A_35 : vector<1x128xf32> to vector<10000x128xf32>
    %mul3A_78 = arith.mulf %mul3A_77, %sub3A_66 : vector<10000x128xf32>
    %div3A_79 = vector.broadcast %sqrt3A : vector<1x128xf32> to vector<10000x128xf32>
    %div3A_80 = arith.divf %mul3A_78, %div3A_79 : vector<10000x128xf32>
    %add3A_81 = vector.broadcast %get3A_40 : vector<1x128xf32> to vector<10000x128xf32>
    %add3A_82 = arith.addf %div3A_80, %add3A_81 : vector<10000x128xf32>
    %dot_general3A = arith.constant dense<0.000000e+00> : vector<10000x128xf32>
    %dot_general3A_83 = tpu.matmul %add3A_82, %get3A_55, %dot_general3A {dimension_numbers = #tpu.dot_dimension_numbers<[1], [0], [0], [1], [0, 0, 1, 1], [], []>, transpose_lhs_hint = false} : vector<10000x128xf32>, vector<128x128xf32>, vector<10000x128xf32> -> vector<10000x128xf32>
    %add3A_84 = vector.broadcast %get3A_45 : vector<1x128xf32> to vector<10000x128xf32>
    %add3A_85 = arith.addf %dot_general3A_83, %add3A_84 : vector<10000x128xf32>
    %max3A = arith.constant 0.000000e+00 : f32
    %max3A_86 = vector.broadcast %max3A : f32 to vector<10000x128xf32>
    %max3A_87 = arith.maximumf %add3A_85, %max3A_86 : vector<10000x128xf32>
    %dot_general3A_88 = arith.constant dense<0.000000e+00> : vector<10000x128xf32>
    %dot_general3A_89 = tpu.matmul %max3A_87, %get3A_60, %dot_general3A_88 {dimension_numbers = #tpu.dot_dimension_numbers<[1], [0], [0], [1], [0, 0, 1, 1], [], []>, transpose_lhs_hint = false} : vector<10000x128xf32>, vector<128x128xf32>, vector<10000x128xf32> -> vector<10000x128xf32>
    %add3A_90 = vector.broadcast %get3A_50 : vector<1x128xf32> to vector<10000x128xf32>
    %add3A_91 = arith.addf %dot_general3A_89, %add3A_90 : vector<10000x128xf32>
    %mul3A_92 = vector.broadcast %get3A_1 : f32 to vector<10000x128xf32>
    %mul3A_93 = arith.mulf %add3A_91, %mul3A_92 : vector<10000x128xf32>
    %add3A_94 = arith.addf %add3A_25, %mul3A_93 : vector<10000x128xf32>
    %swap3A = arith.constant 0 : index
    %swap3A_95 = arith.constant 0 : index
    %swap3A_96 = vector.load %arg7[%swap3A, %swap3A_95] : memref<10000x128xf32, #tpu.memory_space<vmem>>, vector<10000x128xf32>
    tpu.vector_store %arg7[%swap3A, %swap3A_95], %add3A_94 {strides = array<i32>} : memref<10000x128xf32, #tpu.memory_space<vmem>>, vector<10000x128xf32>,
    return
  }
  func.func @transform_0(%arg0: i32) -> (i32, i32) {
    %c0_i32 = arith.constant 0 : i32
    %c0_i32_0 = arith.constant 0 : i32
    %c0_i32_1 = arith.constant 0 : i32
    return %c0_i32, %c0_i32_0 : i32, i32
  }
  func.func @transform_1(%arg0: i32) -> (i32, i32) {
    %c0_i32 = arith.constant 0 : i32
    %c0_i32_0 = arith.constant 0 : i32
    %c0_i32_1 = arith.constant 0 : i32
    return %c0_i32, %c0_i32_0 : i32, i32
  }
  func.func @transform_2(%arg0: i32) -> (i32, i32) {
    %c1_i32 = arith.constant 1 : i32
    %c0_i32 = arith.constant 0 : i32
    %c0_i32_0 = arith.constant 0 : i32
    return %c1_i32, %c0_i32 : i32, i32
  }
  func.func @transform_3(%arg0: i32) -> (i32, i32) {
    %c0_i32 = arith.constant 0 : i32
    %c0_i32_0 = arith.constant 0 : i32
    %c0_i32_1 = arith.constant 0 : i32
    return %c0_i32, %c0_i32_0 : i32, i32
  }
  func.func @transform_4(%arg0: i32) -> (i32, i32, i32) {
    %c0_i32 = arith.constant 0 : i32
    %c0_i32_0 = arith.constant 0 : i32
    %c0_i32_1 = arith.constant 0 : i32
    %c0_i32_2 = arith.constant 0 : i32
    return %c0_i32, %c0_i32_0, %c0_i32_1 : i32, i32, i32
  }
  func.func @transform_5(%arg0: i32) -> (i32, i32) {
    %c0_i32 = arith.constant 0 : i32
    %c0_i32_0 = arith.constant 0 : i32
    %c0_i32_1 = arith.constant 0 : i32
    return %c0_i32, %c0_i32_0 : i32, i32
  }
  func.func @transform_6(%arg0: i32) -> (i32, i32) {
    %c0_i32 = arith.constant 0 : i32
    %c0_i32_0 = arith.constant 0 : i32
    %c0_i32_1 = arith.constant 0 : i32
    return %c0_i32, %c0_i32_0 : i32, i32
  }
}

module attributes {stable_mosaic.version = 14 : i64} {
  func.func @_edge2_body(%arg0: i32, %arg1: memref<8000x64xf32, #tpu.memory_space<vmem>>, %arg2: memref<8000x64xf32, #tpu.memory_space<vmem>>, %arg3: memref<8x128xf32, #tpu.memory_space<vmem>>, %arg4: memref<128x128xf32, #tpu.memory_space<vmem>>, %arg5: memref<128x128xf32, #tpu.memory_space<vmem>>, %arg6: memref<8x128xf32, #tpu.memory_space<vmem>>, %arg7: memref<1x1xf32, #tpu.memory_space<smem>>, %arg8: memref<8000x128xf32, #tpu.memory_space<vmem>>) attributes {dimension_semantics = [#tpu.dimension_semantics<arbitrary>], iteration_bounds = array<i64: 40>, scalar_prefetch = 0 : i64, scratch_operands = 0 : i64, tpu.core_type = #tpu.core_type<tc>, window_params = [{transform_indices = @transform_0, window_bounds = array<i64: 8000, 64>}, {transform_indices = @transform_1, window_bounds = array<i64: 8000, 64>}, {pipeline_mode = #tpu.pipeline_mode<synchronous>, transform_indices = @transform_2, window_bounds = array<i64: 8, 128>}, {pipeline_mode = #tpu.pipeline_mode<synchronous>, transform_indices = @transform_3, window_bounds = array<i64: 128, 128>}, {pipeline_mode = #tpu.pipeline_mode<synchronous>, transform_indices = @transform_4, window_bounds = array<i64: 128, 128>}, {pipeline_mode = #tpu.pipeline_mode<synchronous>, transform_indices = @transform_5, window_bounds = array<i64: 8, 128>}, {transform_indices = @transform_6, window_bounds = array<i64: 1, 1>}, {transform_indices = @transform_7, window_bounds = array<i64: 8000, 128>}]} {
    %get3A = arith.constant 0 : index
    %get3A_0 = arith.constant 0 : index
    %get3A_1 = memref.load %arg7[%get3A, %get3A_0] : memref<1x1xf32, #tpu.memory_space<smem>>
    %get3A_2 = arith.constant 0 : index
    %get3A_3 = arith.constant 0 : index
    %get3A_4 = vector.load %arg1[%get3A_2, %get3A_3] : memref<8000x64xf32, #tpu.memory_space<vmem>>, vector<8000x64xf32>
    %get3A_5 = arith.constant 0 : index
    %get3A_6 = arith.constant 0 : index
    %get3A_7 = vector.load %arg2[%get3A_5, %get3A_6] : memref<8000x64xf32, #tpu.memory_space<vmem>>, vector<8000x64xf32>
    %concatenate3A = tpu.concatenate %get3A_4, %get3A_7 in 1 : vector<8000x64xf32>, vector<8000x64xf32> -> vector<8000x128xf32>
    %get3A_8 = arith.constant 0 : index
    %get3A_9 = arith.constant 0 : index
    %get3A_10 = vector.load %arg3[%get3A_8, %get3A_9] : memref<8x128xf32, #tpu.memory_space<vmem>>, vector<1x128xf32>
    %mul3A = vector.broadcast %get3A_10 : vector<1x128xf32> to vector<8000x128xf32>
    %mul3A_11 = arith.mulf %concatenate3A, %mul3A : vector<8000x128xf32>
    %get3A_12 = arith.constant 4 : index
    %get3A_13 = arith.constant 0 : index
    %get3A_14 = vector.load %arg3[%get3A_12, %get3A_13] : memref<8x128xf32, #tpu.memory_space<vmem>>, vector<1x128xf32>
    %add3A = vector.broadcast %get3A_14 : vector<1x128xf32> to vector<8000x128xf32>
    %add3A_15 = arith.addf %mul3A_11, %add3A : vector<8000x128xf32>
    %get3A_16 = arith.constant 0 : index
    %get3A_17 = arith.constant 0 : index
    %get3A_18 = vector.load %arg4[%get3A_16, %get3A_17] : memref<128x128xf32, #tpu.memory_space<vmem>>, vector<128x128xf32>
    %dot_general3A = arith.constant dense<0.000000e+00> : vector<8000x128xf32>
    %dot_general3A_19 = tpu.matmul %add3A_15, %get3A_18, %dot_general3A {dimension_numbers = #tpu.dot_dimension_numbers<[1], [0], [0], [1], [0, 0, 1, 1], [], []>, transpose_lhs_hint = false} : vector<8000x128xf32>, vector<128x128xf32>, vector<8000x128xf32> -> vector<8000x128xf32>
    %get3A_20 = arith.constant 0 : index
    %get3A_21 = arith.constant 0 : index
    %get3A_22 = vector.load %arg6[%get3A_20, %get3A_21] : memref<8x128xf32, #tpu.memory_space<vmem>>, vector<1x128xf32>
    %add3A_23 = vector.broadcast %get3A_22 : vector<1x128xf32> to vector<8000x128xf32>
    %add3A_24 = arith.addf %dot_general3A_19, %add3A_23 : vector<8000x128xf32>
    %max3A = arith.constant 0.000000e+00 : f32
    %max3A_25 = vector.broadcast %max3A : f32 to vector<8000x128xf32>
    %max3A_26 = arith.maximumf %add3A_24, %max3A_25 : vector<8000x128xf32>
    %get3A_27 = arith.constant 0 : index
    %get3A_28 = arith.constant 0 : index
    %get3A_29 = vector.load %arg5[%get3A_27, %get3A_28] : memref<128x128xf32, #tpu.memory_space<vmem>>, vector<128x128xf32>
    %dot_general3A_30 = arith.constant dense<0.000000e+00> : vector<8000x128xf32>
    %dot_general3A_31 = tpu.matmul %max3A_26, %get3A_29, %dot_general3A_30 {dimension_numbers = #tpu.dot_dimension_numbers<[1], [0], [0], [1], [0, 0, 1, 1], [], []>, transpose_lhs_hint = false} : vector<8000x128xf32>, vector<128x128xf32>, vector<8000x128xf32> -> vector<8000x128xf32>
    %get3A_32 = arith.constant 4 : index
    %get3A_33 = arith.constant 0 : index
    %get3A_34 = vector.load %arg6[%get3A_32, %get3A_33] : memref<8x128xf32, #tpu.memory_space<vmem>>, vector<1x128xf32>
    %add3A_35 = vector.broadcast %get3A_34 : vector<1x128xf32> to vector<8000x128xf32>
    %add3A_36 = arith.addf %dot_general3A_31, %add3A_35 : vector<8000x128xf32>
    %mul3A_37 = vector.broadcast %get3A_1 : f32 to vector<8000x128xf32>
    %mul3A_38 = arith.mulf %add3A_36, %mul3A_37 : vector<8000x128xf32>
    %add3A_39 = arith.addf %concatenate3A, %mul3A_38 : vector<8000x128xf32>
    %swap3A = arith.constant 0 : index
    %swap3A_40 = arith.constant 0 : index
    %swap3A_41 = vector.load %arg8[%swap3A, %swap3A_40] : memref<8000x128xf32, #tpu.memory_space<vmem>>, vector<8000x128xf32>
    tpu.vector_store %arg8[%swap3A, %swap3A_40], %add3A_39 {strides = array<i32>} : memref<8000x128xf32, #tpu.memory_space<vmem>>, vector<8000x128xf32>,
    return
  }
  func.func @transform_0(%arg0: i32) -> (i32, i32) {
    %c0_i32 = arith.constant 0 : i32
    %c0_i32_0 = arith.constant 0 : i32
    return %arg0, %c0_i32 : i32, i32
  }
  func.func @transform_1(%arg0: i32) -> (i32, i32) {
    %add3A = arith.constant 40 : i32
    %add3A_0 = arith.addi %add3A, %arg0 : i32
    %c0_i32 = arith.constant 0 : i32
    %c0_i32_1 = arith.constant 0 : i32
    return %add3A_0, %c0_i32 : i32, i32
  }
  func.func @transform_2(%arg0: i32) -> (i32, i32) {
    %c0_i32 = arith.constant 0 : i32
    %c0_i32_0 = arith.constant 0 : i32
    %c0_i32_1 = arith.constant 0 : i32
    return %c0_i32, %c0_i32_0 : i32, i32
  }
  func.func @transform_3(%arg0: i32) -> (i32, i32) {
    %c0_i32 = arith.constant 0 : i32
    %c0_i32_0 = arith.constant 0 : i32
    %c0_i32_1 = arith.constant 0 : i32
    return %c0_i32, %c0_i32_0 : i32, i32
  }
  func.func @transform_4(%arg0: i32) -> (i32, i32) {
    %c0_i32 = arith.constant 0 : i32
    %c0_i32_0 = arith.constant 0 : i32
    %c0_i32_1 = arith.constant 0 : i32
    return %c0_i32, %c0_i32_0 : i32, i32
  }
  func.func @transform_5(%arg0: i32) -> (i32, i32) {
    %c0_i32 = arith.constant 0 : i32
    %c0_i32_0 = arith.constant 0 : i32
    %c0_i32_1 = arith.constant 0 : i32
    return %c0_i32, %c0_i32_0 : i32, i32
  }
  func.func @transform_6(%arg0: i32) -> (i32, i32) {
    %c0_i32 = arith.constant 0 : i32
    %c0_i32_0 = arith.constant 0 : i32
    %c0_i32_1 = arith.constant 0 : i32
    return %c0_i32, %c0_i32_0 : i32, i32
  }
  func.func @transform_7(%arg0: i32) -> (i32, i32) {
    %c0_i32 = arith.constant 0 : i32
    %c0_i32_0 = arith.constant 0 : i32
    return %arg0, %c0_i32 : i32, i32
  }
}

</mosaic_0001>

<sc_bundles>
// kernel: kernel.9.cloned.1.call-start
scs
__scs_entry_jumppad:
0x0: {  	(pc) =	sbr.rel $0x88, $3  }
0x1: {  	(tag) =	ssettag $0x0;
	lr =	simm.s32 $0x1  }
0x2: {  	[smem:$0x3F7F] =	sst lr;
	_ =	strace $0xD0000000  }
0x3: {  	_ = 	snop  }
0x4: {  	_ = 	snop  }
0x5: {  	_ = 	snop  }
0x6: {  	_ = 	snop  }
0x7: {  	_ = 	snop  }
__scs_overlays_trampoline_lowered:
0x8: {  	[smem:$0x3F8E] =	sst s0  }
0x9: {  	[smem:$0x3F8F] =	sst s1  }
0xa: {  	[smem:$0x3F90] =	sst s2  }
0xb: {  	[smem:$0x3F91] =	sst s3  }
0xc: {  	[smem:$0x3F92] =	sst s4  }
0xd: {  	[smem:$0x3F93] =	sst s5  }
0xe: {  	[smem:$0x3F94] =	sst s6  }
0xf: {  	[smem:$0x3F95] =	sst s7  }
0x10: {  	[smem:$0x3F96] =	sst s8  }
0x11: {  	[smem:$0x3F97] =	sst s9;
	s0 =	simm.s32 @!p0 $0x0  }
0x12: {  	s1 =	sld [smem:$0x3F7D];
	s0 =	simm.s32 @p0 $0x1  }
0x13: {  	[smem:$0x3F98] =	sst s0;
	s0 =	simm.s32 @!p1 $0x0  }
0x14: {  	s2 =	sld [smem:$0x3F7C];
	s0 =	simm.s32 @p1 $0x1  }
0x15: {  	[smem:$0x3F99] =	sst s0;
	s0 =	simm.s32 @!p2 $0x0  }
0x16: {  	s3 =	sld [smem:$0x3FDB];
	s0 =	simm.s32 @p2 $0x1  }
0x17: {  	s4 =	simm.s32 $0x1BF5;
	[smem:$0x3F9B] =	sst s0  }
0x18: {  	s0 =	sld [smem:$0x3F7E];
	_ =	swait.ge [sflag:s4], $0x0  }
0x19: {  	s7 =	sld [smem:$0x3F7F]  }
0x1a: {  	s8 =	sadd.s32 $0xFFFFE003, lr  }
0x1b: {  	s9 =	sadd.s32 $0xFFFFFEF7, lr;
	s5 =	simm.s32 $0xFFFFFFFF;
	p2 =	slt.u32 s8, $0xFFFFF086  }
0x1c: {  	p1 =	slt.u32 s9, $0xF7A;
	s5 =	simm.s32 @!p2 $0x0  }
0x1d: {  	s5 =	simm.s32 @p1 $0x1;
	p0 =	seq.s32 s7, s2  }
0x1e: {  	s7 =	smul.u32 @!p0 $0xF7A, s2;
	p2 =	seq.s32 @!p0 s5, $0x0  }
0x1f: {  	s9 =	smul.u32 $0xF7A, s1;
	s8 =	simm.s32 @!p0 $0x1BF5;
	p2 =	por !p2, p0  }
0x20: {  	[sflag:s8] =	ssyncset.s32 @!p0 $0xFFFFF086;
	s6 =	sadd.s32 @!p0 s3, s7;
	s7 =	simm.s32 @!p0 $0x108  }
0x21: {  	s3 =	sadd.s32 s3, s9;
	s6 =	sadd.s32 @!p0 $0x88, s6;
	s7 =	simm.s32 @p2 $0x1082  }
0x22: {  	[simem:s7], [sflag:s8] =	dma.local @!p0 [hbm:s6], $0xF7A  }
0x23: {  	s9 =	sor.u32 $0xD0000000, s2;
	s6 =	simm.s32 $0x108;
	_ =	swait.ge @!p0 [sflag:s8], $0x0  }
0x24: {  	s3 =	sadd.s32 $0x88, s3;
	s6 =	simm.s32 @!p1 $0x1082;
	[sflag:s4] =	ssyncset.s32 $0xFFFFF086  }
0x25: {  	[simem:s6], [sflag:s4] =	dma.local [hbm:s3], $0xF7A  }
0x26: {  	[smem:$0x3F7F] =	sst s1;
	(tag) =	ssettag s2;
	_ =	strace s9  }
0x27: {  	s1 =	sld [smem:$0x3F8F]  }
0x28: {  	s2 =	sld [smem:$0x3F90]  }
0x29: {  	s4 =	sld [smem:$0x3F92]  }
0x2a: {  	p0 =	seq.s32 s5, $0x0;
	s5 =	sld [smem:$0x3F93]  }
0x2b: {  	s6 =	sld [smem:$0x3F94]  }
0x2c: {  	s7 =	sld [smem:$0x3F95]  }
0x2d: {  	s3 =	simm.s32 $0x108;
	s8 =	sld [smem:$0x3F96]  }
0x2e: {  	s3 =	simm.s32 @!p0 $0x1082;
	s9 =	sld [smem:$0x3F97]  }
0x2f: {  	lr =	sadd.s32 s0, s3;
	s0 =	sld [smem:$0x3F8E]  }
0x30: {  	s3 =	sld [smem:$0x3F91]  }
0x31: {  	[smem:$0x3F9A] =	sst s10  }
0x32: {  	s10 =	sld [smem:$0x3F98];
	_ =	sdelay $0x3  }
0x33: {  	p0 =	seq.s32 s10, $0x1;
	s10 =	sld [smem:$0x3F9A];
	_ =	sdelay $0x3  }
0x34: {  	[smem:$0x3F9A] =	sst s10  }
0x35: {  	s10 =	sld [smem:$0x3F99];
	_ =	sdelay $0x3  }
0x36: {  	p1 =	seq.s32 s10, $0x1;
	s10 =	sld [smem:$0x3F9A];
	_ =	sdelay $0x3  }
0x37: {  	[smem:$0x3F9A] =	sst s10  }
0x38: {  	s10 =	sld [smem:$0x3F9B]  }
0x39: {  	_ = 	snop;
	(pc) =	sbr.ind lr, $3  }
0x3a: {  	_ = 	snop  }
0x3b: {  	_ = 	snop  }
0x3c: {  	p2 =	seq.s32 s10, $0x1;
	s10 =	sld [smem:$0x3F9A]  }
0x3d: {  	_ =	shalt  }
0x3e: {  	_ =	shalt  }
0x3f: {  	_ =	shalt  }
0x40: {  	_ =	shalt  }
0x41: {  	_ =	shalt  }
0x42: {  	_ =	shalt  }
0x43: {  	_ =	shalt  }
0x44: {  	_ =	shalt  }
0x45: {  	_ =	shalt  }
0x46: {  	_ =	shalt  }
0x47: {  	_ =	shalt  }
0x48: {  	_ =	shalt  }
0x49: {  	_ =	shalt  }
0x4a: {  	_ =	shalt  }
0x4b: {  	_ =	shalt  }
0x4c: {  	_ =	shalt  }
0x4d: {  	_ =	shalt  }
0x4e: {  	_ =	shalt  }
0x4f: {  	_ =	shalt  }
0x50: {  	_ =	shalt  }
0x51: {  	_ =	shalt  }
0x52: {  	_ =	shalt  }
0x53: {  	_ =	shalt  }
0x54: {  	_ =	shalt  }
0x55: {  	_ =	shalt  }
0x56: {  	_ =	shalt  }
0x57: {  	_ =	shalt  }
0x58: {  	_ =	shalt  }
0x59: {  	_ =	shalt  }
0x5a: {  	_ =	shalt  }
0x5b: {  	_ =	shalt  }
0x5c: {  	_ =	shalt  }
0x5d: {  	_ =	shalt  }
0x5e: {  	_ =	shalt  }
0x5f: {  	_ =	shalt  }
0x60: {  	_ =	shalt  }
0x61: {  	_ =	shalt  }
0x62: {  	_ =	shalt  }
0x63: {  	_ =	shalt  }
0x64: {  	_ =	shalt  }
0x65: {  	_ =	shalt  }
0x66: {  	_ =	shalt  }
0x67: {  	_ =	shalt  }
0x68: {  	_ =	shalt  }
0x69: {  	_ =	shalt  }
0x6a: {  	_ =	shalt  }
0x6b: {  	_ =	shalt  }
0x6c: {  	_ =	shalt  }
0x6d: {  	_ =	shalt  }
0x6e: {  	_ =	shalt  }
0x6f: {  	_ =	shalt  }
0x70: {  	_ =	shalt  }
0x71: {  	_ =	shalt  }
0x72: {  	_ =	shalt  }
0x73: {  	_ =	shalt  }
0x74: {  	_ =	shalt  }
0x75: {  	_ =	shalt  }
0x76: {  	_ =	shalt  }
0x77: {  	_ =	shalt  }
0x78: {  	_ =	shalt  }
0x79: {  	_ =	shalt  }
0x7a: {  	_ =	shalt  }
0x7b: {  	_ =	shalt  }
0x7c: {  	_ =	shalt  }
0x7d: {  	_ =	shalt  }
0x7e: {  	_ =	shalt  }
0x7f: {  	_ =	shalt  }
0x80: {  	_ =	shalt  }
0x81: {  	_ =	shalt  }
0x82: {  	_ =	shalt  }
0x83: {  	_ =	shalt  }
0x84: {  	_ =	shalt  }
0x85: {  	_ =	shalt  }
0x86: {  	_ =	shalt  }
0x87: {  	_ =	shalt  }
.Lfunc_end0:
.L_simem_size_0:
called_computation_lowered:
.L_overlay_start_0:
0x88: {  	s2 =	sld [smem:$0x3FD9]  }
0x89: {  	s3 =	sld [smem:$0x3FFE];
	_ =	sdelay $0x1  }
0x8a: {  	s1 =	srdreg.scid  }
0x8b: {  	s0 =	sand.u32 $0x1, s1  }
0x8c: {  	s14 =	sshll.u32 s0, $0xA;
	s2 =	sadd.s32 s3, s2  }
0x8d: {  	s2 =	sadd.s32 s2, s14  }
0x8e: {  	[smem:$0x3FA6] =	sst s2  }
0x8f: {  	_ = 	snop  }
0x90: {  	s2 =	sld [smem:$0x3FD0];
	_ =	sdelay $0x2  }
0x91: {  	s15 =	simm.s32 $0xA;
	s4 =	simm.s32 $0x10  }
0x92: {  	[smem:s4], [sflag:s15] =	dma.local [hbm:s2], $0x1  }
0x93: {  	_ =	swait.eq [sflag:s15], $0x1  }
0x94: {  	[sflag:s15] =	ssyncset.done $0x0  }
0x95: {  	[sflag:s15] =	ssyncadd.s32 $0xFFFFFFFF  }
0x96: {  	s16 =	sld [smem:$0x11];
	(tm) =	ssettm $0x1  }
0x97: {  	s17 =	sld [smem:$0x3FFB];
	_ =	sdelay $0x3  }
0x98: {  	_ =	strace s17  }
0x99: {  	s3 =	sld [smem:$0x3FFC];
	_ =	sdelay $0x3  }
0x9a: {  	_ =	strace s3  }
0x9b: {  	s3 =	sld [smem:$0x3FFD];
	_ =	sdelay $0x3  }
0x9c: {  	_ =	strace s3  }
0x9d: {  	_ =	strace $0x8FFFFFFF  }
0x9e: {  	s18 =	sld [smem:$0x3FDB];
	_ =	sdelay $0x1  }
0x9f: {  	s19 =	simm.s32 $_scs_section_size  }
0xa0: {  	s5 =	simm.s32 $_size__tile_overlayer_lowered;
	s6 =	simm.s32 $_tile_overlayer_lowered  }
0xa1: {  	s22 =	simm.s32 $0x1BFF;
	s21 =	sshll.u32 s6, $0x1;
	s3 =	sadd.s32 s19, s18  }
0xa2: {  	s7 =	simm.s32 $0x0;
	s20 =	sshll.u32 s5, $0x1;
	s5 =	sadd.s32 s21, s3  }
0xa3: {  	[timem:s7], [sflag:s22] =	dma.local [hbm:s5], s20  }
0xa4: {  	_ =	swait.ge [sflag:s22], s20  }
0xa5: {  	s4 =	ssub.s32 $0x0, s20;
	[sflag:s22] =	ssyncset.done $0x0  }
0xa6: {  	[sflag:s22] =	ssyncadd.s32 s4;
	_ =	sdelay $0x1  }
0xa7: {  	s23 =	simm.s32 $0x1B8B  }
0xa8: {  	_ =	swait.ge [sflag:s23], $0x1  }
0xa9: {  	[sflag:s23] =	ssyncset.done $0x0  }
0xaa: {  	s25 =	simm.s32 $0x1B8E;
	s24 =	sld [smem:$0x3FFE];
	[sflag:s23] =	ssyncadd.s32 $0xFFFFFFFF  }
0xab: {  	s26 =	simm.s32 $execute0_lowered;
	[smem:$0x3FD2] =	sst s25  }
0xac: {  	s5 =	sshll.u32 s26, $0x1;
	_ =	strace $0x80000046;
	[dreg:$0x1] =	wrdreg $0xFFFFFFFF  }
0xad: {  	s28 =	simm.s32 $_size_execute0_lowered;
	s3 =	sadd.s32 s3, s5;
	[dreg:$0x0] =	wrdreg $0x0  }
0xae: {  	s5 =	sshll.u32 s28, $0x1;
	[dreg:$0x2] =	wrdreg s3  }
0xaf: {  	[dreg:$0x3] =	wrdreg s5  }
0xb0: {  	[dreg:$0x4] =	wrdreg $0xC0  }
0xb1: {  	_ =	task [dreg:s7], $0x5FFFF  }
0xb2: {  	[dreg:$0x1] =	wrdreg $0xFFFFFFFF  }
0xb3: {  	[dreg:$0x0] =	wrdreg $0x60  }
0xb4: {  	[dreg:$0x2] =	wrdreg s24  }
0xb5: {  	[dreg:$0x3] =	wrdreg s16  }
0xb6: {  	[dreg:$0x4] =	wrdreg $0xB5800  }
0xb7: {  	[dreg:$0x5] =	wrdreg $0x9  }
0xb8: {  	_ =	task.clear_ibuf [dreg:s7], $0x6FFFF;
	_ =	strace $0x90000046  }
0xb9: {  	s29 =	simm.s32 $0x9;
	_ =	strace $0x80000048  }
0xba: {  	_ =	swait.ge [sflag:s29], $0x1  }
0xbb: {  	[sflag:s29] =	ssyncadd.s32 $0xFFFFFFFF  }
0xbc: {  	_ =	strace $0x90000048  }
0xbd: {  	_ =	sfence  }
0xbe: {  	s30 =	sld [smem:$0x0];
	_ =	sdelay $0x2  }
0xbf: {  	s31 =	sshll.u32 s1, $0xD;
	s1 =	sshrl.u32 s1, $0x2  }
0xc0: {  	s3 =	sand.u32 $0x4000, s31;
	s1 =	sadd.s32 s1, s30  }
0xc1: {  	s0 =	sor.u32 s3, s0;
	s1 =	sshll.u32 s1, $0x11  }
0xc2: {  	s0 =	sor.u32 s1, s0  }
0xc3: {  	s0 =	sadd.s32 $0x8F2B, s0  }
0xc4: {  	[sflag:s0] =	ssyncadd.remote.s32 $0x1  }
0xc5: {  	_ =	sfence.sel $0xFFFF  }
0xc6: {  	[dreg:$0x0] =	wrdreg $0xFFFFFFFF;
	(pc) =	sbr.abs _section_cstart, $3  }
0xc7: {  	[dreg:$0x1] =	wrdreg $0xFFFFFFFF  }
0xc8: {  	_ =	task.clear_ibuf [dreg:s7], $0x2FFFF;
	_ =	strace $0x9FFFFFFF  }
0xc9: {  	(tm) =	ssettm $0x7FFFFFFF  }
tec
execute0_lowered:
.L_overlay_start_1:
0x0: {  	(tag) =	ssettag $0x1  }
0x1: {  	s0 =	rddreg [dreg:$0x0]  }
0x2: {  	s12 =	rddreg [dreg:$0x2];
	s4 =	simm.s32 $0x0  }
0x3: {  	s11 =	stileid.u32;
	s1 =	srdreg.scid;
	s29 =	simm.s32 $0x800  }
0x4: {  	s18 =	simm.s32 $0x2;
	[smem:$0x7FF] =	sst s4;
	s2 =	smul.u32 $0x2800, s11  }
0x5: {  	s1 =	sand.u32 $0x1, s1;
	s5 =	sadd.s32 $0x9DF200, s0;
	s7 =	smul.u32 $0x280, s11  }
0x6: {  	s6 =	sadd.s32 $0x1B200, s0;
	s8 =	sadd.s32 $0x11200, s0;
	s19 =	sadd.s32 $0x7400, s0  }
0x7: {  	s20 =	sadd.s32 $0x6400, s0;
	s9 =	smul.u32 $0x50000, s11;
	s10 =	sadd.s32 $0xAA7200, s0  }
0x8: {  	s23 =	sshll.u32 s11, $0x6;
	_ =	strace $0x80000047;
	[dreg:$0x4] =	wrdreg s8  }
0x9: {  	s24 =	smul.u32 $0x4E20, s11;
	s11 =	simm.s32 $0xA100;
	[dreg:$0x5] =	wrdreg s19  }
0xa: {  	s3 =	smul.u32 $0x2800, s1;
	[dreg:$0x6] =	wrdreg s20;
	s21 =	ssub.s32 $0x2, s1  }
0xb: {  	[dreg:$0x7] =	wrdreg s10;
	s25 =	sshll.u32 s1, $0xA;
	s1 =	smul.u32 $0x4E200, s1  }
0xc: {  	s2 =	sadd.s32 s2, s0;
	s22 =	sshrl.u32 s21, $0x1;
	s9 =	sshrl.u32 s9, $0x2  }
0xd: {  	[dreg:$0x9] =	wrdreg s24;
	s28 =	smov.u32 s25;
	s10 =	sor.u32 $0x2800, s25  }
0xe: {  	s24 =	simm.s32 $0x28;
	s7 =	sadd.s32 s7, s3;
	[dreg:$0xb] =	wrdreg s10  }
0xf: {  	s8 =	ssub.s32 s21, s22;
	s2 =	sadd.s32 $0xA2F200, s2;
	[dreg:$0xc] =	wrdreg s1  }
0x10: {  	s26 =	sadd.s32 s9, s12;
	[dreg:$0x8] =	wrdreg s2;
	s31 =	smax.u32 s8, $0x1  }
0x11: {  	s21 =	simm.s32 $0x3;
	s2 =	sor.u32 $0x1C03, s23;
	[dreg:$0xf] =	wrdreg s31  }
0x12: {  	s7 =	sshll.u32 s7, $0x4;
	s1 =	sshrl.u32 s26, $0x3;
	[dreg:$0xa] =	wrdreg s2  }
0x13: {  	s7 =	sadd.s32 s7, s0;
	s0 =	sadd.s32 $0xAA7480, s0;
	[dreg:$0x10] =	wrdreg s1  }
0x14: {  	s9 =	simm.s32 $0x1;
	[dreg:$0xd] =	wrdreg s0;
	s30 =	sadd.s32 $0xA57200, s7  }
0x15: {  	v0 =	vmov s3;
	s3 =	simm.s32 $0x0;
	s23 =	simm.s32 $0x80;
	[dreg:$0xe] =	wrdreg s30  }
.LBB2_1:
0x16: {  	[dreg:$0x11] =	wrdreg s3  }
0x17: {  	s0 =	rddreg [dreg:$0x8]  }
0x18: {  	[spmem:s1], [sflag:s2] =	dma.local [hbm:s0], $0x2800  }
0x19: {  	_ =	swait.ge [sflag:s21], $0x2800  }
0x1a: {  	[sflag:s21] =	ssyncset.done $0x0  }
0x1b: {  	s31 =	simm.s32 $0xB500;
	s30 =	rddreg [dreg:$0x6];
	[sflag:s21] =	ssyncadd.s32 $0xFFFFD800  }
0x1c: {  	[tilespmem:s31], [sflag:$0x3] =	stream.linear.gather [hbm4b:s30+s4], $0x80, $0x38;
	[tilespmem:$0x1F580] =	vst v63  }
0x1d: {  	_ =	swait.ge [sflag:s21], $0x80  }
0x1e: {  	[sflag:s21] =	ssyncset.done $0x0  }
0x1f: {  	[sflag:s21] =	ssyncadd.s32 $0xFFFFFF80  }
0x20: {  	[bflag:$0x0] =	sbarrier.arrive $0xFFFF  }
0x21: {  	s20 =	simm.s32 $0x0;
	v1 =	vld [tilespmem:$0xB500]  }
.LBB2_2:
0x22: {  	s0 =	smul.u32 $0x50, s20  }
0x23: {  	s1 =	rddreg [dreg:$0x9]  }
0x24: {  	s3 =	sadd.s32 s1, s0  }
0x25: {  	s13 =	rddreg [dreg:$0x4];
	s0 =	sshrl.u32 s3, $0x3  }
0x26: {  	s1 =	sadd.s32 s13, s0  }
0x27: {  	[tilespmem:s4], [sflag:$0x3] =	stream.linear.gather [hbm4b:s1+s4], $0x50, $0x38;
	[tilespmem:$0x1F580] =	vst v63  }
0x28: {  	_ =	swait.ge [sflag:s21], $0x50  }
0x29: {  	[sflag:s21] =	ssyncset.done $0x0;
	s14 =	rddreg [dreg:$0x5]  }
0x2a: {  	[sflag:s21] =	ssyncadd.s32 $0xFFFFFFB0;
	s0 =	sadd.s32 s14, s0  }
0x2b: {  	[tilespmem:s23], [sflag:$0x3] =	stream.linear.gather [hbm4b:s0+s4], $0x50, $0x38;
	[tilespmem:$0x1F580] =	vst v63  }
0x2c: {  	_ =	swait.ge [sflag:s21], $0x50  }
0x2d: {  	[sflag:s21] =	ssyncset.done $0x0  }
0x2e: {  	[sflag:s21] =	ssyncadd.s32 $0xFFFFFFB0  }
0x2f: {  	v2 =	vld [tilespmem:$0x0]  }
0x30: {  	v3 =	vld [tilespmem:$0x80]  }
0x31: {  	v4 =	vld [tilespmem:$0x10]  }
0x32: {  	v5 =	vld [tilespmem:$0x90]  }
0x33: {  	v6 =	vld [tilespmem:$0x20]  }
0x34: {  	v7 =	vld [tilespmem:$0xA0];
	v2 =	vadd.s32 v0, v2  }
0x35: {  	[tilespmem:$0x0] =	vst v2;
	v2 =	vadd.s32 v0, v3;
	v3 =	vld [tilespmem:$0x30]  }
0x36: {  	[tilespmem:$0x80] =	vst v2;
	v2 =	vadd.s32 v0, v4;
	v4 =	vld [tilespmem:$0xB0]  }
0x37: {  	[tilespmem:$0x10] =	vst v2;
	v2 =	vadd.s32 v0, v5;
	v5 =	vld [tilespmem:$0x40]  }
0x38: {  	[tilespmem:$0x90] =	vst v2;
	v2 =	vadd.s32 v0, v6;
	v6 =	vld [tilespmem:$0xC0]  }
0x39: {  	[tilespmem:$0x20] =	vst v2;
	v2 =	vadd.s32 v0, v7  }
0x3a: {  	[tilespmem:$0xA0] =	vst v2;
	v2 =	vadd.s32 v0, v3  }
0x3b: {  	[tilespmem:$0x30] =	vst v2;
	v2 =	vadd.s32 v0, v4  }
0x3c: {  	[tilespmem:$0xB0] =	vst v2;
	v2 =	vadd.s32 v0, v5  }
0x3d: {  	s17 =	sshll.u32 s3, $0x8;
	[tilespmem:$0x40] =	vst v2;
	v2 =	vadd.s32 v0, v6  }
0x3e: {  	s15 =	simm.s32 $0x100;
	s16 =	simm.s32 $0x2900;
	s19 =	sor.u32 s28, s17;
	[tilespmem:$0xC0] =	vst v2  }
0x3f: {  	[tilespmem:s15], [sflag:$0x1] =	stream.indirect.gather [hbm4b:s5+s24], $0x80, s4, s24, $0xb8;
	[tilespmem:$0x1F580] =	vst v63  }
0x40: {  	s7 =	simm.s32 $0x400;
	s1 =	sshrl.u32 s19, $0x3;
	s2 =	rddreg [dreg:$0x1]  }
0x41: {  	[tilespmem:s16], [sflag:$0x1] =	stream.indirect.gather [hbm4b:s2+s24], $0x80, s23, s24, $0xb8;
	[tilespmem:$0x1F580] =	vst v63  }
0x42: {  	s8 =	simm.s32 $0x5100;
	s1 =	sadd.s32 s6, s1;
	s10 =	rddreg [dreg:$0xb]  }
0x43: {  	[tilespmem:s8], [sflag:$0x1] =	stream.strided.gather [hbm4b:s1+s7], $0x1400, s29, s7, $0x38;
	[tilespmem:$0x1F580] =	vst v63  }
0x44: {  	s22 =	simm.s32 $0x1500;
	s0 =	sadd.s32 s10, s17  }
0x45: {  	[tilespmem:s22], [sflag:$0x2] =	stream.indirect.gather [hbm4b:s5+s24], $0x80, s24, s24, $0xb8;
	[tilespmem:$0x1F580] =	vst v63  }
0x46: {  	s25 =	simm.s32 $0xA8;
	s26 =	simm.s32 $0x3D00;
	s0 =	sshrl.u32 s0, $0x3  }
0x47: {  	[tilespmem:s26], [sflag:$0x2] =	stream.indirect.gather [hbm4b:s2+s24], $0x80, s25, s24, $0xb8;
	[tilespmem:$0x1F580] =	vst v63  }
0x48: {  	s12 =	simm.s32 $0x6500;
	s0 =	sadd.s32 s6, s0  }
0x49: {  	[tilespmem:s12], [sflag:$0x2] =	stream.strided.gather [hbm4b:s0+s7], $0x1400, s29, s7, $0x38;
	[tilespmem:$0x1F580] =	vst v63  }
0x4a: {  	_ =	swait.ge [sflag:s9], $0x1400  }
0x4b: {  	[sflag:s9] =	ssyncset.done $0x0  }
0x4c: {  	[sflag:s9] =	ssyncadd.s32 $0xFFFFEC00  }
0x4d: {  	_ =	swait.ge [sflag:s9], $0x1400  }
0x4e: {  	[sflag:s9] =	ssyncset.done $0x0  }
0x4f: {  	[sflag:s9] =	ssyncadd.s32 $0xFFFFEC00  }
0x50: {  	_ =	swait.ge [sflag:s9], $0x1400  }
0x51: {  	[sflag:s9] =	ssyncset.done $0x0  }
0x52: {  	s8 =	simm.s32 $0x200;
	[sflag:s9] =	ssyncadd.s32 $0xFFFFEC00  }
0x53: {  	s13 =	simm.s32 $0x2A00;
	v2 =	vld [tilespmem:s8+$0x80]  }
0x54: {  	v3 =	vld [tilespmem:s13+$0x80]  }
0x55: {  	s17 =	simm.s32 $0x5200  }
0x56: {  	v4 =	vld [tilespmem:s17+$0x80];
	_ =	sdelay $0x2  }
0x57: {  	v2 =	vadd.f32 v3, v2;
	_ =	sdelay $0x1  }
0x58: {  	v2 =	vadd.f32 v4, v2  }
0x59: {  	v5 =	vld [tilespmem:s8+$0xFFFFFF00]  }
0x5a: {  	v4 =	vld [tilespmem:s13+$0xFFFFFF00];
	v3 =	vsub.f32 $0.0e+00, v2;
	_ =	sdelay $0x1  }
0x5b: {  	v7 =	vld [tilespmem:s17+$0xFFFFFF00];
	v3 =	vmul.f32 $1.442695020e+00, v3  }
0x5c: {  	v6 =	vld [tilespmem:s8+$0xFFFFFF80]  }
0x5d: {  	(erf) = vpow2.f32 v3;
	v3 =	vld [tilespmem:s13+$0xFFFFFF80]  }
0x5e: {  	v8 =	vld [tilespmem:s8+$0x0];
	v4 =	vadd.f32 v4, v5  }
0x5f: {  	v9 =	vld [tilespmem:s13+$0x0]  }
0x60: {  	v5 =	vld [tilespmem:s17+$0xFFFFFF80];
	v4 =	vadd.f32 v7, v4  }
0x61: {  	v7 =	vld [tilespmem:s17+$0x0]  }
0x62: {  	v3 =	vadd.f32 v3, v6;
	v6 =	vsub.f32 $0.0e+00, v4;
	_ =	sdelay $0x1  }
0x63: {  	v8 =	vadd.f32 v9, v8  }
0x64: {  	v3 =	vadd.f32 v5, v3  }
0x65: {  	v7 =	vadd.f32 v7, v8;
	v5 =	vmul.f32 $1.442695020e+00, v6;
	v6 =	vpop (erf)  }
0x66: {  	v8 =	vsub.f32 $0.0e+00, v3;
	v6 =	vadd.f32 $1.000000000e+00, v6  }
0x67: {  	(erf) = vpow2.f32 v5  }
0x68: {  	(erf) = vrcp.f32 v6;
	v6 =	vmul.f32 $1.442695020e+00, v8;
	v8 =	vld [tilespmem:s17+$0xC0];
	_ =	sdelay $0x1  }
0x69: {  	v5 =	vsub.f32 $0.0e+00, v7  }
0x6a: {  	v2 =	vmul.f32 v2, v1  }
0x6b: {  	v5 =	vmul.f32 $1.442695020e+00, v5  }
0x6c: {  	(erf) = vpow2.f32 v6;
	v2 =	vadd.f32 v2, v8  }
0x6d: {  	(erf) = vpow2.f32 v5;
	_ =	sdelay $0x1  }
0x6e: {  	s15 =	simm.s32 $0xA200;
	v5 =	vpop (erf)  }
0x6f: {  	s25 =	simm.s32 $0x7A00;
	[tilespmem:s15+$0x80] =	vst v2;
	v2 =	vpop (erf)  }
0x70: {  	[tilespmem:s25+$0xC0] =	vst v2  }
0x71: {  	v5 =	vadd.f32 $1.000000000e+00, v5;
	v6 =	vld [tilespmem:s8+$0xC0];
	_ =	sdelay $0x1  }
0x72: {  	v9 =	vld [tilespmem:s17+$0xFFFFFF40];
	(erf) = vrcp.f32 v5  }
0x73: {  	v8 =	vpop (erf)  }
0x74: {  	v8 =	vadd.f32 $1.000000000e+00, v8;
	v5 =	vpop (erf)  }
0x75: {  	v4 =	vmul.f32 v4, v1;
	v5 =	vadd.f32 $1.000000000e+00, v5;
	v2 =	vmul.f32 v2, v6  }
0x76: {  	(erf) = vrcp.f32 v8;
	v6 =	vld [tilespmem:s17+$0xFFFFFFC0]  }
0x77: {  	v4 =	vadd.f32 v4, v9;
	(erf) = vrcp.f32 v5;
	v5 =	vld [tilespmem:s17+$0x40];
	[tilespmem:s25+$0x80] =	vst v2  }
0x78: {  	v2 =	vld [tilespmem:s8+$0x90]  }
0x79: {  	v3 =	vmul.f32 v3, v1;
	v8 =	vld [tilespmem:s13+$0x90];
	_ =	sdelay $0x1  }
0x7a: {  	v7 =	vmul.f32 v7, v1;
	[tilespmem:s15+$0xFFFFFF00] =	vst v4;
	v4 =	vpop (erf);
	v3 =	vadd.f32 v3, v6;
	v6 =	vld [tilespmem:s17+$0x90]  }
0x7b: {  	[tilespmem:s25+$0xFFFFFF40] =	vst v4  }
0x7c: {  	v5 =	vadd.f32 v7, v5;
	v7 =	vld [tilespmem:s8+$0xFFFFFF40]  }
0x7d: {  	v2 =	vadd.f32 v8, v2  }
0x7e: {  	[tilespmem:s15+$0xFFFFFF80] =	vst v3;
	v3 =	vpop (erf)  }
0x7f: {  	[tilespmem:s25+$0xFFFFFFC0] =	vst v3;
	v2 =	vadd.f32 v6, v2  }
0x80: {  	[tilespmem:s15+$0x0] =	vst v5;
	v5 =	vpop (erf);
	v8 =	vld [tilespmem:s8+$0xFFFFFFC0]  }
0x81: {  	v4 =	vmul.f32 v4, v7;
	[tilespmem:s25+$0x40] =	vst v5;
	v7 =	vsub.f32 $0.0e+00, v2  }
0x82: {  	v6 =	vld [tilespmem:s8+$0x40]  }
0x83: {  	[tilespmem:s25+$0xFFFFFF00] =	vst v4;
	v4 =	vmul.f32 $1.442695020e+00, v7;
	_ =	sdelay $0x1  }
0x84: {  	v3 =	vmul.f32 v3, v8;
	(erf) = vpow2.f32 v4  }
0x85: {  	v9 =	vld [tilespmem:s17+$0xFFFFFF10]  }
0x86: {  	v7 =	vld [tilespmem:s8+$0xFFFFFF10];
	v5 =	vmul.f32 v5, v6;
	[tilespmem:s25+$0xFFFFFF80] =	vst v3  }
0x87: {  	v4 =	vld [tilespmem:s8+$0xFFFFFF90]  }
0x88: {  	[tilespmem:s25+$0x0] =	vst v5;
	v5 =	vld [tilespmem:s13+$0xFFFFFF90]  }
0x89: {  	v3 =	vld [tilespmem:s13+$0xFFFFFF10]  }
0x8a: {  	v6 =	vld [tilespmem:s8+$0x10]  }
0x8b: {  	v8 =	vld [tilespmem:s13+$0x10]  }
0x8c: {  	v10 =	vld [tilespmem:s17+$0xFFFFFF90]  }
0x8d: {  	v11 =	vld [tilespmem:s17+$0x10];
	v4 =	vadd.f32 v5, v4;
	v5 =	vpop (erf)  }
0x8e: {  	v3 =	vadd.f32 v3, v7;
	v5 =	vadd.f32 $1.000000000e+00, v5;
	_ =	sdelay $0x1  }
0x8f: {  	v6 =	vadd.f32 v8, v6;
	v3 =	vadd.f32 v9, v3;
	v9 =	vld [tilespmem:s17+$0xD0];
	(erf) = vrcp.f32 v5  }
0x90: {  	v4 =	vadd.f32 v10, v4  }
0x91: {  	v6 =	vadd.f32 v11, v6;
	v5 =	vsub.f32 $0.0e+00, v3  }
0x92: {  	v2 =	vmul.f32 v2, v1;
	v7 =	vsub.f32 $0.0e+00, v4  }
0x93: {  	v8 =	vsub.f32 $0.0e+00, v6;
	v5 =	vmul.f32 $1.442695020e+00, v5  }
0x94: {  	s10 =	simm.s32 $0x2C00;
	v7 =	vmul.f32 $1.442695020e+00, v7;
	v2 =	vadd.f32 v2, v9  }
0x95: {  	v10 =	vld [tilespmem:s10+$0x80];
	v8 =	vmul.f32 $1.442695020e+00, v8;
	(erf) = vpow2.f32 v5  }
0x96: {  	s26 =	simm.s32 $0x400;
	v5 =	vld [tilespmem:s17+$0xFFFFFF50];
	(erf) = vpow2.f32 v7  }
0x97: {  	v9 =	vld [tilespmem:s26+$0x80];
	(erf) = vpow2.f32 v8  }
0x98: {  	[tilespmem:s15+$0x90] =	vst v2;
	v7 =	vld [tilespmem:s17+$0xFFFFFFD0];
	v2 =	vpop (erf)  }
0x99: {  	v3 =	vmul.f32 v3, v1;
	v8 =	vld [tilespmem:s17+$0x50];
	[tilespmem:s25+$0xD0] =	vst v2  }
0x9a: {  	s16 =	simm.s32 $0x5400;
	v11 =	vld [tilespmem:s8+$0xD0]  }
0x9b: {  	v4 =	vmul.f32 v4, v1;
	v3 =	vadd.f32 v3, v5;
	v5 =	vld [tilespmem:s16+$0x80]  }
0x9c: {  	v6 =	vmul.f32 v6, v1  }
0x9d: {  	v4 =	vadd.f32 v4, v7  }
0x9e: {  	v9 =	vadd.f32 v10, v9;
	v6 =	vadd.f32 v6, v8;
	[tilespmem:s15+$0xFFFFFF10] =	vst v3;
	v3 =	vld [tilespmem:s10+$0xFFFFFF00];
	v7 =	vpop (erf)  }
0x9f: {  	[tilespmem:s15+$0xFFFFFF90] =	vst v4;
	v4 =	vld [tilespmem:s26+$0xFFFFFF80];
	v8 =	vpop (erf);
	v2 =	vmul.f32 v2, v11  }
0xa0: {  	[tilespmem:s15+$0x10] =	vst v6;
	v6 =	vld [tilespmem:s10+$0xFFFFFF80];
	v5 =	vadd.f32 v5, v9;
	v10 =	vpop (erf)  }
0xa1: {  	v7 =	vadd.f32 $1.000000000e+00, v7;
	v11 =	vld [tilespmem:s26+$0x0];
	[tilespmem:s25+$0x90] =	vst v2  }
0xa2: {  	v2 =	vadd.f32 $1.000000000e+00, v8;
	v8 =	vsub.f32 $0.0e+00, v5;
	v9 =	vld [tilespmem:s8+$0xA0]  }
0xa3: {  	v10 =	vadd.f32 $1.000000000e+00, v10;
	(erf) = vrcp.f32 v7;
	v7 =	vld [tilespmem:s13+$0xA0]  }
0xa4: {  	(erf) = vrcp.f32 v2;
	v2 =	vld [tilespmem:s26+$0xFFFFFF00];
	v8 =	vmul.f32 $1.442695020e+00, v8  }
0xa5: {  	(erf) = vrcp.f32 v10;
	v10 =	vld [tilespmem:s17+$0xA0]  }
0xa6: {  	v12 =	vld [tilespmem:s16+$0xFFFFFF00];
	(erf) = vpow2.f32 v8;
	_ =	sdelay $0x1  }
0xa7: {  	v7 =	vadd.f32 v7, v9  }
0xa8: {  	v2 =	vadd.f32 v3, v2  }
0xa9: {  	v3 =	vadd.f32 v10, v7  }
0xaa: {  	v9 =	vld [tilespmem:s16+$0xFFFFFF80];
	v2 =	vadd.f32 v12, v2  }
0xab: {  	v13 =	vld [tilespmem:s10+$0x0];
	v7 =	vpop (erf);
	v8 =	vsub.f32 $0.0e+00, v3  }
0xac: {  	v10 =	vpop (erf);
	v12 =	vsub.f32 $0.0e+00, v2  }
0xad: {  	v4 =	vadd.f32 v6, v4;
	v14 =	vpop (erf);
	v8 =	vmul.f32 $1.442695020e+00, v8  }
0xae: {  	v6 =	vld [tilespmem:s16+$0x0];
	[tilespmem:s25+$0xFFFFFF50] =	vst v7;
	v12 =	vmul.f32 $1.442695020e+00, v12;
	v15 =	vpop (erf)  }
0xaf: {  	v4 =	vadd.f32 v9, v4;
	[tilespmem:s25+$0xFFFFFFD0] =	vst v10;
	v15 =	vadd.f32 $1.000000000e+00, v15;
	(erf) = vpow2.f32 v8;
	v8 =	vld [tilespmem:s8+$0xFFFFFF50]  }
0xb0: {  	v9 =	vadd.f32 v13, v11;
	v11 =	vld [tilespmem:s8+$0xFFFFFFD0];
	(erf) = vpow2.f32 v12  }
0xb1: {  	v13 =	vld [tilespmem:s16+$0xC0];
	v12 =	vsub.f32 $0.0e+00, v4;
	(erf) = vrcp.f32 v15;
	_ =	sdelay $0x1  }
0xb2: {  	v6 =	vadd.f32 v6, v9;
	v9 =	vmul.f32 $1.442695020e+00, v12  }
0xb3: {  	v5 =	vmul.f32 v5, v1;
	v7 =	vmul.f32 v7, v8  }
0xb4: {  	[tilespmem:s25+$0x50] =	vst v14;
	v15 =	vsub.f32 $0.0e+00, v6;
	v12 =	vld [tilespmem:s16+$0xFFFFFF40];
	(erf) = vpow2.f32 v9;
	v9 =	vmul.f32 v10, v11  }
0xb5: {  	v5 =	vadd.f32 v5, v13;
	v8 =	vld [tilespmem:s8+$0x50]  }
0xb6: {  	v10 =	vld [tilespmem:s16+$0xFFFFFFC0];
	v11 =	vmul.f32 $1.442695020e+00, v15;
	[tilespmem:s25+$0xFFFFFF10] =	vst v7  }
0xb7: {  	v13 =	vld [tilespmem:s8+$0xFFFFFF20];
	v7 =	vpop (erf)  }
0xb8: {  	s31 =	simm.s32 $0xA400;
	[tilespmem:s25+$0xFFFFFF90] =	vst v9;
	(erf) = vpow2.f32 v11;
	v11 =	vld [tilespmem:s13+$0xFFFFFF20];
	v9 =	vpop (erf);
	v7 =	vadd.f32 $1.000000000e+00, v7  }
0xb9: {  	s30 =	simm.s32 $0x7C00;
	[tilespmem:s31+$0x80] =	vst v5;
	v15 =	vld [tilespmem:s8+$0xFFFFFFA0];
	v5 =	vpop (erf)  }
0xba: {  	[tilespmem:s30+$0xC0] =	vst v5;
	(erf) = vrcp.f32 v7;
	v7 =	vmul.f32 v14, v8;
	v14 =	vld [tilespmem:s17+$0xE0]  }
0xbb: {  	v8 =	vld [tilespmem:s26+$0xC0]  }
0xbc: {  	v19 =	vld [tilespmem:s17+$0xFFFFFF20]  }
0xbd: {  	[tilespmem:s25+$0x10] =	vst v7;
	v7 =	vld [tilespmem:s13+$0xFFFFFFA0]  }
0xbe: {  	v3 =	vmul.f32 v3, v1;
	v9 =	vadd.f32 $1.000000000e+00, v9;
	v16 =	vld [tilespmem:s8+$0x20]  }
0xbf: {  	v17 =	vld [tilespmem:s13+$0x20]  }
0xc0: {  	v3 =	vadd.f32 v3, v14;
	v14 =	vld [tilespmem:s17+$0x20];
	v5 =	vmul.f32 v5, v8  }
0xc1: {  	v18 =	vpop (erf);
	v8 =	vld [tilespmem:s17+$0xFFFFFFA0]  }
0xc2: {  	(erf) = vrcp.f32 v9;
	v9 =	vpop (erf);
	v7 =	vadd.f32 v7, v15;
	v15 =	vld [tilespmem:s16+$0x40];
	[tilespmem:s30+$0x80] =	vst v5  }
0xc3: {  	v2 =	vmul.f32 v2, v1;
	v18 =	vadd.f32 $1.000000000e+00, v18;
	v5 =	vadd.f32 $1.000000000e+00, v9;
	v9 =	vld [tilespmem:s26+$0x90]  }
0xc4: {  	v11 =	vadd.f32 v11, v13;
	[tilespmem:s15+$0xA0] =	vst v3;
	v3 =	vpop (erf);
	v13 =	vld [tilespmem:s10+$0x90]  }
0xc5: {  	v4 =	vmul.f32 v4, v1;
	v2 =	vadd.f32 v2, v12;
	(erf) = vrcp.f32 v18;
	v12 =	vld [tilespmem:s16+$0x90];
	[tilespmem:s25+$0xE0] =	vst v3  }
0xc6: {  	(erf) = vrcp.f32 v5;
	v5 =	vld [tilespmem:s8+$0xE0]  }
0xc7: {  	v4 =	vadd.f32 v4, v10;
	v11 =	vadd.f32 v19, v11  }
0xc8: {  	v10 =	vadd.f32 v17, v16;
	v7 =	vadd.f32 v8, v7  }
0xc9: {  	v6 =	vmul.f32 v6, v1;
	[tilespmem:s31+$0xFFFFFF00] =	vst v2;
	v16 =	vsub.f32 $0.0e+00, v11;
	v2 =	vadd.f32 v13, v9  }
0xca: {  	v8 =	vadd.f32 v14, v10;
	v10 =	vsub.f32 $0.0e+00, v7  }
0xcb: {  	v3 =	vmul.f32 v3, v5;
	v5 =	vadd.f32 v12, v2;
	v2 =	vadd.f32 v6, v15  }
0xcc: {  	[tilespmem:s31+$0xFFFFFF80] =	vst v4;
	v4 =	vmul.f32 $1.442695020e+00, v16;
	v9 =	vpop (erf);
	v13 =	vsub.f32 $0.0e+00, v8  }
0xcd: {  	[tilespmem:s30+$0xFFFFFF40] =	vst v9;
	v6 =	vmul.f32 $1.442695020e+00, v10  }
0xce: {  	(erf) = vpow2.f32 v4;
	v14 =	vpop (erf);
	v10 =	vld [tilespmem:s26+$0xFFFFFF40];
	v4 =	vmul.f32 $1.442695020e+00, v13;
	[tilespmem:s25+$0xA0] =	vst v3  }
0xcf: {  	[tilespmem:s31+$0x0] =	vst v2;
	(erf) = vpow2.f32 v6;
	v6 =	vld [tilespmem:s8+$0xB0];
	v2 =	vpop (erf)  }
0xd0: {  	(erf) = vpow2.f32 v4;
	v4 =	vld [tilespmem:s13+$0xB0];
	[tilespmem:s30+$0x40] =	vst v2  }
0xd1: {  	[tilespmem:s30+$0xFFFFFFC0] =	vst v14;
	v13 =	vld [tilespmem:s26+$0x40]  }
0xd2: {  	v12 =	vld [tilespmem:s26+$0xFFFFFFC0];
	v3 =	vsub.f32 $0.0e+00, v5;
	_ =	sdelay $0x1  }
0xd3: {  	v3 =	vmul.f32 $1.442695020e+00, v3  }
0xd4: {  	v9 =	vmul.f32 v9, v10;
	v10 =	vld [tilespmem:s17+$0xB0]  }
0xd5: {  	(erf) = vpow2.f32 v3;
	v4 =	vadd.f32 v4, v6;
	v6 =	vmul.f32 v2, v13  }
0xd6: {  	v12 =	vmul.f32 v14, v12  }
0xd7: {  	v3 =	vld [tilespmem:s17+$0xFFFFFF60];
	[tilespmem:s30+$0xFFFFFF00] =	vst v9  }
0xd8: {  	v9 =	vld [tilespmem:s26+$0xFFFFFF10];
	[tilespmem:s30+$0xFFFFFF80] =	vst v12;
	v13 =	vpop (erf)  }
0xd9: {  	v12 =	vld [tilespmem:s10+$0xFFFFFF10];
	v2 =	vadd.f32 v10, v4;
	v4 =	vadd.f32 $1.000000000e+00, v13;
	[tilespmem:s30+$0x0] =	vst v6;
	v6 =	vpop (erf)  }
0xda: {  	v14 =	vld [tilespmem:s26+$0xFFFFFF90];
	v6 =	vadd.f32 $1.000000000e+00, v6  }
0xdb: {  	v10 =	vld [tilespmem:s10+$0xFFFFFF90];
	(erf) = vrcp.f32 v4  }
0xdc: {  	v16 =	vsub.f32 $0.0e+00, v2;
	v13 =	vpop (erf);
	(erf) = vrcp.f32 v6;
	v6 =	vld [tilespmem:s16+$0xFFFFFF10]  }
0xdd: {  	v15 =	vld [tilespmem:s26+$0x10];
	v4 =	vadd.f32 $1.000000000e+00, v13  }
0xde: {  	v18 =	vld [tilespmem:s16+$0x10];
	v16 =	vmul.f32 $1.442695020e+00, v16;
	v17 =	vpop (erf)  }
0xdf: {  	v9 =	vadd.f32 v12, v9;
	v13 =	vld [tilespmem:s10+$0x10];
	v17 =	vadd.f32 $1.000000000e+00, v17;
	(erf) = vrcp.f32 v4  }
0xe0: {  	v11 =	vmul.f32 v11, v1;
	v4 =	vld [tilespmem:s16+$0xFFFFFF90];
	(erf) = vpow2.f32 v16  }
0xe1: {  	(erf) = vrcp.f32 v17;
	v6 =	vadd.f32 v6, v9;
	v9 =	vld [tilespmem:s16+$0xD0]  }
0xe2: {  	v3 =	vadd.f32 v11, v3;
	v12 =	vld [tilespmem:s17+$0xFFFFFFE0]  }
0xe3: {  	v10 =	vadd.f32 v10, v14;
	v11 =	vsub.f32 $0.0e+00, v6  }
0xe4: {  	v5 =	vmul.f32 v5, v1;
	v13 =	vadd.f32 v13, v15  }
0xe5: {  	v7 =	vmul.f32 v7, v1;
	v4 =	vadd.f32 v4, v10;
	v10 =	vld [tilespmem:s17+$0x60];
	v11 =	vmul.f32 $1.442695020e+00, v11  }
0xe6: {  	v15 =	vpop (erf);
	v13 =	vadd.f32 v18, v13;
	v5 =	vadd.f32 v5, v9  }
0xe7: {  	[tilespmem:s15+$0xFFFFFF20] =	vst v3;
	v3 =	vadd.f32 v7, v12;
	v16 =	vsub.f32 $0.0e+00, v4;
	v12 =	vpop (erf)  }
0xe8: {  	v8 =	vmul.f32 v8, v1;
	v17 =	vsub.f32 $0.0e+00, v13;
	v19 =	vpop (erf)  }
0xe9: {  	s0 =	simm.s32 $0x600;
	[tilespmem:s15+$0xFFFFFFA0] =	vst v3;
	v16 =	vmul.f32 $1.442695020e+00, v16;
	(erf) = vpow2.f32 v11;
	v11 =	vpop (erf)  }
0xea: {  	v22 =	vld [tilespmem:s0+$0xFFFFFF80];
	v3 =	vmul.f32 $1.442695020e+00, v17;
	v8 =	vadd.f32 v8, v10;
	[tilespmem:s31+$0x90] =	vst v5;
	v5 =	vpop (erf)  }
0xeb: {  	v10 =	vld [tilespmem:s0+$0x80];
	(erf) = vpow2.f32 v16;
	[tilespmem:s30+$0xD0] =	vst v5  }
0xec: {  	s14 =	simm.s32 $0x2E00;
	(erf) = vpow2.f32 v3;
	[tilespmem:s15+$0x20] =	vst v8;
	v8 =	vld [tilespmem:s26+$0xD0]  }
0xed: {  	v16 =	vld [tilespmem:s14+$0x80]  }
0xee: {  	s1 =	simm.s32 $0x5600;
	v23 =	vld [tilespmem:s14+$0xFFFFFF80]  }
0xef: {  	v17 =	vld [tilespmem:s1+$0x80]  }
0xf0: {  	v25 =	vld [tilespmem:s1+$0xFFFFFF00]  }
0xf1: {  	v14 =	vld [tilespmem:s16+$0xFFFFFF50];
	v5 =	vmul.f32 v5, v8;
	v8 =	vadd.f32 $1.000000000e+00, v11  }
0xf2: {  	v7 =	vld [tilespmem:s16+$0xFFFFFFD0];
	v10 =	vadd.f32 v16, v10  }
0xf3: {  	v18 =	vld [tilespmem:s16+$0x50];
	v11 =	vpop (erf)  }
0xf4: {  	v16 =	vld [tilespmem:s14+$0xFFFFFF00];
	v10 =	vadd.f32 v17, v10;
	v11 =	vadd.f32 $1.000000000e+00, v11;
	v17 =	vpop (erf);
	[tilespmem:s30+$0x90] =	vst v5  }
0xf5: {  	(erf) = vrcp.f32 v8;
	v5 =	vadd.f32 $1.000000000e+00, v17;
	v24 =	vld [tilespmem:s26+$0xA0];
	v8 =	vpop (erf)  }
0xf6: {  	v17 =	vsub.f32 $0.0e+00, v10;
	(erf) = vrcp.f32 v11;
	v11 =	vld [tilespmem:s10+$0xA0];
	v8 =	vadd.f32 $1.000000000e+00, v8  }
0xf7: {  	v6 =	vmul.f32 v6, v1;
	(erf) = vrcp.f32 v5;
	v5 =	vld [tilespmem:s0+$0xFFFFFF00]  }
0xf8: {  	v17 =	vmul.f32 $1.442695020e+00, v17;
	(erf) = vrcp.f32 v8;
	v8 =	vld [tilespmem:s16+$0xA0]  }
0xf9: {  	[tilespmem:s25+$0xFFFFFF60] =	vst v15;
	v4 =	vmul.f32 v4, v1;
	v6 =	vadd.f32 v6, v14;
	v14 =	vld [tilespmem:s14+$0x0]  }
0xfa: {  	v13 =	vmul.f32 v13, v1;
	v9 =	vld [tilespmem:s8+$0xFFFFFF60];
	(erf) = vpow2.f32 v17  }
0xfb: {  	v4 =	vadd.f32 v4, v7;
	v17 =	vld [tilespmem:s0+$0x0];
	v11 =	vadd.f32 v11, v24  }
0xfc: {  	[tilespmem:s25+$0xFFFFFFE0] =	vst v12;
	v13 =	vadd.f32 v13, v18;
	v7 =	vadd.f32 v16, v5;
	v16 =	vld [tilespmem:s1+$0xFFFFFF80]  }
0xfd: {  	v20 =	vld [tilespmem:s8+$0xFFFFFFE0];
	v8 =	vadd.f32 v8, v11  }
0xfe: {  	[tilespmem:s31+$0xFFFFFF10] =	vst v6;
	v6 =	vld [tilespmem:s1+$0x0];
	v7 =	vadd.f32 v25, v7  }
0xff: {  	[tilespmem:s31+$0xFFFFFF90] =	vst v4;
	v5 =	vpop (erf);
	v11 =	vadd.f32 v23, v22;
	v22 =	vsub.f32 $0.0e+00, v8  }
0x100: {  	v18 =	vld [tilespmem:s1+$0xFFFFFFC0];
	[tilespmem:s31+$0x10] =	vst v13;
	v9 =	vmul.f32 v15, v9;
	v13 =	vpop (erf);
	v33 =	vsub.f32 $0.0e+00, v7  }
0x101: {  	v4 =	vld [tilespmem:s1+$0xFFFFFF40];
	[tilespmem:s25+$0x60] =	vst v19;
	v14 =	vadd.f32 v14, v17;
	v17 =	vpop (erf);
	v11 =	vadd.f32 v16, v11;
	v22 =	vmul.f32 $1.442695020e+00, v22  }
0x102: {  	v3 =	vld [tilespmem:s17+$0xF0];
	v12 =	vmul.f32 v12, v20;
	[tilespmem:s25+$0xFFFFFF20] =	vst v9;
	v20 =	vmul.f32 $1.442695020e+00, v33;
	v15 =	vpop (erf)  }
0x103: {  	v21 =	vld [tilespmem:s8+$0x60];
	[tilespmem:s30+$0xFFFFFF50] =	vst v13;
	v6 =	vadd.f32 v6, v14;
	v9 =	vsub.f32 $0.0e+00, v11;
	v34 =	vpop (erf);
	(erf) = vpow2.f32 v22  }
0x104: {  	v16 =	vld [tilespmem:s26+$0xFFFFFF50];
	v24 =	vadd.f32 $1.000000000e+00, v34;
	(erf) = vpow2.f32 v20  }
0x105: {  	v26 =	vld [tilespmem:s8+$0xFFFFFF30];
	[tilespmem:s30+$0xFFFFFFD0] =	vst v17;
	v22 =	vsub.f32 $0.0e+00, v6;
	v9 =	vmul.f32 $1.442695020e+00, v9  }
0x106: {  	v14 =	vld [tilespmem:s26+$0xFFFFFFD0];
	(erf) = vrcp.f32 v24  }
0x107: {  	[tilespmem:s30+$0x50] =	vst v15;
	v20 =	vmul.f32 $1.442695020e+00, v22;
	(erf) = vpow2.f32 v9;
	v9 =	vld [tilespmem:s1+$0xC0]  }
0x108: {  	v10 =	vmul.f32 v10, v1;
	v35 =	vld [tilespmem:s26+$0x50]  }
0x109: {  	[tilespmem:s25+$0xFFFFFFA0] =	vst v12;
	v12 =	vld [tilespmem:s13+$0xFFFFFF30];
	v13 =	vmul.f32 v13, v16;
	(erf) = vpow2.f32 v20  }
0x10a: {  	v27 =	vld [tilespmem:s16+$0xE0]  }
0x10b: {  	v23 =	vld [tilespmem:s1+$0x40];
	v14 =	vmul.f32 v17, v14;
	[tilespmem:s30+$0xFFFFFF10] =	vst v13  }
0x10c: {  	v17 =	vld [tilespmem:s26+$0xFFFFFF20];
	v9 =	vadd.f32 v10, v9;
	v10 =	vpop (erf)  }
0x10d: {  	[tilespmem:s30+$0xFFFFFF90] =	vst v14;
	v14 =	vld [tilespmem:s10+$0xFFFFFF20];
	v15 =	vmul.f32 v15, v35;
	v20 =	vpop (erf);
	v10 =	vadd.f32 $1.000000000e+00, v10  }
0x10e: {  	v7 =	vmul.f32 v7, v1;
	v28 =	vld [tilespmem:s16+$0xFFFFFF20];
	v20 =	vadd.f32 $1.000000000e+00, v20  }
0x10f: {  	s19 =	simm.s32 $0xA600;
	v22 =	vld [tilespmem:s10+$0xFFFFFFA0];
	[tilespmem:s30+$0x10] =	vst v15  }
0x110: {  	s22 =	simm.s32 $0x7E00;
	v4 =	vadd.f32 v7, v4;
	v7 =	vld [tilespmem:s16+$0xFFFFFFA0];
	[tilespmem:s19+$0x80] =	vst v9;
	v9 =	vpop (erf)  }
0x111: {  	v15 =	vld [tilespmem:s26+$0xFFFFFFA0];
	(erf) = vrcp.f32 v10;
	[tilespmem:s22+$0xC0] =	vst v9;
	v10 =	vpop (erf)  }
0x112: {  	(erf) = vrcp.f32 v20;
	v37 =	vld [tilespmem:s0+$0xC0];
	v10 =	vadd.f32 $1.000000000e+00, v10;
	v20 =	vpop (erf)  }
0x113: {  	v8 =	vmul.f32 v8, v1;
	v36 =	vld [tilespmem:s26+$0x20];
	v20 =	vadd.f32 $1.000000000e+00, v20  }
0x114: {  	v19 =	vmul.f32 v19, v21;
	v29 =	vld [tilespmem:s10+$0x20];
	(erf) = vrcp.f32 v10  }
0x115: {  	v21 =	vld [tilespmem:s8+$0xFFFFFFB0];
	v11 =	vmul.f32 v11, v1;
	v8 =	vadd.f32 v8, v27;
	(erf) = vrcp.f32 v20  }
0x116: {  	v15 =	vadd.f32 v22, v15;
	v10 =	vadd.f32 v14, v17;
	v14 =	vld [tilespmem:s16+$0x20]  }
0x117: {  	[tilespmem:s25+$0x20] =	vst v19;
	v19 =	vld [tilespmem:s13+$0xFFFFFFB0];
	v6 =	vmul.f32 v6, v1;
	v11 =	vadd.f32 v11, v18;
	v9 =	vmul.f32 v9, v37  }
0x118: {  	[tilespmem:s19+$0xFFFFFF00] =	vst v4;
	v16 =	vld [tilespmem:s8+$0x30];
	v15 =	vadd.f32 v7, v15;
	v10 =	vadd.f32 v28, v10  }
0x119: {  	v6 =	vadd.f32 v6, v23;
	v17 =	vadd.f32 v29, v36;
	[tilespmem:s22+$0x80] =	vst v9;
	v9 =	vld [tilespmem:s17+$0xFFFFFF30]  }
0x11a: {  	[tilespmem:s31+$0xA0] =	vst v8;
	v22 =	vsub.f32 $0.0e+00, v15;
	v20 =	vsub.f32 $0.0e+00, v10;
	v18 =	vld [tilespmem:s0+$0x90]  }
0x11b: {  	[tilespmem:s19+$0xFFFFFF80] =	vst v11;
	v8 =	vpop (erf);
	v7 =	vld [tilespmem:s14+$0x90];
	v11 =	vadd.f32 v14, v17  }
0x11c: {  	v13 =	vld [tilespmem:s13+$0x30];
	[tilespmem:s19+$0x0] =	vst v6;
	v14 =	vpop (erf);
	v20 =	vmul.f32 $1.442695020e+00, v20  }
0x11d: {  	v12 =	vadd.f32 v12, v26;
	[tilespmem:s30+$0xE0] =	vst v8;
	v23 =	vld [tilespmem:s1+$0x90];
	v38 =	vsub.f32 $0.0e+00, v11;
	v39 =	vpop (erf)  }
0x11e: {  	v17 =	vld [tilespmem:s26+$0xE0];
	[tilespmem:s22+$0xFFFFFF40] =	vst v14;
	(erf) = vpow2.f32 v20;
	v20 =	vmul.f32 $1.442695020e+00, v22;
	v22 =	vpop (erf)  }
0x11f: {  	v40 =	vld [tilespmem:s0+$0xFFFFFF40];
	v6 =	vadd.f32 v9, v12;
	v9 =	vmul.f32 $1.442695020e+00, v38;
	[tilespmem:s22+$0x40] =	vst v22  }
0x120: {  	v7 =	vadd.f32 v7, v18;
	(erf) = vpow2.f32 v20;
	v18 =	vld [tilespmem:s0+$0x40]  }
0x121: {  	v4 =	vld [tilespmem:s16+$0xFFFFFF60];
	(erf) = vpow2.f32 v9  }
0x122: {  	v41 =	vld [tilespmem:s16+$0xFFFFFFE0];
	[tilespmem:s22+$0xFFFFFFC0] =	vst v39;
	v20 =	vsub.f32 $0.0e+00, v6  }
0x123: {  	v12 =	vld [tilespmem:s0+$0xFFFFFFC0];
	v8 =	vmul.f32 v8, v17  }
0x124: {  	v9 =	vld [tilespmem:s17+$0xFFFFFFB0];
	v17 =	vadd.f32 v23, v7;
	v7 =	vmul.f32 $1.442695020e+00, v20  }
0x125: {  	v14 =	vmul.f32 v14, v40;
	v20 =	vld [tilespmem:s17+$0x30];
	[tilespmem:s30+$0xA0] =	vst v8;
	v18 =	vmul.f32 v22, v18  }
0x126: {  	v8 =	vsub.f32 $0.0e+00, v17;
	v23 =	vld [tilespmem:s26+$0xB0];
	(erf) = vpow2.f32 v7  }
0x127: {  	v2 =	vmul.f32 v2, v1;
	[tilespmem:s22+$0xFFFFFF00] =	vst v14;
	v14 =	vld [tilespmem:s10+$0xB0];
	v7 =	vadd.f32 v19, v21  }
0x128: {  	v13 =	vadd.f32 v13, v16;
	v16 =	vld [tilespmem:s16+$0xB0];
	v12 =	vmul.f32 v39, v12;
	v8 =	vmul.f32 $1.442695020e+00, v8;
	v21 =	vpop (erf)  }
0x129: {  	v19 =	vld [tilespmem:s0+$0xFFFFFF10];
	v7 =	vadd.f32 v9, v7;
	v9 =	vadd.f32 $1.000000000e+00, v21;
	[tilespmem:s22+$0x0] =	vst v18;
	v18 =	vpop (erf)  }
0x12a: {  	v2 =	vadd.f32 v2, v3;
	[tilespmem:s22+$0xFFFFFF80] =	vst v12;
	v12 =	vld [tilespmem:s14+$0xFFFFFF10];
	(erf) = vpow2.f32 v8;
	v8 =	vadd.f32 v20, v13;
	v22 =	vpop (erf)  }
0x12b: {  	v13 =	vld [tilespmem:s0+$0xFFFFFF90];
	v20 =	vsub.f32 $0.0e+00, v7;
	(erf) = vrcp.f32 v9;
	v9 =	vadd.f32 $1.000000000e+00, v22  }
0x12c: {  	v21 =	vld [tilespmem:s14+$0xFFFFFF90];
	v14 =	vadd.f32 v14, v23;
	v18 =	vadd.f32 $1.000000000e+00, v18  }
0x12d: {  	[tilespmem:s15+$0xB0] =	vst v2;
	v2 =	vmul.f32 v15, v1;
	v42 =	vld [tilespmem:s0+$0x10]  }
0x12e: {  	v14 =	vadd.f32 v16, v14;
	v3 =	vmul.f32 $1.442695020e+00, v20;
	v16 =	vld [tilespmem:s1+$0xFFFFFF10];
	(erf) = vrcp.f32 v18  }
0x12f: {  	v23 =	vsub.f32 $0.0e+00, v8;
	v20 =	vld [tilespmem:s1+$0xFFFFFF90];
	(erf) = vrcp.f32 v9;
	v9 =	vpop (erf)  }
0x130: {  	v2 =	vadd.f32 v2, v41;
	v22 =	vld [tilespmem:s14+$0x10];
	(erf) = vpow2.f32 v3;
	v3 =	vadd.f32 $1.000000000e+00, v9  }
0x131: {  	v10 =	vmul.f32 v10, v1;
	v12 =	vadd.f32 v12, v19;
	v18 =	vmul.f32 $1.442695020e+00, v23  }
0x132: {  	v23 =	vsub.f32 $0.0e+00, v14;
	v13 =	vadd.f32 v21, v13  }
0x133: {  	v43 =	vld [tilespmem:s16+$0x60];
	v4 =	vadd.f32 v10, v4;
	v16 =	vadd.f32 v16, v12;
	(erf) = vpow2.f32 v18  }
0x134: {  	v15 =	vld [tilespmem:s1+$0x10];
	v20 =	vadd.f32 v20, v13;
	v18 =	vmul.f32 $1.442695020e+00, v23;
	(erf) = vrcp.f32 v3;
	v3 =	vpop (erf)  }
0x135: {  	s7 =	simm.s32 $0x5800;
	v19 =	vadd.f32 v22, v42;
	v3 =	vadd.f32 $1.000000000e+00, v3  }
0x136: {  	v50 =	vld [tilespmem:s7+$0x80];
	v11 =	vmul.f32 v11, v1;
	[tilespmem:s31+$0xFFFFFF20] =	vst v4;
	v4 =	vsub.f32 $0.0e+00, v16;
	(erf) = vpow2.f32 v18  }
0x137: {  	s2 =	simm.s32 $0x800;
	[tilespmem:s31+$0xFFFFFFA0] =	vst v2;
	v13 =	vld [tilespmem:s1+$0xD0];
	v2 =	vsub.f32 $0.0e+00, v20;
	(erf) = vrcp.f32 v3  }
0x138: {  	v32 =	vld [tilespmem:s2+$0xFFFFFF80];
	v4 =	vmul.f32 $1.442695020e+00, v4;
	v3 =	vadd.f32 v11, v43  }
0x139: {  	v56 =	vld [tilespmem:s2+$0xFFFFFF00];
	v15 =	vadd.f32 v15, v19;
	v2 =	vmul.f32 $1.442695020e+00, v2;
	v19 =	vpop (erf)  }
0x13a: {  	v60 =	vld [tilespmem:s7+$0xFFFFFF40];
	s13 =	simm.s32 $0x3000;
	v23 =	vpop (erf);
	(erf) = vpow2.f32 v4;
	v4 =	vmul.f32 v17, v1  }
0x13b: {  	v51 =	vld [tilespmem:s13+$0x80];
	v12 =	vsub.f32 $0.0e+00, v15;
	v44 =	vpop (erf)  }
0x13c: {  	v30 =	vld [tilespmem:s13+$0xFFFFFF00];
	[tilespmem:s31+$0x20] =	vst v3;
	v4 =	vadd.f32 v4, v13;
	v3 =	vpop (erf)  }
0x13d: {  	v34 =	vld [tilespmem:s13+$0xFFFFFF80];
	v46 =	vmul.f32 $1.442695020e+00, v12;
	v47 =	vpop (erf)  }
0x13e: {  	v35 =	vld [tilespmem:s2+$0x0];
	(erf) = vpow2.f32 v2;
	v3 =	vadd.f32 $1.000000000e+00, v3;
	v2 =	vpop (erf)  }
0x13f: {  	v37 =	vld [tilespmem:s13+$0x0];
	(erf) = vpow2.f32 v46;
	v49 =	vadd.f32 $1.000000000e+00, v47;
	v13 =	vpop (erf)  }
0x140: {  	v21 =	vld [tilespmem:s1+$0xFFFFFFD0];
	[tilespmem:s19+$0x90] =	vst v4;
	(erf) = vrcp.f32 v3;
	v3 =	vadd.f32 $1.000000000e+00, v13;
	v4 =	vpop (erf)  }
0x141: {  	(erf) = vrcp.f32 v49;
	v13 =	vld [tilespmem:s2+$0x80];
	[tilespmem:s22+$0xD0] =	vst v4  }
0x142: {  	(erf) = vrcp.f32 v3;
	v3 =	vld [tilespmem:s0+$0xD0]  }
0x143: {  	v10 =	vld [tilespmem:s17+$0xFFFFFF70]  }
0x144: {  	[tilespmem:s25+$0xF0] =	vst v5;
	v52 =	vld [tilespmem:s16+$0xF0]  }
0x145: {  	v9 =	vld [tilespmem:s8+$0xF0];
	v20 =	vmul.f32 v20, v1  }
0x146: {  	v22 =	vld [tilespmem:s1+$0x50];
	v13 =	vadd.f32 v51, v13  }
0x147: {  	v20 =	vadd.f32 v20, v21;
	v21 =	vld [tilespmem:s7+$0xFFFFFF80];
	v31 =	vpop (erf);
	v36 =	vmul.f32 v4, v3  }
0x148: {  	v14 =	vmul.f32 v14, v1;
	v18 =	vld [tilespmem:s1+$0xFFFFFF50];
	v33 =	vpop (erf);
	v27 =	vadd.f32 v50, v13  }
0x149: {  	v12 =	vld [tilespmem:s17+$0x70];
	v53 =	vadd.f32 $1.000000000e+00, v31;
	v54 =	vadd.f32 $1.000000000e+00, v33;
	[tilespmem:s22+$0x90] =	vst v36  }
0x14a: {  	v55 =	vpop (erf);
	v13 =	vadd.f32 v14, v52;
	v57 =	vsub.f32 $0.0e+00, v27;
	v58 =	vld [tilespmem:s0+$0xA0]  }
0x14b: {  	v16 =	vmul.f32 v16, v1;
	[tilespmem:s30+$0xFFFFFF60] =	vst v19;
	(erf) = vrcp.f32 v53;
	v14 =	vadd.f32 $1.000000000e+00, v55;
	v3 =	vpop (erf);
	v59 =	vld [tilespmem:s14+$0xA0]  }
0x14c: {  	v45 =	vld [tilespmem:s26+$0xFFFFFF60];
	v4 =	vpop (erf);
	(erf) = vrcp.f32 v54;
	v29 =	vmul.f32 $1.442695020e+00, v57  }
0x14d: {  	[tilespmem:s19+$0xFFFFFF90] =	vst v20;
	(erf) = vrcp.f32 v14;
	v36 =	vld [tilespmem:s1+$0xA0]  }
0x14e: {  	v15 =	vmul.f32 v15, v1;
	v16 =	vadd.f32 v16, v18;
	v18 =	vld [tilespmem:s7+$0xFFFFFF00];
	[tilespmem:s31+$0xB0] =	vst v13;
	v13 =	vpop (erf);
	(erf) = vpow2.f32 v29  }
0x14f: {  	v11 =	vld [tilespmem:s17+$0xFFFFFFF0];
	[tilespmem:s30+$0xFFFFFFE0] =	vst v23  }
0x150: {  	v15 =	vadd.f32 v15, v22;
	v17 =	vld [tilespmem:s26+$0xFFFFFFE0];
	[tilespmem:s30+$0x60] =	vst v44;
	v22 =	vadd.f32 v59, v58  }
0x151: {  	v20 =	vadd.f32 v30, v56;
	[tilespmem:s19+$0xFFFFFF10] =	vst v16;
	v16 =	vld [tilespmem:s7+$0x0]  }
0x152: {  	v61 =	vadd.f32 v34, v32;
	v48 =	vld [tilespmem:s26+$0x60];
	v19 =	vmul.f32 v19, v45;
	v22 =	vadd.f32 v36, v22  }
0x153: {  	v63 =	vadd.f32 v37, v35;
	v7 =	vmul.f32 v7, v1;
	[tilespmem:s19+$0x10] =	vst v15;
	v45 =	vld [tilespmem:s7+$0xC0];
	v18 =	vadd.f32 v18, v20  }
0x154: {  	v21 =	vadd.f32 v21, v61;
	v20 =	vld [tilespmem:s7+$0x40];
	[tilespmem:s30+$0xFFFFFF20] =	vst v19;
	v15 =	vpop (erf);
	v38 =	vsub.f32 $0.0e+00, v22  }
0x155: {  	v7 =	vadd.f32 v7, v11;
	v39 =	vsub.f32 $0.0e+00, v18;
	v11 =	vld [tilespmem:s16+$0xFFFFFF70];
	[tilespmem:s22+$0xFFFFFF50] =	vst v15;
	v62 =	vpop (erf)  }
0x156: {  	v17 =	vmul.f32 v23, v17;
	v16 =	vadd.f32 v16, v63;
	v37 =	vld [tilespmem:s0+$0xFFFFFF50];
	[tilespmem:s22+$0xFFFFFFD0] =	vst v62;
	v36 =	vpop (erf);
	v23 =	vmul.f32 $1.442695020e+00, v38  }
0x157: {  	v41 =	vsub.f32 $0.0e+00, v21;
	v24 =	vmul.f32 v44, v48;
	v42 =	vmul.f32 $1.442695020e+00, v39;
	v40 =	vld [tilespmem:s0+$0xFFFFFFD0];
	v43 =	vpop (erf)  }
0x158: {  	[tilespmem:s30+$0xFFFFFFA0] =	vst v17;
	v44 =	vld [tilespmem:s26+$0xFFFFFF30];
	v17 =	vsub.f32 $0.0e+00, v16;
	v30 =	vadd.f32 $1.000000000e+00, v43;
	(erf) = vpow2.f32 v23  }
0x159: {  	v25 =	vmul.f32 $1.442695020e+00, v41;
	v28 =	vld [tilespmem:s26+$0xFFFFFFB0];
	[tilespmem:s30+$0x20] =	vst v24;
	(erf) = vpow2.f32 v42  }
0x15a: {  	v24 =	vld [tilespmem:s10+$0xFFFFFFB0];
	v17 =	vmul.f32 $1.442695020e+00, v17;
	[tilespmem:s22+$0x50] =	vst v36;
	(erf) = vrcp.f32 v30  }
0x15b: {  	v19 =	vld [tilespmem:s0+$0x50];
	v15 =	vmul.f32 v15, v37;
	(erf) = vpow2.f32 v25  }
0x15c: {  	v57 =	vld [tilespmem:s1+$0xE0];
	(erf) = vpow2.f32 v17;
	v17 =	vmul.f32 v62, v40  }
0x15d: {  	v29 =	vld [tilespmem:s7+$0xFFFFFFC0];
	[tilespmem:s22+$0xFFFFFF10] =	vst v15  }
0x15e: {  	v15 =	vld [tilespmem:s10+$0x30];
	[tilespmem:s22+$0xFFFFFF90] =	vst v17;
	v17 =	vmul.f32 v27, v1  }
0x15f: {  	v23 =	vld [tilespmem:s10+$0xFFFFFF30]  }
0x160: {  	v46 =	vld [tilespmem:s0+$0xFFFFFF20];
	v19 =	vmul.f32 v36, v19;
	v17 =	vadd.f32 v17, v45  }
0x161: {  	v47 =	vld [tilespmem:s14+$0xFFFFFF20];
	v49 =	vpop (erf)  }
0x162: {  	v38 =	vld [tilespmem:s1+$0xFFFFFF20];
	[tilespmem:s22+$0x10] =	vst v19;
	v30 =	vadd.f32 $1.000000000e+00, v49  }
0x163: {  	s12 =	simm.s32 $0xA800;
	v51 =	vld [tilespmem:s0+$0x20];
	v50 =	vpop (erf)  }
0x164: {  	s10 =	simm.s32 $0x8000;
	v48 =	vld [tilespmem:s0+$0xFFFFFFA0];
	[tilespmem:s12+$0x80] =	vst v17;
	v33 =	vadd.f32 $1.000000000e+00, v50;
	v17 =	vpop (erf);
	(erf) = vrcp.f32 v30  }
0x165: {  	v18 =	vmul.f32 v18, v1;
	v19 =	vld [tilespmem:s14+$0xFFFFFFA0];
	[tilespmem:s10+$0xC0] =	vst v17  }
0x166: {  	v21 =	vmul.f32 v21, v1;
	(erf) = vrcp.f32 v33;
	v55 =	vld [tilespmem:s2+$0xC0]  }
0x167: {  	v18 =	vadd.f32 v18, v60;
	v22 =	vmul.f32 v22, v1;
	v52 =	vld [tilespmem:s14+$0x20];
	v53 =	vpop (erf)  }
0x168: {  	v16 =	vmul.f32 v16, v1;
	[tilespmem:s30+$0xF0] =	vst v13;
	v21 =	vadd.f32 v21, v29;
	v58 =	vld [tilespmem:s1+$0xFFFFFFA0];
	v54 =	vadd.f32 $1.000000000e+00, v53;
	v39 =	vpop (erf)  }
0x169: {  	v14 =	vld [tilespmem:s26+$0xF0];
	v22 =	vadd.f32 v22, v57;
	v56 =	vadd.f32 $1.000000000e+00, v39  }
0x16a: {  	[tilespmem:s12+$0xFFFFFF00] =	vst v18;
	v16 =	vadd.f32 v16, v20;
	v59 =	vadd.f32 v47, v46;
	v60 =	vld [tilespmem:s1+$0x20];
	(erf) = vrcp.f32 v54  }
0x16b: {  	[tilespmem:s12+$0xFFFFFF80] =	vst v21;
	v61 =	vld [tilespmem:s1+$0xFFFFFF60];
	v18 =	vadd.f32 v19, v48;
	(erf) = vrcp.f32 v56;
	v17 =	vmul.f32 v17, v55  }
0x16c: {  	[tilespmem:s19+$0xA0] =	vst v22;
	v25 =	vld [tilespmem:s26+$0x30];
	v19 =	vadd.f32 v38, v59  }
0x16d: {  	v21 =	vadd.f32 v52, v51;
	[tilespmem:s10+$0x80] =	vst v17;
	v17 =	vadd.f32 v58, v18;
	v18 =	vld [tilespmem:s16+$0xFFFFFF30];
	v22 =	vpop (erf)  }
0x16e: {  	v38 =	vsub.f32 $0.0e+00, v19;
	v20 =	vld [tilespmem:s2+$0x90];
	[tilespmem:s22+$0xE0] =	vst v22  }
0x16f: {  	[tilespmem:s12+$0x0] =	vst v16;
	v21 =	vadd.f32 v60, v21;
	v16 =	vpop (erf);
	v43 =	vld [tilespmem:s0+$0xE0]  }
0x170: {  	v23 =	vadd.f32 v23, v44;
	v39 =	vmul.f32 $1.442695020e+00, v38;
	v40 =	vld [tilespmem:s13+$0x90];
	v41 =	vsub.f32 $0.0e+00, v17;
	[tilespmem:s10+$0xFFFFFF40] =	vst v16  }
0x171: {  	v42 =	vsub.f32 $0.0e+00, v21;
	v46 =	vld [tilespmem:s2+$0xFFFFFF40]  }
0x172: {  	(erf) = vpow2.f32 v39;
	v44 =	vld [tilespmem:s7+$0x90];
	v32 =	vmul.f32 $1.442695020e+00, v41;
	v18 =	vadd.f32 v18, v23  }
0x173: {  	v6 =	vmul.f32 v6, v1;
	v52 =	vld [tilespmem:s16+$0x30];
	v33 =	vmul.f32 $1.442695020e+00, v42;
	v45 =	vpop (erf)  }
0x174: {  	v50 =	vld [tilespmem:s16+$0xFFFFFFB0];
	[tilespmem:s10+$0xFFFFFFC0] =	vst v45;
	v23 =	vpop (erf);
	(erf) = vpow2.f32 v32;
	v49 =	vsub.f32 $0.0e+00, v18;
	v22 =	vmul.f32 v22, v43  }
0x175: {  	v8 =	vmul.f32 v8, v1;
	v47 =	vld [tilespmem:s2+$0xFFFFFFC0];
	[tilespmem:s10+$0x40] =	vst v23;
	v20 =	vadd.f32 v40, v20;
	(erf) = vpow2.f32 v33  }
0x176: {  	v6 =	vadd.f32 v6, v10;
	v48 =	vld [tilespmem:s2+$0x40];
	v10 =	vmul.f32 v16, v46;
	v51 =	vmul.f32 $1.442695020e+00, v49;
	[tilespmem:s22+$0xA0] =	vst v22  }
0x177: {  	v20 =	vadd.f32 v44, v20;
	v16 =	vld [tilespmem:s0+$0xB0]  }
0x178: {  	v5 =	vmul.f32 v5, v9;
	v8 =	vadd.f32 v8, v12;
	[tilespmem:s10+$0xFFFFFF00] =	vst v10;
	v10 =	vld [tilespmem:s14+$0xB0];
	(erf) = vpow2.f32 v51  }
0x179: {  	v13 =	vmul.f32 v13, v14;
	v63 =	vld [tilespmem:s1+$0x60];
	v19 =	vmul.f32 v19, v1;
	v12 =	vsub.f32 $0.0e+00, v20  }
0x17a: {  	[tilespmem:s15+$0xFFFFFF30] =	vst v6;
	v62 =	vld [tilespmem:s1+$0xFFFFFFE0];
	v15 =	vadd.f32 v15, v25;
	v6 =	vmul.f32 v21, v1;
	v22 =	vadd.f32 v24, v28  }
0x17b: {  	v9 =	vadd.f32 v19, v61;
	v54 =	vpop (erf);
	v56 =	vld [tilespmem:s1+$0xB0];
	v53 =	vmul.f32 v45, v47;
	v12 =	vmul.f32 $1.442695020e+00, v12  }
0x17c: {  	[tilespmem:s25+$0xB0] =	vst v5;
	v19 =	vadd.f32 $1.000000000e+00, v54;
	v55 =	vld [tilespmem:s2+$0xFFFFFF10];
	v22 =	vadd.f32 v50, v22;
	v23 =	vmul.f32 v23, v48  }
0x17d: {  	v15 =	vadd.f32 v52, v15;
	[tilespmem:s10+$0xFFFFFF80] =	vst v53;
	(erf) = vpow2.f32 v12;
	v12 =	vld [tilespmem:s13+$0xFFFFFF10];
	v5 =	vpop (erf);
	v10 =	vadd.f32 v10, v16  }
0x17e: {  	[tilespmem:s10+$0x0] =	vst v23;
	v23 =	vld [tilespmem:s13+$0xFFFFFF90];
	(erf) = vrcp.f32 v19;
	v16 =	vsub.f32 $0.0e+00, v22;
	v5 =	vadd.f32 $1.000000000e+00, v5;
	v14 =	vpop (erf)  }
0x17f: {  	[tilespmem:s15+$0xFFFFFFB0] =	vst v7;
	v7 =	vadd.f32 v6, v63;
	v19 =	vld [tilespmem:s2+$0xFFFFFF90];
	v14 =	vadd.f32 $1.000000000e+00, v14  }
0x180: {  	v57 =	vsub.f32 $0.0e+00, v15;
	v21 =	vld [tilespmem:s2+$0x10];
	v6 =	vmul.f32 $1.442695020e+00, v16;
	(erf) = vrcp.f32 v5  }
0x181: {  	[tilespmem:s15+$0x30] =	vst v8;
	v8 =	vmul.f32 v18, v1;
	v5 =	vadd.f32 v56, v10;
	(erf) = vrcp.f32 v14;
	v14 =	vld [tilespmem:s7+$0xFFFFFF10];
	v18 =	vpop (erf)  }
0x182: {  	v17 =	vmul.f32 v17, v1;
	v10 =	vld [tilespmem:s13+$0x10];
	(erf) = vpow2.f32 v6;
	v6 =	vadd.f32 $1.000000000e+00, v18  }
0x183: {  	[tilespmem:s25+$0xFFFFFF70] =	vst v2;
	v58 =	vld [tilespmem:s7+$0xFFFFFF90];
	v16 =	vmul.f32 $1.442695020e+00, v57;
	v25 =	vsub.f32 $0.0e+00, v5  }
0x184: {  	[tilespmem:s30+$0xB0] =	vst v13;
	v17 =	vadd.f32 v17, v62;
	v12 =	vadd.f32 v12, v55;
	v18 =	vld [tilespmem:s7+$0x10]  }
0x185: {  	[tilespmem:s19+$0x20] =	vst v7;
	v7 =	vld [tilespmem:s16+$0x70];
	v8 =	vadd.f32 v8, v11;
	(erf) = vpow2.f32 v16;
	v16 =	vmul.f32 $1.442695020e+00, v25  }
0x186: {  	[tilespmem:s19+$0xFFFFFF20] =	vst v9;
	v59 =	vld [tilespmem:s7+$0xFFFFFF50];
	v13 =	vadd.f32 v23, v19;
	(erf) = vrcp.f32 v6;
	v9 =	vadd.f32 v14, v12;
	v6 =	vpop (erf)  }
0x187: {  	[tilespmem:s25+$0xFFFFFFF0] =	vst v3;
	v19 =	vld [tilespmem:s7+$0xFFFFFFD0];
	v10 =	vadd.f32 v10, v21;
	v14 =	vadd.f32 $1.000000000e+00, v6;
	v21 =	vpop (erf);
	(erf) = vpow2.f32 v16  }
0x188: {  	[tilespmem:s25+$0x70] =	vst v4;
	v11 =	vadd.f32 v58, v13;
	v12 =	vld [tilespmem:s7+$0x50];
	v6 =	vmul.f32 v15, v1;
	v15 =	vsub.f32 $0.0e+00, v9  }
0x189: {  	v60 =	vld [tilespmem:s7+$0xD0];
	v10 =	vadd.f32 v18, v10;
	v9 =	vmul.f32 v9, v1;
	[tilespmem:s22+$0xFFFFFF60] =	vst v21;
	(erf) = vrcp.f32 v14  }
0x18a: {  	[tilespmem:s19+$0xFFFFFFA0] =	vst v17;
	v18 =	vmul.f32 v11, v1;
	v11 =	vsub.f32 $0.0e+00, v11;
	v17 =	vpop (erf);
	v14 =	vld [tilespmem:s0+$0xFFFFFF60];
	v15 =	vmul.f32 $1.442695020e+00, v15  }
0x18b: {  	v62 =	vmul.f32 v20, v1;
	v13 =	vld [tilespmem:s16+$0xFFFFFFF0];
	[tilespmem:s22+$0xFFFFFFE0] =	vst v17;
	v16 =	vpop (erf);
	v23 =	vmul.f32 v10, v1;
	v10 =	vsub.f32 $0.0e+00, v10  }
0x18c: {  	v9 =	vadd.f32 v9, v59;
	v61 =	vadd.f32 v18, v19;
	v11 =	vmul.f32 $1.442695020e+00, v11;
	[tilespmem:s22+$0x60] =	vst v16;
	v19 =	vld [tilespmem:s0+$0xFFFFFFE0]  }
0x18d: {  	[tilespmem:s31+$0xFFFFFF30] =	vst v8;
	v8 =	vpop (erf);
	v12 =	vadd.f32 v23, v12;
	v23 =	vmul.f32 $1.442695020e+00, v10;
	(erf) = vpow2.f32 v15;
	v18 =	vld [tilespmem:s0+$0x60]  }
0x18e: {  	v22 =	vmul.f32 v22, v1;
	[tilespmem:s12+$0xFFFFFF10] =	vst v9;
	v63 =	vadd.f32 $1.000000000e+00, v8;
	v10 =	vld [tilespmem:s8+$0xFFFFFF70];
	(erf) = vpow2.f32 v11;
	v15 =	vpop (erf)  }
0x18f: {  	[tilespmem:s12+$0xFFFFFF90] =	vst v61;
	v9 =	vld [tilespmem:s8+$0xFFFFFFF0];
	(erf) = vpow2.f32 v23;
	v8 =	vpop (erf);
	v20 =	vmul.f32 v21, v14;
	v11 =	vadd.f32 $1.000000000e+00, v15  }
0x190: {  	s15 =	simm.s32 $0xC;
	s16 =	simm.s32 $0x5A00;
	[tilespmem:s12+$0x10] =	vst v12;
	v12 =	vadd.f32 v22, v13;
	v13 =	vld [tilespmem:s8+$0x70];
	s8 =	simm.s32 $0x3000;
	v14 =	vadd.f32 v62, v60;
	(erf) = vrcp.f32 v63;
	v15 =	vpop (erf)  }
.LBB2_3:
0x191: {  	v21 =	vld [tilespmem:s16+$0x80];
	[tilespmem:s22+$0xFFFFFF20] =	vst v20;
	v17 =	vmul.f32 v17, v19;
	v15 =	vadd.f32 $1.000000000e+00, v15;
	(erf) = vrcp.f32 v11;
	s17 =	smov.u32 s2;
	s2 =	sadd.s32 $0x200, s2  }
0x192: {  	s13 =	sadd.s32 $0x200, s13;
	v6 =	vadd.f32 v6, v7;
	v11 =	vld [tilespmem:s2+$0x80];
	[tilespmem:s12+$0x90] =	vst v14;
	v14 =	vpop (erf);
	v16 =	vmul.f32 v16, v18  }
0x193: {  	v7 =	vld [tilespmem:s13+$0x80];
	[tilespmem:s10+$0xD0] =	vst v14;
	(erf) = vrcp.f32 v15;
	v10 =	vmul.f32 v2, v10;
	v2 =	vmov v8  }
0x194: {  	v8 =	vld [tilespmem:s17+$0xD0];
	[tilespmem:s22+$0xFFFFFFA0] =	vst v17;
	v9 =	vmul.f32 v3, v9  }
0x195: {  	[tilespmem:s22+$0x20] =	vst v16;
	v15 =	vld [tilespmem:s1+$0xF0];
	v13 =	vmul.f32 v4, v13  }
0x196: {  	s15 =	sadd.s32 $0x4, s15;
	v16 =	vld [tilespmem:s13+$0xFFFFFF00];
	v3 =	vpop (erf);
	[tilespmem:s30+$0xFFFFFF70] =	vst v2  }
0x197: {  	p0 =	slt.u32 s15, $0x24;
	v17 =	vld [tilespmem:s2+$0xFFFFFF80];
	v18 =	vadd.f32 $1.000000000e+00, v3;
	v4 =	vpop (erf);
	[tilespmem:s31+$0xFFFFFFB0] =	vst v12  }
0x198: {  	v5 =	vmul.f32 v5, v1;
	v12 =	vld [tilespmem:s13+$0xFFFFFF80];
	v7 =	vadd.f32 v7, v11;
	v19 =	vadd.f32 $1.000000000e+00, v4;
	v11 =	vpop (erf);
	[tilespmem:s31+$0x30] =	vst v6;
	s31 =	smov.u32 s19;
	s19 =	smov.u32 s12  }
0x199: {  	v6 =	vld [tilespmem:s2+$0x0];
	v11 =	vadd.f32 $1.000000000e+00, v11;
	v8 =	vmul.f32 v14, v8;
	(erf) = vrcp.f32 v18;
	v3 =	vpop (erf);
	[tilespmem:s25+$0xFFFFFF30] =	vst v10  }
0x19a: {  	v10 =	vld [tilespmem:s13+$0x0];
	v7 =	vadd.f32 v21, v7;
	(erf) = vrcp.f32 v19;
	v15 =	vadd.f32 v5, v15;
	[tilespmem:s30+$0xFFFFFFF0] =	vst v3;
	v4 =	vpop (erf)  }
0x19b: {  	v14 =	vld [tilespmem:s2+$0xFFFFFF00];
	[tilespmem:s10+$0x90] =	vst v8;
	(erf) = vrcp.f32 v11  }
0x19c: {  	v8 =	vsub.f32 $0.0e+00, v7;
	v11 =	vld [tilespmem:s17+$0xA0];
	[tilespmem:s31+$0xB0] =	vst v15;
	v5 =	vpop (erf)  }
0x19d: {  	v12 =	vadd.f32 v12, v17;
	v15 =	vld [tilespmem:s8+$0xA0];
	[tilespmem:s22+$0xF0] =	vst v5  }
0x19e: {  	v8 =	vmul.f32 $1.442695020e+00, v8;
	v17 =	vld [tilespmem:s0+$0xF0];
	[tilespmem:s30+$0x70] =	vst v4  }
0x19f: {  	v6 =	vadd.f32 v10, v6;
	v10 =	vld [tilespmem:s7+$0xA0];
	[tilespmem:s25+$0xFFFFFFB0] =	vst v9  }
0x1a0: {  	v9 =	vadd.f32 v16, v14;
	v14 =	vld [tilespmem:s16+$0xFFFFFF00];
	(erf) = vpow2.f32 v8;
	[tilespmem:s25+$0x30] =	vst v13;
	s25 =	smov.u32 s30;
	s30 =	smov.u32 s22;
	s22 =	smov.u32 s10  }
0x1a1: {  	v8 =	vld [tilespmem:s16+$0xFFFFFF80]  }
0x1a2: {  	v13 =	vld [tilespmem:s16+$0x0];
	v19 =	vadd.f32 v15, v11;
	v15 =	vpop (erf)  }
0x1a3: {  	v16 =	vld [tilespmem:s16+$0xFFFFFF40];
	[tilespmem:s10+$0xFFFFFF50] =	vst v15;
	v18 =	vpop (erf);
	v5 =	vmul.f32 v5, v17  }
0x1a4: {  	v17 =	vld [tilespmem:s16+$0xFFFFFFC0];
	[tilespmem:s10+$0xFFFFFFD0] =	vst v18;
	v10 =	vadd.f32 v10, v19;
	v11 =	vpop (erf)  }
0x1a5: {  	v9 =	vadd.f32 v14, v9;
	v14 =	vld [tilespmem:s16+$0x40];
	[tilespmem:s30+$0xB0] =	vst v5  }
0x1a6: {  	v5 =	vadd.f32 v8, v12;
	v8 =	vld [tilespmem:s17+$0xFFFFFF50];
	[tilespmem:s10+$0x50] =	vst v11;
	v12 =	vsub.f32 $0.0e+00, v10  }
0x1a7: {  	v19 =	vmul.f32 v9, v1;
	v9 =	vsub.f32 $0.0e+00, v9;
	v6 =	vadd.f32 v13, v6;
	v13 =	vld [tilespmem:s17+$0xFFFFFFD0]  }
0x1a8: {  	v20 =	vmul.f32 v5, v1;
	v5 =	vsub.f32 $0.0e+00, v5;
	v21 =	vld [tilespmem:s17+$0x50];
	v12 =	vmul.f32 $1.442695020e+00, v12  }
0x1a9: {  	v9 =	vmul.f32 $1.442695020e+00, v9;
	v22 =	vmul.f32 v6, v1;
	v6 =	vsub.f32 $0.0e+00, v6;
	v23 =	vpop (erf);
	v24 =	vld [tilespmem:s0+$0xFFFFFF30]  }
0x1aa: {  	v5 =	vmul.f32 $1.442695020e+00, v5;
	v23 =	vadd.f32 $1.000000000e+00, v23;
	(erf) = vpow2.f32 v12;
	v12 =	vld [tilespmem:s14+$0xFFFFFF30]  }
0x1ab: {  	v16 =	vadd.f32 v19, v16;
	v6 =	vmul.f32 $1.442695020e+00, v6;
	(erf) = vpow2.f32 v9;
	v9 =	vld [tilespmem:s0+$0xFFFFFFB0]  }
0x1ac: {  	v17 =	vadd.f32 v20, v17;
	v14 =	vadd.f32 v22, v14;
	(erf) = vrcp.f32 v23;
	v19 =	vld [tilespmem:s14+$0xFFFFFFB0]  }
0x1ad: {  	(erf) = vpow2.f32 v5;
	v5 =	vmul.f32 v15, v8;
	v8 =	vld [tilespmem:s0+$0x30]  }
0x1ae: {  	v15 =	vld [tilespmem:s16+$0xC0];
	(erf) = vpow2.f32 v6;
	v6 =	vmul.f32 v18, v13  }
0x1af: {  	[tilespmem:s10+$0xFFFFFF10] =	vst v5;
	v5 =	vmul.f32 v11, v21;
	v11 =	vadd.f32 v12, v24;
	v12 =	vld [tilespmem:s14+$0x30];
	s14 =	smov.u32 s8;
	s8 =	smov.u32 s13  }
0x1b0: {  	v13 =	vld [tilespmem:s17+$0xFFFFFF20];
	[tilespmem:s10+$0xFFFFFF90] =	vst v6  }
0x1b1: {  	v6 =	vmul.f32 v7, v1;
	v7 =	vld [tilespmem:s14+$0xFFFFFF20];
	[tilespmem:s10+$0x10] =	vst v5;
	v5 =	vadd.f32 v19, v9  }
0x1b2: {  	v9 =	vld [tilespmem:s17+$0xFFFFFFA0]  }
0x1b3: {  	v23 =	vadd.f32 v6, v15;
	v15 =	vld [tilespmem:s14+$0xFFFFFFA0];
	v18 =	vpop (erf)  }
0x1b4: {  	s12 =	sadd.s32 $0x200, s12;
	v19 =	vpop (erf);
	v20 =	vld [tilespmem:s17+$0x20];
	v18 =	vadd.f32 $1.000000000e+00, v18;
	v8 =	vadd.f32 v12, v8  }
0x1b5: {  	s10 =	sadd.s32 $0x200, s10;
	v22 =	vadd.f32 $1.000000000e+00, v19;
	[tilespmem:s12+$0x80] =	vst v23;
	v6 =	vpop (erf);
	v19 =	vld [tilespmem:s14+$0x20]  }
0x1b6: {  	[tilespmem:s10+$0xC0] =	vst v6;
	v21 =	vpop (erf);
	v7 =	vadd.f32 v7, v13;
	v13 =	vld [tilespmem:s7+$0xFFFFFF20];
	(erf) = vrcp.f32 v18  }
0x1b7: {  	[tilespmem:s12+$0xFFFFFF00] =	vst v16;
	v16 =	vadd.f32 $1.000000000e+00, v21;
	v18 =	vld [tilespmem:s2+$0xC0];
	(erf) = vrcp.f32 v22;
	v12 =	vpop (erf)  }
0x1b8: {  	[tilespmem:s12+$0xFFFFFF80] =	vst v17;
	v12 =	vadd.f32 $1.000000000e+00, v12;
	v9 =	vadd.f32 v15, v9;
	v15 =	vld [tilespmem:s7+$0xE0]  }
0x1b9: {  	[tilespmem:s12+$0x0] =	vst v14;
	(erf) = vrcp.f32 v16;
	v14 =	vld [tilespmem:s7+$0xFFFFFFA0]  }
0x1ba: {  	(erf) = vrcp.f32 v12;
	v12 =	vadd.f32 v19, v20;
	v16 =	vld [tilespmem:s7+$0x20]  }
0x1bb: {  	v10 =	vmul.f32 v10, v1;
	v7 =	vadd.f32 v13, v7;
	v13 =	vld [tilespmem:s7+$0xFFFFFF60]  }
0x1bc: {  	v6 =	vmul.f32 v6, v18;
	v17 =	vld [tilespmem:s7+$0xFFFFFFE0]  }
0x1bd: {  	v18 =	vmul.f32 v7, v1;
	v7 =	vsub.f32 $0.0e+00, v7;
	v19 =	vld [tilespmem:s7+$0x60];
	v15 =	vadd.f32 v10, v15  }
0x1be: {  	[tilespmem:s10+$0x80] =	vst v6;
	v6 =	vadd.f32 v14, v9;
	v9 =	vld [tilespmem:s1+$0xFFFFFF30]  }
0x1bf: {  	v14 =	vld [tilespmem:s2+$0x90];
	v7 =	vmul.f32 $1.442695020e+00, v7;
	v12 =	vadd.f32 v16, v12;
	[tilespmem:s19+$0xA0] =	vst v15;
	v10 =	vpop (erf)  }
0x1c0: {  	v15 =	vld [tilespmem:s13+$0x90];
	v16 =	vpop (erf);
	v13 =	vadd.f32 v18, v13;
	v23 =	vmul.f32 v6, v1;
	v6 =	vsub.f32 $0.0e+00, v6;
	[tilespmem:s22+$0xE0] =	vst v10  }
0x1c1: {  	[tilespmem:s10+$0xFFFFFF40] =	vst v16;
	v20 =	vmul.f32 v12, v1;
	v12 =	vsub.f32 $0.0e+00, v12;
	v21 =	vld [tilespmem:s17+$0xE0];
	(erf) = vpow2.f32 v7  }
0x1c2: {  	v7 =	vld [tilespmem:s16+$0x90];
	v22 =	vpop (erf);
	[tilespmem:s19+$0xFFFFFF20] =	vst v13;
	v13 =	vadd.f32 v23, v17;
	v6 =	vmul.f32 $1.442695020e+00, v6  }
0x1c3: {  	v17 =	vld [tilespmem:s2+$0xFFFFFF40];
	[tilespmem:s10+$0xFFFFFFC0] =	vst v22;
	v18 =	vpop (erf);
	v19 =	vadd.f32 v20, v19;
	v12 =	vmul.f32 $1.442695020e+00, v12;
	v9 =	vadd.f32 v9, v11  }
0x1c4: {  	v11 =	vld [tilespmem:s2+$0xFFFFFFC0];
	[tilespmem:s10+$0x40] =	vst v18;
	(erf) = vpow2.f32 v6  }
0x1c5: {  	v6 =	vld [tilespmem:s2+$0x40];
	v14 =	vadd.f32 v15, v14;
	[tilespmem:s19+$0xFFFFFFA0] =	vst v13;
	(erf) = vpow2.f32 v12;
	v12 =	vsub.f32 $0.0e+00, v9  }
0x1c6: {  	v9 =	vmul.f32 v9, v1;
	[tilespmem:s19+$0x20] =	vst v19;
	v10 =	vmul.f32 v10, v21;
	v13 =	vld [tilespmem:s1+$0xFFFFFFB0]  }
0x1c7: {  	v14 =	vadd.f32 v7, v14;
	v7 =	vmul.f32 $1.442695020e+00, v12;
	v12 =	vld [tilespmem:s1+$0x30]  }
0x1c8: {  	v19 =	vmul.f32 v16, v17;
	[tilespmem:s22+$0xA0] =	vst v10;
	v10 =	vld [tilespmem:s1+$0xFFFFFF70]  }
0x1c9: {  	v11 =	vmul.f32 v22, v11;
	v16 =	vsub.f32 $0.0e+00, v14;
	v17 =	vld [tilespmem:s17+$0xB0];
	(erf) = vpow2.f32 v7  }
0x1ca: {  	[tilespmem:s10+$0xFFFFFF00] =	vst v19;
	v6 =	vmul.f32 v18, v6;
	v7 =	vld [tilespmem:s14+$0xB0];
	v15 =	vpop (erf)  }
0x1cb: {  	v18 =	vld [tilespmem:s2+$0xFFFFFF10];
	[tilespmem:s10+$0xFFFFFF80] =	vst v11;
	v16 =	vmul.f32 $1.442695020e+00, v16;
	v19 =	vadd.f32 $1.000000000e+00, v15;
	v5 =	vadd.f32 v13, v5  }
0x1cc: {  	[tilespmem:s10+$0x0] =	vst v6;
	v6 =	vld [tilespmem:s7+$0xB0];
	v8 =	vadd.f32 v12, v8  }
0x1cd: {  	v12 =	vld [tilespmem:s13+$0xFFFFFF10];
	(erf) = vpow2.f32 v16;
	v11 =	vpop (erf);
	v13 =	vmul.f32 v5, v1;
	v5 =	vsub.f32 $0.0e+00, v5  }
0x1ce: {  	v16 =	vld [tilespmem:s2+$0xFFFFFF90];
	v11 =	vadd.f32 $1.000000000e+00, v11;
	(erf) = vrcp.f32 v19;
	v15 =	vpop (erf);
	v19 =	vsub.f32 $0.0e+00, v8  }
0x1cf: {  	v20 =	vld [tilespmem:s13+$0xFFFFFF90];
	v15 =	vadd.f32 $1.000000000e+00, v15;
	v7 =	vadd.f32 v7, v17;
	v17 =	vmul.f32 $1.442695020e+00, v5  }
0x1d0: {  	v22 =	vadd.f32 v9, v10;
	v21 =	vld [tilespmem:s2+$0x10];
	(erf) = vrcp.f32 v11;
	v10 =	vmul.f32 $1.442695020e+00, v19  }
0x1d1: {  	v11 =	vld [tilespmem:s13+$0x10];
	v5 =	vadd.f32 v6, v7;
	(erf) = vrcp.f32 v15;
	v6 =	vmul.f32 v8, v1  }
0x1d2: {  	v7 =	vadd.f32 v12, v18;
	v8 =	vld [tilespmem:s16+$0xFFFFFF10];
	[tilespmem:s31+$0xFFFFFF30] =	vst v22;
	v9 =	vpop (erf);
	(erf) = vpow2.f32 v17  }
0x1d3: {  	v12 =	vld [tilespmem:s16+$0xFFFFFF90];
	v15 =	vsub.f32 $0.0e+00, v5;
	v9 =	vadd.f32 $1.000000000e+00, v9;
	(erf) = vpow2.f32 v10  }
0x1d4: {  	v10 =	vadd.f32 v20, v16;
	v16 =	vld [tilespmem:s16+$0x10]  }
0x1d5: {  	v18 =	vld [tilespmem:s16+$0xFFFFFF50];
	v15 =	vmul.f32 $1.442695020e+00, v15;
	(erf) = vrcp.f32 v9  }
0x1d6: {  	v9 =	vld [tilespmem:s16+$0xFFFFFFD0];
	v11 =	vadd.f32 v11, v21;
	v17 =	vpop (erf)  }
0x1d7: {  	v7 =	vadd.f32 v8, v7;
	v8 =	vld [tilespmem:s16+$0x50];
	v19 =	vadd.f32 $1.000000000e+00, v17;
	v20 =	vpop (erf);
	(erf) = vpow2.f32 v15  }
0x1d8: {  	v10 =	vadd.f32 v12, v10;
	[tilespmem:s22+$0xFFFFFF60] =	vst v20;
	v12 =	vld [tilespmem:s1+$0xFFFFFFF0]  }
0x1d9: {  	v15 =	vsub.f32 $0.0e+00, v7;
	v11 =	vadd.f32 v16, v11;
	(erf) = vrcp.f32 v19;
	v21 =	vld [tilespmem:s17+$0xFFFFFF60];
	v17 =	vpop (erf)  }
0x1da: {  	v19 =	vmul.f32 v7, v1;
	v27 =	vmul.f32 v10, v1;
	v10 =	vsub.f32 $0.0e+00, v10;
	[tilespmem:s22+$0xFFFFFFE0] =	vst v17;
	v16 =	vpop (erf);
	v7 =	vld [tilespmem:s1+$0x70];
	s1 =	smov.u32 s7;
	s7 =	smov.u32 s16  }
0x1db: {  	v15 =	vmul.f32 $1.442695020e+00, v15;
	v23 =	vmul.f32 v11, v1;
	v11 =	vsub.f32 $0.0e+00, v11;
	v24 =	vld [tilespmem:s16+$0xD0];
	[tilespmem:s22+$0x60] =	vst v16;
	v25 =	vpop (erf)  }
.Ltmp0:
0x1dc: {  	v26 =	vadd.f32 v19, v18;
	v9 =	vadd.f32 v27, v9;
	v10 =	vmul.f32 $1.442695020e+00, v10;
	v19 =	vld [tilespmem:s17+$0xFFFFFFE0];
	v22 =	vpop (erf);
	(pc) =	sbr.rel @p0 .LBB2_3-.Ltmp0, $4  }
0x1dd: {  	v23 =	vadd.f32 v23, v8;
	v11 =	vmul.f32 $1.442695020e+00, v11;
	(erf) = vpow2.f32 v15;
	v18 =	vld [tilespmem:s17+$0x60]  }
0x1de: {  	v14 =	vmul.f32 v14, v1;
	v25 =	vadd.f32 $1.000000000e+00, v25;
	[tilespmem:s12+$0xFFFFFF10] =	vst v26;
	(erf) = vpow2.f32 v10;
	v8 =	vpop (erf);
	v10 =	vld [tilespmem:s26+$0xFFFFFF70]  }
0x1df: {  	v20 =	vmul.f32 v20, v21;
	[tilespmem:s12+$0xFFFFFF90] =	vst v9;
	(erf) = vpow2.f32 v11;
	v11 =	vadd.f32 $1.000000000e+00, v22;
	v9 =	vld [tilespmem:s26+$0xFFFFFFF0]  }
0x1e0: {  	s16 =	sadd.s32 $0x200, s16;
	v12 =	vadd.f32 v13, v12;
	[tilespmem:s12+$0x10] =	vst v23;
	v14 =	vadd.f32 v14, v24;
	v15 =	vpop (erf);
	(erf) = vrcp.f32 v25;
	v13 =	vld [tilespmem:s26+$0x70];
	s26 =	smov.u32 s0;
	s0 =	smov.u32 s17  }
0x1e1: {  	_ =	sdelay $0x2  }
0x1e2: {  	v15 =	vadd.f32 $1.000000000e+00, v15  }
0x1e3: {  	v21 =	vpop (erf)  }
0x1e4: {  	[tilespmem:s12+$0x90] =	vst v14;
	v14 =	vpop (erf)  }
0x1e5: {  	[tilespmem:s10+$0xD0] =	vst v21;
	(erf) = vrcp.f32 v11;
	v11 =	vadd.f32 $1.000000000e+00, v14  }
0x1e6: {  	(erf) = vrcp.f32 v15;
	v14 =	vld [tilespmem:s2+$0xD0];
	v15 =	vpop (erf)  }
0x1e7: {  	v15 =	vadd.f32 $1.000000000e+00, v15;
	(erf) = vrcp.f32 v11;
	_ =	sdelay $0x1  }
0x1e8: {  	(erf) = vrcp.f32 v15;
	v11 =	vpop (erf)  }
0x1e9: {  	v11 =	vadd.f32 $1.000000000e+00, v11  }
0x1ea: {  	v15 =	vmul.f32 v21, v14  }
0x1eb: {  	(erf) = vrcp.f32 v11  }
0x1ec: {  	v14 =	vpop (erf);
	[tilespmem:s10+$0x90] =	vst v15  }
0x1ed: {  	v21 =	vld [tilespmem:s2+$0xA0];
	v11 =	vpop (erf)  }
0x1ee: {  	v22 =	vld [tilespmem:s8+$0xA0];
	v15 =	vpop (erf)  }
0x1ef: {  	v23 =	vpop (erf)  }
0x1f0: {  	v24 =	vld [tilespmem:s7+$0xA0];
	[tilespmem:s10+$0xFFFFFF50] =	vst v23  }
0x1f1: {  	v25 =	vpop (erf);
	v26 =	vld [tilespmem:s2+$0xFFFFFF50]  }
0x1f2: {  	[tilespmem:s10+$0xFFFFFFD0] =	vst v25  }
0x1f3: {  	v21 =	vadd.f32 v22, v21;
	v22 =	vld [tilespmem:s2+$0xFFFFFFD0]  }
0x1f4: {  	v27 =	vpop (erf)  }
0x1f5: {  	v21 =	vadd.f32 v24, v21;
	[tilespmem:s10+$0x50] =	vst v27  }
0x1f6: {  	v31 =	vld [tilespmem:s2+$0x50];
	v23 =	vmul.f32 v23, v26  }
0x1f7: {  	v32 =	vsub.f32 $0.0e+00, v21  }
0x1f8: {  	v22 =	vmul.f32 v25, v22;
	[tilespmem:s10+$0xFFFFFF10] =	vst v23  }
0x1f9: {  	v23 =	vmul.f32 $1.442695020e+00, v32;
	v33 =	vld [tilespmem:s2+$0xFFFFFF20]  }
0x1fa: {  	[tilespmem:s10+$0xFFFFFF90] =	vst v22;
	v22 =	vld [tilespmem:s8+$0xFFFFFF20]  }
0x1fb: {  	(erf) = vpow2.f32 v23;
	v34 =	vld [tilespmem:s2+$0xFFFFFFA0];
	v23 =	vmul.f32 v27, v31  }
0x1fc: {  	v35 =	vld [tilespmem:s8+$0xFFFFFFA0]  }
0x1fd: {  	[tilespmem:s10+$0x10] =	vst v23;
	v23 =	vld [tilespmem:s7+$0xFFFFFF20];
	_ =	sdelay $0x1  }
0x1fe: {  	v28 =	vld [tilespmem:s7+$0xFFFFFFA0]  }
0x1ff: {  	v22 =	vadd.f32 v22, v33  }
0x200: {  	v36 =	vld [tilespmem:s2+$0x20]  }
0x201: {  	[tilespmem:s22+$0xFFFFFF20] =	vst v20;
	v29 =	vld [tilespmem:s8+$0x20];
	v24 =	vadd.f32 v35, v34;
	v22 =	vadd.f32 v23, v22  }
0x202: {  	v38 =	vld [tilespmem:s0+$0xFFFFFF30]  }
0x203: {  	v37 =	vld [tilespmem:s7+$0x20];
	v24 =	vadd.f32 v28, v24;
	v20 =	vpop (erf);
	v23 =	vsub.f32 $0.0e+00, v22  }
0x204: {  	v39 =	vld [tilespmem:s14+$0xFFFFFF30];
	v20 =	vadd.f32 $1.000000000e+00, v20  }
0x205: {  	v40 =	vsub.f32 $0.0e+00, v24;
	v23 =	vmul.f32 $1.442695020e+00, v23  }
0x206: {  	v27 =	vadd.f32 v29, v36;
	(erf) = vrcp.f32 v20;
	v20 =	vld [tilespmem:s1+$0xFFFFFF30]  }
0x207: {  	(erf) = vpow2.f32 v23;
	v23 =	vmul.f32 $1.442695020e+00, v40  }
0x208: {  	v41 =	vld [tilespmem:s7+$0xE0];
	v25 =	vadd.f32 v37, v27  }
0x209: {  	(erf) = vpow2.f32 v23;
	v23 =	vadd.f32 v39, v38  }
0x20a: {  	v27 =	vsub.f32 $0.0e+00, v25  }
0x20b: {  	v21 =	vmul.f32 v21, v1;
	v20 =	vadd.f32 v20, v23  }
0x20c: {  	v17 =	vmul.f32 v17, v19;
	v42 =	vmul.f32 $1.442695020e+00, v27  }
0x20d: {  	v19 =	vadd.f32 v21, v41;
	v21 =	vsub.f32 $0.0e+00, v20  }
0x20e: {  	(erf) = vpow2.f32 v42  }
0x20f: {  	[tilespmem:s12+$0xA0] =	vst v19;
	v19 =	vmul.f32 $1.442695020e+00, v21  }
0x210: {  	v16 =	vmul.f32 v16, v18;
	[tilespmem:s22+$0xFFFFFFA0] =	vst v17;
	v17 =	vpop (erf)  }
0x211: {  	[tilespmem:s10+$0xE0] =	vst v17;
	v21 =	vpop (erf)  }
0x212: {  	[tilespmem:s22+$0x20] =	vst v16;
	v16 =	vld [tilespmem:s2+$0xE0];
	v21 =	vadd.f32 $1.000000000e+00, v21  }
0x213: {  	v18 =	vld [tilespmem:s0+$0xFFFFFFB0];
	(erf) = vpow2.f32 v19;
	v19 =	vpop (erf)  }
0x214: {  	v44 =	vld [tilespmem:s7+$0xFFFFFF60];
	v19 =	vadd.f32 $1.000000000e+00, v19;
	(erf) = vrcp.f32 v21  }
0x215: {  	v43 =	vld [tilespmem:s0+$0x30]  }
0x216: {  	v47 =	vld [tilespmem:s1+$0x30];
	(erf) = vrcp.f32 v19  }
0x217: {  	v46 =	vld [tilespmem:s7+$0x60];
	v45 =	vpop (erf);
	v16 =	vmul.f32 v17, v16;
	v17 =	vmul.f32 v22, v1  }
0x218: {  	v28 =	vadd.f32 $1.000000000e+00, v45;
	v19 =	vld [tilespmem:s7+$0xFFFFFFE0]  }
0x219: {  	v23 =	vld [tilespmem:s14+$0xFFFFFFB0];
	[tilespmem:s10+$0xA0] =	vst v16;
	v16 =	vadd.f32 v17, v44;
	v17 =	vmul.f32 v24, v1  }
0x21a: {  	v21 =	vld [tilespmem:s14+$0x30];
	(erf) = vrcp.f32 v28  }
0x21b: {  	v22 =	vld [tilespmem:s1+$0xFFFFFFB0]  }
0x21c: {  	v48 =	vld [tilespmem:s2+$0xB0];
	v30 =	vpop (erf)  }
0x21d: {  	v49 =	vld [tilespmem:s8+$0xB0];
	[tilespmem:s12+$0xFFFFFF20] =	vst v16;
	v16 =	vadd.f32 v17, v19;
	v17 =	vpop (erf)  }
0x21e: {  	v18 =	vadd.f32 v23, v18;
	v23 =	vld [tilespmem:s7+$0xB0];
	[tilespmem:s10+$0xFFFFFF60] =	vst v17  }
0x21f: {  	v19 =	vmul.f32 v25, v1;
	[tilespmem:s12+$0xFFFFFFA0] =	vst v16;
	v16 =	vld [tilespmem:s2+$0xFFFFFF60];
	v50 =	vpop (erf)  }
0x220: {  	v21 =	vadd.f32 v21, v43;
	[tilespmem:s10+$0xFFFFFFE0] =	vst v50  }
0x221: {  	v18 =	vadd.f32 v22, v18;
	v19 =	vadd.f32 v19, v46;
	v51 =	vld [tilespmem:s2+$0xFFFFFFE0]  }
0x222: {  	v21 =	vadd.f32 v47, v21;
	v22 =	vadd.f32 v49, v48  }
0x223: {  	[tilespmem:s12+$0x20] =	vst v19;
	v19 =	vsub.f32 $0.0e+00, v18;
	v52 =	vpop (erf)  }
0x224: {  	v53 =	vsub.f32 $0.0e+00, v21;
	v22 =	vadd.f32 v23, v22;
	[tilespmem:s10+$0x60] =	vst v52;
	v16 =	vmul.f32 v17, v16  }
0x225: {  	v19 =	vmul.f32 $1.442695020e+00, v19;
	v23 =	vld [tilespmem:s2+$0x60]  }
0x226: {  	v61 =	vld [tilespmem:s1+$0xF0];
	v54 =	vsub.f32 $0.0e+00, v22;
	v17 =	vmul.f32 $1.442695020e+00, v53;
	[tilespmem:s10+$0xFFFFFF20] =	vst v16;
	v16 =	vmul.f32 v50, v51  }
0x227: {  	(erf) = vpow2.f32 v19;
	v19 =	vadd.f32 $1.000000000e+00, v30;
	v55 =	vld [tilespmem:s2+$0xFFFFFF30]  }
0x228: {  	(erf) = vpow2.f32 v17;
	v17 =	vmul.f32 $1.442695020e+00, v54;
	[tilespmem:s10+$0xFFFFFFA0] =	vst v16;
	v16 =	vld [tilespmem:s8+$0xFFFFFF30]  }
0x229: {  	(erf) = vrcp.f32 v19;
	v19 =	vld [tilespmem:s2+$0xFFFFFFB0]  }
0x22a: {  	(erf) = vpow2.f32 v17;
	v17 =	vmul.f32 v52, v23;
	v23 =	vld [tilespmem:s8+$0xFFFFFFB0]  }
0x22b: {  	v58 =	vld [tilespmem:s7+$0xFFFFFFB0]  }
0x22c: {  	[tilespmem:s10+$0x20] =	vst v17;
	v17 =	vld [tilespmem:s7+$0xFFFFFF30]  }
0x22d: {  	v56 =	vld [tilespmem:s2+$0x30]  }
0x22e: {  	v5 =	vmul.f32 v5, v1;
	v57 =	vld [tilespmem:s8+$0x30];
	_ =	sdelay $0x1  }
0x22f: {  	v5 =	vadd.f32 v5, v61;
	v60 =	vld [tilespmem:s7+$0x30];
	v59 =	vpop (erf);
	v16 =	vadd.f32 v16, v55  }
0x230: {  	v27 =	vadd.f32 $1.000000000e+00, v59;
	v19 =	vadd.f32 v23, v19;
	v62 =	vpop (erf)  }
0x231: {  	v16 =	vadd.f32 v17, v16;
	v17 =	vpop (erf);
	v30 =	vadd.f32 $1.000000000e+00, v62  }
0x232: {  	[tilespmem:s19+$0xB0] =	vst v5;
	v25 =	vadd.f32 v57, v56;
	v19 =	vadd.f32 v58, v19;
	v23 =	vpop (erf)  }
0x233: {  	[tilespmem:s22+$0xF0] =	vst v15;
	(erf) = vrcp.f32 v27;
	v63 =	vsub.f32 $0.0e+00, v16;
	v23 =	vadd.f32 $1.000000000e+00, v23  }
0x234: {  	v2 =	vmul.f32 v2, v10;
	v10 =	vld [tilespmem:s0+$0xF0];
	(erf) = vrcp.f32 v30;
	v25 =	vadd.f32 v60, v25  }
0x235: {  	v31 =	vmul.f32 $1.442695020e+00, v63;
	(erf) = vrcp.f32 v23;
	v23 =	vsub.f32 $0.0e+00, v19  }
0x236: {  	[tilespmem:s25+$0xFFFFFF30] =	vst v2;
	v2 =	vmul.f32 v3, v9;
	v32 =	vsub.f32 $0.0e+00, v25  }
0x237: {  	v3 =	vld [tilespmem:s1+$0xFFFFFFF0];
	(erf) = vpow2.f32 v31;
	v5 =	vmul.f32 $1.442695020e+00, v23  }
0x238: {  	[tilespmem:s30+$0xFFFFFF70] =	vst v8;
	v6 =	vadd.f32 v6, v7;
	v4 =	vmul.f32 v4, v13;
	v9 =	vld [tilespmem:s1+$0x70];
	v7 =	vmul.f32 $1.442695020e+00, v32  }
0x239: {  	[tilespmem:s25+$0xFFFFFFB0] =	vst v2;
	v2 =	vmul.f32 v15, v10;
	(erf) = vpow2.f32 v5  }
0x23a: {  	[tilespmem:s25+$0x30] =	vst v4;
	v4 =	vmul.f32 v18, v1;
	v5 =	vld [tilespmem:s1+$0xFFFFFF70];
	(erf) = vpow2.f32 v7  }
0x23b: {  	[tilespmem:s22+$0xB0] =	vst v2;
	v15 =	vld [tilespmem:s7+$0xF0];
	v2 =	vmul.f32 v21, v1  }
0x23c: {  	[tilespmem:s31+$0xFFFFFFB0] =	vst v12;
	v3 =	vadd.f32 v4, v3;
	v7 =	vmul.f32 v20, v1  }
0x23d: {  	[tilespmem:s31+$0x30] =	vst v6;
	v2 =	vadd.f32 v2, v9;
	v6 =	vpop (erf)  }
0x23e: {  	v10 =	vld [tilespmem:s26+$0xFFFFFF70];
	[tilespmem:s19+$0xFFFFFFB0] =	vst v3;
	v3 =	vmul.f32 v22, v1;
	v12 =	vpop (erf)  }
0x23f: {  	[tilespmem:s19+$0x30] =	vst v2;
	v2 =	vld [tilespmem:s7+$0xFFFFFF70];
	v13 =	vpop (erf);
	v5 =	vadd.f32 v7, v5  }
0x240: {  	[tilespmem:s30+$0xFFFFFFF0] =	vst v14;
	v3 =	vadd.f32 v3, v15;
	v7 =	vpop (erf)  }
0x241: {  	v7 =	vadd.f32 $1.000000000e+00, v7;
	[tilespmem:s19+$0xFFFFFF30] =	vst v5;
	v5 =	vld [tilespmem:s26+$0xFFFFFFF0]  }
0x242: {  	[tilespmem:s12+$0xB0] =	vst v3;
	v3 =	vmul.f32 v16, v1;
	v4 =	vpop (erf)  }
0x243: {  	(erf) = vrcp.f32 v7;
	v7 =	vmul.f32 v8, v10;
	v8 =	vpop (erf);
	v4 =	vadd.f32 $1.000000000e+00, v4  }
0x244: {  	[tilespmem:s30+$0x70] =	vst v11;
	v2 =	vadd.f32 v3, v2;
	v8 =	vadd.f32 $1.000000000e+00, v8  }
0x245: {  	[tilespmem:s30+$0xFFFFFF30] =	vst v7;
	v7 =	vld [tilespmem:s7+$0x70];
	(erf) = vrcp.f32 v4  }
0x246: {  	[tilespmem:s12+$0xFFFFFF30] =	vst v2;
	v5 =	vmul.f32 v14, v5;
	(erf) = vrcp.f32 v8  }
0x247: {  	[tilespmem:s22+$0xFFFFFFF0] =	vst v6;
	v4 =	vld [tilespmem:s7+$0xFFFFFFF0]  }
0x248: {  	[tilespmem:s30+$0xFFFFFFB0] =	vst v5;
	v5 =	vmul.f32 v25, v1  }
0x249: {  	v3 =	vld [tilespmem:s26+$0x70];
	[tilespmem:s10+$0xF0] =	vst v13  }
0x24a: {  	[tilespmem:s22+$0x70] =	vst v12;
	v9 =	vld [tilespmem:s2+$0xF0];
	v8 =	vmul.f32 v19, v1;
	v5 =	vadd.f32 v5, v7  }
0x24b: {  	[tilespmem:s22+$0xFFFFFF70] =	vst v17;
	v7 =	vld [tilespmem:s0+$0xFFFFFFF0]  }
0x24c: {  	v4 =	vadd.f32 v8, v4;
	v8 =	vld [tilespmem:s0+$0xFFFFFF70];
	v2 =	vpop (erf);
	[tilespmem:s12+$0x30] =	vst v5  }
0x24d: {  	[tilespmem:s10+$0xFFFFFF70] =	vst v2  }
0x24e: {  	[tilespmem:s12+$0xFFFFFFB0] =	vst v4;
	v4 =	vld [tilespmem:s0+$0x70];
	v5 =	vpop (erf)  }
0x24f: {  	v3 =	vmul.f32 v11, v3;
	v11 =	vld [tilespmem:s2+$0xFFFFFF70];
	[tilespmem:s10+$0xFFFFFFF0] =	vst v5;
	v10 =	vpop (erf)  }
0x250: {  	v9 =	vmul.f32 v13, v9;
	[tilespmem:s10+$0x70] =	vst v10;
	v13 =	vld [tilespmem:s2+$0xFFFFFFF0]  }
0x251: {  	[tilespmem:s30+$0x30] =	vst v3;
	v6 =	vmul.f32 v6, v7;
	v3 =	vmul.f32 v17, v8;
	v8 =	vld [tilespmem:s2+$0x70]  }
0x252: {  	[tilespmem:s10+$0xB0] =	vst v9  }
0x253: {  	[tilespmem:s22+$0xFFFFFFB0] =	vst v6;
	v4 =	vmul.f32 v12, v4  }
0x254: {  	[tilespmem:s22+$0xFFFFFF30] =	vst v3;
	v2 =	vmul.f32 v2, v11  }
0x255: {  	[tilespmem:s22+$0x30] =	vst v4;
	v3 =	vmul.f32 v5, v13  }
0x256: {  	[tilespmem:s10+$0xFFFFFF30] =	vst v2;
	v4 =	vmul.f32 v10, v8  }
0x257: {  	s8 =	rddreg [dreg:$0xc];
	[tilespmem:s10+$0xFFFFFFB0] =	vst v3  }
0x258: {  	s0 =	sadd.s32 s8, s3;
	[tilespmem:s10+$0x30] =	vst v4  }
0x259: {  	s3 =	sshll.u32 s0, $0x4;
	s10 =	rddreg [dreg:$0x7]  }
0x25a: {  	s0 =	sadd.s32 s10, s3  }
0x25b: {  	[hbm4b:s0+s4] =	stream.linear.scatter [tilespmem:s11], [sflag:$0x3], $0x1400, $0x38;
	[tilespmem:$0x1F580] =	vst v63  }
0x25c: {  	_ =	swait.ge [sflag:s21], $0x1400  }
0x25d: {  	[sflag:s21] =	ssyncset.done $0x0  }
0x25e: {  	[sflag:s21] =	ssyncadd.s32 $0xFFFFEC00  }
0x25f: {  	_ =	swait.ge [sflag:s18], $0x1400  }
0x260: {  	[sflag:s18] =	ssyncset.done $0x0  }
0x261: {  	[sflag:s18] =	ssyncadd.s32 $0xFFFFEC00  }
0x262: {  	_ =	swait.ge [sflag:s18], $0x1400  }
0x263: {  	[sflag:s18] =	ssyncset.done $0x0  }
0x264: {  	[sflag:s18] =	ssyncadd.s32 $0xFFFFEC00  }
0x265: {  	_ =	swait.ge [sflag:s18], $0x1400  }
0x266: {  	[sflag:s18] =	ssyncset.done $0x0  }
0x267: {  	s8 =	simm.s32 $0x16F0;
	[sflag:s18] =	ssyncadd.s32 $0xFFFFEC00  }
0x268: {  	s12 =	simm.s32 $0x3EB0;
	v2 =	vld [tilespmem:s8+$0xFFFFFF90]  }
0x269: {  	v3 =	vld [tilespmem:s12+$0xFFFFFFD0]  }
0x26a: {  	s13 =	simm.s32 $0x66F0  }
0x26b: {  	v4 =	vld [tilespmem:s13+$0xFFFFFF90];
	_ =	sdelay $0x2  }
0x26c: {  	v2 =	vadd.f32 v3, v2;
	_ =	sdelay $0x1  }
0x26d: {  	v2 =	vadd.f32 v4, v2  }
0x26e: {  	v5 =	vld [tilespmem:s8+$0xFFFFFE10]  }
0x26f: {  	v4 =	vld [tilespmem:s12+$0xFFFFFE50];
	v3 =	vsub.f32 $0.0e+00, v2;
	_ =	sdelay $0x1  }
0x270: {  	v7 =	vld [tilespmem:s13+$0xFFFFFE10];
	v3 =	vmul.f32 $1.442695020e+00, v3  }
0x271: {  	v6 =	vld [tilespmem:s8+$0xFFFFFE90]  }
0x272: {  	(erf) = vpow2.f32 v3;
	v3 =	vld [tilespmem:s12+$0xFFFFFED0]  }
0x273: {  	v8 =	vld [tilespmem:s8+$0xFFFFFF10];
	v4 =	vadd.f32 v4, v5  }
0x274: {  	v9 =	vld [tilespmem:s12+$0xFFFFFF50]  }
0x275: {  	v5 =	vld [tilespmem:s13+$0xFFFFFE90];
	v4 =	vadd.f32 v7, v4  }
0x276: {  	v7 =	vld [tilespmem:s13+$0xFFFFFF10]  }
0x277: {  	v3 =	vadd.f32 v3, v6;
	v6 =	vsub.f32 $0.0e+00, v4;
	_ =	sdelay $0x1  }
0x278: {  	v8 =	vadd.f32 v9, v8  }
0x279: {  	v3 =	vadd.f32 v5, v3  }
0x27a: {  	v7 =	vadd.f32 v7, v8;
	v5 =	vmul.f32 $1.442695020e+00, v6;
	v6 =	vpop (erf)  }
0x27b: {  	v8 =	vsub.f32 $0.0e+00, v3;
	v6 =	vadd.f32 $1.000000000e+00, v6  }
0x27c: {  	(erf) = vpow2.f32 v5  }
0x27d: {  	(erf) = vrcp.f32 v6;
	v6 =	vmul.f32 $1.442695020e+00, v8;
	v8 =	vld [tilespmem:s13+$0xFFFFFFD0];
	_ =	sdelay $0x1  }
0x27e: {  	v5 =	vsub.f32 $0.0e+00, v7  }
0x27f: {  	v2 =	vmul.f32 v2, v1  }
0x280: {  	v5 =	vmul.f32 $1.442695020e+00, v5  }
0x281: {  	(erf) = vpow2.f32 v6;
	v2 =	vadd.f32 v2, v8  }
0x282: {  	(erf) = vpow2.f32 v5;
	_ =	sdelay $0x1  }
0x283: {  	s15 =	simm.s32 $0xA200;
	v5 =	vpop (erf)  }
0x284: {  	s25 =	simm.s32 $0x8EF0;
	[tilespmem:s15+$0x80] =	vst v2;
	v2 =	vpop (erf)  }
0x285: {  	[tilespmem:s25+$0xFFFFFFD0] =	vst v2  }
0x286: {  	v5 =	vadd.f32 $1.000000000e+00, v5;
	v6 =	vld [tilespmem:s8+$0xFFFFFFD0];
	_ =	sdelay $0x1  }
0x287: {  	v9 =	vld [tilespmem:s13+$0xFFFFFE50];
	(erf) = vrcp.f32 v5  }
0x288: {  	v8 =	vpop (erf)  }
0x289: {  	v8 =	vadd.f32 $1.000000000e+00, v8;
	v5 =	vpop (erf)  }
0x28a: {  	v4 =	vmul.f32 v4, v1;
	v5 =	vadd.f32 $1.000000000e+00, v5;
	v2 =	vmul.f32 v2, v6  }
0x28b: {  	(erf) = vrcp.f32 v8;
	v6 =	vld [tilespmem:s13+$0xFFFFFED0]  }
0x28c: {  	v4 =	vadd.f32 v4, v9;
	(erf) = vrcp.f32 v5;
	v5 =	vld [tilespmem:s13+$0xFFFFFF50];
	[tilespmem:s25+$0xFFFFFF90] =	vst v2  }
0x28d: {  	v2 =	vld [tilespmem:s8+$0xFFFFFFA0]  }
0x28e: {  	v3 =	vmul.f32 v3, v1;
	v8 =	vld [tilespmem:s12+$0xFFFFFFE0];
	_ =	sdelay $0x1  }
0x28f: {  	v7 =	vmul.f32 v7, v1;
	[tilespmem:s15+$0xFFFFFF00] =	vst v4;
	v4 =	vpop (erf);
	v3 =	vadd.f32 v3, v6;
	v6 =	vld [tilespmem:s13+$0xFFFFFFA0]  }
0x290: {  	[tilespmem:s25+$0xFFFFFE50] =	vst v4  }
0x291: {  	v5 =	vadd.f32 v7, v5;
	v7 =	vld [tilespmem:s8+$0xFFFFFE50]  }
0x292: {  	v2 =	vadd.f32 v8, v2  }
0x293: {  	[tilespmem:s15+$0xFFFFFF80] =	vst v3;
	v3 =	vpop (erf)  }
0x294: {  	[tilespmem:s25+$0xFFFFFED0] =	vst v3;
	v2 =	vadd.f32 v6, v2  }
0x295: {  	[tilespmem:s15+$0x0] =	vst v5;
	v5 =	vpop (erf);
	v8 =	vld [tilespmem:s8+$0xFFFFFED0]  }
0x296: {  	v4 =	vmul.f32 v4, v7;
	[tilespmem:s25+$0xFFFFFF50] =	vst v5;
	v7 =	vsub.f32 $0.0e+00, v2  }
0x297: {  	v6 =	vld [tilespmem:s8+$0xFFFFFF50]  }
0x298: {  	[tilespmem:s25+$0xFFFFFE10] =	vst v4;
	v4 =	vmul.f32 $1.442695020e+00, v7;
	_ =	sdelay $0x1  }
0x299: {  	v3 =	vmul.f32 v3, v8;
	(erf) = vpow2.f32 v4  }
0x29a: {  	v9 =	vld [tilespmem:s13+$0xFFFFFE20]  }
0x29b: {  	v7 =	vld [tilespmem:s8+$0xFFFFFE20];
	v5 =	vmul.f32 v5, v6;
	[tilespmem:s25+$0xFFFFFE90] =	vst v3  }
0x29c: {  	v4 =	vld [tilespmem:s8+$0xFFFFFEA0]  }
0x29d: {  	[tilespmem:s25+$0xFFFFFF10] =	vst v5;
	v5 =	vld [tilespmem:s12+$0xFFFFFEE0]  }
0x29e: {  	v3 =	vld [tilespmem:s12+$0xFFFFFE60]  }
0x29f: {  	v6 =	vld [tilespmem:s8+$0xFFFFFF20]  }
0x2a0: {  	v8 =	vld [tilespmem:s12+$0xFFFFFF60]  }
0x2a1: {  	v10 =	vld [tilespmem:s13+$0xFFFFFEA0]  }
0x2a2: {  	v11 =	vld [tilespmem:s13+$0xFFFFFF20];
	v4 =	vadd.f32 v5, v4;
	v5 =	vpop (erf)  }
0x2a3: {  	v3 =	vadd.f32 v3, v7;
	v5 =	vadd.f32 $1.000000000e+00, v5;
	_ =	sdelay $0x1  }
0x2a4: {  	v6 =	vadd.f32 v8, v6;
	v3 =	vadd.f32 v9, v3;
	v9 =	vld [tilespmem:s13+$0xFFFFFFE0];
	(erf) = vrcp.f32 v5  }
0x2a5: {  	v4 =	vadd.f32 v10, v4  }
0x2a6: {  	v6 =	vadd.f32 v11, v6;
	v5 =	vsub.f32 $0.0e+00, v3  }
0x2a7: {  	v2 =	vmul.f32 v2, v1;
	v7 =	vsub.f32 $0.0e+00, v4  }
0x2a8: {  	v8 =	vsub.f32 $0.0e+00, v6;
	v5 =	vmul.f32 $1.442695020e+00, v5  }
0x2a9: {  	s17 =	simm.s32 $0x40B0;
	v7 =	vmul.f32 $1.442695020e+00, v7;
	v2 =	vadd.f32 v2, v9  }
0x2aa: {  	v10 =	vld [tilespmem:s17+$0xFFFFFFD0];
	v8 =	vmul.f32 $1.442695020e+00, v8;
	(erf) = vpow2.f32 v5  }
0x2ab: {  	s26 =	simm.s32 $0x18F0;
	v5 =	vld [tilespmem:s13+$0xFFFFFE60];
	(erf) = vpow2.f32 v7  }
0x2ac: {  	v9 =	vld [tilespmem:s26+$0xFFFFFF90];
	(erf) = vpow2.f32 v8  }
0x2ad: {  	[tilespmem:s15+$0x90] =	vst v2;
	v7 =	vld [tilespmem:s13+$0xFFFFFEE0];
	v2 =	vpop (erf)  }
0x2ae: {  	v3 =	vmul.f32 v3, v1;
	v8 =	vld [tilespmem:s13+$0xFFFFFF60];
	[tilespmem:s25+$0xFFFFFFE0] =	vst v2  }
0x2af: {  	s16 =	simm.s32 $0x68F0;
	v11 =	vld [tilespmem:s8+$0xFFFFFFE0]  }
0x2b0: {  	v4 =	vmul.f32 v4, v1;
	v3 =	vadd.f32 v3, v5;
	v5 =	vld [tilespmem:s16+$0xFFFFFF90]  }
0x2b1: {  	v6 =	vmul.f32 v6, v1  }
0x2b2: {  	v4 =	vadd.f32 v4, v7  }
0x2b3: {  	v9 =	vadd.f32 v10, v9;
	v6 =	vadd.f32 v6, v8;
	[tilespmem:s15+$0xFFFFFF10] =	vst v3;
	v3 =	vld [tilespmem:s17+$0xFFFFFE50];
	v7 =	vpop (erf)  }
0x2b4: {  	[tilespmem:s15+$0xFFFFFF90] =	vst v4;
	v4 =	vld [tilespmem:s26+$0xFFFFFE90];
	v8 =	vpop (erf);
	v2 =	vmul.f32 v2, v11  }
0x2b5: {  	[tilespmem:s15+$0x10] =	vst v6;
	v6 =	vld [tilespmem:s17+$0xFFFFFED0];
	v5 =	vadd.f32 v5, v9;
	v10 =	vpop (erf)  }
0x2b6: {  	v7 =	vadd.f32 $1.000000000e+00, v7;
	v11 =	vld [tilespmem:s26+$0xFFFFFF10];
	[tilespmem:s25+$0xFFFFFFA0] =	vst v2  }
0x2b7: {  	v2 =	vadd.f32 $1.000000000e+00, v8;
	v8 =	vsub.f32 $0.0e+00, v5;
	v9 =	vld [tilespmem:s8+$0xFFFFFFB0]  }
0x2b8: {  	v10 =	vadd.f32 $1.000000000e+00, v10;
	(erf) = vrcp.f32 v7;
	v7 =	vld [tilespmem:s12+$0xFFFFFFF0]  }
0x2b9: {  	(erf) = vrcp.f32 v2;
	v2 =	vld [tilespmem:s26+$0xFFFFFE10];
	v8 =	vmul.f32 $1.442695020e+00, v8  }
0x2ba: {  	(erf) = vrcp.f32 v10;
	v10 =	vld [tilespmem:s13+$0xFFFFFFB0]  }
0x2bb: {  	v12 =	vld [tilespmem:s16+$0xFFFFFE10];
	(erf) = vpow2.f32 v8;
	_ =	sdelay $0x1  }
0x2bc: {  	v7 =	vadd.f32 v7, v9  }
0x2bd: {  	v2 =	vadd.f32 v3, v2  }
0x2be: {  	v3 =	vadd.f32 v10, v7  }
0x2bf: {  	v9 =	vld [tilespmem:s16+$0xFFFFFE90];
	v2 =	vadd.f32 v12, v2  }
0x2c0: {  	v13 =	vld [tilespmem:s17+$0xFFFFFF50];
	v7 =	vpop (erf);
	v8 =	vsub.f32 $0.0e+00, v3  }
0x2c1: {  	v10 =	vpop (erf);
	v12 =	vsub.f32 $0.0e+00, v2  }
0x2c2: {  	v4 =	vadd.f32 v6, v4;
	v14 =	vpop (erf);
	v8 =	vmul.f32 $1.442695020e+00, v8  }
0x2c3: {  	v6 =	vld [tilespmem:s16+$0xFFFFFF10];
	[tilespmem:s25+$0xFFFFFE60] =	vst v7;
	v12 =	vmul.f32 $1.442695020e+00, v12;
	v15 =	vpop (erf)  }
0x2c4: {  	v4 =	vadd.f32 v9, v4;
	[tilespmem:s25+$0xFFFFFEE0] =	vst v10;
	v15 =	vadd.f32 $1.000000000e+00, v15;
	(erf) = vpow2.f32 v8;
	v8 =	vld [tilespmem:s8+$0xFFFFFE60]  }
0x2c5: {  	v9 =	vadd.f32 v13, v11;
	v11 =	vld [tilespmem:s8+$0xFFFFFEE0];
	(erf) = vpow2.f32 v12  }
0x2c6: {  	v13 =	vld [tilespmem:s16+$0xFFFFFFD0];
	v12 =	vsub.f32 $0.0e+00, v4;
	(erf) = vrcp.f32 v15;
	_ =	sdelay $0x1  }
0x2c7: {  	v6 =	vadd.f32 v6, v9;
	v9 =	vmul.f32 $1.442695020e+00, v12  }
0x2c8: {  	v5 =	vmul.f32 v5, v1;
	v7 =	vmul.f32 v7, v8  }
0x2c9: {  	[tilespmem:s25+$0xFFFFFF60] =	vst v14;
	v15 =	vsub.f32 $0.0e+00, v6;
	v12 =	vld [tilespmem:s16+$0xFFFFFE50];
	(erf) = vpow2.f32 v9;
	v9 =	vmul.f32 v10, v11  }
0x2ca: {  	v5 =	vadd.f32 v5, v13;
	v8 =	vld [tilespmem:s8+$0xFFFFFF60]  }
0x2cb: {  	v10 =	vld [tilespmem:s16+$0xFFFFFED0];
	v11 =	vmul.f32 $1.442695020e+00, v15;
	[tilespmem:s25+$0xFFFFFE20] =	vst v7  }
0x2cc: {  	v13 =	vld [tilespmem:s8+$0xFFFFFE30];
	v7 =	vpop (erf)  }
0x2cd: {  	s31 =	simm.s32 $0xA400;
	[tilespmem:s25+$0xFFFFFEA0] =	vst v9;
	(erf) = vpow2.f32 v11;
	v11 =	vld [tilespmem:s12+$0xFFFFFE70];
	v9 =	vpop (erf);
	v7 =	vadd.f32 $1.000000000e+00, v7  }
0x2ce: {  	s30 =	simm.s32 $0x90F0;
	[tilespmem:s31+$0x80] =	vst v5;
	v15 =	vld [tilespmem:s8+$0xFFFFFEB0];
	v5 =	vpop (erf)  }
0x2cf: {  	[tilespmem:s30+$0xFFFFFFD0] =	vst v5;
	(erf) = vrcp.f32 v7;
	v7 =	vmul.f32 v14, v8;
	v14 =	vld [tilespmem:s13+$0xFFFFFFF0]  }
0x2d0: {  	v8 =	vld [tilespmem:s26+$0xFFFFFFD0]  }
0x2d1: {  	v19 =	vld [tilespmem:s13+$0xFFFFFE30]  }
0x2d2: {  	[tilespmem:s25+$0xFFFFFF20] =	vst v7;
	v7 =	vld [tilespmem:s12+$0xFFFFFEF0]  }
0x2d3: {  	v3 =	vmul.f32 v3, v1;
	v9 =	vadd.f32 $1.000000000e+00, v9;
	v16 =	vld [tilespmem:s8+$0xFFFFFF30]  }
0x2d4: {  	v17 =	vld [tilespmem:s12+$0xFFFFFF70]  }
0x2d5: {  	v3 =	vadd.f32 v3, v14;
	v14 =	vld [tilespmem:s13+$0xFFFFFF30];
	v5 =	vmul.f32 v5, v8  }
0x2d6: {  	v18 =	vpop (erf);
	v8 =	vld [tilespmem:s13+$0xFFFFFEB0]  }
0x2d7: {  	(erf) = vrcp.f32 v9;
	v9 =	vpop (erf);
	v7 =	vadd.f32 v7, v15;
	v15 =	vld [tilespmem:s16+$0xFFFFFF50];
	[tilespmem:s30+$0xFFFFFF90] =	vst v5  }
0x2d8: {  	v2 =	vmul.f32 v2, v1;
	v18 =	vadd.f32 $1.000000000e+00, v18;
	v5 =	vadd.f32 $1.000000000e+00, v9;
	v9 =	vld [tilespmem:s26+$0xFFFFFFA0]  }
0x2d9: {  	v11 =	vadd.f32 v11, v13;
	[tilespmem:s15+$0xA0] =	vst v3;
	v3 =	vpop (erf);
	v13 =	vld [tilespmem:s17+$0xFFFFFFE0]  }
0x2da: {  	v4 =	vmul.f32 v4, v1;
	v2 =	vadd.f32 v2, v12;
	(erf) = vrcp.f32 v18;
	v12 =	vld [tilespmem:s16+$0xFFFFFFA0];
	[tilespmem:s25+$0xFFFFFFF0] =	vst v3  }
0x2db: {  	(erf) = vrcp.f32 v5;
	v5 =	vld [tilespmem:s8+$0xFFFFFFF0]  }
0x2dc: {  	v4 =	vadd.f32 v4, v10;
	v11 =	vadd.f32 v19, v11  }
0x2dd: {  	v10 =	vadd.f32 v17, v16;
	v7 =	vadd.f32 v8, v7  }
0x2de: {  	v6 =	vmul.f32 v6, v1;
	[tilespmem:s31+$0xFFFFFF00] =	vst v2;
	v16 =	vsub.f32 $0.0e+00, v11;
	v2 =	vadd.f32 v13, v9  }
0x2df: {  	v8 =	vadd.f32 v14, v10;
	v10 =	vsub.f32 $0.0e+00, v7  }
0x2e0: {  	v3 =	vmul.f32 v3, v5;
	v5 =	vadd.f32 v12, v2;
	v2 =	vadd.f32 v6, v15  }
0x2e1: {  	[tilespmem:s31+$0xFFFFFF80] =	vst v4;
	v4 =	vmul.f32 $1.442695020e+00, v16;
	v9 =	vpop (erf);
	v13 =	vsub.f32 $0.0e+00, v8  }
0x2e2: {  	[tilespmem:s30+$0xFFFFFE50] =	vst v9;
	v6 =	vmul.f32 $1.442695020e+00, v10  }
0x2e3: {  	(erf) = vpow2.f32 v4;
	v14 =	vpop (erf);
	v10 =	vld [tilespmem:s26+$0xFFFFFE50];
	v4 =	vmul.f32 $1.442695020e+00, v13;
	[tilespmem:s25+$0xFFFFFFB0] =	vst v3  }
0x2e4: {  	[tilespmem:s31+$0x0] =	vst v2;
	(erf) = vpow2.f32 v6;
	v6 =	vld [tilespmem:s8+$0xFFFFFFC0];
	v2 =	vpop (erf)  }
0x2e5: {  	(erf) = vpow2.f32 v4;
	v4 =	vld [tilespmem:s12+$0x0];
	[tilespmem:s30+$0xFFFFFF50] =	vst v2  }
0x2e6: {  	[tilespmem:s30+$0xFFFFFED0] =	vst v14;
	v13 =	vld [tilespmem:s26+$0xFFFFFF50]  }
0x2e7: {  	v12 =	vld [tilespmem:s26+$0xFFFFFED0];
	v3 =	vsub.f32 $0.0e+00, v5;
	_ =	sdelay $0x1  }
0x2e8: {  	v3 =	vmul.f32 $1.442695020e+00, v3  }
0x2e9: {  	v9 =	vmul.f32 v9, v10;
	v10 =	vld [tilespmem:s13+$0xFFFFFFC0]  }
0x2ea: {  	(erf) = vpow2.f32 v3;
	v4 =	vadd.f32 v4, v6;
	v6 =	vmul.f32 v2, v13  }
0x2eb: {  	v12 =	vmul.f32 v14, v12  }
0x2ec: {  	v3 =	vld [tilespmem:s13+$0xFFFFFE70];
	[tilespmem:s30+$0xFFFFFE10] =	vst v9  }
0x2ed: {  	v9 =	vld [tilespmem:s26+$0xFFFFFE20];
	[tilespmem:s30+$0xFFFFFE90] =	vst v12;
	v13 =	vpop (erf)  }
0x2ee: {  	v12 =	vld [tilespmem:s17+$0xFFFFFE60];
	v2 =	vadd.f32 v10, v4;
	v4 =	vadd.f32 $1.000000000e+00, v13;
	[tilespmem:s30+$0xFFFFFF10] =	vst v6;
	v6 =	vpop (erf)  }
0x2ef: {  	v14 =	vld [tilespmem:s26+$0xFFFFFEA0];
	v6 =	vadd.f32 $1.000000000e+00, v6  }
0x2f0: {  	v10 =	vld [tilespmem:s17+$0xFFFFFEE0];
	(erf) = vrcp.f32 v4  }
0x2f1: {  	v16 =	vsub.f32 $0.0e+00, v2;
	v13 =	vpop (erf);
	(erf) = vrcp.f32 v6;
	v6 =	vld [tilespmem:s16+$0xFFFFFE20]  }
0x2f2: {  	v15 =	vld [tilespmem:s26+$0xFFFFFF20];
	v4 =	vadd.f32 $1.000000000e+00, v13  }
0x2f3: {  	v18 =	vld [tilespmem:s16+$0xFFFFFF20];
	v16 =	vmul.f32 $1.442695020e+00, v16;
	v17 =	vpop (erf)  }
0x2f4: {  	v9 =	vadd.f32 v12, v9;
	v13 =	vld [tilespmem:s17+$0xFFFFFF60];
	v17 =	vadd.f32 $1.000000000e+00, v17;
	(erf) = vrcp.f32 v4  }
0x2f5: {  	v11 =	vmul.f32 v11, v1;
	v4 =	vld [tilespmem:s16+$0xFFFFFEA0];
	(erf) = vpow2.f32 v16  }
0x2f6: {  	(erf) = vrcp.f32 v17;
	v6 =	vadd.f32 v6, v9;
	v9 =	vld [tilespmem:s16+$0xFFFFFFE0]  }
0x2f7: {  	v3 =	vadd.f32 v11, v3;
	v12 =	vld [tilespmem:s13+$0xFFFFFEF0]  }
0x2f8: {  	v10 =	vadd.f32 v10, v14;
	v11 =	vsub.f32 $0.0e+00, v6  }
0x2f9: {  	v5 =	vmul.f32 v5, v1;
	v13 =	vadd.f32 v13, v15  }
0x2fa: {  	v7 =	vmul.f32 v7, v1;
	v4 =	vadd.f32 v4, v10;
	v10 =	vld [tilespmem:s13+$0xFFFFFF70];
	v11 =	vmul.f32 $1.442695020e+00, v11  }
0x2fb: {  	v15 =	vpop (erf);
	v13 =	vadd.f32 v18, v13;
	v5 =	vadd.f32 v5, v9  }
0x2fc: {  	[tilespmem:s15+$0xFFFFFF20] =	vst v3;
	v3 =	vadd.f32 v7, v12;
	v16 =	vsub.f32 $0.0e+00, v4;
	v12 =	vpop (erf)  }
0x2fd: {  	v8 =	vmul.f32 v8, v1;
	v17 =	vsub.f32 $0.0e+00, v13;
	v19 =	vpop (erf)  }
0x2fe: {  	s0 =	simm.s32 $0x1AF0;
	[tilespmem:s15+$0xFFFFFFA0] =	vst v3;
	v16 =	vmul.f32 $1.442695020e+00, v16;
	(erf) = vpow2.f32 v11;
	v11 =	vpop (erf)  }
0x2ff: {  	v22 =	vld [tilespmem:s0+$0xFFFFFE90];
	v3 =	vmul.f32 $1.442695020e+00, v17;
	v8 =	vadd.f32 v8, v10;
	[tilespmem:s31+$0x90] =	vst v5;
	v5 =	vpop (erf)  }
0x300: {  	v10 =	vld [tilespmem:s0+$0xFFFFFF90];
	(erf) = vpow2.f32 v16;
	[tilespmem:s30+$0xFFFFFFE0] =	vst v5  }
0x301: {  	s14 =	simm.s32 $0x42B0;
	(erf) = vpow2.f32 v3;
	[tilespmem:s15+$0x20] =	vst v8;
	v8 =	vld [tilespmem:s26+$0xFFFFFFE0]  }
0x302: {  	v16 =	vld [tilespmem:s14+$0xFFFFFFD0]  }
0x303: {  	s1 =	simm.s32 $0x6AF0;
	v23 =	vld [tilespmem:s14+$0xFFFFFED0]  }
0x304: {  	v17 =	vld [tilespmem:s1+$0xFFFFFF90]  }
0x305: {  	v34 =	vld [tilespmem:s1+$0xFFFFFE10]  }
0x306: {  	v14 =	vld [tilespmem:s16+$0xFFFFFE60];
	v5 =	vmul.f32 v5, v8;
	v8 =	vadd.f32 $1.000000000e+00, v11  }
0x307: {  	v7 =	vld [tilespmem:s16+$0xFFFFFEE0];
	v10 =	vadd.f32 v16, v10  }
0x308: {  	v18 =	vld [tilespmem:s16+$0xFFFFFF60];
	v11 =	vpop (erf)  }
0x309: {  	v16 =	vld [tilespmem:s14+$0xFFFFFE50];
	v10 =	vadd.f32 v17, v10;
	v11 =	vadd.f32 $1.000000000e+00, v11;
	v17 =	vpop (erf);
	[tilespmem:s30+$0xFFFFFFA0] =	vst v5  }
0x30a: {  	(erf) = vrcp.f32 v8;
	v5 =	vadd.f32 $1.000000000e+00, v17;
	v33 =	vld [tilespmem:s26+$0xFFFFFFB0];
	v8 =	vpop (erf)  }
0x30b: {  	v17 =	vsub.f32 $0.0e+00, v10;
	(erf) = vrcp.f32 v11;
	v11 =	vld [tilespmem:s17+$0xFFFFFFF0];
	v8 =	vadd.f32 $1.000000000e+00, v8  }
0x30c: {  	v6 =	vmul.f32 v6, v1;
	(erf) = vrcp.f32 v5;
	v5 =	vld [tilespmem:s0+$0xFFFFFE10]  }
0x30d: {  	v17 =	vmul.f32 $1.442695020e+00, v17;
	(erf) = vrcp.f32 v8;
	v8 =	vld [tilespmem:s16+$0xFFFFFFB0]  }
0x30e: {  	[tilespmem:s25+$0xFFFFFE70] =	vst v15;
	v4 =	vmul.f32 v4, v1;
	v6 =	vadd.f32 v6, v14;
	v14 =	vld [tilespmem:s14+$0xFFFFFF50]  }
0x30f: {  	v13 =	vmul.f32 v13, v1;
	v9 =	vld [tilespmem:s8+$0xFFFFFE70];
	(erf) = vpow2.f32 v17  }
0x310: {  	v4 =	vadd.f32 v4, v7;
	v17 =	vld [tilespmem:s0+$0xFFFFFF10];
	v11 =	vadd.f32 v11, v33  }
0x311: {  	[tilespmem:s25+$0xFFFFFEF0] =	vst v12;
	v13 =	vadd.f32 v13, v18;
	v7 =	vadd.f32 v16, v5;
	v16 =	vld [tilespmem:s1+$0xFFFFFE90]  }
0x312: {  	v20 =	vld [tilespmem:s8+$0xFFFFFEF0];
	v8 =	vadd.f32 v8, v11  }
0x313: {  	[tilespmem:s31+$0xFFFFFF10] =	vst v6;
	v6 =	vld [tilespmem:s1+$0xFFFFFF10];
	v7 =	vadd.f32 v34, v7  }
0x314: {  	[tilespmem:s31+$0xFFFFFF90] =	vst v4;
	v5 =	vpop (erf);
	v11 =	vadd.f32 v23, v22;
	v22 =	vsub.f32 $0.0e+00, v8  }
0x315: {  	v18 =	vld [tilespmem:s1+$0xFFFFFED0];
	[tilespmem:s31+$0x10] =	vst v13;
	v9 =	vmul.f32 v15, v9;
	v13 =	vpop (erf);
	v35 =	vsub.f32 $0.0e+00, v7  }
0x316: {  	v4 =	vld [tilespmem:s1+$0xFFFFFE50];
	[tilespmem:s25+$0xFFFFFF70] =	vst v19;
	v14 =	vadd.f32 v14, v17;
	v17 =	vpop (erf);
	v11 =	vadd.f32 v16, v11;
	v22 =	vmul.f32 $1.442695020e+00, v22  }
0x317: {  	v3 =	vld [tilespmem:s13+$0x0];
	v12 =	vmul.f32 v12, v20;
	[tilespmem:s30+$0xFFFFFE60] =	vst v13;
	v20 =	vmul.f32 $1.442695020e+00, v35;
	v15 =	vpop (erf)  }
0x318: {  	[tilespmem:s25+$0xFFFFFE30] =	vst v9;
	v16 =	vld [tilespmem:s26+$0xFFFFFE60];
	v6 =	vadd.f32 v6, v14;
	v9 =	vsub.f32 $0.0e+00, v11;
	v36 =	vpop (erf);
	(erf) = vpow2.f32 v22  }
0x319: {  	v21 =	vld [tilespmem:s8+$0xFFFFFF70];
	[tilespmem:s30+$0xFFFFFEE0] =	vst v17;
	v24 =	vadd.f32 $1.000000000e+00, v36;
	(erf) = vpow2.f32 v20  }
0x31a: {  	v14 =	vld [tilespmem:s26+$0xFFFFFEE0];
	v22 =	vsub.f32 $0.0e+00, v6;
	v9 =	vmul.f32 $1.442695020e+00, v9  }
0x31b: {  	v38 =	vld [tilespmem:s8+$0xFFFFFE40];
	(erf) = vrcp.f32 v24  }
0x31c: {  	[tilespmem:s30+$0xFFFFFF60] =	vst v15;
	v20 =	vmul.f32 $1.442695020e+00, v22;
	(erf) = vpow2.f32 v9;
	v9 =	vld [tilespmem:s1+$0xFFFFFFD0]  }
0x31d: {  	v10 =	vmul.f32 v10, v1;
	v37 =	vld [tilespmem:s26+$0xFFFFFF60];
	v13 =	vmul.f32 v13, v16  }
0x31e: {  	v41 =	vld [tilespmem:s16+$0xFFFFFFF0];
	(erf) = vpow2.f32 v20  }
0x31f: {  	v23 =	vld [tilespmem:s1+$0xFFFFFF50];
	v14 =	vmul.f32 v17, v14;
	[tilespmem:s30+$0xFFFFFE20] =	vst v13  }
0x320: {  	v17 =	vld [tilespmem:s26+$0xFFFFFE30]  }
0x321: {  	[tilespmem:s30+$0xFFFFFEA0] =	vst v14;
	v14 =	vld [tilespmem:s17+$0xFFFFFE70];
	v9 =	vadd.f32 v10, v9;
	v10 =	vpop (erf)  }
0x322: {  	v7 =	vmul.f32 v7, v1;
	v42 =	vld [tilespmem:s16+$0xFFFFFE30];
	v15 =	vmul.f32 v15, v37;
	v20 =	vpop (erf);
	v10 =	vadd.f32 $1.000000000e+00, v10  }
0x323: {  	v22 =	vld [tilespmem:s17+$0xFFFFFEF0];
	v20 =	vadd.f32 $1.000000000e+00, v20  }
0x324: {  	s19 =	simm.s32 $0xA600;
	v4 =	vadd.f32 v7, v4;
	v7 =	vld [tilespmem:s16+$0xFFFFFEB0];
	[tilespmem:s30+$0xFFFFFF20] =	vst v15  }
0x325: {  	v15 =	vld [tilespmem:s26+$0xFFFFFEB0];
	[tilespmem:s19+$0x80] =	vst v9;
	v9 =	vpop (erf)  }
0x326: {  	s22 =	simm.s32 $0x92F0;
	v39 =	vld [tilespmem:s26+$0xFFFFFF30];
	(erf) = vrcp.f32 v10;
	v10 =	vpop (erf)  }
0x327: {  	v43 =	vld [tilespmem:s17+$0xFFFFFF70];
	[tilespmem:s22+$0xFFFFFFD0] =	vst v9;
	(erf) = vrcp.f32 v20;
	v10 =	vadd.f32 $1.000000000e+00, v10;
	v20 =	vpop (erf)  }
0x328: {  	v19 =	vmul.f32 v19, v21;
	v40 =	vld [tilespmem:s0+$0xFFFFFFD0];
	v20 =	vadd.f32 $1.000000000e+00, v20  }
0x329: {  	[tilespmem:s25+$0xFFFFFEB0] =	vst v12;
	v12 =	vld [tilespmem:s12+$0xFFFFFE80];
	v8 =	vmul.f32 v8, v1;
	(erf) = vrcp.f32 v10;
	v10 =	vadd.f32 v14, v17  }
0x32a: {  	v21 =	vld [tilespmem:s8+$0xFFFFFEC0];
	v6 =	vmul.f32 v6, v1;
	v15 =	vadd.f32 v22, v15;
	(erf) = vrcp.f32 v20  }
0x32b: {  	v8 =	vadd.f32 v8, v41;
	v14 =	vld [tilespmem:s16+$0xFFFFFF30];
	v10 =	vadd.f32 v42, v10  }
0x32c: {  	[tilespmem:s25+$0xFFFFFF30] =	vst v19;
	v19 =	vld [tilespmem:s12+$0xFFFFFF00];
	v11 =	vmul.f32 v11, v1;
	v6 =	vadd.f32 v6, v23;
	v15 =	vadd.f32 v7, v15  }
0x32d: {  	[tilespmem:s19+$0xFFFFFF00] =	vst v4;
	v16 =	vld [tilespmem:s8+$0xFFFFFF40];
	v17 =	vadd.f32 v43, v39;
	v9 =	vmul.f32 v9, v40;
	v22 =	vsub.f32 $0.0e+00, v10  }
0x32e: {  	v11 =	vadd.f32 v11, v18;
	v13 =	vld [tilespmem:s12+$0xFFFFFF80];
	[tilespmem:s19+$0x0] =	vst v6  }
0x32f: {  	v6 =	vadd.f32 v12, v38;
	[tilespmem:s22+$0xFFFFFF90] =	vst v9;
	v9 =	vld [tilespmem:s13+$0xFFFFFE40];
	v12 =	vmul.f32 $1.442695020e+00, v22;
	v22 =	vsub.f32 $0.0e+00, v15  }
0x330: {  	[tilespmem:s31+$0xA0] =	vst v8;
	v8 =	vpop (erf);
	v20 =	vld [tilespmem:s0+$0xFFFFFFA0];
	v14 =	vadd.f32 v14, v17  }
0x331: {  	[tilespmem:s19+$0xFFFFFF80] =	vst v11;
	v7 =	vld [tilespmem:s14+$0xFFFFFFE0];
	v17 =	vpop (erf)  }
0x332: {  	[tilespmem:s30+$0xFFFFFFF0] =	vst v8;
	v23 =	vld [tilespmem:s1+$0xFFFFFFA0];
	v11 =	vsub.f32 $0.0e+00, v14;
	v44 =	vpop (erf)  }
0x333: {  	v18 =	vld [tilespmem:s26+$0xFFFFFFF0];
	[tilespmem:s22+$0xFFFFFE50] =	vst v17;
	(erf) = vpow2.f32 v12;
	v12 =	vmul.f32 $1.442695020e+00, v22;
	v22 =	vpop (erf)  }
0x334: {  	v45 =	vld [tilespmem:s0+$0xFFFFFE50];
	v6 =	vadd.f32 v9, v6;
	v9 =	vmul.f32 $1.442695020e+00, v11;
	[tilespmem:s22+$0xFFFFFF50] =	vst v22  }
0x335: {  	(erf) = vpow2.f32 v12;
	v12 =	vld [tilespmem:s0+$0xFFFFFF50]  }
0x336: {  	v4 =	vld [tilespmem:s16+$0xFFFFFE70];
	(erf) = vpow2.f32 v9  }
0x337: {  	v46 =	vld [tilespmem:s16+$0xFFFFFEF0];
	[tilespmem:s22+$0xFFFFFED0] =	vst v44;
	v7 =	vadd.f32 v7, v20;
	v20 =	vsub.f32 $0.0e+00, v6  }
0x338: {  	v11 =	vld [tilespmem:s0+$0xFFFFFED0];
	v8 =	vmul.f32 v8, v18  }
0x339: {  	v9 =	vld [tilespmem:s13+$0xFFFFFEC0];
	v18 =	vadd.f32 v23, v7;
	v7 =	vmul.f32 $1.442695020e+00, v20  }
0x33a: {  	v17 =	vmul.f32 v17, v45;
	v20 =	vld [tilespmem:s13+$0xFFFFFF40];
	[tilespmem:s30+$0xFFFFFFB0] =	vst v8;
	v12 =	vmul.f32 v22, v12  }
0x33b: {  	v8 =	vsub.f32 $0.0e+00, v18;
	v23 =	vld [tilespmem:s26+$0xFFFFFFC0];
	(erf) = vpow2.f32 v7  }
0x33c: {  	v2 =	vmul.f32 v2, v1;
	[tilespmem:s22+$0xFFFFFE10] =	vst v17;
	v17 =	vld [tilespmem:s17+$0x0];
	v7 =	vadd.f32 v19, v21  }
0x33d: {  	v13 =	vadd.f32 v13, v16;
	v16 =	vld [tilespmem:s16+$0xFFFFFFC0];
	v11 =	vmul.f32 v44, v11;
	v8 =	vmul.f32 $1.442695020e+00, v8;
	v21 =	vpop (erf)  }
0x33e: {  	v19 =	vld [tilespmem:s0+$0xFFFFFE20];
	v7 =	vadd.f32 v9, v7;
	v9 =	vadd.f32 $1.000000000e+00, v21;
	[tilespmem:s22+$0xFFFFFF10] =	vst v12;
	v12 =	vpop (erf)  }
0x33f: {  	v2 =	vadd.f32 v2, v3;
	[tilespmem:s22+$0xFFFFFE90] =	vst v11;
	v11 =	vld [tilespmem:s14+$0xFFFFFE60];
	(erf) = vpow2.f32 v8;
	v22 =	vpop (erf)  }
0x340: {  	v8 =	vadd.f32 v20, v13;
	v13 =	vld [tilespmem:s0+$0xFFFFFEA0];
	(erf) = vrcp.f32 v9;
	v9 =	vadd.f32 $1.000000000e+00, v22  }
0x341: {  	v20 =	vsub.f32 $0.0e+00, v7;
	v21 =	vld [tilespmem:s14+$0xFFFFFEE0];
	v12 =	vadd.f32 $1.000000000e+00, v12  }
0x342: {  	[tilespmem:s15+$0xB0] =	vst v2;
	v2 =	vmul.f32 v15, v1;
	v47 =	vld [tilespmem:s0+$0xFFFFFF20]  }
0x343: {  	v17 =	vadd.f32 v17, v23;
	v3 =	vmul.f32 $1.442695020e+00, v20;
	v20 =	vld [tilespmem:s1+$0xFFFFFEA0];
	(erf) = vrcp.f32 v12  }
0x344: {  	v2 =	vadd.f32 v2, v46;
	v23 =	vsub.f32 $0.0e+00, v8;
	v12 =	vld [tilespmem:s1+$0xFFFFFE20];
	(erf) = vrcp.f32 v9;
	v9 =	vpop (erf)  }
0x345: {  	v16 =	vadd.f32 v16, v17;
	v22 =	vld [tilespmem:s14+$0xFFFFFF60];
	(erf) = vpow2.f32 v3;
	v3 =	vadd.f32 $1.000000000e+00, v9  }
0x346: {  	v10 =	vmul.f32 v10, v1;
	v17 =	vmul.f32 $1.442695020e+00, v23;
	v13 =	vadd.f32 v21, v13  }
0x347: {  	v23 =	vsub.f32 $0.0e+00, v16;
	v11 =	vadd.f32 v11, v19  }
0x348: {  	v48 =	vld [tilespmem:s16+$0xFFFFFF70];
	v4 =	vadd.f32 v10, v4;
	v20 =	vadd.f32 v20, v13;
	(erf) = vpow2.f32 v17  }
0x349: {  	v15 =	vld [tilespmem:s1+$0xFFFFFF20];
	v17 =	vmul.f32 $1.442695020e+00, v23;
	v21 =	vadd.f32 v12, v11;
	(erf) = vrcp.f32 v3;
	v3 =	vpop (erf)  }
0x34a: {  	s7 =	simm.s32 $0x6CF0;
	v19 =	vadd.f32 v22, v47;
	v3 =	vadd.f32 $1.000000000e+00, v3  }
0x34b: {  	v54 =	vld [tilespmem:s7+$0xFFFFFF90];
	v14 =	vmul.f32 v14, v1;
	[tilespmem:s31+$0xFFFFFF20] =	vst v4;
	(erf) = vpow2.f32 v17;
	v4 =	vsub.f32 $0.0e+00, v21  }
0x34c: {  	s2 =	simm.s32 $0x1CF0;
	[tilespmem:s31+$0xFFFFFFA0] =	vst v2;
	v13 =	vld [tilespmem:s1+$0xFFFFFFE0];
	v2 =	vsub.f32 $0.0e+00, v20;
	(erf) = vrcp.f32 v3  }
0x34d: {  	v32 =	vld [tilespmem:s2+$0xFFFFFE90];
	v4 =	vmul.f32 $1.442695020e+00, v4;
	v3 =	vadd.f32 v14, v48  }
0x34e: {  	v35 =	vld [tilespmem:s2+$0xFFFFFF10];
	v15 =	vadd.f32 v15, v19;
	v2 =	vmul.f32 $1.442695020e+00, v2;
	v19 =	vpop (erf)  }
0x34f: {  	v10 =	vld [tilespmem:s13+$0xFFFFFE80];
	v49 =	vpop (erf);
	(erf) = vpow2.f32 v4;
	v4 =	vmul.f32 v18, v1  }
0x350: {  	v55 =	vld [tilespmem:s16+$0x0];
	v12 =	vsub.f32 $0.0e+00, v15;
	v50 =	vpop (erf)  }
0x351: {  	v23 =	vld [tilespmem:s1+$0xFFFFFF60];
	[tilespmem:s31+$0x20] =	vst v3;
	v4 =	vadd.f32 v4, v13;
	v3 =	vpop (erf)  }
0x352: {  	v22 =	vld [tilespmem:s1+$0xFFFFFEE0];
	v14 =	vmul.f32 $1.442695020e+00, v12;
	v52 =	vpop (erf)  }
0x353: {  	v11 =	vld [tilespmem:s13+$0xFFFFFF00];
	(erf) = vpow2.f32 v2;
	v3 =	vadd.f32 $1.000000000e+00, v3;
	v2 =	vpop (erf)  }
0x354: {  	v12 =	vld [tilespmem:s13+$0xFFFFFF80];
	(erf) = vpow2.f32 v14;
	v14 =	vadd.f32 $1.000000000e+00, v52;
	v13 =	vpop (erf)  }
0x355: {  	s13 =	simm.s32 $0x44B0;
	[tilespmem:s19+$0x90] =	vst v4;
	(erf) = vrcp.f32 v3;
	v3 =	vadd.f32 $1.000000000e+00, v13;
	v13 =	vld [tilespmem:s2+$0xFFFFFF90];
	v4 =	vpop (erf)  }
0x356: {  	(erf) = vrcp.f32 v14;
	v14 =	vld [tilespmem:s13+$0xFFFFFFD0];
	[tilespmem:s22+$0xFFFFFFE0] =	vst v4  }
0x357: {  	[tilespmem:s25+$0x0] =	vst v5;
	(erf) = vrcp.f32 v3;
	v3 =	vld [tilespmem:s0+$0xFFFFFFE0]  }
0x358: {  	v9 =	vld [tilespmem:s8+$0x0];
	v20 =	vmul.f32 v20, v1  }
0x359: {  	v17 =	vld [tilespmem:s1+$0xFFFFFE60]  }
0x35a: {  	v20 =	vadd.f32 v20, v22;
	v22 =	vld [tilespmem:s7+$0xFFFFFE90];
	[tilespmem:s30+$0xFFFFFE70] =	vst v19  }
0x35b: {  	v51 =	vld [tilespmem:s26+$0xFFFFFE70];
	v13 =	vadd.f32 v14, v13  }
0x35c: {  	[tilespmem:s19+$0xFFFFFF90] =	vst v20;
	v20 =	vld [tilespmem:s7+$0xFFFFFE50];
	v31 =	vpop (erf);
	v36 =	vmul.f32 v4, v3  }
0x35d: {  	v56 =	vld [tilespmem:s13+$0xFFFFFE50];
	v33 =	vpop (erf);
	v14 =	vmul.f32 v16, v1;
	v27 =	vadd.f32 v54, v13  }
0x35e: {  	v34 =	vld [tilespmem:s13+$0xFFFFFED0];
	v16 =	vadd.f32 $1.000000000e+00, v31;
	v57 =	vadd.f32 $1.000000000e+00, v33;
	[tilespmem:s22+$0xFFFFFFA0] =	vst v36  }
0x35f: {  	v58 =	vpop (erf);
	v13 =	vadd.f32 v14, v55;
	v59 =	vsub.f32 $0.0e+00, v27;
	v60 =	vld [tilespmem:s0+$0xFFFFFFB0]  }
0x360: {  	v21 =	vmul.f32 v21, v1;
	v14 =	vadd.f32 $1.000000000e+00, v58;
	(erf) = vrcp.f32 v16;
	v3 =	vpop (erf);
	v61 =	vld [tilespmem:s14+$0xFFFFFFF0]  }
0x361: {  	v16 =	vld [tilespmem:s2+$0xFFFFFE10];
	v4 =	vpop (erf);
	(erf) = vrcp.f32 v57;
	v29 =	vmul.f32 $1.442695020e+00, v59  }
0x362: {  	(erf) = vrcp.f32 v14;
	v36 =	vld [tilespmem:s1+$0xFFFFFFB0]  }
0x363: {  	v15 =	vmul.f32 v15, v1;
	v17 =	vadd.f32 v21, v17;
	v21 =	vld [tilespmem:s7+$0xFFFFFE10];
	[tilespmem:s31+$0xB0] =	vst v13;
	v13 =	vpop (erf);
	(erf) = vpow2.f32 v29  }
0x364: {  	[tilespmem:s30+$0xFFFFFEF0] =	vst v49;
	v37 =	vld [tilespmem:s13+$0xFFFFFF50]  }
0x365: {  	v15 =	vadd.f32 v15, v23;
	v18 =	vld [tilespmem:s26+$0xFFFFFEF0];
	[tilespmem:s30+$0xFFFFFF70] =	vst v50;
	v23 =	vadd.f32 v61, v60  }
0x366: {  	[tilespmem:s19+$0xFFFFFF10] =	vst v17;
	v17 =	vld [tilespmem:s7+$0xFFFFFF10];
	v19 =	vmul.f32 v19, v51;
	v16 =	vadd.f32 v56, v16  }
0x367: {  	v53 =	vld [tilespmem:s26+$0xFFFFFF70];
	v23 =	vadd.f32 v36, v23  }
0x368: {  	v48 =	vld [tilespmem:s7+$0xFFFFFFD0];
	v62 =	vadd.f32 v34, v32;
	[tilespmem:s30+$0xFFFFFE30] =	vst v19;
	v16 =	vadd.f32 v21, v16  }
0x369: {  	v7 =	vmul.f32 v7, v1;
	[tilespmem:s19+$0x10] =	vst v15;
	v46 =	vld [tilespmem:s26+$0xFFFFFE40];
	v15 =	vpop (erf);
	v36 =	vadd.f32 v37, v35;
	v39 =	vsub.f32 $0.0e+00, v23  }
0x36a: {  	v18 =	vmul.f32 v49, v18;
	v22 =	vadd.f32 v22, v62;
	v47 =	vld [tilespmem:s17+$0xFFFFFE80];
	v40 =	vsub.f32 $0.0e+00, v16;
	v63 =	vpop (erf)  }
0x36b: {  	v7 =	vadd.f32 v7, v11;
	v11 =	vld [tilespmem:s16+$0xFFFFFE80];
	[tilespmem:s22+$0xFFFFFEE0] =	vst v63;
	v37 =	vpop (erf);
	v17 =	vadd.f32 v17, v36;
	v42 =	vmul.f32 $1.442695020e+00, v39  }
0x36c: {  	[tilespmem:s30+$0xFFFFFEB0] =	vst v18;
	v25 =	vmul.f32 v50, v53;
	v43 =	vsub.f32 $0.0e+00, v22;
	v44 =	vmul.f32 $1.442695020e+00, v40;
	v41 =	vld [tilespmem:s0+$0xFFFFFEE0];
	v45 =	vpop (erf)  }
0x36d: {  	v28 =	vld [tilespmem:s26+$0xFFFFFEC0];
	[tilespmem:s22+$0xFFFFFE60] =	vst v15;
	v18 =	vsub.f32 $0.0e+00, v17;
	v30 =	vadd.f32 $1.000000000e+00, v45;
	(erf) = vpow2.f32 v42  }
0x36e: {  	[tilespmem:s30+$0xFFFFFF30] =	vst v25;
	v26 =	vmul.f32 $1.442695020e+00, v43;
	v38 =	vld [tilespmem:s0+$0xFFFFFE60];
	(erf) = vpow2.f32 v44  }
0x36f: {  	v25 =	vld [tilespmem:s17+$0xFFFFFF00];
	[tilespmem:s30+$0x0] =	vst v13;
	v18 =	vmul.f32 $1.442695020e+00, v18;
	(erf) = vrcp.f32 v30  }
0x370: {  	v14 =	vld [tilespmem:s26+$0x0];
	[tilespmem:s22+$0xFFFFFF60] =	vst v37;
	(erf) = vpow2.f32 v26  }
0x371: {  	v19 =	vld [tilespmem:s0+$0xFFFFFF60];
	(erf) = vpow2.f32 v18;
	v18 =	vmul.f32 v63, v41  }
0x372: {  	v29 =	vld [tilespmem:s7+$0xFFFFFED0]  }
0x373: {  	v21 =	vld [tilespmem:s7+$0xFFFFFF50];
	v15 =	vmul.f32 v15, v38;
	[tilespmem:s22+$0xFFFFFEA0] =	vst v18;
	v18 =	vmul.f32 v27, v1  }
0x374: {  	v60 =	vld [tilespmem:s1+$0xFFFFFFF0]  }
0x375: {  	[tilespmem:s22+$0xFFFFFE20] =	vst v15;
	v15 =	vld [tilespmem:s17+$0xFFFFFF80];
	v18 =	vadd.f32 v18, v48  }
0x376: {  	v49 =	vld [tilespmem:s0+$0xFFFFFE30];
	v19 =	vmul.f32 v37, v19  }
0x377: {  	v50 =	vld [tilespmem:s14+$0xFFFFFE70];
	v52 =	vpop (erf)  }
0x378: {  	s12 =	simm.s32 $0xA800;
	v38 =	vld [tilespmem:s1+$0xFFFFFE30];
	[tilespmem:s22+$0xFFFFFF20] =	vst v19;
	v53 =	vpop (erf)  }
0x379: {  	s10 =	simm.s32 $0x94F0;
	v54 =	vld [tilespmem:s0+$0xFFFFFF30];
	v30 =	vadd.f32 $1.000000000e+00, v52;
	[tilespmem:s12+$0x80] =	vst v18;
	v18 =	vpop (erf)  }
0x37a: {  	v51 =	vld [tilespmem:s0+$0xFFFFFEB0];
	[tilespmem:s10+$0xFFFFFFD0] =	vst v18  }
0x37b: {  	v16 =	vmul.f32 v16, v1;
	v33 =	vadd.f32 $1.000000000e+00, v53;
	(erf) = vrcp.f32 v30;
	v58 =	vld [tilespmem:s2+$0xFFFFFFD0]  }
0x37c: {  	v17 =	vmul.f32 v17, v1;
	v19 =	vld [tilespmem:s14+$0xFFFFFEF0]  }
0x37d: {  	v16 =	vadd.f32 v16, v20;
	v55 =	vld [tilespmem:s14+$0xFFFFFF70];
	v56 =	vpop (erf);
	(erf) = vrcp.f32 v33  }
0x37e: {  	v23 =	vmul.f32 v23, v1;
	v17 =	vadd.f32 v17, v21;
	v61 =	vld [tilespmem:s1+$0xFFFFFEB0];
	v57 =	vadd.f32 $1.000000000e+00, v56;
	v39 =	vpop (erf)  }
0x37f: {  	v22 =	vmul.f32 v22, v1;
	v62 =	vld [tilespmem:s1+$0xFFFFFF30];
	v20 =	vadd.f32 v50, v49;
	v59 =	vadd.f32 $1.000000000e+00, v39  }
0x380: {  	[tilespmem:s12+$0xFFFFFF00] =	vst v16;
	v23 =	vadd.f32 v23, v60;
	v21 =	vld [tilespmem:s1+$0xFFFFFE70];
	(erf) = vrcp.f32 v57;
	v18 =	vmul.f32 v18, v58  }
0x381: {  	[tilespmem:s12+$0x0] =	vst v17;
	v26 =	vld [tilespmem:s26+$0xFFFFFF40];
	v16 =	vadd.f32 v19, v51;
	v19 =	vadd.f32 v38, v20;
	(erf) = vrcp.f32 v59  }
0x382: {  	v22 =	vadd.f32 v22, v29;
	v17 =	vadd.f32 v55, v54;
	[tilespmem:s10+$0xFFFFFF90] =	vst v18;
	v18 =	vld [tilespmem:s16+$0xFFFFFE40]  }
0x383: {  	v63 =	vld [tilespmem:s1+$0xFFFFFF70];
	v16 =	vadd.f32 v61, v16;
	v39 =	vsub.f32 $0.0e+00, v19  }
0x384: {  	[tilespmem:s19+$0xA0] =	vst v23;
	v17 =	vadd.f32 v62, v17;
	v23 =	vpop (erf);
	v40 =	vld [tilespmem:s2+$0xFFFFFFA0]  }
0x385: {  	v24 =	vadd.f32 v47, v46;
	v43 =	vsub.f32 $0.0e+00, v16;
	v41 =	vmul.f32 $1.442695020e+00, v39;
	v42 =	vld [tilespmem:s13+$0xFFFFFFE0];
	[tilespmem:s22+$0xFFFFFFF0] =	vst v23  }
0x386: {  	[tilespmem:s12+$0xFFFFFF80] =	vst v22;
	v44 =	vsub.f32 $0.0e+00, v17;
	v22 =	vpop (erf);
	v45 =	vld [tilespmem:s0+$0xFFFFFFF0]  }
0x387: {  	v32 =	vmul.f32 $1.442695020e+00, v43;
	(erf) = vpow2.f32 v41;
	v46 =	vld [tilespmem:s7+$0xFFFFFFA0];
	[tilespmem:s10+$0xFFFFFE50] =	vst v22;
	v18 =	vadd.f32 v18, v24  }
0x388: {  	v6 =	vmul.f32 v6, v1;
	v33 =	vmul.f32 $1.442695020e+00, v44;
	v48 =	vld [tilespmem:s2+$0xFFFFFE50]  }
0x389: {  	v8 =	vmul.f32 v8, v1;
	v53 =	vld [tilespmem:s16+$0xFFFFFEC0];
	(erf) = vpow2.f32 v32;
	v47 =	vpop (erf);
	v52 =	vsub.f32 $0.0e+00, v18  }
0x38a: {  	v5 =	vmul.f32 v5, v9;
	v20 =	vld [tilespmem:s1+$0xFFFFFEF0];
	(erf) = vpow2.f32 v33;
	[tilespmem:s10+$0xFFFFFED0] =	vst v47;
	v49 =	vpop (erf);
	v29 =	vadd.f32 v42, v40  }
0x38b: {  	v6 =	vadd.f32 v6, v10;
	v50 =	vld [tilespmem:s2+$0xFFFFFED0];
	[tilespmem:s10+$0xFFFFFF50] =	vst v49;
	v23 =	vmul.f32 v23, v45;
	v54 =	vmul.f32 $1.442695020e+00, v52  }
0x38c: {  	v13 =	vmul.f32 v13, v14;
	v19 =	vmul.f32 v19, v1;
	v51 =	vld [tilespmem:s2+$0xFFFFFF50];
	v27 =	vadd.f32 v46, v29  }
0x38d: {  	v8 =	vadd.f32 v8, v12;
	v55 =	vld [tilespmem:s16+$0xFFFFFF40];
	v10 =	vmul.f32 v22, v48;
	[tilespmem:s22+$0xFFFFFFB0] =	vst v23;
	(erf) = vpow2.f32 v54  }
0x38e: {  	[tilespmem:s15+$0xFFFFFF30] =	vst v6;
	v15 =	vadd.f32 v15, v26;
	v16 =	vmul.f32 v16, v1;
	v12 =	vsub.f32 $0.0e+00, v27;
	v22 =	vld [tilespmem:s0+$0xFFFFFFC0]  }
0x38f: {  	v6 =	vmul.f32 v17, v1;
	v9 =	vadd.f32 v19, v21;
	v23 =	vadd.f32 v25, v28;
	[tilespmem:s10+$0xFFFFFE10] =	vst v10;
	v10 =	vld [tilespmem:s14+$0x0]  }
0x390: {  	[tilespmem:s25+$0xFFFFFFC0] =	vst v5;
	v16 =	vadd.f32 v16, v20;
	v57 =	vpop (erf);
	v21 =	vld [tilespmem:s1+$0xFFFFFFC0];
	v56 =	vmul.f32 v47, v50;
	v12 =	vmul.f32 $1.442695020e+00, v12  }
0x391: {  	[tilespmem:s15+$0xFFFFFFB0] =	vst v7;
	v19 =	vadd.f32 $1.000000000e+00, v57;
	v58 =	vld [tilespmem:s2+$0xFFFFFE20];
	v23 =	vadd.f32 v53, v23;
	v20 =	vmul.f32 v49, v51  }
0x392: {  	v15 =	vadd.f32 v55, v15;
	v7 =	vadd.f32 v6, v63;
	v5 =	vpop (erf);
	[tilespmem:s10+$0xFFFFFE90] =	vst v56;
	(erf) = vpow2.f32 v12;
	v12 =	vld [tilespmem:s13+$0xFFFFFE60]  }
0x393: {  	v5 =	vadd.f32 $1.000000000e+00, v5;
	v14 =	vpop (erf);
	v17 =	vsub.f32 $0.0e+00, v23;
	[tilespmem:s10+$0xFFFFFF10] =	vst v20;
	v20 =	vld [tilespmem:s13+$0xFFFFFEE0];
	(erf) = vrcp.f32 v19  }
0x394: {  	v14 =	vadd.f32 $1.000000000e+00, v14;
	v19 =	vld [tilespmem:s2+$0xFFFFFEA0];
	v10 =	vadd.f32 v10, v22  }
0x395: {  	v59 =	vsub.f32 $0.0e+00, v15;
	v22 =	vld [tilespmem:s2+$0xFFFFFF20];
	v6 =	vmul.f32 $1.442695020e+00, v17;
	(erf) = vrcp.f32 v5  }
0x396: {  	[tilespmem:s15+$0x30] =	vst v8;
	v8 =	vmul.f32 v18, v1;
	v5 =	vadd.f32 v21, v10;
	(erf) = vrcp.f32 v14;
	v14 =	vld [tilespmem:s7+$0xFFFFFE20];
	v18 =	vpop (erf)  }
0x397: {  	v10 =	vld [tilespmem:s13+$0xFFFFFF60];
	(erf) = vpow2.f32 v6;
	v6 =	vadd.f32 $1.000000000e+00, v18  }
0x398: {  	[tilespmem:s25+$0xFFFFFE80] =	vst v2;
	v17 =	vmul.f32 $1.442695020e+00, v59;
	v21 =	vld [tilespmem:s7+$0xFFFFFEA0];
	v60 =	vsub.f32 $0.0e+00, v5  }
0x399: {  	[tilespmem:s30+$0xFFFFFFC0] =	vst v13;
	v12 =	vadd.f32 v12, v58;
	v18 =	vld [tilespmem:s7+$0xFFFFFF20]  }
0x39a: {  	[tilespmem:s19+$0x20] =	vst v7;
	v7 =	vld [tilespmem:s16+$0xFFFFFF80];
	v8 =	vadd.f32 v8, v11;
	(erf) = vpow2.f32 v17;
	v17 =	vmul.f32 $1.442695020e+00, v60  }
0x39b: {  	[tilespmem:s19+$0xFFFFFF20] =	vst v9;
	v61 =	vld [tilespmem:s7+$0xFFFFFE60];
	v13 =	vadd.f32 v20, v19;
	v9 =	vadd.f32 v14, v12;
	(erf) = vrcp.f32 v6;
	v6 =	vpop (erf)  }
0x39c: {  	[tilespmem:s25+$0xFFFFFF00] =	vst v3;
	v19 =	vld [tilespmem:s7+$0xFFFFFEE0];
	v10 =	vadd.f32 v10, v22;
	v14 =	vadd.f32 $1.000000000e+00, v6;
	v20 =	vpop (erf);
	(erf) = vpow2.f32 v17  }
0x39d: {  	[tilespmem:s25+$0xFFFFFF80] =	vst v4;
	v12 =	vld [tilespmem:s7+$0xFFFFFF60];
	v11 =	vadd.f32 v21, v13;
	v6 =	vmul.f32 v15, v1;
	v15 =	vsub.f32 $0.0e+00, v9  }
0x39e: {  	v13 =	vld [tilespmem:s16+$0xFFFFFF00];
	v10 =	vadd.f32 v18, v10;
	v9 =	vmul.f32 v9, v1;
	[tilespmem:s22+$0xFFFFFE70] =	vst v20;
	(erf) = vrcp.f32 v14  }
0x39f: {  	[tilespmem:s19+$0xFFFFFFA0] =	vst v16;
	v18 =	vmul.f32 v11, v1;
	v11 =	vsub.f32 $0.0e+00, v11;
	v17 =	vpop (erf);
	v14 =	vld [tilespmem:s0+$0xFFFFFE70];
	v15 =	vmul.f32 $1.442695020e+00, v15  }
0x3a0: {  	v23 =	vmul.f32 v23, v1;
	v22 =	vld [tilespmem:s7+$0xFFFFFFE0];
	[tilespmem:s22+$0xFFFFFEF0] =	vst v17;
	v16 =	vpop (erf);
	v21 =	vmul.f32 v10, v1;
	v10 =	vsub.f32 $0.0e+00, v10  }
0x3a1: {  	v9 =	vadd.f32 v9, v61;
	v62 =	vadd.f32 v18, v19;
	v11 =	vmul.f32 $1.442695020e+00, v11;
	[tilespmem:s22+$0xFFFFFF70] =	vst v16;
	v19 =	vld [tilespmem:s0+$0xFFFFFEF0]  }
0x3a2: {  	[tilespmem:s31+$0xFFFFFF30] =	vst v8;
	v8 =	vpop (erf);
	v12 =	vadd.f32 v21, v12;
	v10 =	vmul.f32 $1.442695020e+00, v10;
	(erf) = vpow2.f32 v15;
	v18 =	vld [tilespmem:s0+$0xFFFFFF70]  }
0x3a3: {  	[tilespmem:s12+$0xFFFFFF10] =	vst v9;
	v21 =	vmul.f32 v27, v1;
	v63 =	vadd.f32 $1.000000000e+00, v8;
	v9 =	vld [tilespmem:s8+$0xFFFFFE80];
	(erf) = vpow2.f32 v11;
	v15 =	vpop (erf)  }
0x3a4: {  	[tilespmem:s12+$0xFFFFFF90] =	vst v62;
	(erf) = vpow2.f32 v10;
	v10 =	vld [tilespmem:s8+$0xFFFFFF00];
	v8 =	vpop (erf);
	v20 =	vmul.f32 v20, v14;
	v11 =	vadd.f32 $1.000000000e+00, v15  }
0x3a5: {  	s15 =	simm.s32 $0x34;
	s16 =	simm.s32 $0x6EF0;
	v13 =	vadd.f32 v23, v13;
	[tilespmem:s12+$0x10] =	vst v12;
	v12 =	vld [tilespmem:s8+$0xFFFFFF80];
	s8 =	simm.s32 $0x44B0;
	v14 =	vadd.f32 v21, v22;
	(erf) = vrcp.f32 v63;
	v15 =	vpop (erf)  }
.LBB2_5:
0x3a6: {  	v21 =	vld [tilespmem:s16+$0xFFFFFF90];
	[tilespmem:s22+$0xFFFFFE30] =	vst v20;
	v17 =	vmul.f32 v17, v19;
	v15 =	vadd.f32 $1.000000000e+00, v15;
	(erf) = vrcp.f32 v11;
	s17 =	smov.u32 s2;
	s2 =	sadd.s32 $0x200, s2  }
0x3a7: {  	s13 =	sadd.s32 $0x200, s13;
	v6 =	vadd.f32 v6, v7;
	v11 =	vld [tilespmem:s2+$0xFFFFFF90];
	[tilespmem:s12+$0x90] =	vst v14;
	v14 =	vpop (erf);
	v16 =	vmul.f32 v16, v18  }
0x3a8: {  	v7 =	vld [tilespmem:s13+$0xFFFFFFD0];
	[tilespmem:s10+$0xFFFFFFE0] =	vst v14;
	(erf) = vrcp.f32 v15;
	v9 =	vmul.f32 v2, v9;
	v2 =	vmov v8  }
0x3a9: {  	v8 =	vld [tilespmem:s17+$0xFFFFFFE0];
	[tilespmem:s22+$0xFFFFFEB0] =	vst v17;
	v10 =	vmul.f32 v3, v10  }
0x3aa: {  	[tilespmem:s22+$0xFFFFFF30] =	vst v16;
	v15 =	vld [tilespmem:s1+$0x0];
	v12 =	vmul.f32 v4, v12  }
0x3ab: {  	s15 =	sadd.s32 $0x4, s15;
	v16 =	vld [tilespmem:s13+$0xFFFFFE50];
	v3 =	vpop (erf);
	[tilespmem:s30+$0xFFFFFE80] =	vst v2  }
0x3ac: {  	p0 =	slt.u32 s15, $0x4C;
	v17 =	vld [tilespmem:s2+$0xFFFFFE90];
	v18 =	vadd.f32 $1.000000000e+00, v3;
	v4 =	vpop (erf);
	[tilespmem:s31+$0xFFFFFFB0] =	vst v13  }
0x3ad: {  	v5 =	vmul.f32 v5, v1;
	v13 =	vld [tilespmem:s13+$0xFFFFFED0];
	v7 =	vadd.f32 v7, v11;
	v19 =	vadd.f32 $1.000000000e+00, v4;
	v11 =	vpop (erf);
	[tilespmem:s31+$0x30] =	vst v6;
	s31 =	smov.u32 s19;
	s19 =	smov.u32 s12  }
0x3ae: {  	v6 =	vld [tilespmem:s2+$0xFFFFFF10];
	v11 =	vadd.f32 $1.000000000e+00, v11;
	v8 =	vmul.f32 v14, v8;
	(erf) = vrcp.f32 v18;
	v3 =	vpop (erf);
	[tilespmem:s25+$0xFFFFFE40] =	vst v9  }
0x3af: {  	v9 =	vld [tilespmem:s13+$0xFFFFFF50];
	v7 =	vadd.f32 v21, v7;
	(erf) = vrcp.f32 v19;
	v15 =	vadd.f32 v5, v15;
	[tilespmem:s30+$0xFFFFFF00] =	vst v3;
	v4 =	vpop (erf)  }
0x3b0: {  	v14 =	vld [tilespmem:s2+$0xFFFFFE10];
	[tilespmem:s10+$0xFFFFFFA0] =	vst v8;
	(erf) = vrcp.f32 v11  }
0x3b1: {  	v8 =	vsub.f32 $0.0e+00, v7;
	v11 =	vld [tilespmem:s17+$0xFFFFFFB0];
	[tilespmem:s31+$0xB0] =	vst v15;
	v5 =	vpop (erf)  }
0x3b2: {  	v13 =	vadd.f32 v13, v17;
	v15 =	vld [tilespmem:s8+$0xFFFFFFF0];
	[tilespmem:s22+$0x0] =	vst v5  }
0x3b3: {  	v8 =	vmul.f32 $1.442695020e+00, v8;
	v17 =	vld [tilespmem:s0+$0x0];
	[tilespmem:s30+$0xFFFFFF80] =	vst v4  }
0x3b4: {  	v6 =	vadd.f32 v9, v6;
	v9 =	vld [tilespmem:s7+$0xFFFFFFB0];
	[tilespmem:s25+$0xFFFFFEC0] =	vst v10  }
0x3b5: {  	v10 =	vadd.f32 v16, v14;
	v14 =	vld [tilespmem:s16+$0xFFFFFE10];
	(erf) = vpow2.f32 v8;
	[tilespmem:s25+$0xFFFFFF40] =	vst v12;
	s25 =	smov.u32 s30;
	s30 =	smov.u32 s22;
	s22 =	smov.u32 s10  }
0x3b6: {  	v8 =	vld [tilespmem:s16+$0xFFFFFE90]  }
0x3b7: {  	v12 =	vld [tilespmem:s16+$0xFFFFFF10];
	v19 =	vadd.f32 v15, v11;
	v15 =	vpop (erf)  }
0x3b8: {  	v16 =	vld [tilespmem:s16+$0xFFFFFE50];
	[tilespmem:s10+$0xFFFFFE60] =	vst v15;
	v18 =	vpop (erf);
	v5 =	vmul.f32 v5, v17  }
0x3b9: {  	v17 =	vld [tilespmem:s16+$0xFFFFFED0];
	[tilespmem:s10+$0xFFFFFEE0] =	vst v18;
	v9 =	vadd.f32 v9, v19;
	v11 =	vpop (erf)  }
0x3ba: {  	v10 =	vadd.f32 v14, v10;
	v14 =	vld [tilespmem:s16+$0xFFFFFF50];
	[tilespmem:s30+$0xFFFFFFC0] =	vst v5  }
0x3bb: {  	v5 =	vadd.f32 v8, v13;
	v8 =	vld [tilespmem:s17+$0xFFFFFE60];
	[tilespmem:s10+$0xFFFFFF60] =	vst v11;
	v13 =	vsub.f32 $0.0e+00, v9  }
0x3bc: {  	v19 =	vmul.f32 v10, v1;
	v10 =	vsub.f32 $0.0e+00, v10;
	v6 =	vadd.f32 v12, v6;
	v12 =	vld [tilespmem:s17+$0xFFFFFEE0]  }
0x3bd: {  	v20 =	vmul.f32 v5, v1;
	v5 =	vsub.f32 $0.0e+00, v5;
	v21 =	vld [tilespmem:s17+$0xFFFFFF60];
	v13 =	vmul.f32 $1.442695020e+00, v13  }
0x3be: {  	v10 =	vmul.f32 $1.442695020e+00, v10;
	v22 =	vmul.f32 v6, v1;
	v6 =	vsub.f32 $0.0e+00, v6;
	v23 =	vpop (erf);
	v24 =	vld [tilespmem:s0+$0xFFFFFE40]  }
0x3bf: {  	v5 =	vmul.f32 $1.442695020e+00, v5;
	v23 =	vadd.f32 $1.000000000e+00, v23;
	(erf) = vpow2.f32 v13;
	v13 =	vld [tilespmem:s14+$0xFFFFFE80]  }
0x3c0: {  	v16 =	vadd.f32 v19, v16;
	v6 =	vmul.f32 $1.442695020e+00, v6;
	(erf) = vpow2.f32 v10;
	v10 =	vld [tilespmem:s0+$0xFFFFFEC0]  }
0x3c1: {  	v17 =	vadd.f32 v20, v17;
	v14 =	vadd.f32 v22, v14;
	(erf) = vrcp.f32 v23;
	v19 =	vld [tilespmem:s14+$0xFFFFFF00]  }
0x3c2: {  	(erf) = vpow2.f32 v5;
	v5 =	vmul.f32 v15, v8;
	v8 =	vld [tilespmem:s0+$0xFFFFFF40]  }
0x3c3: {  	v15 =	vld [tilespmem:s16+$0xFFFFFFD0];
	(erf) = vpow2.f32 v6;
	v6 =	vmul.f32 v18, v12  }
0x3c4: {  	[tilespmem:s10+$0xFFFFFE20] =	vst v5;
	v5 =	vmul.f32 v11, v21;
	v11 =	vadd.f32 v13, v24;
	v12 =	vld [tilespmem:s14+$0xFFFFFF80];
	s14 =	smov.u32 s8;
	s8 =	smov.u32 s13  }
0x3c5: {  	v13 =	vld [tilespmem:s17+$0xFFFFFE30];
	[tilespmem:s10+$0xFFFFFEA0] =	vst v6  }
0x3c6: {  	v6 =	vmul.f32 v7, v1;
	v7 =	vld [tilespmem:s14+$0xFFFFFE70];
	[tilespmem:s10+$0xFFFFFF20] =	vst v5;
	v5 =	vadd.f32 v19, v10  }
0x3c7: {  	v10 =	vld [tilespmem:s17+$0xFFFFFEB0]  }
0x3c8: {  	v23 =	vadd.f32 v6, v15;
	v15 =	vld [tilespmem:s14+$0xFFFFFEF0];
	v18 =	vpop (erf)  }
0x3c9: {  	s12 =	sadd.s32 $0x200, s12;
	v19 =	vpop (erf);
	v20 =	vld [tilespmem:s17+$0xFFFFFF30];
	v18 =	vadd.f32 $1.000000000e+00, v18;
	v8 =	vadd.f32 v12, v8  }
0x3ca: {  	s10 =	sadd.s32 $0x200, s10;
	v22 =	vadd.f32 $1.000000000e+00, v19;
	[tilespmem:s12+$0x80] =	vst v23;
	v6 =	vpop (erf);
	v19 =	vld [tilespmem:s14+$0xFFFFFF70]  }
0x3cb: {  	[tilespmem:s10+$0xFFFFFFD0] =	vst v6;
	v21 =	vpop (erf);
	v7 =	vadd.f32 v7, v13;
	v13 =	vld [tilespmem:s7+$0xFFFFFE30];
	(erf) = vrcp.f32 v18  }
0x3cc: {  	[tilespmem:s12+$0xFFFFFF00] =	vst v16;
	v16 =	vadd.f32 $1.000000000e+00, v21;
	v18 =	vld [tilespmem:s2+$0xFFFFFFD0];
	(erf) = vrcp.f32 v22;
	v12 =	vpop (erf)  }
0x3cd: {  	[tilespmem:s12+$0x0] =	vst v14;
	v12 =	vadd.f32 $1.000000000e+00, v12;
	v10 =	vadd.f32 v15, v10;
	v14 =	vld [tilespmem:s7+$0xFFFFFFF0]  }
0x3ce: {  	[tilespmem:s12+$0xFFFFFF80] =	vst v17;
	(erf) = vrcp.f32 v16;
	v15 =	vld [tilespmem:s7+$0xFFFFFEB0]  }
0x3cf: {  	(erf) = vrcp.f32 v12;
	v12 =	vadd.f32 v19, v20;
	v16 =	vld [tilespmem:s7+$0xFFFFFF30]  }
0x3d0: {  	v9 =	vmul.f32 v9, v1;
	v7 =	vadd.f32 v13, v7;
	v13 =	vld [tilespmem:s7+$0xFFFFFE70]  }
0x3d1: {  	v6 =	vmul.f32 v6, v18;
	v17 =	vld [tilespmem:s7+$0xFFFFFEF0]  }
0x3d2: {  	v18 =	vmul.f32 v7, v1;
	v7 =	vsub.f32 $0.0e+00, v7;
	v19 =	vld [tilespmem:s7+$0xFFFFFF70];
	v20 =	vadd.f32 v9, v14  }
0x3d3: {  	[tilespmem:s10+$0xFFFFFF90] =	vst v6;
	v6 =	vadd.f32 v15, v10;
	v10 =	vld [tilespmem:s1+$0xFFFFFE40]  }
0x3d4: {  	v14 =	vld [tilespmem:s2+$0xFFFFFFA0];
	v7 =	vmul.f32 $1.442695020e+00, v7;
	v12 =	vadd.f32 v16, v12;
	[tilespmem:s19+$0xA0] =	vst v20;
	v9 =	vpop (erf)  }
0x3d5: {  	v15 =	vld [tilespmem:s13+$0xFFFFFFE0];
	v16 =	vpop (erf);
	v13 =	vadd.f32 v18, v13;
	v23 =	vmul.f32 v6, v1;
	v6 =	vsub.f32 $0.0e+00, v6;
	[tilespmem:s22+$0xFFFFFFF0] =	vst v9  }
0x3d6: {  	[tilespmem:s10+$0xFFFFFE50] =	vst v16;
	v20 =	vmul.f32 v12, v1;
	v12 =	vsub.f32 $0.0e+00, v12;
	v21 =	vld [tilespmem:s17+$0xFFFFFFF0];
	(erf) = vpow2.f32 v7  }
0x3d7: {  	v7 =	vld [tilespmem:s16+$0xFFFFFFA0];
	v22 =	vpop (erf);
	[tilespmem:s19+$0xFFFFFF20] =	vst v13;
	v13 =	vadd.f32 v23, v17;
	v6 =	vmul.f32 $1.442695020e+00, v6  }
0x3d8: {  	v17 =	vld [tilespmem:s2+$0xFFFFFE50];
	[tilespmem:s10+$0xFFFFFED0] =	vst v22;
	v18 =	vpop (erf);
	v19 =	vadd.f32 v20, v19;
	v12 =	vmul.f32 $1.442695020e+00, v12;
	v10 =	vadd.f32 v10, v11  }
0x3d9: {  	v11 =	vld [tilespmem:s2+$0xFFFFFED0];
	[tilespmem:s10+$0xFFFFFF50] =	vst v18;
	(erf) = vpow2.f32 v6  }
0x3da: {  	v6 =	vld [tilespmem:s2+$0xFFFFFF50];
	v14 =	vadd.f32 v15, v14;
	[tilespmem:s19+$0xFFFFFFA0] =	vst v13;
	(erf) = vpow2.f32 v12;
	v12 =	vsub.f32 $0.0e+00, v10  }
0x3db: {  	v10 =	vmul.f32 v10, v1;
	[tilespmem:s19+$0x20] =	vst v19;
	v9 =	vmul.f32 v9, v21;
	v13 =	vld [tilespmem:s1+$0xFFFFFEC0]  }
0x3dc: {  	v14 =	vadd.f32 v7, v14;
	v7 =	vmul.f32 $1.442695020e+00, v12;
	v12 =	vld [tilespmem:s1+$0xFFFFFF40]  }
0x3dd: {  	v19 =	vmul.f32 v16, v17;
	[tilespmem:s22+$0xFFFFFFB0] =	vst v9;
	v9 =	vld [tilespmem:s1+$0xFFFFFE80]  }
0x3de: {  	v11 =	vmul.f32 v22, v11;
	v16 =	vsub.f32 $0.0e+00, v14;
	v17 =	vld [tilespmem:s17+$0xFFFFFFC0];
	(erf) = vpow2.f32 v7  }
0x3df: {  	[tilespmem:s10+$0xFFFFFE10] =	vst v19;
	v6 =	vmul.f32 v18, v6;
	v7 =	vld [tilespmem:s14+$0x0];
	v15 =	vpop (erf)  }
0x3e0: {  	v18 =	vld [tilespmem:s2+$0xFFFFFE20];
	[tilespmem:s10+$0xFFFFFE90] =	vst v11;
	v16 =	vmul.f32 $1.442695020e+00, v16;
	v19 =	vadd.f32 $1.000000000e+00, v15;
	v5 =	vadd.f32 v13, v5  }
0x3e1: {  	[tilespmem:s10+$0xFFFFFF10] =	vst v6;
	v6 =	vld [tilespmem:s7+$0xFFFFFFC0];
	v8 =	vadd.f32 v12, v8  }
0x3e2: {  	v12 =	vld [tilespmem:s13+$0xFFFFFE60];
	(erf) = vpow2.f32 v16;
	v11 =	vpop (erf);
	v13 =	vmul.f32 v5, v1;
	v5 =	vsub.f32 $0.0e+00, v5  }
0x3e3: {  	v16 =	vld [tilespmem:s2+$0xFFFFFEA0];
	v11 =	vadd.f32 $1.000000000e+00, v11;
	(erf) = vrcp.f32 v19;
	v15 =	vpop (erf);
	v19 =	vsub.f32 $0.0e+00, v8  }
0x3e4: {  	v20 =	vld [tilespmem:s13+$0xFFFFFEE0];
	v15 =	vadd.f32 $1.000000000e+00, v15;
	v7 =	vadd.f32 v7, v17;
	v17 =	vmul.f32 $1.442695020e+00, v5  }
0x3e5: {  	v22 =	vadd.f32 v10, v9;
	v21 =	vld [tilespmem:s2+$0xFFFFFF20];
	(erf) = vrcp.f32 v11;
	v10 =	vmul.f32 $1.442695020e+00, v19  }
0x3e6: {  	v11 =	vld [tilespmem:s13+$0xFFFFFF60];
	v5 =	vadd.f32 v6, v7;
	(erf) = vrcp.f32 v15;
	v6 =	vmul.f32 v8, v1  }
0x3e7: {  	v7 =	vadd.f32 v12, v18;
	v8 =	vld [tilespmem:s16+$0xFFFFFE20];
	[tilespmem:s31+$0xFFFFFF30] =	vst v22;
	v9 =	vpop (erf);
	(erf) = vpow2.f32 v17  }
0x3e8: {  	v12 =	vld [tilespmem:s16+$0xFFFFFEA0];
	v15 =	vsub.f32 $0.0e+00, v5;
	v9 =	vadd.f32 $1.000000000e+00, v9;
	(erf) = vpow2.f32 v10  }
0x3e9: {  	v10 =	vadd.f32 v20, v16;
	v16 =	vld [tilespmem:s16+$0xFFFFFF20]  }
0x3ea: {  	v18 =	vld [tilespmem:s16+$0xFFFFFE60];
	v15 =	vmul.f32 $1.442695020e+00, v15;
	(erf) = vrcp.f32 v9  }
0x3eb: {  	v9 =	vld [tilespmem:s16+$0xFFFFFEE0];
	v11 =	vadd.f32 v11, v21;
	v17 =	vpop (erf)  }
0x3ec: {  	v7 =	vadd.f32 v8, v7;
	v8 =	vld [tilespmem:s16+$0xFFFFFF60];
	v19 =	vadd.f32 $1.000000000e+00, v17;
	v20 =	vpop (erf);
	(erf) = vpow2.f32 v15  }
0x3ed: {  	v10 =	vadd.f32 v12, v10;
	[tilespmem:s22+$0xFFFFFE70] =	vst v20;
	v12 =	vld [tilespmem:s1+$0xFFFFFF00]  }
0x3ee: {  	v15 =	vsub.f32 $0.0e+00, v7;
	v11 =	vadd.f32 v16, v11;
	(erf) = vrcp.f32 v19;
	v21 =	vld [tilespmem:s17+$0xFFFFFE70];
	v17 =	vpop (erf)  }
0x3ef: {  	v19 =	vmul.f32 v7, v1;
	v22 =	vmul.f32 v10, v1;
	v27 =	vsub.f32 $0.0e+00, v10;
	[tilespmem:s22+$0xFFFFFEF0] =	vst v17;
	v16 =	vpop (erf);
	v7 =	vld [tilespmem:s1+$0xFFFFFF80];
	s1 =	smov.u32 s7;
	s7 =	smov.u32 s16  }
0x3f0: {  	v15 =	vmul.f32 $1.442695020e+00, v15;
	v23 =	vmul.f32 v11, v1;
	v11 =	vsub.f32 $0.0e+00, v11;
	v24 =	vld [tilespmem:s16+$0xFFFFFFE0];
	[tilespmem:s22+$0xFFFFFF70] =	vst v16;
	v25 =	vpop (erf)  }
.Ltmp1:
0x3f1: {  	v26 =	vadd.f32 v19, v18;
	v22 =	vadd.f32 v22, v9;
	v9 =	vmul.f32 $1.442695020e+00, v27;
	v19 =	vld [tilespmem:s17+$0xFFFFFEF0];
	v10 =	vpop (erf);
	(pc) =	sbr.rel @p0 .LBB2_5-.Ltmp1, $4  }
0x3f2: {  	v23 =	vadd.f32 v23, v8;
	v11 =	vmul.f32 $1.442695020e+00, v11;
	(erf) = vpow2.f32 v15;
	v18 =	vld [tilespmem:s17+$0xFFFFFF70]  }
0x3f3: {  	v14 =	vmul.f32 v14, v1;
	v25 =	vadd.f32 $1.000000000e+00, v25;
	[tilespmem:s12+$0xFFFFFF10] =	vst v26;
	(erf) = vpow2.f32 v9;
	v8 =	vpop (erf);
	v9 =	vld [tilespmem:s26+$0xFFFFFE80]  }
0x3f4: {  	v20 =	vmul.f32 v20, v21;
	[tilespmem:s12+$0xFFFFFF90] =	vst v22;
	(erf) = vpow2.f32 v11;
	v11 =	vadd.f32 $1.000000000e+00, v10;
	v10 =	vld [tilespmem:s26+$0xFFFFFF00]  }
0x3f5: {  	s16 =	sadd.s32 $0x200, s16;
	v13 =	vadd.f32 v13, v12;
	[tilespmem:s12+$0x10] =	vst v23;
	v14 =	vadd.f32 v14, v24;
	v15 =	vpop (erf);
	(erf) = vrcp.f32 v25;
	v12 =	vld [tilespmem:s26+$0xFFFFFF80];
	s26 =	smov.u32 s0;
	s0 =	smov.u32 s17  }
0x3f6: {  	_ =	sdelay $0x3  }
0x3f7: {  	v21 =	vpop (erf);
	[tilespmem:s12+$0x90] =	vst v14  }
0x3f8: {  	v15 =	vadd.f32 $1.000000000e+00, v15;
	[tilespmem:s10+$0xFFFFFFE0] =	vst v21;
	v45 =	vpop (erf)  }
0x3f9: {  	(erf) = vrcp.f32 v11;
	v47 =	vld [tilespmem:s2+$0xFFFFFFE0];
	v46 =	vadd.f32 $1.000000000e+00, v45  }
0x3fa: {  	(erf) = vrcp.f32 v15  }
0x3fb: {  	v48 =	vpop (erf);
	(erf) = vrcp.f32 v46  }
0x3fc: {  	v15 =	vadd.f32 $1.000000000e+00, v48  }
0x3fd: {  	v49 =	vpop (erf)  }
0x3fe: {  	v11 =	vadd.f32 $1.000000000e+00, v49;
	v50 =	vmul.f32 v21, v47;
	(erf) = vrcp.f32 v15;
	_ =	sdelay $0x1  }
0x3ff: {  	[tilespmem:s10+$0xFFFFFFA0] =	vst v50  }
0x400: {  	v14 =	vpop (erf);
	(erf) = vrcp.f32 v11;
	v51 =	vld [tilespmem:s2+$0xFFFFFFB0]  }
0x401: {  	v22 =	vld [tilespmem:s8+$0xFFFFFFF0];
	v11 =	vpop (erf)  }
0x402: {  	v15 =	vpop (erf)  }
0x403: {  	v24 =	vld [tilespmem:s7+$0xFFFFFFB0];
	v23 =	vpop (erf)  }
0x404: {  	[tilespmem:s10+$0xFFFFFE60] =	vst v23  }
0x405: {  	v26 =	vld [tilespmem:s2+$0xFFFFFE60]  }
0x406: {  	v21 =	vadd.f32 v22, v51;
	v25 =	vpop (erf)  }
0x407: {  	[tilespmem:s10+$0xFFFFFEE0] =	vst v25  }
0x408: {  	v21 =	vadd.f32 v24, v21;
	v52 =	vld [tilespmem:s2+$0xFFFFFEE0]  }
0x409: {  	v27 =	vpop (erf)  }
0x40a: {  	[tilespmem:s10+$0xFFFFFF60] =	vst v27;
	v54 =	vsub.f32 $0.0e+00, v21;
	v23 =	vmul.f32 v23, v26  }
0x40b: {  	v53 =	vld [tilespmem:s2+$0xFFFFFF60]  }
0x40c: {  	v55 =	vmul.f32 $1.442695020e+00, v54;
	[tilespmem:s10+$0xFFFFFE20] =	vst v23  }
0x40d: {  	v22 =	vmul.f32 v25, v52;
	v56 =	vld [tilespmem:s2+$0xFFFFFE30]  }
0x40e: {  	(erf) = vpow2.f32 v55;
	v57 =	vld [tilespmem:s8+$0xFFFFFE70]  }
0x40f: {  	[tilespmem:s10+$0xFFFFFEA0] =	vst v22;
	v61 =	vld [tilespmem:s7+$0xFFFFFE30]  }
0x410: {  	v58 =	vmul.f32 v27, v53;
	v59 =	vld [tilespmem:s2+$0xFFFFFEB0]  }
0x411: {  	v60 =	vld [tilespmem:s8+$0xFFFFFEF0]  }
0x412: {  	[tilespmem:s10+$0xFFFFFF20] =	vst v58;
	v28 =	vld [tilespmem:s7+$0xFFFFFEB0]  }
0x413: {  	v62 =	vld [tilespmem:s2+$0xFFFFFF30]  }
0x414: {  	v29 =	vld [tilespmem:s8+$0xFFFFFF70];
	v22 =	vadd.f32 v57, v56;
	_ =	sdelay $0x1  }
0x415: {  	v63 =	vld [tilespmem:s7+$0xFFFFFF30];
	v22 =	vadd.f32 v61, v22  }
0x416: {  	v24 =	vadd.f32 v60, v59;
	v31 =	vpop (erf)  }
0x417: {  	[tilespmem:s22+$0xFFFFFE30] =	vst v20;
	v20 =	vadd.f32 $1.000000000e+00, v31;
	v23 =	vsub.f32 $0.0e+00, v22  }
0x418: {  	v32 =	vld [tilespmem:s0+$0xFFFFFE40];
	v27 =	vadd.f32 v29, v62;
	v24 =	vadd.f32 v28, v24  }
0x419: {  	v33 =	vld [tilespmem:s14+$0xFFFFFE80];
	v23 =	vmul.f32 $1.442695020e+00, v23  }
0x41a: {  	(erf) = vrcp.f32 v20;
	v25 =	vadd.f32 v63, v27;
	v34 =	vsub.f32 $0.0e+00, v24  }
0x41b: {  	v35 =	vld [tilespmem:s1+$0xFFFFFE40];
	(erf) = vpow2.f32 v23  }
0x41c: {  	v27 =	vsub.f32 $0.0e+00, v25;
	v36 =	vmul.f32 $1.442695020e+00, v34;
	_ =	sdelay $0x1  }
0x41d: {  	v38 =	vadd.f32 v33, v32;
	v39 =	vmul.f32 $1.442695020e+00, v27;
	(erf) = vpow2.f32 v36  }
0x41e: {  	v37 =	vld [tilespmem:s7+$0xFFFFFFF0]  }
0x41f: {  	v20 =	vadd.f32 v35, v38;
	(erf) = vpow2.f32 v39;
	_ =	sdelay $0x1  }
0x420: {  	v21 =	vmul.f32 v21, v1;
	v41 =	vsub.f32 $0.0e+00, v20  }
0x421: {  	v17 =	vmul.f32 v17, v19;
	v42 =	vpop (erf)  }
0x422: {  	v40 =	vadd.f32 v21, v37;
	v44 =	vmul.f32 $1.442695020e+00, v41;
	v45 =	vpop (erf)  }
0x423: {  	[tilespmem:s22+$0xFFFFFEB0] =	vst v17;
	v21 =	vadd.f32 $1.000000000e+00, v45  }
0x424: {  	v43 =	vld [tilespmem:s0+$0xFFFFFEC0];
	[tilespmem:s12+$0xA0] =	vst v40;
	(erf) = vpow2.f32 v44  }
0x425: {  	v16 =	vmul.f32 v16, v18;
	v46 =	vld [tilespmem:s14+$0xFFFFFF00];
	[tilespmem:s10+$0xFFFFFFF0] =	vst v42;
	v48 =	vpop (erf);
	(erf) = vrcp.f32 v21  }
0x426: {  	v47 =	vld [tilespmem:s2+$0xFFFFFFF0];
	v19 =	vadd.f32 $1.000000000e+00, v48  }
0x427: {  	[tilespmem:s22+$0xFFFFFF30] =	vst v16;
	v51 =	vld [tilespmem:s7+$0xFFFFFE70];
	v52 =	vpop (erf)  }
0x428: {  	v49 =	vld [tilespmem:s0+$0xFFFFFF40];
	v28 =	vadd.f32 $1.000000000e+00, v52;
	(erf) = vrcp.f32 v19  }
0x429: {  	v50 =	vld [tilespmem:s14+$0xFFFFFF80]  }
0x42a: {  	v53 =	vld [tilespmem:s7+$0xFFFFFEF0];
	v55 =	vmul.f32 v22, v1;
	(erf) = vrcp.f32 v28  }
0x42b: {  	v54 =	vld [tilespmem:s7+$0xFFFFFF70];
	v16 =	vmul.f32 v42, v47  }
0x42c: {  	v56 =	vld [tilespmem:s1+$0xFFFFFEC0];
	v58 =	vadd.f32 v55, v51  }
0x42d: {  	v57 =	vld [tilespmem:s1+$0xFFFFFF40];
	v59 =	vmul.f32 v24, v1;
	v30 =	vpop (erf);
	[tilespmem:s10+$0xFFFFFFB0] =	vst v16  }
0x42e: {  	[tilespmem:s12+$0xFFFFFF20] =	vst v58;
	v60 =	vld [tilespmem:s2+$0xFFFFFFC0];
	v63 =	vpop (erf)  }
0x42f: {  	v31 =	vmul.f32 v25, v1;
	v62 =	vadd.f32 v59, v53;
	v61 =	vld [tilespmem:s8+$0x0];
	[tilespmem:s10+$0xFFFFFE70] =	vst v63  }
0x430: {  	v18 =	vadd.f32 v46, v43;
	v33 =	vld [tilespmem:s2+$0xFFFFFE70]  }
0x431: {  	[tilespmem:s12+$0xFFFFFFA0] =	vst v62;
	v21 =	vadd.f32 v50, v49;
	v19 =	vadd.f32 v31, v54;
	v32 =	vld [tilespmem:s7+$0xFFFFFFC0];
	v34 =	vpop (erf)  }
0x432: {  	v18 =	vadd.f32 v56, v18;
	[tilespmem:s10+$0xFFFFFEF0] =	vst v34  }
0x433: {  	v21 =	vadd.f32 v57, v21;
	[tilespmem:s12+$0x20] =	vst v19;
	v38 =	vpop (erf);
	v36 =	vld [tilespmem:s2+$0xFFFFFEF0]  }
0x434: {  	v37 =	vsub.f32 $0.0e+00, v18;
	v35 =	vadd.f32 v61, v60;
	[tilespmem:s10+$0xFFFFFF70] =	vst v38  }
0x435: {  	v39 =	vsub.f32 $0.0e+00, v21;
	v40 =	vld [tilespmem:s2+$0xFFFFFF70];
	v16 =	vmul.f32 v63, v33  }
0x436: {  	v19 =	vmul.f32 $1.442695020e+00, v37;
	v22 =	vadd.f32 v32, v35  }
0x437: {  	v57 =	vld [tilespmem:s1+$0x0];
	v41 =	vmul.f32 $1.442695020e+00, v39;
	[tilespmem:s10+$0xFFFFFE30] =	vst v16  }
0x438: {  	(erf) = vpow2.f32 v19;
	v42 =	vsub.f32 $0.0e+00, v22;
	v44 =	vmul.f32 v34, v36;
	v46 =	vld [tilespmem:s2+$0xFFFFFE40]  }
0x439: {  	v43 =	vadd.f32 $1.000000000e+00, v30;
	(erf) = vpow2.f32 v41;
	v47 =	vld [tilespmem:s8+$0xFFFFFE80]  }
0x43a: {  	v45 =	vmul.f32 $1.442695020e+00, v42;
	v48 =	vmul.f32 v38, v40;
	[tilespmem:s10+$0xFFFFFEB0] =	vst v44;
	v51 =	vld [tilespmem:s7+$0xFFFFFE40]  }
0x43b: {  	(erf) = vrcp.f32 v43;
	v49 =	vld [tilespmem:s2+$0xFFFFFEC0]  }
0x43c: {  	(erf) = vpow2.f32 v45;
	v50 =	vld [tilespmem:s8+$0xFFFFFF00];
	[tilespmem:s10+$0xFFFFFF30] =	vst v48  }
0x43d: {  	v52 =	vld [tilespmem:s2+$0xFFFFFF40]  }
0x43e: {  	v53 =	vld [tilespmem:s8+$0xFFFFFF80]  }
0x43f: {  	v5 =	vmul.f32 v5, v1;
	v54 =	vld [tilespmem:s7+$0xFFFFFEC0]  }
0x440: {  	v56 =	vld [tilespmem:s7+$0xFFFFFF40]  }
0x441: {  	v2 =	vmul.f32 v2, v9;
	v5 =	vadd.f32 v5, v57;
	v55 =	vpop (erf);
	v16 =	vadd.f32 v47, v46  }
0x442: {  	v27 =	vadd.f32 $1.000000000e+00, v55;
	v19 =	vadd.f32 v50, v49  }
0x443: {  	[tilespmem:s25+$0xFFFFFE40] =	vst v2;
	v58 =	vpop (erf);
	v16 =	vadd.f32 v51, v16;
	v25 =	vadd.f32 v53, v52  }
0x444: {  	v3 =	vmul.f32 v3, v10;
	[tilespmem:s19+$0xB0] =	vst v5;
	v59 =	vpop (erf);
	v17 =	vadd.f32 $1.000000000e+00, v58;
	v19 =	vadd.f32 v54, v19  }
0x445: {  	v2 =	vmul.f32 v4, v12;
	[tilespmem:s22+$0x0] =	vst v15;
	v60 =	vpop (erf);
	v61 =	vsub.f32 $0.0e+00, v16;
	v63 =	vadd.f32 v56, v25  }
0x446: {  	v33 =	vld [tilespmem:s0+$0x0];
	(erf) = vrcp.f32 v27;
	v62 =	vadd.f32 $1.000000000e+00, v60;
	v29 =	vsub.f32 $0.0e+00, v19  }
0x447: {  	v34 =	vld [tilespmem:s1+$0xFFFFFE80];
	(erf) = vrcp.f32 v17;
	v28 =	vmul.f32 $1.442695020e+00, v61;
	v30 =	vsub.f32 $0.0e+00, v63  }
0x448: {  	(erf) = vrcp.f32 v62;
	v31 =	vmul.f32 $1.442695020e+00, v29  }
0x449: {  	v35 =	vld [tilespmem:s1+$0xFFFFFF00];
	(erf) = vpow2.f32 v28;
	v32 =	vmul.f32 $1.442695020e+00, v30  }
0x44a: {  	[tilespmem:s25+$0xFFFFFEC0] =	vst v3;
	v3 =	vmul.f32 v20, v1;
	v37 =	vld [tilespmem:s1+$0xFFFFFF80];
	(erf) = vpow2.f32 v31  }
0x44b: {  	[tilespmem:s25+$0xFFFFFF40] =	vst v2;
	v2 =	vmul.f32 v15, v33;
	(erf) = vpow2.f32 v32  }
0x44c: {  	[tilespmem:s30+$0xFFFFFE80] =	vst v8;
	v41 =	vmul.f32 v18, v1;
	v3 =	vadd.f32 v3, v34  }
0x44d: {  	v43 =	vld [tilespmem:s7+$0x0];
	[tilespmem:s22+$0xFFFFFFC0] =	vst v2;
	v2 =	vmul.f32 v21, v1  }
0x44e: {  	[tilespmem:s19+$0xFFFFFF30] =	vst v3;
	v3 =	vadd.f32 v41, v35  }
0x44f: {  	[tilespmem:s31+$0xFFFFFFB0] =	vst v13;
	v39 =	vld [tilespmem:s26+$0xFFFFFE80];
	v2 =	vadd.f32 v2, v37;
	v36 =	vpop (erf)  }
0x450: {  	v6 =	vadd.f32 v6, v7;
	[tilespmem:s19+$0xFFFFFFB0] =	vst v3;
	v3 =	vmul.f32 v22, v1;
	v38 =	vpop (erf)  }
0x451: {  	[tilespmem:s19+$0x30] =	vst v2;
	v2 =	vld [tilespmem:s7+$0xFFFFFE80];
	v40 =	vpop (erf)  }
0x452: {  	[tilespmem:s31+$0x30] =	vst v6;
	v3 =	vadd.f32 v3, v43;
	v42 =	vpop (erf)  }
0x453: {  	[tilespmem:s30+$0xFFFFFF00] =	vst v14;
	v6 =	vadd.f32 $1.000000000e+00, v42;
	v44 =	vpop (erf)  }
0x454: {  	v5 =	vmul.f32 v8, v39;
	v48 =	vld [tilespmem:s7+$0xFFFFFF80];
	[tilespmem:s12+$0xB0] =	vst v3;
	v3 =	vmul.f32 v16, v1;
	v46 =	vpop (erf);
	v4 =	vadd.f32 $1.000000000e+00, v44  }
0x455: {  	[tilespmem:s30+$0xFFFFFF80] =	vst v11;
	(erf) = vrcp.f32 v6;
	v8 =	vadd.f32 $1.000000000e+00, v46  }
0x456: {  	[tilespmem:s30+$0xFFFFFE40] =	vst v5;
	v2 =	vadd.f32 v3, v2;
	v3 =	vld [tilespmem:s26+$0xFFFFFF80];
	(erf) = vrcp.f32 v4  }
0x457: {  	v47 =	vld [tilespmem:s7+$0xFFFFFF00];
	[tilespmem:s22+$0xFFFFFE80] =	vst v59;
	v50 =	vmul.f32 v63, v1;
	(erf) = vrcp.f32 v8  }
0x458: {  	[tilespmem:s22+$0xFFFFFF00] =	vst v36  }
0x459: {  	[tilespmem:s22+$0xFFFFFF80] =	vst v38;
	v5 =	vadd.f32 v50, v48  }
0x45a: {  	v49 =	vmul.f32 v19, v1;
	[tilespmem:s12+$0xFFFFFF30] =	vst v2  }
0x45b: {  	v52 =	vld [tilespmem:s0+$0xFFFFFE80];
	[tilespmem:s12+$0x30] =	vst v5;
	v3 =	vmul.f32 v11, v3  }
0x45c: {  	v45 =	vld [tilespmem:s26+$0xFFFFFF00];
	[tilespmem:s10+$0x0] =	vst v40;
	v4 =	vadd.f32 v49, v47  }
0x45d: {  	v51 =	vld [tilespmem:s2+$0x0];
	[tilespmem:s30+$0xFFFFFF40] =	vst v3  }
0x45e: {  	v53 =	vld [tilespmem:s0+$0xFFFFFF00];
	[tilespmem:s12+$0xFFFFFFB0] =	vst v4;
	v2 =	vpop (erf)  }
0x45f: {  	v54 =	vld [tilespmem:s0+$0xFFFFFF80];
	[tilespmem:s10+$0xFFFFFE80] =	vst v2;
	v55 =	vpop (erf)  }
0x460: {  	v3 =	vmul.f32 v59, v52;
	[tilespmem:s10+$0xFFFFFF00] =	vst v55;
	v56 =	vpop (erf);
	v57 =	vld [tilespmem:s2+$0xFFFFFE80]  }
0x461: {  	v6 =	vmul.f32 v14, v45;
	[tilespmem:s10+$0xFFFFFF80] =	vst v56;
	v58 =	vld [tilespmem:s2+$0xFFFFFF00]  }
0x462: {  	[tilespmem:s22+$0xFFFFFE40] =	vst v3;
	v9 =	vmul.f32 v40, v51;
	v59 =	vld [tilespmem:s2+$0xFFFFFF80]  }
0x463: {  	[tilespmem:s30+$0xFFFFFEC0] =	vst v6;
	v6 =	vmul.f32 v36, v53  }
0x464: {  	[tilespmem:s10+$0xFFFFFFC0] =	vst v9;
	v4 =	vmul.f32 v38, v54  }
0x465: {  	[tilespmem:s22+$0xFFFFFEC0] =	vst v6;
	v2 =	vmul.f32 v2, v57  }
0x466: {  	[tilespmem:s22+$0xFFFFFF40] =	vst v4;
	v3 =	vmul.f32 v55, v58  }
0x467: {  	v60 =	vmul.f32 v56, v59;
	[tilespmem:s10+$0xFFFFFE40] =	vst v2  }
0x468: {  	[tilespmem:s10+$0xFFFFFEC0] =	vst v3  }
0x469: {  	[tilespmem:s10+$0xFFFFFF40] =	vst v60  }
0x46a: {  	s25 =	rddreg [dreg:$0xd]  }
0x46b: {  	s0 =	sadd.s32 s3, s25  }
0x46c: {  	[hbm4b:s0+s4] =	stream.linear.scatter [tilespmem:s11], [sflag:$0x3], $0x1400, $0x38;
	[tilespmem:$0x1F580] =	vst v63  }
0x46d: {  	_ =	swait.ge [sflag:s21], $0x1400  }
0x46e: {  	[sflag:s21] =	ssyncset.done $0x0  }
0x46f: {  	[sflag:s21] =	ssyncadd.s32 $0xFFFFEC00  }
0x470: {  	v2 =	vld [tilespmem:$0x80]  }
0x471: {  	v3 =	vld [tilespmem:$0x90]  }
0x472: {  	v61 =	vld [tilespmem:$0xA0]  }
0x473: {  	v62 =	vld [tilespmem:$0xB0]  }
0x474: {  	v63 =	vld [tilespmem:$0xC0]  }
0x475: {  	v2 =	vsub.s32 v2, v0  }
0x476: {  	[tilespmem:$0x80] =	vst v2;
	v2 =	vsub.s32 v3, v0  }
0x477: {  	[tilespmem:$0x90] =	vst v2;
	v2 =	vsub.s32 v61, v0  }
0x478: {  	s20 =	sadd.s32 $0x1, s20;
	[tilespmem:$0xA0] =	vst v2;
	v2 =	vsub.s32 v62, v0  }
0x479: {  	p0 =	sne.s32 s20, $0xFA;
	s31 =	simm.s32 $0x7900;
	[tilespmem:$0xB0] =	vst v2;
	v2 =	vsub.s32 v63, v0  }
.Ltmp2:
0x47a: {  	s30 =	simm.s32 $0x50;
	s26 =	rddreg [dreg:$0x2];
	[tilespmem:$0xC0] =	vst v2;
	(pc) =	sbr.rel @p0 .LBB2_2-.Ltmp2, $4  }
0x47b: {  	[spmem:s26] =	stream.indirect.scatter.add.f32 [tilespmem:s31], [sflag:$0x3], $0x80, s23, s30, $0xb8;
	[tilespmem:$0x1F580] =	vst v63  }
0x47c: {  	_ =	swait.ge [sflag:s21], $0x2800  }
0x47d: {  	[sflag:s21] =	ssyncset.done $0x0  }
0x47e: {  	[sflag:s21] =	ssyncadd.s32 $0xFFFFD800  }
0x47f: {  	[bflag:$0x0] =	sbarrier.arrive $0xFFFF  }
0x480: {  	s2 =	rddreg [dreg:$0xa]  }
0x481: {  	s0 =	rddreg [dreg:$0xe]  }
0x482: {  	s1 =	rddreg [dreg:$0x10]  }
0x483: {  	[hbm:s0], [sflag:s2] =	dma.local [spmem:s1], $0x2800  }
0x484: {  	_ =	swait.ge [sflag:s21], $0x2800  }
0x485: {  	s3 =	rddreg [dreg:$0x11]  }
0x486: {  	s31 =	rddreg [dreg:$0xf];
	s3 =	sadd.s32 $0x1, s3  }
0x487: {  	p0 =	sne.s32 s3, s31  }
.Ltmp3:
0x488: {  	_ = 	snop;
	(pc) =	sbr.rel @p0 .LBB2_1-.Ltmp3, $3  }
0x489: {  	_ =	sdelay $0x1  }
0x48a: {  	[sflag:s21] =	ssyncset.done $0x0  }
0x48b: {  	[sflag:s21] =	ssyncadd.s32 $0xFFFFD800  }
0x48c: {  	_ =	sfence.sel $0x180000  }
0x48d: {  	[bflag:$0x0] =	sbarrier.arrive $0xFFFF  }
0x48e: {  	_ =	strace $0x90000047  }
0x48f: {  	s0 =	stileid.u32;
	[bflag:$0x2] =	sbarrier.arrive $0xFFFF  }
0x490: {  	p0 =	sne.s32 s0, $0x0;
	s0 =	rddreg [dreg:$0x3]  }
0x491: {  	s0 =	sadd.s32 @!p0 $0x100000, s0  }
0x492: {  	[sflag:s0] =	ssyncadd.tile.s32 @!p0 $0x1;
	_ =	shalt  }
.Lfunc_end2:
_tile_overlayer_lowered:
.L_overlay_start_2:
0x493: {  	(tag) =	ssettag $0x2  }
0x494: {  	s0 =	rddreg [dreg:$0x0];
	s2 =	stileid.u32  }
0x495: {  	s1 =	rddreg [dreg:$0x1];
	p0 =	sne.s32 s2, $0x0  }
0x496: {  	s3 =	rddreg [dreg:$0x2];
	[bflag:$0x3] =	sbarrier.arrive $0xFFFF;
	s2 =	simm.s32 @!p0 $0x1C03  }
0x497: {  	[timem:s3], [sflag:s2] =	dma.local @!p0 [hbm:s0], s1  }
0x498: {  	s0 =	simm.s32 @!p0 $0x3  }
0x499: {  	_ =	swait.ge @!p0 [sflag:s0], s1  }
0x49a: {  	s1 =	ssub.s32 @!p0 $0x0, s1;
	[sflag:s0] =	ssyncset.done @!p0 $0x0  }
0x49b: {  	[sflag:s0] =	ssyncadd.s32 @!p0 s1  }
0x49c: {  	[bflag:$0x3] =	sbarrier.arrive $0xFFFF  }
0x49d: {  	_ =	shalt  }

</sc_bundles>
